<compile_context>
chip_gen: v7x
topology: tpu7x:2x2x1
jax: 0.10.2.dev20260603
libtpu: 0.0.44.dev20260713+nightly
codegen_flags: <defaults>
</compile_context>

<pallas_src>
import functools

import jax
import jax.numpy as jnp
from jax import lax
from jax.experimental import pallas as pl
from jax.experimental.pallas import tpu as pltpu
from jax.experimental.pallas import tpu_sc as plsc

_B = 64
_S = 2048
_H = 16
_KVH = 4
_G = _H // _KVH
_DH = 128
_HALF = _DH // 2
_HID = 2048
_THETA = 10000.0
_CTX = 4096
_SCALE = _DH ** -0.5
_SK = _S * _KVH

_BSC = 4
_BTC = _B - _BSC
_CH = 128
_NCH = _S // _CH


def _matmul_body(x_ref, w_ref, o_ref):
    o_ref[:, :] = jnp.dot(x_ref[:, :], w_ref[:, :],
                          preferred_element_type=jnp.float32)


def _matmul(x, w, nblk):
    m, k = x.shape
    n = w.shape[1]
    blk = n // nblk
    return pl.pallas_call(
        _matmul_body,
        grid=(nblk,),
        in_specs=[
            pl.BlockSpec((m, k), lambda j: (0, 0)),
            pl.BlockSpec((k, blk), lambda j: (0, j)),
        ],
        out_specs=pl.BlockSpec((m, blk), lambda j: (0, j)),
        out_shape=jax.ShapeDtypeStruct((m, n), jnp.float32),
    )(x, w)


def _attn_body(qa_ref, kn_ref, vn_ref, cq_ref, sq_ref, c2_ref, s2_ref,
               k_ref, v_ref, o_ref):
    cq = cq_ref[0]
    sq = sq_ref[0]

    q = qa_ref[0]
    q1 = q[:, :_HALF]
    q2 = q[:, _HALF:]
    qr1 = (q1 * cq - q2 * sq) * _SCALE
    qr2 = (q2 * cq + q1 * sq) * _SCALE
    qa = jnp.concatenate([qr1, qr2], axis=1)
    qb = jnp.concatenate([qr2, -qr1], axis=1)

    kn = kn_ref[0]
    kn1 = kn[:, :_HALF]
    kn2 = kn[:, _HALF:]
    knr = jnp.concatenate([kn1 * cq - kn2 * sq, kn2 * cq + kn1 * sq], axis=1)

    kc = k_ref[0]
    a = kc * c2_ref[:, :]
    bm = kc * s2_ref[:, :]
    scores = (lax.dot_general(qa, a, (((1,), (1,)), ((), ()))) +
              lax.dot_general(qb, bm, (((1,), (1,)), ((), ()))))

    r_kvh = lax.broadcasted_iota(jnp.int32, (_H, _SK), 1) % _KVH
    h_kvh = lax.broadcasted_iota(jnp.int32, (_H, _SK), 0) // _G
    valid = r_kvh == h_kvh

    s_new = lax.dot_general(qa, knr, (((1,), (1,)), ((), ())))
    diag = (lax.broadcasted_iota(jnp.int32, (_H, _H), 0) ==
            lax.broadcasted_iota(jnp.int32, (_H, _H), 1))

    masked = jnp.where(valid, scores, -1e30)
    masked_new = jnp.where(diag, s_new, -1e30)
    m = jnp.maximum(jnp.max(masked, axis=1, keepdims=True),
                    jnp.max(masked_new, axis=1, keepdims=True))
    e = jnp.where(valid, jnp.exp(scores - m), 0.0)
    e_new = jnp.where(diag, jnp.exp(s_new - m), 0.0)
    denom = (jnp.sum(e, axis=1, keepdims=True) +
             jnp.sum(e_new, axis=1, keepdims=True))

    acc = (lax.dot_general(e, v_ref[0], (((1,), (0,)), ((), ()))) +
           lax.dot_general(e_new, vn_ref[0], (((1,), (0,)), ((), ()))))
    o_ref[0] = acc / denom


def _tc_attention(qa, kn, vn, cq, sq, c2, s2, kc, vc):
    return pl.pallas_call(
        _attn_body,
        grid=(_BTC,),
        in_specs=[
            pl.BlockSpec((1, _H, _DH), lambda b: (b, 0, 0)),
            pl.BlockSpec((1, _H, _DH), lambda b: (b, 0, 0)),
            pl.BlockSpec((1, _H, _DH), lambda b: (b, 0, 0)),
            pl.BlockSpec((1, 1, _HALF), lambda b: (b, 0, 0)),
            pl.BlockSpec((1, 1, _HALF), lambda b: (b, 0, 0)),
            pl.BlockSpec((_SK, _DH), lambda b: (0, 0)),
            pl.BlockSpec((_SK, _DH), lambda b: (0, 0)),
            pl.BlockSpec((1, _SK, _DH), lambda b: (b, 0, 0)),
            pl.BlockSpec((1, _SK, _DH), lambda b: (b, 0, 0)),
        ],
        out_specs=pl.BlockSpec((1, _H, _DH), lambda b: (b, 0, 0)),
        out_shape=jax.ShapeDtypeStruct((_BTC, _H, _DH), jnp.float32),
        compiler_params=pltpu.CompilerParams(
            dimension_semantics=("arbitrary",)),
    )(qa, kn, vn, cq, sq, c2, s2, kc, vc)


_GDN = lax.GatherDimensionNumbers(offset_dims=(), collapsed_slice_dims=(0,),
                                  start_index_map=(0,))


def _lanesum(t):
    for k in (8, 4, 2, 1):
        perm = jnp.bitwise_xor(lax.iota(jnp.int32, 16), k)
        sh = lax.gather(t, perm[:, None], _GDN, slice_sizes=(1,),
                        mode=lax.GatherScatterMode.PROMISE_IN_BOUNDS)
        t = t + sh
    return t


def _sc_attention(qa, kn, vn, cqs, cs_tab, k4, v4):
    mesh = plsc.VectorSubcoreMesh(core_axis_name="c", subcore_axis_name="s")

    @functools.partial(
        pl.kernel, mesh=mesh,
        out_type=(jax.ShapeDtypeStruct((2, _BSC, _H, _DH), jnp.float32),
                  jax.ShapeDtypeStruct((2, _BSC, _H, 16), jnp.float32)),
        scratch_types=[
            pltpu.VMEM((_CH, _DH), jnp.float32),
            pltpu.VMEM((_CH, _DH), jnp.float32),
            pltpu.VMEM((_CH, _DH), jnp.float32),
            pltpu.VMEM((_CH, _DH), jnp.float32),
            pltpu.VMEM((_CH, _DH), jnp.float32),
            pltpu.VMEM((_CH, _DH), jnp.float32),
            pltpu.VMEM((_G, _DH), jnp.float32),
            pltpu.VMEM((_G, _DH), jnp.float32),
            pltpu.VMEM((_DH,), jnp.float32),
            pltpu.VMEM((_DH,), jnp.float32),
            pltpu.VMEM((_DH,), jnp.float32),
            pltpu.VMEM((_G * _CH * 16,), jnp.float32),
            pltpu.VMEM((_G, _DH), jnp.float32),
            pltpu.VMEM((_G, 16), jnp.float32),
            pltpu.SemaphoreType.DMA,
            pltpu.SemaphoreType.DMA,
            pltpu.SemaphoreType.DMA,
            pltpu.SemaphoreType.DMA,
            pltpu.SemaphoreType.DMA,
            pltpu.SemaphoreType.DMA,
            pltpu.SemaphoreType.DMA,
        ])
    def body(qa_h, kn_h, vn_h, cqs_h, cs_h, k_h, v_h, out_h, dn_h,
             kb0, kb1, vb0, vb1, cb0, cb1, qbuf, qrbuf, cqbuf, knbuf,
             vnbuf, ebuf, obuf, dnbuf, semk0, semk1, semv0, semv1, semc0,
             semc1, semq):
        cid = lax.axis_index("c")
        sid = lax.axis_index("s")
        wid = sid * 2 + cid
        b = _BTC + wid // (_KVH * 2)
        h = (wid // 2) % _KVH
        half = wid % 2
        s_base = half * (_S // 2)

        pltpu.make_async_copy(qa_h.at[b, pl.ds(h * _G, _G)], qbuf,
                              semq).start()
        pltpu.make_async_copy(cqs_h.at[b], cqbuf, semq).start()
        pltpu.make_async_copy(kn_h.at[b, h], knbuf, semq).start()
        pltpu.make_async_copy(vn_h.at[b, h], vnbuf, semq).start()
        pltpu.make_async_copy(k_h.at[b, pl.ds(s_base, _CH), h], kb0,
                              semk0).start()
        pltpu.make_async_copy(v_h.at[b, pl.ds(s_base, _CH), h], vb0,
                              semv0).start()
        pltpu.make_async_copy(cs_h.at[pl.ds(s_base, _CH)], cb0,
                              semc0).start()
        pltpu.make_async_copy(k_h.at[b, pl.ds(s_base + _CH, _CH), h], kb1,
                              semk1).start()
        pltpu.make_async_copy(v_h.at[b, pl.ds(s_base + _CH, _CH), h], vb1,
                              semv1).start()
        pltpu.make_async_copy(cs_h.at[pl.ds(s_base + _CH, _CH)], cb1,
                              semc1).start()

        pltpu.make_async_copy(qa_h.at[b, pl.ds(h * _G, _G)], qbuf,
                              semq).wait()
        pltpu.make_async_copy(cqs_h.at[b], cqbuf, semq).wait()
        pltpu.make_async_copy(kn_h.at[b, h], knbuf, semq).wait()
        pltpu.make_async_copy(vn_h.at[b, h], vnbuf, semq).wait()

        cvs = [cqbuf[pl.ds(i * 16, 16)] for i in range(8)]
        for g in range(_G):
            for i in range(4):
                x1 = qbuf[g, pl.ds(i * 16, 16)]
                x2 = qbuf[g, pl.ds(_HALF + i * 16, 16)]
                c = cvs[i]
                s = cvs[4 + i]
                qrbuf[g, pl.ds(i * 16, 16)] = (x1 * c - x2 * s) * _SCALE
                qrbuf[g, pl.ds(_HALF + i * 16, 16)] = (
                    (x2 * c + x1 * s) * _SCALE)

        def process_chunk(kb, vb, cb, carry):
            dn0, dn1, dn2, dn3, accs = carry

            def keyloop_a(kk, dns):
                d0, d1, d2, d3 = dns
                cs = [cb[kk, pl.ds(i * 16, 16)] for i in range(8)]
                kr = []
                for i in range(4):
                    x1 = kb[kk, pl.ds(i * 16, 16)]
                    x2 = kb[kk, pl.ds(_HALF + i * 16, 16)]
                    kr.append(x1 * cs[i] - x2 * cs[4 + i])
                    kr.append(x2 * cs[i] + x1 * cs[4 + i])
                es = []
                for g in range(_G):
                    t = kr[0] * qrbuf[g, pl.ds(0, 16)]
                    for i in range(1, 4):
                        t = t + kr[2 * i] * qrbuf[g, pl.ds(i * 16, 16)]
                    for i in range(4):
                        t = t + kr[2 * i + 1] * qrbuf[
                            g, pl.ds(_HALF + i * 16, 16)]
                    ev = jnp.exp(_lanesum(t))
                    ebuf[pl.ds((g * _CH + kk) * 16, 16)] = ev
                    es.append(ev)
                return (d0 + es[0], d1 + es[1], d2 + es[2], d3 + es[3])

            dn0, dn1, dn2, dn3 = lax.fori_loop(
                0, _CH, keyloop_a, (dn0, dn1, dn2, dn3))

            def keyloop_b(kk, accs):
                accs = list(accs)
                vv = [vb[kk, pl.ds(i * 16, 16)] for i in range(8)]
                for g in range(_G):
                    ev = ebuf[pl.ds((g * _CH + kk) * 16, 16)]
                    for i in range(8):
                        accs[g * 8 + i] = accs[g * 8 + i] + ev * vv[i]
                return tuple(accs)

            accs = lax.fori_loop(0, _CH, keyloop_b, accs)
            return (dn0, dn1, dn2, dn3, accs)

        zero = jnp.zeros((16,), jnp.float32)
        carry = (zero, zero, zero, zero, tuple(zero for _ in range(32)))

        def ringstep(t, carry, kb, vb, cb, semk, semv, semc, par):
            pltpu.make_async_copy(k_h.at[b, pl.ds(0, _CH), h], kb,
                                  semk).wait()
            pltpu.make_async_copy(v_h.at[b, pl.ds(0, _CH), h], vb,
                                  semv).wait()
            pltpu.make_async_copy(cs_h.at[pl.ds(0, _CH)], cb, semc).wait()
            carry = process_chunk(kb, vb, cb, carry)
            nxt = s_base + (2 * t + par + 2) * _CH

            @pl.when(2 * t + par + 2 < _NCH // 2)
            def _():
                pltpu.make_async_copy(k_h.at[b, pl.ds(nxt, _CH), h], kb,
                                      semk).start()
                pltpu.make_async_copy(v_h.at[b, pl.ds(nxt, _CH), h], vb,
                                      semv).start()
                pltpu.make_async_copy(cs_h.at[pl.ds(nxt, _CH)], cb,
                                      semc).start()
            return carry

        def outer(t, carry):
            carry = ringstep(t, carry, kb0, vb0, cb0, semk0, semv0,
                             semc0, 0)
            carry = ringstep(t, carry, kb1, vb1, cb1, semk1, semv1,
                             semc1, 1)
            return carry

        dn0, dn1, dn2, dn3, accs = lax.fori_loop(0, _NCH // 4, outer, carry)
        dns = [dn0, dn1, dn2, dn3]
        accs = list(accs)

        knr = []
        for i in range(4):
            x1 = knbuf[pl.ds(i * 16, 16)]
            x2 = knbuf[pl.ds(_HALF + i * 16, 16)]
            knr.append(x1 * cvs[i] - x2 * cvs[4 + i])
            knr.append(x2 * cvs[i] + x1 * cvs[4 + i])
        for g in range(_G):
            t = knr[0] * qrbuf[g, pl.ds(0, 16)]
            for i in range(1, 4):
                t = t + knr[2 * i] * qrbuf[g, pl.ds(i * 16, 16)]
            for i in range(4):
                t = t + knr[2 * i + 1] * qrbuf[g, pl.ds(_HALF + i * 16, 16)]
            gate = jnp.where(half == 0, 1.0, 0.0).astype(jnp.float32)
            ev = jnp.exp(_lanesum(t)) * gate
            dns[g] = dns[g] + ev
            for i in range(8):
                accs[g * 8 + i] = (accs[g * 8 + i] +
                                   ev * vnbuf[pl.ds(i * 16, 16)])

        for g in range(_G):
            for i in range(8):
                obuf[g, pl.ds(i * 16, 16)] = accs[g * 8 + i]
            dnbuf[g, pl.ds(0, 16)] = dns[g]
        pltpu.sync_copy(obuf, out_h.at[half, b - _BTC, pl.ds(h * _G, _G)])
        pltpu.sync_copy(dnbuf, dn_h.at[half, b - _BTC, pl.ds(h * _G, _G)])

    return body(qa, kn, vn, cqs, cs_tab, k4, v4)


def kernel(positions, hidden_states, k_cache, v_cache, Wqkv, Wo):
    qkv = _matmul(hidden_states, Wqkv, 6)

    qa = qkv[:, :_H * _DH].reshape(_B, _H, _DH)
    kn4 = qkv[:, _H * _DH:(_H + _KVH) * _DH].reshape(_B, _KVH, _DH)
    vn4 = qkv[:, (_H + _KVH) * _DH:].reshape(_B, _KVH, _DH)
    kn = jnp.repeat(kn4, _G, axis=1)
    vn = jnp.repeat(vn4, _G, axis=1)

    inv_freq = 1.0 / (_THETA ** (jnp.arange(0, _DH, 2, dtype=jnp.float32)
                                 / _DH))
    pos = jnp.minimum(positions, _CTX - 1).astype(jnp.float32)
    fq = pos[:, None] * inv_freq[None, :]
    cq = jnp.cos(fq)[:, None, :]
    sq = jnp.sin(fq)[:, None, :]
    cqs = jnp.concatenate([jnp.cos(fq), jnp.sin(fq)], axis=1)
    past = jnp.minimum(jnp.arange(_S, dtype=jnp.int32),
                       _CTX - 1).astype(jnp.float32)
    fp = past[:, None] * inv_freq[None, :]
    c2 = jnp.repeat(jnp.tile(jnp.cos(fp), (1, 2)), _KVH, axis=0)
    s2 = jnp.repeat(jnp.tile(jnp.sin(fp), (1, 2)), _KVH, axis=0)
    cs_tab = jnp.concatenate([jnp.cos(fp), jnp.sin(fp)], axis=1)

    kc = k_cache.reshape(_B, _SK, _DH)
    vc = v_cache.reshape(_B, _SK, _DH)

    attn_tc = _tc_attention(qa, kn, vn, cq, sq, c2, s2, kc, vc)
    acc_sc, dn_sc = _sc_attention(qa, kn4, vn4, cqs, cs_tab, k_cache,
                                  v_cache)
    attn_sc = ((acc_sc[0] + acc_sc[1]) /
               (dn_sc[0, :, :, :1] + dn_sc[1, :, :, :1]))
    attn = jnp.concatenate([attn_tc, attn_sc], axis=0).reshape(_B,
                                                               _H * _DH)

    return _matmul(attn, Wo, 4)

# --- scband reference (transcript-rebuilt; emitter-appended) ---
"""Pipeline reference for scband-llama-attention-68702296867555 (READ-ONLY COPY).

The authoritative reference and input builder live on the scoring server;
editing this copy changes nothing except your own understanding.
"""

import jax, jax.numpy as jnp
import numpy as np

B = 64
S = 2048
H = 16
KVH = 4
DH = 128
HID = 2048
THETA = 10000.0
CTX = 4096  # llama_context_len in the original module (attention-sinks cap)


def _rope(x, pos):
    # neox-style rotary embedding (vLLM get_rope default).
    # x: [..., DH], pos broadcastable to x's leading dims.
    half = DH // 2
    inv_freq = 1.0 / (THETA ** (jnp.arange(0, DH, 2, dtype=jnp.float32) / DH))
    freqs = pos.astype(jnp.float32)[..., None] * inv_freq  # [..., half]
    cos = jnp.cos(freqs)
    sin = jnp.sin(freqs)
    x1 = x[..., :half]
    x2 = x[..., half:]
    return jnp.concatenate([x1 * cos - x2 * sin, x2 * cos + x1 * sin], axis=-1)


def setup_inputs(seed: int = 0) -> dict:
    key = jax.random.key(seed)
    k1, k2, k3, k4, k5 = jax.random.split(key, 5)
    hidden_states = jax.random.normal(k1, (B, HID), dtype=jnp.float32)
    # Attention-sinks variant stores UNROTATED keys in the KV cache.
    k_cache = jax.random.normal(k2, (B, S, KVH, DH), dtype=jnp.float32)
    v_cache = jax.random.normal(k3, (B, S, KVH, DH), dtype=jnp.float32)
    Wqkv = jax.random.normal(k4, (HID, (H + 2 * KVH) * DH), dtype=jnp.float32) * (HID ** -0.5)
    Wo = jax.random.normal(k5, (H * DH, HID), dtype=jnp.float32) * ((H * DH) ** -0.5)
    # every sequence has S past tokens; the new token position is S
    positions = jnp.full((B,), S, dtype=jnp.int32)
    return {
        'positions': positions,
        'hidden_states': hidden_states,
        'k_cache': k_cache,
        'v_cache': v_cache,
        'Wqkv': Wqkv,
        'Wo': Wo,
    }


def reference(positions, hidden_states, k_cache, v_cache, Wqkv, Wo):
    # Decode path of LlamaAttention with attention sinks:
    # 1) qkv projection, split
    # 2) clamp current positions to llama_context_len - 1, rope q and new k
    # 3) re-rotate past (unrotated) cached keys at their in-window positions
    # 4) paged attention of single query token against full KV cache + new k,v
    # 5) output projection
    qkv = hidden_states @ Wqkv
    q, k, v = jnp.split(qkv, [H * DH, H * DH + KVH * DH], axis=-1)
    pos = jnp.minimum(positions, CTX - 1)
    q = _rope(q.reshape(B, H, DH), pos[:, None])
    k = _rope(k.reshape(B, KVH, DH), pos[:, None])
    v = v.reshape(B, KVH, DH)
    # within_context_len branch: past key at absolute position j is rotated with position j
    past_pos = jnp.minimum(jnp.arange(S, dtype=jnp.int32), CTX - 1)
    k_past = _rope(k_cache, past_pos[None, :, None])  # [B, S, KVH, DH]
    keys = jnp.concatenate([k_past, k[:, None, :, :]], axis=1)   # [B, S+1, KVH, DH]
    vals = jnp.concatenate([v_cache, v[:, None, :, :]], axis=1)  # [B, S+1, KVH, DH]
    # grouped-query attention: repeat kv heads
    g = H // KVH
    keys_r = jnp.repeat(keys, g, axis=2)  # [B, S+1, H, DH]
    vals_r = jnp.repeat(vals, g, axis=2)
    scale = DH ** -0.5
    scores = jnp.einsum('bhd,bshd->bhs', q, keys_r) * scale
    probs = jax.nn.softmax(scores, axis=-1)
    attn_out = jnp.einsum('bhs,bshd->bhd', probs, vals_r).reshape(B, H * DH)
    return attn_out @ Wo

if __name__ == "__main__":
    import jax
    _d = setup_inputs()
    print(jax.jit(kernel)(*tuple(_d.values())))

</pallas_src>

<mosaic_0001>
#map = affine_map<(d0, d1) -> (0, 0, 0)>
#map1 = affine_map<(d0, d1) -> (0, 0)>
#map2 = affine_map<(d0, d1) -> (0, 0, 0, 0)>
module attributes {stable_mosaic.version = 14 : i64} {
  func.func @body(%arg0: i32, %arg1: i32, %arg2: memref<64x16x128xf32, #tpu.memory_space<hbm>>, %arg3: memref<64x4x128xf32, #tpu.memory_space<hbm>>, %arg4: memref<64x4x128xf32, #tpu.memory_space<hbm>>, %arg5: memref<64x128xf32, #tpu.memory_space<hbm>>, %arg6: memref<2048x128xf32, #tpu.memory_space<hbm>>, %arg7: memref<64x2048x4x128xf32, #tpu.memory_space<hbm>>, %arg8: memref<64x2048x4x128xf32, #tpu.memory_space<hbm>>, %arg9: memref<2x4x16x128xf32, #tpu.memory_space<hbm>>, %arg10: memref<2x4x16x16xf32, #tpu.memory_space<hbm>>, %arg11: memref<128x128xf32, #tpu.memory_space<vmem>>, %arg12: memref<128x128xf32, #tpu.memory_space<vmem>>, %arg13: memref<128x128xf32, #tpu.memory_space<vmem>>, %arg14: memref<128x128xf32, #tpu.memory_space<vmem>>, %arg15: memref<128x128xf32, #tpu.memory_space<vmem>>, %arg16: memref<128x128xf32, #tpu.memory_space<vmem>>, %arg17: memref<4x128xf32, #tpu.memory_space<vmem>>, %arg18: memref<4x128xf32, #tpu.memory_space<vmem>>, %arg19: memref<128xf32, #tpu.memory_space<vmem>>, %arg20: memref<128xf32, #tpu.memory_space<vmem>>, %arg21: memref<128xf32, #tpu.memory_space<vmem>>, %arg22: memref<8192xf32, #tpu.memory_space<vmem>>, %arg23: memref<4x128xf32, #tpu.memory_space<vmem>>, %arg24: memref<4x16xf32, #tpu.memory_space<vmem>>, %arg25: memref<!tpu.dma_semaphore, #tpu.memory_space<semaphore_mem>>, %arg26: memref<!tpu.dma_semaphore, #tpu.memory_space<semaphore_mem>>, %arg27: memref<!tpu.dma_semaphore, #tpu.memory_space<semaphore_mem>>, %arg28: memref<!tpu.dma_semaphore, #tpu.memory_space<semaphore_mem>>, %arg29: memref<!tpu.dma_semaphore, #tpu.memory_space<semaphore_mem>>, %arg30: memref<!tpu.dma_semaphore, #tpu.memory_space<semaphore_mem>>, %arg31: memref<!tpu.dma_semaphore, #tpu.memory_space<semaphore_mem>>) attributes {dimension_semantics = [#tpu.dimension_semantics<core_parallel>, #tpu.dimension_semantics<subcore_parallel>], iteration_bounds = array<i64: 2, 16>, scalar_prefetch = 0 : i64, scratch_operands = 21 : i64, tpu.core_type = #tpu.core_type<sc_vector_subcore>, window_params = [{transform_indices = #map}, {transform_indices = #map}, {transform_indices = #map}, {transform_indices = #map1}, {transform_indices = #map1}, {transform_indices = #map2}, {transform_indices = #map2}, {transform_indices = #map2}, {transform_indices = #map2}]} {
    %mul3A = arith.constant 2 : i32
    %mul3A_0 = arith.muli %arg1, %mul3A : i32
    %add3A = arith.addi %mul3A_0, %arg0 : i32
    %jit3A = arith.constant 8 : i32
    %div3A = arith.divsi %add3A, %jit3A : i32
    %sign3A = arith.constant 0 : i32
    %sign3A_1 = arith.cmpi sgt, %add3A, %sign3A : i32
    %sign3A_2 = arith.extui %sign3A_1 : i1 to i32
    %sign3A_3 = arith.constant 0 : i32
    %sign3A_4 = arith.cmpi slt, %add3A, %sign3A_3 : i32
    %sign3A_5 = arith.extui %sign3A_4 : i1 to i32
    %sign3A_6 = arith.subi %sign3A_2, %sign3A_5 : i32
    %sign3A_7 = arith.constant 0 : i32
    %sign3A_8 = arith.cmpi sgt, %jit3A, %sign3A_7 : i32
    %sign3A_9 = arith.extui %sign3A_8 : i1 to i32
    %sign3A_10 = arith.constant 0 : i32
    %sign3A_11 = arith.cmpi slt, %jit3A, %sign3A_10 : i32
    %sign3A_12 = arith.extui %sign3A_11 : i1 to i32
    %sign3A_13 = arith.subi %sign3A_9, %sign3A_12 : i32
    %ne3A = arith.cmpi ne, %sign3A_6, %sign3A_13 : i32
    %rem3A = arith.remsi %add3A, %jit3A : i32
    %ne3A_14 = arith.constant 0 : i32
    %ne3A_15 = arith.cmpi ne, %rem3A, %ne3A_14 : i32
    %and3A = arith.andi %ne3A, %ne3A_15 : i1
    %sub3A = arith.constant 1 : i32
    %sub3A_16 = arith.subi %div3A, %sub3A : i32
    %select_n3A = arith.select %and3A, %sub3A_16, %div3A : i32
    %add3A_17 = arith.constant 60 : i32
    %add3A_18 = arith.addi %add3A_17, %select_n3A : i32
    %jit3A_19 = arith.constant 2 : i32
    %div3A_20 = arith.divsi %add3A, %jit3A_19 : i32
    %sign3A_21 = arith.constant 0 : i32
    %sign3A_22 = arith.cmpi sgt, %add3A, %sign3A_21 : i32
    %sign3A_23 = arith.extui %sign3A_22 : i1 to i32
    %sign3A_24 = arith.constant 0 : i32
    %sign3A_25 = arith.cmpi slt, %add3A, %sign3A_24 : i32
    %sign3A_26 = arith.extui %sign3A_25 : i1 to i32
    %sign3A_27 = arith.subi %sign3A_23, %sign3A_26 : i32
    %sign3A_28 = arith.constant 0 : i32
    %sign3A_29 = arith.cmpi sgt, %jit3A_19, %sign3A_28 : i32
    %sign3A_30 = arith.extui %sign3A_29 : i1 to i32
    %sign3A_31 = arith.constant 0 : i32
    %sign3A_32 = arith.cmpi slt, %jit3A_19, %sign3A_31 : i32
    %sign3A_33 = arith.extui %sign3A_32 : i1 to i32
    %sign3A_34 = arith.subi %sign3A_30, %sign3A_33 : i32
    %ne3A_35 = arith.cmpi ne, %sign3A_27, %sign3A_34 : i32
    %rem3A_36 = arith.remsi %add3A, %jit3A_19 : i32
    %ne3A_37 = arith.constant 0 : i32
    %ne3A_38 = arith.cmpi ne, %rem3A_36, %ne3A_37 : i32
    %and3A_39 = arith.andi %ne3A_35, %ne3A_38 : i1
    %sub3A_40 = arith.constant 1 : i32
    %sub3A_41 = arith.subi %div3A_20, %sub3A_40 : i32
    %select_n3A_42 = arith.select %and3A_39, %sub3A_41, %div3A_20 : i32
    %jit3A_43 = arith.constant 4 : i32
    %eq3A = arith.constant 0 : i32
    %eq3A_44 = arith.cmpi eq, %jit3A_43, %eq3A : i32
    %jit3A_45 = arith.constant 1 : i32
    %select_n3A_46 = arith.select %eq3A_44, %jit3A_45, %jit3A_43 : i32
    %rem3A_47 = arith.remsi %select_n3A_42, %select_n3A_46 : i32
    %ne3A_48 = arith.constant 0 : i32
    %ne3A_49 = arith.cmpi ne, %rem3A_47, %ne3A_48 : i32
    %lt3A = arith.constant 0 : i32
    %lt3A_50 = arith.cmpi slt, %rem3A_47, %lt3A : i32
    %lt3A_51 = arith.constant 0 : i32
    %lt3A_52 = arith.cmpi slt, %select_n3A_46, %lt3A_51 : i32
    %ne3A_53 = arith.xori %lt3A_50, %lt3A_52 : i1
    %and3A_54 = arith.andi %ne3A_53, %ne3A_49 : i1
    %add3A_55 = arith.addi %rem3A_47, %select_n3A_46 : i32
    %select_n3A_56 = arith.select %and3A_54, %add3A_55, %rem3A_47 : i32
    %jit3A_57 = arith.constant 2 : i32
    %eq3A_58 = arith.constant 0 : i32
    %eq3A_59 = arith.cmpi eq, %jit3A_57, %eq3A_58 : i32
    %jit3A_60 = arith.constant 1 : i32
    %select_n3A_61 = arith.select %eq3A_59, %jit3A_60, %jit3A_57 : i32
    %rem3A_62 = arith.remsi %add3A, %select_n3A_61 : i32
    %ne3A_63 = arith.constant 0 : i32
    %ne3A_64 = arith.cmpi ne, %rem3A_62, %ne3A_63 : i32
    %lt3A_65 = arith.constant 0 : i32
    %lt3A_66 = arith.cmpi slt, %rem3A_62, %lt3A_65 : i32
    %lt3A_67 = arith.constant 0 : i32
    %lt3A_68 = arith.cmpi slt, %select_n3A_61, %lt3A_67 : i32
    %ne3A_69 = arith.xori %lt3A_66, %lt3A_68 : i1
    %and3A_70 = arith.andi %ne3A_69, %ne3A_64 : i1
    %add3A_71 = arith.addi %rem3A_62, %select_n3A_61 : i32
    %select_n3A_72 = arith.select %and3A_70, %add3A_71, %rem3A_62 : i32
    %mul3A_73 = arith.constant 1024 : i32
    %mul3A_74 = arith.muli %select_n3A_72, %mul3A_73 : i32
    %mul3A_75 = arith.constant 4 : i32
    %mul3A_76 = arith.muli %select_n3A_56, %mul3A_75 : i32
    %dma_start3A = arith.constant 0 : i32
    %dma_start3A_77 = tpu.memref_slice %arg2[%add3A_18, %mul3A_76, %dma_start3A] : memref<64x16x128xf32, #tpu.memory_space<hbm>> -> memref<1x4x128xf32, #tpu.memory_space<hbm>>
    %dma_start3A_78 = tpu.memref_squeeze %dma_start3A_77 : memref<1x4x128xf32, #tpu.memory_space<hbm>> -> memref<4x128xf32, #tpu.memory_space<hbm>>
    %dma_start3A_79 = arith.constant 0 : i32
    %dma_start3A_80 = tpu.memref_slice %arg2[%add3A_18, %mul3A_76, %dma_start3A_79] : memref<64x16x128xf32, #tpu.memory_space<hbm>> -> memref<1x4x128xf32, #tpu.memory_space<hbm>>
    %dma_start3A_81 = tpu.memref_squeeze %dma_start3A_80 : memref<1x4x128xf32, #tpu.memory_space<hbm>> -> memref<4x128xf32, #tpu.memory_space<hbm>>
    tpu.enqueue_dma source(%dma_start3A_81 : memref<4x128xf32, #tpu.memory_space<hbm>>) target(%arg17 : memref<4x128xf32, #tpu.memory_space<vmem>>) target_semaphore(%arg31 : memref<!tpu.dma_semaphore, #tpu.memory_space<semaphore_mem>>)
    %dma_start3A_82 = arith.constant 0 : i32
    %dma_start3A_83 = tpu.memref_slice %arg5[%add3A_18, %dma_start3A_82] : memref<64x128xf32, #tpu.memory_space<hbm>> -> memref<1x128xf32, #tpu.memory_space<hbm>>
    %dma_start3A_84 = tpu.memref_squeeze %dma_start3A_83 : memref<1x128xf32, #tpu.memory_space<hbm>> -> memref<128xf32, #tpu.memory_space<hbm>>
    %dma_start3A_85 = arith.constant 0 : i32
    %dma_start3A_86 = tpu.memref_slice %arg5[%add3A_18, %dma_start3A_85] : memref<64x128xf32, #tpu.memory_space<hbm>> -> memref<1x128xf32, #tpu.memory_space<hbm>>
    %dma_start3A_87 = tpu.memref_squeeze %dma_start3A_86 : memref<1x128xf32, #tpu.memory_space<hbm>> -> memref<128xf32, #tpu.memory_space<hbm>>
    tpu.enqueue_dma source(%dma_start3A_87 : memref<128xf32, #tpu.memory_space<hbm>>) target(%arg19 : memref<128xf32, #tpu.memory_space<vmem>>) target_semaphore(%arg31 : memref<!tpu.dma_semaphore, #tpu.memory_space<semaphore_mem>>)
    %dma_start3A_88 = arith.constant 0 : i32
    %dma_start3A_89 = tpu.memref_slice %arg3[%add3A_18, %select_n3A_56, %dma_start3A_88] : memref<64x4x128xf32, #tpu.memory_space<hbm>> -> memref<1x1x128xf32, #tpu.memory_space<hbm>>
    %dma_start3A_90 = tpu.memref_squeeze %dma_start3A_89 : memref<1x1x128xf32, #tpu.memory_space<hbm>> -> memref<128xf32, #tpu.memory_space<hbm>>
    %dma_start3A_91 = arith.constant 0 : i32
    %dma_start3A_92 = tpu.memref_slice %arg3[%add3A_18, %select_n3A_56, %dma_start3A_91] : memref<64x4x128xf32, #tpu.memory_space<hbm>> -> memref<1x1x128xf32, #tpu.memory_space<hbm>>
    %dma_start3A_93 = tpu.memref_squeeze %dma_start3A_92 : memref<1x1x128xf32, #tpu.memory_space<hbm>> -> memref<128xf32, #tpu.memory_space<hbm>>
    tpu.enqueue_dma source(%dma_start3A_93 : memref<128xf32, #tpu.memory_space<hbm>>) target(%arg20 : memref<128xf32, #tpu.memory_space<vmem>>) target_semaphore(%arg31 : memref<!tpu.dma_semaphore, #tpu.memory_space<semaphore_mem>>)
    %dma_start3A_94 = arith.constant 0 : i32
    %dma_start3A_95 = tpu.memref_slice %arg4[%add3A_18, %select_n3A_56, %dma_start3A_94] : memref<64x4x128xf32, #tpu.memory_space<hbm>> -> memref<1x1x128xf32, #tpu.memory_space<hbm>>
    %dma_start3A_96 = tpu.memref_squeeze %dma_start3A_95 : memref<1x1x128xf32, #tpu.memory_space<hbm>> -> memref<128xf32, #tpu.memory_space<hbm>>
    %dma_start3A_97 = arith.constant 0 : i32
    %dma_start3A_98 = tpu.memref_slice %arg4[%add3A_18, %select_n3A_56, %dma_start3A_97] : memref<64x4x128xf32, #tpu.memory_space<hbm>> -> memref<1x1x128xf32, #tpu.memory_space<hbm>>
    %dma_start3A_99 = tpu.memref_squeeze %dma_start3A_98 : memref<1x1x128xf32, #tpu.memory_space<hbm>> -> memref<128xf32, #tpu.memory_space<hbm>>
    tpu.enqueue_dma source(%dma_start3A_99 : memref<128xf32, #tpu.memory_space<hbm>>) target(%arg21 : memref<128xf32, #tpu.memory_space<vmem>>) target_semaphore(%arg31 : memref<!tpu.dma_semaphore, #tpu.memory_space<semaphore_mem>>)
    %dma_start3A_100 = arith.constant 0 : i32
    %dma_start3A_101 = tpu.memref_slice %arg7[%add3A_18, %mul3A_74, %select_n3A_56, %dma_start3A_100] : memref<64x2048x4x128xf32, #tpu.memory_space<hbm>> -> memref<1x128x1x128xf32, #tpu.memory_space<hbm>>
    %dma_start3A_102 = tpu.memref_squeeze %dma_start3A_101 : memref<1x128x1x128xf32, #tpu.memory_space<hbm>> -> memref<128x128xf32, #tpu.memory_space<hbm>>
    %dma_start3A_103 = arith.constant 0 : i32
    %dma_start3A_104 = tpu.memref_slice %arg7[%add3A_18, %mul3A_74, %select_n3A_56, %dma_start3A_103] : memref<64x2048x4x128xf32, #tpu.memory_space<hbm>> -> memref<1x128x1x128xf32, #tpu.memory_space<hbm>>
    %dma_start3A_105 = tpu.memref_squeeze %dma_start3A_104 : memref<1x128x1x128xf32, #tpu.memory_space<hbm>> -> memref<128x128xf32, #tpu.memory_space<hbm>>
    tpu.enqueue_dma source(%dma_start3A_105 : memref<128x128xf32, #tpu.memory_space<hbm>>) target(%arg11 : memref<128x128xf32, #tpu.memory_space<vmem>>) target_semaphore(%arg25 : memref<!tpu.dma_semaphore, #tpu.memory_space<semaphore_mem>>)
    %dma_start3A_106 = arith.constant 0 : i32
    %dma_start3A_107 = tpu.memref_slice %arg8[%add3A_18, %mul3A_74, %select_n3A_56, %dma_start3A_106] : memref<64x2048x4x128xf32, #tpu.memory_space<hbm>> -> memref<1x128x1x128xf32, #tpu.memory_space<hbm>>
    %dma_start3A_108 = tpu.memref_squeeze %dma_start3A_107 : memref<1x128x1x128xf32, #tpu.memory_space<hbm>> -> memref<128x128xf32, #tpu.memory_space<hbm>>
    %dma_start3A_109 = arith.constant 0 : i32
    %dma_start3A_110 = tpu.memref_slice %arg8[%add3A_18, %mul3A_74, %select_n3A_56, %dma_start3A_109] : memref<64x2048x4x128xf32, #tpu.memory_space<hbm>> -> memref<1x128x1x128xf32, #tpu.memory_space<hbm>>
    %dma_start3A_111 = tpu.memref_squeeze %dma_start3A_110 : memref<1x128x1x128xf32, #tpu.memory_space<hbm>> -> memref<128x128xf32, #tpu.memory_space<hbm>>
    tpu.enqueue_dma source(%dma_start3A_111 : memref<128x128xf32, #tpu.memory_space<hbm>>) target(%arg13 : memref<128x128xf32, #tpu.memory_space<vmem>>) target_semaphore(%arg27 : memref<!tpu.dma_semaphore, #tpu.memory_space<semaphore_mem>>)
    %dma_start3A_112 = arith.constant 0 : i32
    %dma_start3A_113 = tpu.memref_slice %arg6[%mul3A_74, %dma_start3A_112] : memref<2048x128xf32, #tpu.memory_space<hbm>> -> memref<128x128xf32, #tpu.memory_space<hbm>>
    %dma_start3A_114 = arith.constant 0 : i32
    %dma_start3A_115 = tpu.memref_slice %arg6[%mul3A_74, %dma_start3A_114] : memref<2048x128xf32, #tpu.memory_space<hbm>> -> memref<128x128xf32, #tpu.memory_space<hbm>>
    tpu.enqueue_dma source(%dma_start3A_115 : memref<128x128xf32, #tpu.memory_space<hbm>>) target(%arg15 : memref<128x128xf32, #tpu.memory_space<vmem>>) target_semaphore(%arg29 : memref<!tpu.dma_semaphore, #tpu.memory_space<semaphore_mem>>)
    %add3A_116 = arith.constant 128 : i32
    %add3A_117 = arith.addi %mul3A_74, %add3A_116 : i32
    %dma_start3A_118 = arith.constant 0 : i32
    %dma_start3A_119 = tpu.memref_slice %arg7[%add3A_18, %add3A_117, %select_n3A_56, %dma_start3A_118] : memref<64x2048x4x128xf32, #tpu.memory_space<hbm>> -> memref<1x128x1x128xf32, #tpu.memory_space<hbm>>
    %dma_start3A_120 = tpu.memref_squeeze %dma_start3A_119 : memref<1x128x1x128xf32, #tpu.memory_space<hbm>> -> memref<128x128xf32, #tpu.memory_space<hbm>>
    %dma_start3A_121 = arith.constant 0 : i32
    %dma_start3A_122 = tpu.memref_slice %arg7[%add3A_18, %add3A_117, %select_n3A_56, %dma_start3A_121] : memref<64x2048x4x128xf32, #tpu.memory_space<hbm>> -> memref<1x128x1x128xf32, #tpu.memory_space<hbm>>
    %dma_start3A_123 = tpu.memref_squeeze %dma_start3A_122 : memref<1x128x1x128xf32, #tpu.memory_space<hbm>> -> memref<128x128xf32, #tpu.memory_space<hbm>>
    tpu.enqueue_dma source(%dma_start3A_123 : memref<128x128xf32, #tpu.memory_space<hbm>>) target(%arg12 : memref<128x128xf32, #tpu.memory_space<vmem>>) target_semaphore(%arg26 : memref<!tpu.dma_semaphore, #tpu.memory_space<semaphore_mem>>)
    %add3A_124 = arith.constant 128 : i32
    %add3A_125 = arith.addi %mul3A_74, %add3A_124 : i32
    %dma_start3A_126 = arith.constant 0 : i32
    %dma_start3A_127 = tpu.memref_slice %arg8[%add3A_18, %add3A_125, %select_n3A_56, %dma_start3A_126] : memref<64x2048x4x128xf32, #tpu.memory_space<hbm>> -> memref<1x128x1x128xf32, #tpu.memory_space<hbm>>
    %dma_start3A_128 = tpu.memref_squeeze %dma_start3A_127 : memref<1x128x1x128xf32, #tpu.memory_space<hbm>> -> memref<128x128xf32, #tpu.memory_space<hbm>>
    %dma_start3A_129 = arith.constant 0 : i32
    %dma_start3A_130 = tpu.memref_slice %arg8[%add3A_18, %add3A_125, %select_n3A_56, %dma_start3A_129] : memref<64x2048x4x128xf32, #tpu.memory_space<hbm>> -> memref<1x128x1x128xf32, #tpu.memory_space<hbm>>
    %dma_start3A_131 = tpu.memref_squeeze %dma_start3A_130 : memref<1x128x1x128xf32, #tpu.memory_space<hbm>> -> memref<128x128xf32, #tpu.memory_space<hbm>>
    tpu.enqueue_dma source(%dma_start3A_131 : memref<128x128xf32, #tpu.memory_space<hbm>>) target(%arg14 : memref<128x128xf32, #tpu.memory_space<vmem>>) target_semaphore(%arg28 : memref<!tpu.dma_semaphore, #tpu.memory_space<semaphore_mem>>)
    %add3A_132 = arith.constant 128 : i32
    %add3A_133 = arith.addi %mul3A_74, %add3A_132 : i32
    %dma_start3A_134 = arith.constant 0 : i32
    %dma_start3A_135 = tpu.memref_slice %arg6[%add3A_133, %dma_start3A_134] : memref<2048x128xf32, #tpu.memory_space<hbm>> -> memref<128x128xf32, #tpu.memory_space<hbm>>
    %dma_start3A_136 = arith.constant 0 : i32
    %dma_start3A_137 = tpu.memref_slice %arg6[%add3A_133, %dma_start3A_136] : memref<2048x128xf32, #tpu.memory_space<hbm>> -> memref<128x128xf32, #tpu.memory_space<hbm>>
    tpu.enqueue_dma source(%dma_start3A_137 : memref<128x128xf32, #tpu.memory_space<hbm>>) target(%arg16 : memref<128x128xf32, #tpu.memory_space<vmem>>) target_semaphore(%arg30 : memref<!tpu.dma_semaphore, #tpu.memory_space<semaphore_mem>>)
    %mul3A_138 = arith.constant 4 : i32
    %mul3A_139 = arith.muli %select_n3A_56, %mul3A_138 : i32
    %dma_wait3A = arith.constant 0 : i32
    %dma_wait3A_140 = tpu.memref_slice %arg2[%add3A_18, %mul3A_139, %dma_wait3A] : memref<64x16x128xf32, #tpu.memory_space<hbm>> -> memref<1x4x128xf32, #tpu.memory_space<hbm>>
    %dma_wait3A_141 = tpu.memref_squeeze %dma_wait3A_140 : memref<1x4x128xf32, #tpu.memory_space<hbm>> -> memref<4x128xf32, #tpu.memory_space<hbm>>
    %dma_wait3A_142 = arith.constant 0 : i32
    %dma_wait3A_143 = tpu.memref_slice %arg2[%add3A_18, %mul3A_139, %dma_wait3A_142] : memref<64x16x128xf32, #tpu.memory_space<hbm>> -> memref<1x4x128xf32, #tpu.memory_space<hbm>>
    %dma_wait3A_144 = tpu.memref_squeeze %dma_wait3A_143 : memref<1x4x128xf32, #tpu.memory_space<hbm>> -> memref<4x128xf32, #tpu.memory_space<hbm>>
    tpu.wait_dma2 semaphore(%arg31 : memref<!tpu.dma_semaphore, #tpu.memory_space<semaphore_mem>>) src(%dma_wait3A_144 : memref<4x128xf32, #tpu.memory_space<hbm>>) dst(%arg17 : memref<4x128xf32, #tpu.memory_space<vmem>>)
    %dma_wait3A_145 = arith.constant 0 : i32
    %dma_wait3A_146 = tpu.memref_slice %arg5[%add3A_18, %dma_wait3A_145] : memref<64x128xf32, #tpu.memory_space<hbm>> -> memref<1x128xf32, #tpu.memory_space<hbm>>
    %dma_wait3A_147 = tpu.memref_squeeze %dma_wait3A_146 : memref<1x128xf32, #tpu.memory_space<hbm>> -> memref<128xf32, #tpu.memory_space<hbm>>
    %dma_wait3A_148 = arith.constant 0 : i32
    %dma_wait3A_149 = tpu.memref_slice %arg5[%add3A_18, %dma_wait3A_148] : memref<64x128xf32, #tpu.memory_space<hbm>> -> memref<1x128xf32, #tpu.memory_space<hbm>>
    %dma_wait3A_150 = tpu.memref_squeeze %dma_wait3A_149 : memref<1x128xf32, #tpu.memory_space<hbm>> -> memref<128xf32, #tpu.memory_space<hbm>>
    tpu.wait_dma2 semaphore(%arg31 : memref<!tpu.dma_semaphore, #tpu.memory_space<semaphore_mem>>) src(%dma_wait3A_150 : memref<128xf32, #tpu.memory_space<hbm>>) dst(%arg19 : memref<128xf32, #tpu.memory_space<vmem>>)
    %dma_wait3A_151 = arith.constant 0 : i32
    %dma_wait3A_152 = tpu.memref_slice %arg3[%add3A_18, %select_n3A_56, %dma_wait3A_151] : memref<64x4x128xf32, #tpu.memory_space<hbm>> -> memref<1x1x128xf32, #tpu.memory_space<hbm>>
    %dma_wait3A_153 = tpu.memref_squeeze %dma_wait3A_152 : memref<1x1x128xf32, #tpu.memory_space<hbm>> -> memref<128xf32, #tpu.memory_space<hbm>>
    %dma_wait3A_154 = arith.constant 0 : i32
    %dma_wait3A_155 = tpu.memref_slice %arg3[%add3A_18, %select_n3A_56, %dma_wait3A_154] : memref<64x4x128xf32, #tpu.memory_space<hbm>> -> memref<1x1x128xf32, #tpu.memory_space<hbm>>
    %dma_wait3A_156 = tpu.memref_squeeze %dma_wait3A_155 : memref<1x1x128xf32, #tpu.memory_space<hbm>> -> memref<128xf32, #tpu.memory_space<hbm>>
    tpu.wait_dma2 semaphore(%arg31 : memref<!tpu.dma_semaphore, #tpu.memory_space<semaphore_mem>>) src(%dma_wait3A_156 : memref<128xf32, #tpu.memory_space<hbm>>) dst(%arg20 : memref<128xf32, #tpu.memory_space<vmem>>)
    %dma_wait3A_157 = arith.constant 0 : i32
    %dma_wait3A_158 = tpu.memref_slice %arg4[%add3A_18, %select_n3A_56, %dma_wait3A_157] : memref<64x4x128xf32, #tpu.memory_space<hbm>> -> memref<1x1x128xf32, #tpu.memory_space<hbm>>
    %dma_wait3A_159 = tpu.memref_squeeze %dma_wait3A_158 : memref<1x1x128xf32, #tpu.memory_space<hbm>> -> memref<128xf32, #tpu.memory_space<hbm>>
    %dma_wait3A_160 = arith.constant 0 : i32
    %dma_wait3A_161 = tpu.memref_slice %arg4[%add3A_18, %select_n3A_56, %dma_wait3A_160] : memref<64x4x128xf32, #tpu.memory_space<hbm>> -> memref<1x1x128xf32, #tpu.memory_space<hbm>>
    %dma_wait3A_162 = tpu.memref_squeeze %dma_wait3A_161 : memref<1x1x128xf32, #tpu.memory_space<hbm>> -> memref<128xf32, #tpu.memory_space<hbm>>
    tpu.wait_dma2 semaphore(%arg31 : memref<!tpu.dma_semaphore, #tpu.memory_space<semaphore_mem>>) src(%dma_wait3A_162 : memref<128xf32, #tpu.memory_space<hbm>>) dst(%arg21 : memref<128xf32, #tpu.memory_space<vmem>>)
    %get3A = arith.constant 0 : index
    %get3A_163 = tpu.vector_load %arg19[%get3A] {strides = array<i32>} : memref<128xf32, #tpu.memory_space<vmem>>, vector<16xf32>,
    %get3A_164 = vector.shape_cast %get3A_163 : vector<16xf32> to vector<16xf32>
    %get3A_165 = arith.constant 16 : index
    %get3A_166 = tpu.vector_load %arg19[%get3A_165] {strides = array<i32>} : memref<128xf32, #tpu.memory_space<vmem>>, vector<16xf32>,
    %get3A_167 = vector.shape_cast %get3A_166 : vector<16xf32> to vector<16xf32>
    %get3A_168 = arith.constant 32 : index
    %get3A_169 = tpu.vector_load %arg19[%get3A_168] {strides = array<i32>} : memref<128xf32, #tpu.memory_space<vmem>>, vector<16xf32>,
    %get3A_170 = vector.shape_cast %get3A_169 : vector<16xf32> to vector<16xf32>
    %get3A_171 = arith.constant 48 : index
    %get3A_172 = tpu.vector_load %arg19[%get3A_171] {strides = array<i32>} : memref<128xf32, #tpu.memory_space<vmem>>, vector<16xf32>,
    %get3A_173 = vector.shape_cast %get3A_172 : vector<16xf32> to vector<16xf32>
    %get3A_174 = arith.constant 64 : index
    %get3A_175 = tpu.vector_load %arg19[%get3A_174] {strides = array<i32>} : memref<128xf32, #tpu.memory_space<vmem>>, vector<16xf32>,
    %get3A_176 = vector.shape_cast %get3A_175 : vector<16xf32> to vector<16xf32>
    %get3A_177 = arith.constant 80 : index
    %get3A_178 = tpu.vector_load %arg19[%get3A_177] {strides = array<i32>} : memref<128xf32, #tpu.memory_space<vmem>>, vector<16xf32>,
    %get3A_179 = vector.shape_cast %get3A_178 : vector<16xf32> to vector<16xf32>
    %get3A_180 = arith.constant 96 : index
    %get3A_181 = tpu.vector_load %arg19[%get3A_180] {strides = array<i32>} : memref<128xf32, #tpu.memory_space<vmem>>, vector<16xf32>,
    %get3A_182 = vector.shape_cast %get3A_181 : vector<16xf32> to vector<16xf32>
    %get3A_183 = arith.constant 112 : index
    %get3A_184 = tpu.vector_load %arg19[%get3A_183] {strides = array<i32>} : memref<128xf32, #tpu.memory_space<vmem>>, vector<16xf32>,
    %get3A_185 = vector.shape_cast %get3A_184 : vector<16xf32> to vector<16xf32>
    %get3A_186 = arith.constant 0 : i32
    %get3A_187 = arith.index_cast %get3A_186 : i32 to index
    %get3A_188 = arith.constant 0 : index
    %get3A_189 = tpu.vector_load %arg17[%get3A_187, %get3A_188] {strides = array<i32>} : memref<4x128xf32, #tpu.memory_space<vmem>>, vector<1x16xf32>,
    %get3A_190 = vector.shape_cast %get3A_189 : vector<1x16xf32> to vector<16xf32>
    %get3A_191 = arith.constant 0 : i32
    %get3A_192 = arith.index_cast %get3A_191 : i32 to index
    %get3A_193 = arith.constant 64 : index
    %get3A_194 = tpu.vector_load %arg17[%get3A_192, %get3A_193] {strides = array<i32>} : memref<4x128xf32, #tpu.memory_space<vmem>>, vector<1x16xf32>,
    %get3A_195 = vector.shape_cast %get3A_194 : vector<1x16xf32> to vector<16xf32>
    %mul3A_196 = arith.mulf %get3A_190, %get3A_164 : vector<16xf32>
    %mul3A_197 = arith.mulf %get3A_195, %get3A_176 : vector<16xf32>
    %sub3A_198 = arith.subf %mul3A_196, %mul3A_197 : vector<16xf32>
    %mul3A_199 = arith.constant 0.0883883461 : f32
    %mul3A_200 = vector.broadcast %mul3A_199 : f32 to vector<16xf32>
    %mul3A_201 = arith.mulf %sub3A_198, %mul3A_200 : vector<16xf32>
    %swap3A = arith.constant 0 : i32
    %swap3A_202 = arith.index_cast %swap3A : i32 to index
    %swap3A_203 = arith.constant 0 : index
    %swap3A_204 = tpu.vector_load %arg18[%swap3A_202, %swap3A_203] {strides = array<i32>} : memref<4x128xf32, #tpu.memory_space<vmem>>, vector<1x16xf32>,
    %swap3A_205 = vector.shape_cast %swap3A_204 : vector<1x16xf32> to vector<16xf32>
    %swap3A_206 = vector.shape_cast %mul3A_201 : vector<16xf32> to vector<1x16xf32>
    tpu.vector_store %arg18[%swap3A_202, %swap3A_203], %swap3A_206 {strides = array<i32>} : memref<4x128xf32, #tpu.memory_space<vmem>>, vector<1x16xf32>,
    %mul3A_207 = arith.mulf %get3A_195, %get3A_164 : vector<16xf32>
    %mul3A_208 = arith.mulf %get3A_190, %get3A_176 : vector<16xf32>
    %add3A_209 = arith.addf %mul3A_207, %mul3A_208 : vector<16xf32>
    %mul3A_210 = arith.constant 0.0883883461 : f32
    %mul3A_211 = vector.broadcast %mul3A_210 : f32 to vector<16xf32>
    %mul3A_212 = arith.mulf %add3A_209, %mul3A_211 : vector<16xf32>
    %swap3A_213 = arith.constant 0 : i32
    %swap3A_214 = arith.index_cast %swap3A_213 : i32 to index
    %swap3A_215 = arith.constant 64 : index
    %swap3A_216 = tpu.vector_load %arg18[%swap3A_214, %swap3A_215] {strides = array<i32>} : memref<4x128xf32, #tpu.memory_space<vmem>>, vector<1x16xf32>,
    %swap3A_217 = vector.shape_cast %swap3A_216 : vector<1x16xf32> to vector<16xf32>
    %swap3A_218 = vector.shape_cast %mul3A_212 : vector<16xf32> to vector<1x16xf32>
    tpu.vector_store %arg18[%swap3A_214, %swap3A_215], %swap3A_218 {strides = array<i32>} : memref<4x128xf32, #tpu.memory_space<vmem>>, vector<1x16xf32>,
    %get3A_219 = arith.constant 0 : i32
    %get3A_220 = arith.index_cast %get3A_219 : i32 to index
    %get3A_221 = arith.constant 16 : index
    %get3A_222 = tpu.vector_load %arg17[%get3A_220, %get3A_221] {strides = array<i32>} : memref<4x128xf32, #tpu.memory_space<vmem>>, vector<1x16xf32>,
    %get3A_223 = vector.shape_cast %get3A_222 : vector<1x16xf32> to vector<16xf32>
    %get3A_224 = arith.constant 0 : i32
    %get3A_225 = arith.index_cast %get3A_224 : i32 to index
    %get3A_226 = arith.constant 80 : index
    %get3A_227 = tpu.vector_load %arg17[%get3A_225, %get3A_226] {strides = array<i32>} : memref<4x128xf32, #tpu.memory_space<vmem>>, vector<1x16xf32>,
    %get3A_228 = vector.shape_cast %get3A_227 : vector<1x16xf32> to vector<16xf32>
    %mul3A_229 = arith.mulf %get3A_223, %get3A_167 : vector<16xf32>
    %mul3A_230 = arith.mulf %get3A_228, %get3A_179 : vector<16xf32>
    %sub3A_231 = arith.subf %mul3A_229, %mul3A_230 : vector<16xf32>
    %mul3A_232 = arith.constant 0.0883883461 : f32
    %mul3A_233 = vector.broadcast %mul3A_232 : f32 to vector<16xf32>
    %mul3A_234 = arith.mulf %sub3A_231, %mul3A_233 : vector<16xf32>
    %swap3A_235 = arith.constant 0 : i32
    %swap3A_236 = arith.index_cast %swap3A_235 : i32 to index
    %swap3A_237 = arith.constant 16 : index
    %swap3A_238 = tpu.vector_load %arg18[%swap3A_236, %swap3A_237] {strides = array<i32>} : memref<4x128xf32, #tpu.memory_space<vmem>>, vector<1x16xf32>,
    %swap3A_239 = vector.shape_cast %swap3A_238 : vector<1x16xf32> to vector<16xf32>
    %swap3A_240 = vector.shape_cast %mul3A_234 : vector<16xf32> to vector<1x16xf32>
    tpu.vector_store %arg18[%swap3A_236, %swap3A_237], %swap3A_240 {strides = array<i32>} : memref<4x128xf32, #tpu.memory_space<vmem>>, vector<1x16xf32>,
    %mul3A_241 = arith.mulf %get3A_228, %get3A_167 : vector<16xf32>
    %mul3A_242 = arith.mulf %get3A_223, %get3A_179 : vector<16xf32>
    %add3A_243 = arith.addf %mul3A_241, %mul3A_242 : vector<16xf32>
    %mul3A_244 = arith.constant 0.0883883461 : f32
    %mul3A_245 = vector.broadcast %mul3A_244 : f32 to vector<16xf32>
    %mul3A_246 = arith.mulf %add3A_243, %mul3A_245 : vector<16xf32>
    %swap3A_247 = arith.constant 0 : i32
    %swap3A_248 = arith.index_cast %swap3A_247 : i32 to index
    %swap3A_249 = arith.constant 80 : index
    %swap3A_250 = tpu.vector_load %arg18[%swap3A_248, %swap3A_249] {strides = array<i32>} : memref<4x128xf32, #tpu.memory_space<vmem>>, vector<1x16xf32>,
    %swap3A_251 = vector.shape_cast %swap3A_250 : vector<1x16xf32> to vector<16xf32>
    %swap3A_252 = vector.shape_cast %mul3A_246 : vector<16xf32> to vector<1x16xf32>
    tpu.vector_store %arg18[%swap3A_248, %swap3A_249], %swap3A_252 {strides = array<i32>} : memref<4x128xf32, #tpu.memory_space<vmem>>, vector<1x16xf32>,
    %get3A_253 = arith.constant 0 : i32
    %get3A_254 = arith.index_cast %get3A_253 : i32 to index
    %get3A_255 = arith.constant 32 : index
    %get3A_256 = tpu.vector_load %arg17[%get3A_254, %get3A_255] {strides = array<i32>} : memref<4x128xf32, #tpu.memory_space<vmem>>, vector<1x16xf32>,
    %get3A_257 = vector.shape_cast %get3A_256 : vector<1x16xf32> to vector<16xf32>
    %get3A_258 = arith.constant 0 : i32
    %get3A_259 = arith.index_cast %get3A_258 : i32 to index
    %get3A_260 = arith.constant 96 : index
    %get3A_261 = tpu.vector_load %arg17[%get3A_259, %get3A_260] {strides = array<i32>} : memref<4x128xf32, #tpu.memory_space<vmem>>, vector<1x16xf32>,
    %get3A_262 = vector.shape_cast %get3A_261 : vector<1x16xf32> to vector<16xf32>
    %mul3A_263 = arith.mulf %get3A_257, %get3A_170 : vector<16xf32>
    %mul3A_264 = arith.mulf %get3A_262, %get3A_182 : vector<16xf32>
    %sub3A_265 = arith.subf %mul3A_263, %mul3A_264 : vector<16xf32>
    %mul3A_266 = arith.constant 0.0883883461 : f32
    %mul3A_267 = vector.broadcast %mul3A_266 : f32 to vector<16xf32>
    %mul3A_268 = arith.mulf %sub3A_265, %mul3A_267 : vector<16xf32>
    %swap3A_269 = arith.constant 0 : i32
    %swap3A_270 = arith.index_cast %swap3A_269 : i32 to index
    %swap3A_271 = arith.constant 32 : index
    %swap3A_272 = tpu.vector_load %arg18[%swap3A_270, %swap3A_271] {strides = array<i32>} : memref<4x128xf32, #tpu.memory_space<vmem>>, vector<1x16xf32>,
    %swap3A_273 = vector.shape_cast %swap3A_272 : vector<1x16xf32> to vector<16xf32>
    %swap3A_274 = vector.shape_cast %mul3A_268 : vector<16xf32> to vector<1x16xf32>
    tpu.vector_store %arg18[%swap3A_270, %swap3A_271], %swap3A_274 {strides = array<i32>} : memref<4x128xf32, #tpu.memory_space<vmem>>, vector<1x16xf32>,
    %mul3A_275 = arith.mulf %get3A_262, %get3A_170 : vector<16xf32>
    %mul3A_276 = arith.mulf %get3A_257, %get3A_182 : vector<16xf32>
    %add3A_277 = arith.addf %mul3A_275, %mul3A_276 : vector<16xf32>
    %mul3A_278 = arith.constant 0.0883883461 : f32
    %mul3A_279 = vector.broadcast %mul3A_278 : f32 to vector<16xf32>
    %mul3A_280 = arith.mulf %add3A_277, %mul3A_279 : vector<16xf32>
    %swap3A_281 = arith.constant 0 : i32
    %swap3A_282 = arith.index_cast %swap3A_281 : i32 to index
    %swap3A_283 = arith.constant 96 : index
    %swap3A_284 = tpu.vector_load %arg18[%swap3A_282, %swap3A_283] {strides = array<i32>} : memref<4x128xf32, #tpu.memory_space<vmem>>, vector<1x16xf32>,
    %swap3A_285 = vector.shape_cast %swap3A_284 : vector<1x16xf32> to vector<16xf32>
    %swap3A_286 = vector.shape_cast %mul3A_280 : vector<16xf32> to vector<1x16xf32>
    tpu.vector_store %arg18[%swap3A_282, %swap3A_283], %swap3A_286 {strides = array<i32>} : memref<4x128xf32, #tpu.memory_space<vmem>>, vector<1x16xf32>,
    %get3A_287 = arith.constant 0 : i32
    %get3A_288 = arith.index_cast %get3A_287 : i32 to index
    %get3A_289 = arith.constant 48 : index
    %get3A_290 = tpu.vector_load %arg17[%get3A_288, %get3A_289] {strides = array<i32>} : memref<4x128xf32, #tpu.memory_space<vmem>>, vector<1x16xf32>,
    %get3A_291 = vector.shape_cast %get3A_290 : vector<1x16xf32> to vector<16xf32>
    %get3A_292 = arith.constant 0 : i32
    %get3A_293 = arith.index_cast %get3A_292 : i32 to index
    %get3A_294 = arith.constant 112 : index
    %get3A_295 = tpu.vector_load %arg17[%get3A_293, %get3A_294] {strides = array<i32>} : memref<4x128xf32, #tpu.memory_space<vmem>>, vector<1x16xf32>,
    %get3A_296 = vector.shape_cast %get3A_295 : vector<1x16xf32> to vector<16xf32>
    %mul3A_297 = arith.mulf %get3A_291, %get3A_173 : vector<16xf32>
    %mul3A_298 = arith.mulf %get3A_296, %get3A_185 : vector<16xf32>
    %sub3A_299 = arith.subf %mul3A_297, %mul3A_298 : vector<16xf32>
    %mul3A_300 = arith.constant 0.0883883461 : f32
    %mul3A_301 = vector.broadcast %mul3A_300 : f32 to vector<16xf32>
    %mul3A_302 = arith.mulf %sub3A_299, %mul3A_301 : vector<16xf32>
    %swap3A_303 = arith.constant 0 : i32
    %swap3A_304 = arith.index_cast %swap3A_303 : i32 to index
    %swap3A_305 = arith.constant 48 : index
    %swap3A_306 = tpu.vector_load %arg18[%swap3A_304, %swap3A_305] {strides = array<i32>} : memref<4x128xf32, #tpu.memory_space<vmem>>, vector<1x16xf32>,
    %swap3A_307 = vector.shape_cast %swap3A_306 : vector<1x16xf32> to vector<16xf32>
    %swap3A_308 = vector.shape_cast %mul3A_302 : vector<16xf32> to vector<1x16xf32>
    tpu.vector_store %arg18[%swap3A_304, %swap3A_305], %swap3A_308 {strides = array<i32>} : memref<4x128xf32, #tpu.memory_space<vmem>>, vector<1x16xf32>,
    %mul3A_309 = arith.mulf %get3A_296, %get3A_173 : vector<16xf32>
    %mul3A_310 = arith.mulf %get3A_291, %get3A_185 : vector<16xf32>
    %add3A_311 = arith.addf %mul3A_309, %mul3A_310 : vector<16xf32>
    %mul3A_312 = arith.constant 0.0883883461 : f32
    %mul3A_313 = vector.broadcast %mul3A_312 : f32 to vector<16xf32>
    %mul3A_314 = arith.mulf %add3A_311, %mul3A_313 : vector<16xf32>
    %swap3A_315 = arith.constant 0 : i32
    %swap3A_316 = arith.index_cast %swap3A_315 : i32 to index
    %swap3A_317 = arith.constant 112 : index
    %swap3A_318 = tpu.vector_load %arg18[%swap3A_316, %swap3A_317] {strides = array<i32>} : memref<4x128xf32, #tpu.memory_space<vmem>>, vector<1x16xf32>,
    %swap3A_319 = vector.shape_cast %swap3A_318 : vector<1x16xf32> to vector<16xf32>
    %swap3A_320 = vector.shape_cast %mul3A_314 : vector<16xf32> to vector<1x16xf32>
    tpu.vector_store %arg18[%swap3A_316, %swap3A_317], %swap3A_320 {strides = array<i32>} : memref<4x128xf32, #tpu.memory_space<vmem>>, vector<1x16xf32>,
    %get3A_321 = arith.constant 1 : i32
    %get3A_322 = arith.index_cast %get3A_321 : i32 to index
    %get3A_323 = arith.constant 0 : index
    %get3A_324 = tpu.vector_load %arg17[%get3A_322, %get3A_323] {strides = array<i32>} : memref<4x128xf32, #tpu.memory_space<vmem>>, vector<1x16xf32>,
    %get3A_325 = vector.shape_cast %get3A_324 : vector<1x16xf32> to vector<16xf32>
    %get3A_326 = arith.constant 1 : i32
    %get3A_327 = arith.index_cast %get3A_326 : i32 to index
    %get3A_328 = arith.constant 64 : index
    %get3A_329 = tpu.vector_load %arg17[%get3A_327, %get3A_328] {strides = array<i32>} : memref<4x128xf32, #tpu.memory_space<vmem>>, vector<1x16xf32>,
    %get3A_330 = vector.shape_cast %get3A_329 : vector<1x16xf32> to vector<16xf32>
    %mul3A_331 = arith.mulf %get3A_325, %get3A_164 : vector<16xf32>
    %mul3A_332 = arith.mulf %get3A_330, %get3A_176 : vector<16xf32>
    %sub3A_333 = arith.subf %mul3A_331, %mul3A_332 : vector<16xf32>
    %mul3A_334 = arith.constant 0.0883883461 : f32
    %mul3A_335 = vector.broadcast %mul3A_334 : f32 to vector<16xf32>
    %mul3A_336 = arith.mulf %sub3A_333, %mul3A_335 : vector<16xf32>
    %swap3A_337 = arith.constant 1 : i32
    %swap3A_338 = arith.index_cast %swap3A_337 : i32 to index
    %swap3A_339 = arith.constant 0 : index
    %swap3A_340 = tpu.vector_load %arg18[%swap3A_338, %swap3A_339] {strides = array<i32>} : memref<4x128xf32, #tpu.memory_space<vmem>>, vector<1x16xf32>,
    %swap3A_341 = vector.shape_cast %swap3A_340 : vector<1x16xf32> to vector<16xf32>
    %swap3A_342 = vector.shape_cast %mul3A_336 : vector<16xf32> to vector<1x16xf32>
    tpu.vector_store %arg18[%swap3A_338, %swap3A_339], %swap3A_342 {strides = array<i32>} : memref<4x128xf32, #tpu.memory_space<vmem>>, vector<1x16xf32>,
    %mul3A_343 = arith.mulf %get3A_330, %get3A_164 : vector<16xf32>
    %mul3A_344 = arith.mulf %get3A_325, %get3A_176 : vector<16xf32>
    %add3A_345 = arith.addf %mul3A_343, %mul3A_344 : vector<16xf32>
    %mul3A_346 = arith.constant 0.0883883461 : f32
    %mul3A_347 = vector.broadcast %mul3A_346 : f32 to vector<16xf32>
    %mul3A_348 = arith.mulf %add3A_345, %mul3A_347 : vector<16xf32>
    %swap3A_349 = arith.constant 1 : i32
    %swap3A_350 = arith.index_cast %swap3A_349 : i32 to index
    %swap3A_351 = arith.constant 64 : index
    %swap3A_352 = tpu.vector_load %arg18[%swap3A_350, %swap3A_351] {strides = array<i32>} : memref<4x128xf32, #tpu.memory_space<vmem>>, vector<1x16xf32>,
    %swap3A_353 = vector.shape_cast %swap3A_352 : vector<1x16xf32> to vector<16xf32>
    %swap3A_354 = vector.shape_cast %mul3A_348 : vector<16xf32> to vector<1x16xf32>
    tpu.vector_store %arg18[%swap3A_350, %swap3A_351], %swap3A_354 {strides = array<i32>} : memref<4x128xf32, #tpu.memory_space<vmem>>, vector<1x16xf32>,
    %get3A_355 = arith.constant 1 : i32
    %get3A_356 = arith.index_cast %get3A_355 : i32 to index
    %get3A_357 = arith.constant 16 : index
    %get3A_358 = tpu.vector_load %arg17[%get3A_356, %get3A_357] {strides = array<i32>} : memref<4x128xf32, #tpu.memory_space<vmem>>, vector<1x16xf32>,
    %get3A_359 = vector.shape_cast %get3A_358 : vector<1x16xf32> to vector<16xf32>
    %get3A_360 = arith.constant 1 : i32
    %get3A_361 = arith.index_cast %get3A_360 : i32 to index
    %get3A_362 = arith.constant 80 : index
    %get3A_363 = tpu.vector_load %arg17[%get3A_361, %get3A_362] {strides = array<i32>} : memref<4x128xf32, #tpu.memory_space<vmem>>, vector<1x16xf32>,
    %get3A_364 = vector.shape_cast %get3A_363 : vector<1x16xf32> to vector<16xf32>
    %mul3A_365 = arith.mulf %get3A_359, %get3A_167 : vector<16xf32>
    %mul3A_366 = arith.mulf %get3A_364, %get3A_179 : vector<16xf32>
    %sub3A_367 = arith.subf %mul3A_365, %mul3A_366 : vector<16xf32>
    %mul3A_368 = arith.constant 0.0883883461 : f32
    %mul3A_369 = vector.broadcast %mul3A_368 : f32 to vector<16xf32>
    %mul3A_370 = arith.mulf %sub3A_367, %mul3A_369 : vector<16xf32>
    %swap3A_371 = arith.constant 1 : i32
    %swap3A_372 = arith.index_cast %swap3A_371 : i32 to index
    %swap3A_373 = arith.constant 16 : index
    %swap3A_374 = tpu.vector_load %arg18[%swap3A_372, %swap3A_373] {strides = array<i32>} : memref<4x128xf32, #tpu.memory_space<vmem>>, vector<1x16xf32>,
    %swap3A_375 = vector.shape_cast %swap3A_374 : vector<1x16xf32> to vector<16xf32>
    %swap3A_376 = vector.shape_cast %mul3A_370 : vector<16xf32> to vector<1x16xf32>
    tpu.vector_store %arg18[%swap3A_372, %swap3A_373], %swap3A_376 {strides = array<i32>} : memref<4x128xf32, #tpu.memory_space<vmem>>, vector<1x16xf32>,
    %mul3A_377 = arith.mulf %get3A_364, %get3A_167 : vector<16xf32>
    %mul3A_378 = arith.mulf %get3A_359, %get3A_179 : vector<16xf32>
    %add3A_379 = arith.addf %mul3A_377, %mul3A_378 : vector<16xf32>
    %mul3A_380 = arith.constant 0.0883883461 : f32
    %mul3A_381 = vector.broadcast %mul3A_380 : f32 to vector<16xf32>
    %mul3A_382 = arith.mulf %add3A_379, %mul3A_381 : vector<16xf32>
    %swap3A_383 = arith.constant 1 : i32
    %swap3A_384 = arith.index_cast %swap3A_383 : i32 to index
    %swap3A_385 = arith.constant 80 : index
    %swap3A_386 = tpu.vector_load %arg18[%swap3A_384, %swap3A_385] {strides = array<i32>} : memref<4x128xf32, #tpu.memory_space<vmem>>, vector<1x16xf32>,
    %swap3A_387 = vector.shape_cast %swap3A_386 : vector<1x16xf32> to vector<16xf32>
    %swap3A_388 = vector.shape_cast %mul3A_382 : vector<16xf32> to vector<1x16xf32>
    tpu.vector_store %arg18[%swap3A_384, %swap3A_385], %swap3A_388 {strides = array<i32>} : memref<4x128xf32, #tpu.memory_space<vmem>>, vector<1x16xf32>,
    %get3A_389 = arith.constant 1 : i32
    %get3A_390 = arith.index_cast %get3A_389 : i32 to index
    %get3A_391 = arith.constant 32 : index
    %get3A_392 = tpu.vector_load %arg17[%get3A_390, %get3A_391] {strides = array<i32>} : memref<4x128xf32, #tpu.memory_space<vmem>>, vector<1x16xf32>,
    %get3A_393 = vector.shape_cast %get3A_392 : vector<1x16xf32> to vector<16xf32>
    %get3A_394 = arith.constant 1 : i32
    %get3A_395 = arith.index_cast %get3A_394 : i32 to index
    %get3A_396 = arith.constant 96 : index
    %get3A_397 = tpu.vector_load %arg17[%get3A_395, %get3A_396] {strides = array<i32>} : memref<4x128xf32, #tpu.memory_space<vmem>>, vector<1x16xf32>,
    %get3A_398 = vector.shape_cast %get3A_397 : vector<1x16xf32> to vector<16xf32>
    %mul3A_399 = arith.mulf %get3A_393, %get3A_170 : vector<16xf32>
    %mul3A_400 = arith.mulf %get3A_398, %get3A_182 : vector<16xf32>
    %sub3A_401 = arith.subf %mul3A_399, %mul3A_400 : vector<16xf32>
    %mul3A_402 = arith.constant 0.0883883461 : f32
    %mul3A_403 = vector.broadcast %mul3A_402 : f32 to vector<16xf32>
    %mul3A_404 = arith.mulf %sub3A_401, %mul3A_403 : vector<16xf32>
    %swap3A_405 = arith.constant 1 : i32
    %swap3A_406 = arith.index_cast %swap3A_405 : i32 to index
    %swap3A_407 = arith.constant 32 : index
    %swap3A_408 = tpu.vector_load %arg18[%swap3A_406, %swap3A_407] {strides = array<i32>} : memref<4x128xf32, #tpu.memory_space<vmem>>, vector<1x16xf32>,
    %swap3A_409 = vector.shape_cast %swap3A_408 : vector<1x16xf32> to vector<16xf32>
    %swap3A_410 = vector.shape_cast %mul3A_404 : vector<16xf32> to vector<1x16xf32>
    tpu.vector_store %arg18[%swap3A_406, %swap3A_407], %swap3A_410 {strides = array<i32>} : memref<4x128xf32, #tpu.memory_space<vmem>>, vector<1x16xf32>,
    %mul3A_411 = arith.mulf %get3A_398, %get3A_170 : vector<16xf32>
    %mul3A_412 = arith.mulf %get3A_393, %get3A_182 : vector<16xf32>
    %add3A_413 = arith.addf %mul3A_411, %mul3A_412 : vector<16xf32>
    %mul3A_414 = arith.constant 0.0883883461 : f32
    %mul3A_415 = vector.broadcast %mul3A_414 : f32 to vector<16xf32>
    %mul3A_416 = arith.mulf %add3A_413, %mul3A_415 : vector<16xf32>
    %swap3A_417 = arith.constant 1 : i32
    %swap3A_418 = arith.index_cast %swap3A_417 : i32 to index
    %swap3A_419 = arith.constant 96 : index
    %swap3A_420 = tpu.vector_load %arg18[%swap3A_418, %swap3A_419] {strides = array<i32>} : memref<4x128xf32, #tpu.memory_space<vmem>>, vector<1x16xf32>,
    %swap3A_421 = vector.shape_cast %swap3A_420 : vector<1x16xf32> to vector<16xf32>
    %swap3A_422 = vector.shape_cast %mul3A_416 : vector<16xf32> to vector<1x16xf32>
    tpu.vector_store %arg18[%swap3A_418, %swap3A_419], %swap3A_422 {strides = array<i32>} : memref<4x128xf32, #tpu.memory_space<vmem>>, vector<1x16xf32>,
    %get3A_423 = arith.constant 1 : i32
    %get3A_424 = arith.index_cast %get3A_423 : i32 to index
    %get3A_425 = arith.constant 48 : index
    %get3A_426 = tpu.vector_load %arg17[%get3A_424, %get3A_425] {strides = array<i32>} : memref<4x128xf32, #tpu.memory_space<vmem>>, vector<1x16xf32>,
    %get3A_427 = vector.shape_cast %get3A_426 : vector<1x16xf32> to vector<16xf32>
    %get3A_428 = arith.constant 1 : i32
    %get3A_429 = arith.index_cast %get3A_428 : i32 to index
    %get3A_430 = arith.constant 112 : index
    %get3A_431 = tpu.vector_load %arg17[%get3A_429, %get3A_430] {strides = array<i32>} : memref<4x128xf32, #tpu.memory_space<vmem>>, vector<1x16xf32>,
    %get3A_432 = vector.shape_cast %get3A_431 : vector<1x16xf32> to vector<16xf32>
    %mul3A_433 = arith.mulf %get3A_427, %get3A_173 : vector<16xf32>
    %mul3A_434 = arith.mulf %get3A_432, %get3A_185 : vector<16xf32>
    %sub3A_435 = arith.subf %mul3A_433, %mul3A_434 : vector<16xf32>
    %mul3A_436 = arith.constant 0.0883883461 : f32
    %mul3A_437 = vector.broadcast %mul3A_436 : f32 to vector<16xf32>
    %mul3A_438 = arith.mulf %sub3A_435, %mul3A_437 : vector<16xf32>
    %swap3A_439 = arith.constant 1 : i32
    %swap3A_440 = arith.index_cast %swap3A_439 : i32 to index
    %swap3A_441 = arith.constant 48 : index
    %swap3A_442 = tpu.vector_load %arg18[%swap3A_440, %swap3A_441] {strides = array<i32>} : memref<4x128xf32, #tpu.memory_space<vmem>>, vector<1x16xf32>,
    %swap3A_443 = vector.shape_cast %swap3A_442 : vector<1x16xf32> to vector<16xf32>
    %swap3A_444 = vector.shape_cast %mul3A_438 : vector<16xf32> to vector<1x16xf32>
    tpu.vector_store %arg18[%swap3A_440, %swap3A_441], %swap3A_444 {strides = array<i32>} : memref<4x128xf32, #tpu.memory_space<vmem>>, vector<1x16xf32>,
    %mul3A_445 = arith.mulf %get3A_432, %get3A_173 : vector<16xf32>
    %mul3A_446 = arith.mulf %get3A_427, %get3A_185 : vector<16xf32>
    %add3A_447 = arith.addf %mul3A_445, %mul3A_446 : vector<16xf32>
    %mul3A_448 = arith.constant 0.0883883461 : f32
    %mul3A_449 = vector.broadcast %mul3A_448 : f32 to vector<16xf32>
    %mul3A_450 = arith.mulf %add3A_447, %mul3A_449 : vector<16xf32>
    %swap3A_451 = arith.constant 1 : i32
    %swap3A_452 = arith.index_cast %swap3A_451 : i32 to index
    %swap3A_453 = arith.constant 112 : index
    %swap3A_454 = tpu.vector_load %arg18[%swap3A_452, %swap3A_453] {strides = array<i32>} : memref<4x128xf32, #tpu.memory_space<vmem>>, vector<1x16xf32>,
    %swap3A_455 = vector.shape_cast %swap3A_454 : vector<1x16xf32> to vector<16xf32>
    %swap3A_456 = vector.shape_cast %mul3A_450 : vector<16xf32> to vector<1x16xf32>
    tpu.vector_store %arg18[%swap3A_452, %swap3A_453], %swap3A_456 {strides = array<i32>} : memref<4x128xf32, #tpu.memory_space<vmem>>, vector<1x16xf32>,
    %get3A_457 = arith.constant 2 : i32
    %get3A_458 = arith.index_cast %get3A_457 : i32 to index
    %get3A_459 = arith.constant 0 : index
    %get3A_460 = tpu.vector_load %arg17[%get3A_458, %get3A_459] {strides = array<i32>} : memref<4x128xf32, #tpu.memory_space<vmem>>, vector<1x16xf32>,
    %get3A_461 = vector.shape_cast %get3A_460 : vector<1x16xf32> to vector<16xf32>
    %get3A_462 = arith.constant 2 : i32
    %get3A_463 = arith.index_cast %get3A_462 : i32 to index
    %get3A_464 = arith.constant 64 : index
    %get3A_465 = tpu.vector_load %arg17[%get3A_463, %get3A_464] {strides = array<i32>} : memref<4x128xf32, #tpu.memory_space<vmem>>, vector<1x16xf32>,
    %get3A_466 = vector.shape_cast %get3A_465 : vector<1x16xf32> to vector<16xf32>
    %mul3A_467 = arith.mulf %get3A_461, %get3A_164 : vector<16xf32>
    %mul3A_468 = arith.mulf %get3A_466, %get3A_176 : vector<16xf32>
    %sub3A_469 = arith.subf %mul3A_467, %mul3A_468 : vector<16xf32>
    %mul3A_470 = arith.constant 0.0883883461 : f32
    %mul3A_471 = vector.broadcast %mul3A_470 : f32 to vector<16xf32>
    %mul3A_472 = arith.mulf %sub3A_469, %mul3A_471 : vector<16xf32>
    %swap3A_473 = arith.constant 2 : i32
    %swap3A_474 = arith.index_cast %swap3A_473 : i32 to index
    %swap3A_475 = arith.constant 0 : index
    %swap3A_476 = tpu.vector_load %arg18[%swap3A_474, %swap3A_475] {strides = array<i32>} : memref<4x128xf32, #tpu.memory_space<vmem>>, vector<1x16xf32>,
    %swap3A_477 = vector.shape_cast %swap3A_476 : vector<1x16xf32> to vector<16xf32>
    %swap3A_478 = vector.shape_cast %mul3A_472 : vector<16xf32> to vector<1x16xf32>
    tpu.vector_store %arg18[%swap3A_474, %swap3A_475], %swap3A_478 {strides = array<i32>} : memref<4x128xf32, #tpu.memory_space<vmem>>, vector<1x16xf32>,
    %mul3A_479 = arith.mulf %get3A_466, %get3A_164 : vector<16xf32>
    %mul3A_480 = arith.mulf %get3A_461, %get3A_176 : vector<16xf32>
    %add3A_481 = arith.addf %mul3A_479, %mul3A_480 : vector<16xf32>
    %mul3A_482 = arith.constant 0.0883883461 : f32
    %mul3A_483 = vector.broadcast %mul3A_482 : f32 to vector<16xf32>
    %mul3A_484 = arith.mulf %add3A_481, %mul3A_483 : vector<16xf32>
    %swap3A_485 = arith.constant 2 : i32
    %swap3A_486 = arith.index_cast %swap3A_485 : i32 to index
    %swap3A_487 = arith.constant 64 : index
    %swap3A_488 = tpu.vector_load %arg18[%swap3A_486, %swap3A_487] {strides = array<i32>} : memref<4x128xf32, #tpu.memory_space<vmem>>, vector<1x16xf32>,
    %swap3A_489 = vector.shape_cast %swap3A_488 : vector<1x16xf32> to vector<16xf32>
    %swap3A_490 = vector.shape_cast %mul3A_484 : vector<16xf32> to vector<1x16xf32>
    tpu.vector_store %arg18[%swap3A_486, %swap3A_487], %swap3A_490 {strides = array<i32>} : memref<4x128xf32, #tpu.memory_space<vmem>>, vector<1x16xf32>,
    %get3A_491 = arith.constant 2 : i32
    %get3A_492 = arith.index_cast %get3A_491 : i32 to index
    %get3A_493 = arith.constant 16 : index
    %get3A_494 = tpu.vector_load %arg17[%get3A_492, %get3A_493] {strides = array<i32>} : memref<4x128xf32, #tpu.memory_space<vmem>>, vector<1x16xf32>,
    %get3A_495 = vector.shape_cast %get3A_494 : vector<1x16xf32> to vector<16xf32>
    %get3A_496 = arith.constant 2 : i32
    %get3A_497 = arith.index_cast %get3A_496 : i32 to index
    %get3A_498 = arith.constant 80 : index
    %get3A_499 = tpu.vector_load %arg17[%get3A_497, %get3A_498] {strides = array<i32>} : memref<4x128xf32, #tpu.memory_space<vmem>>, vector<1x16xf32>,
    %get3A_500 = vector.shape_cast %get3A_499 : vector<1x16xf32> to vector<16xf32>
    %mul3A_501 = arith.mulf %get3A_495, %get3A_167 : vector<16xf32>
    %mul3A_502 = arith.mulf %get3A_500, %get3A_179 : vector<16xf32>
    %sub3A_503 = arith.subf %mul3A_501, %mul3A_502 : vector<16xf32>
    %mul3A_504 = arith.constant 0.0883883461 : f32
    %mul3A_505 = vector.broadcast %mul3A_504 : f32 to vector<16xf32>
    %mul3A_506 = arith.mulf %sub3A_503, %mul3A_505 : vector<16xf32>
    %swap3A_507 = arith.constant 2 : i32
    %swap3A_508 = arith.index_cast %swap3A_507 : i32 to index
    %swap3A_509 = arith.constant 16 : index
    %swap3A_510 = tpu.vector_load %arg18[%swap3A_508, %swap3A_509] {strides = array<i32>} : memref<4x128xf32, #tpu.memory_space<vmem>>, vector<1x16xf32>,
    %swap3A_511 = vector.shape_cast %swap3A_510 : vector<1x16xf32> to vector<16xf32>
    %swap3A_512 = vector.shape_cast %mul3A_506 : vector<16xf32> to vector<1x16xf32>
    tpu.vector_store %arg18[%swap3A_508, %swap3A_509], %swap3A_512 {strides = array<i32>} : memref<4x128xf32, #tpu.memory_space<vmem>>, vector<1x16xf32>,
    %mul3A_513 = arith.mulf %get3A_500, %get3A_167 : vector<16xf32>
    %mul3A_514 = arith.mulf %get3A_495, %get3A_179 : vector<16xf32>
    %add3A_515 = arith.addf %mul3A_513, %mul3A_514 : vector<16xf32>
    %mul3A_516 = arith.constant 0.0883883461 : f32
    %mul3A_517 = vector.broadcast %mul3A_516 : f32 to vector<16xf32>
    %mul3A_518 = arith.mulf %add3A_515, %mul3A_517 : vector<16xf32>
    %swap3A_519 = arith.constant 2 : i32
    %swap3A_520 = arith.index_cast %swap3A_519 : i32 to index
    %swap3A_521 = arith.constant 80 : index
    %swap3A_522 = tpu.vector_load %arg18[%swap3A_520, %swap3A_521] {strides = array<i32>} : memref<4x128xf32, #tpu.memory_space<vmem>>, vector<1x16xf32>,
    %swap3A_523 = vector.shape_cast %swap3A_522 : vector<1x16xf32> to vector<16xf32>
    %swap3A_524 = vector.shape_cast %mul3A_518 : vector<16xf32> to vector<1x16xf32>
    tpu.vector_store %arg18[%swap3A_520, %swap3A_521], %swap3A_524 {strides = array<i32>} : memref<4x128xf32, #tpu.memory_space<vmem>>, vector<1x16xf32>,
    %get3A_525 = arith.constant 2 : i32
    %get3A_526 = arith.index_cast %get3A_525 : i32 to index
    %get3A_527 = arith.constant 32 : index
    %get3A_528 = tpu.vector_load %arg17[%get3A_526, %get3A_527] {strides = array<i32>} : memref<4x128xf32, #tpu.memory_space<vmem>>, vector<1x16xf32>,
    %get3A_529 = vector.shape_cast %get3A_528 : vector<1x16xf32> to vector<16xf32>
    %get3A_530 = arith.constant 2 : i32
    %get3A_531 = arith.index_cast %get3A_530 : i32 to index
    %get3A_532 = arith.constant 96 : index
    %get3A_533 = tpu.vector_load %arg17[%get3A_531, %get3A_532] {strides = array<i32>} : memref<4x128xf32, #tpu.memory_space<vmem>>, vector<1x16xf32>,
    %get3A_534 = vector.shape_cast %get3A_533 : vector<1x16xf32> to vector<16xf32>
    %mul3A_535 = arith.mulf %get3A_529, %get3A_170 : vector<16xf32>
    %mul3A_536 = arith.mulf %get3A_534, %get3A_182 : vector<16xf32>
    %sub3A_537 = arith.subf %mul3A_535, %mul3A_536 : vector<16xf32>
    %mul3A_538 = arith.constant 0.0883883461 : f32
    %mul3A_539 = vector.broadcast %mul3A_538 : f32 to vector<16xf32>
    %mul3A_540 = arith.mulf %sub3A_537, %mul3A_539 : vector<16xf32>
    %swap3A_541 = arith.constant 2 : i32
    %swap3A_542 = arith.index_cast %swap3A_541 : i32 to index
    %swap3A_543 = arith.constant 32 : index
    %swap3A_544 = tpu.vector_load %arg18[%swap3A_542, %swap3A_543] {strides = array<i32>} : memref<4x128xf32, #tpu.memory_space<vmem>>, vector<1x16xf32>,
    %swap3A_545 = vector.shape_cast %swap3A_544 : vector<1x16xf32> to vector<16xf32>
    %swap3A_546 = vector.shape_cast %mul3A_540 : vector<16xf32> to vector<1x16xf32>
    tpu.vector_store %arg18[%swap3A_542, %swap3A_543], %swap3A_546 {strides = array<i32>} : memref<4x128xf32, #tpu.memory_space<vmem>>, vector<1x16xf32>,
    %mul3A_547 = arith.mulf %get3A_534, %get3A_170 : vector<16xf32>
    %mul3A_548 = arith.mulf %get3A_529, %get3A_182 : vector<16xf32>
    %add3A_549 = arith.addf %mul3A_547, %mul3A_548 : vector<16xf32>
    %mul3A_550 = arith.constant 0.0883883461 : f32
    %mul3A_551 = vector.broadcast %mul3A_550 : f32 to vector<16xf32>
    %mul3A_552 = arith.mulf %add3A_549, %mul3A_551 : vector<16xf32>
    %swap3A_553 = arith.constant 2 : i32
    %swap3A_554 = arith.index_cast %swap3A_553 : i32 to index
    %swap3A_555 = arith.constant 96 : index
    %swap3A_556 = tpu.vector_load %arg18[%swap3A_554, %swap3A_555] {strides = array<i32>} : memref<4x128xf32, #tpu.memory_space<vmem>>, vector<1x16xf32>,
    %swap3A_557 = vector.shape_cast %swap3A_556 : vector<1x16xf32> to vector<16xf32>
    %swap3A_558 = vector.shape_cast %mul3A_552 : vector<16xf32> to vector<1x16xf32>
    tpu.vector_store %arg18[%swap3A_554, %swap3A_555], %swap3A_558 {strides = array<i32>} : memref<4x128xf32, #tpu.memory_space<vmem>>, vector<1x16xf32>,
    %get3A_559 = arith.constant 2 : i32
    %get3A_560 = arith.index_cast %get3A_559 : i32 to index
    %get3A_561 = arith.constant 48 : index
    %get3A_562 = tpu.vector_load %arg17[%get3A_560, %get3A_561] {strides = array<i32>} : memref<4x128xf32, #tpu.memory_space<vmem>>, vector<1x16xf32>,
    %get3A_563 = vector.shape_cast %get3A_562 : vector<1x16xf32> to vector<16xf32>
    %get3A_564 = arith.constant 2 : i32
    %get3A_565 = arith.index_cast %get3A_564 : i32 to index
    %get3A_566 = arith.constant 112 : index
    %get3A_567 = tpu.vector_load %arg17[%get3A_565, %get3A_566] {strides = array<i32>} : memref<4x128xf32, #tpu.memory_space<vmem>>, vector<1x16xf32>,
    %get3A_568 = vector.shape_cast %get3A_567 : vector<1x16xf32> to vector<16xf32>
    %mul3A_569 = arith.mulf %get3A_563, %get3A_173 : vector<16xf32>
    %mul3A_570 = arith.mulf %get3A_568, %get3A_185 : vector<16xf32>
    %sub3A_571 = arith.subf %mul3A_569, %mul3A_570 : vector<16xf32>
    %mul3A_572 = arith.constant 0.0883883461 : f32
    %mul3A_573 = vector.broadcast %mul3A_572 : f32 to vector<16xf32>
    %mul3A_574 = arith.mulf %sub3A_571, %mul3A_573 : vector<16xf32>
    %swap3A_575 = arith.constant 2 : i32
    %swap3A_576 = arith.index_cast %swap3A_575 : i32 to index
    %swap3A_577 = arith.constant 48 : index
    %swap3A_578 = tpu.vector_load %arg18[%swap3A_576, %swap3A_577] {strides = array<i32>} : memref<4x128xf32, #tpu.memory_space<vmem>>, vector<1x16xf32>,
    %swap3A_579 = vector.shape_cast %swap3A_578 : vector<1x16xf32> to vector<16xf32>
    %swap3A_580 = vector.shape_cast %mul3A_574 : vector<16xf32> to vector<1x16xf32>
    tpu.vector_store %arg18[%swap3A_576, %swap3A_577], %swap3A_580 {strides = array<i32>} : memref<4x128xf32, #tpu.memory_space<vmem>>, vector<1x16xf32>,
    %mul3A_581 = arith.mulf %get3A_568, %get3A_173 : vector<16xf32>
    %mul3A_582 = arith.mulf %get3A_563, %get3A_185 : vector<16xf32>
    %add3A_583 = arith.addf %mul3A_581, %mul3A_582 : vector<16xf32>
    %mul3A_584 = arith.constant 0.0883883461 : f32
    %mul3A_585 = vector.broadcast %mul3A_584 : f32 to vector<16xf32>
    %mul3A_586 = arith.mulf %add3A_583, %mul3A_585 : vector<16xf32>
    %swap3A_587 = arith.constant 2 : i32
    %swap3A_588 = arith.index_cast %swap3A_587 : i32 to index
    %swap3A_589 = arith.constant 112 : index
    %swap3A_590 = tpu.vector_load %arg18[%swap3A_588, %swap3A_589] {strides = array<i32>} : memref<4x128xf32, #tpu.memory_space<vmem>>, vector<1x16xf32>,
    %swap3A_591 = vector.shape_cast %swap3A_590 : vector<1x16xf32> to vector<16xf32>
    %swap3A_592 = vector.shape_cast %mul3A_586 : vector<16xf32> to vector<1x16xf32>
    tpu.vector_store %arg18[%swap3A_588, %swap3A_589], %swap3A_592 {strides = array<i32>} : memref<4x128xf32, #tpu.memory_space<vmem>>, vector<1x16xf32>,
    %get3A_593 = arith.constant 3 : i32
    %get3A_594 = arith.index_cast %get3A_593 : i32 to index
    %get3A_595 = arith.constant 0 : index
    %get3A_596 = tpu.vector_load %arg17[%get3A_594, %get3A_595] {strides = array<i32>} : memref<4x128xf32, #tpu.memory_space<vmem>>, vector<1x16xf32>,
    %get3A_597 = vector.shape_cast %get3A_596 : vector<1x16xf32> to vector<16xf32>
    %get3A_598 = arith.constant 3 : i32
    %get3A_599 = arith.index_cast %get3A_598 : i32 to index
    %get3A_600 = arith.constant 64 : index
    %get3A_601 = tpu.vector_load %arg17[%get3A_599, %get3A_600] {strides = array<i32>} : memref<4x128xf32, #tpu.memory_space<vmem>>, vector<1x16xf32>,
    %get3A_602 = vector.shape_cast %get3A_601 : vector<1x16xf32> to vector<16xf32>
    %mul3A_603 = arith.mulf %get3A_597, %get3A_164 : vector<16xf32>
    %mul3A_604 = arith.mulf %get3A_602, %get3A_176 : vector<16xf32>
    %sub3A_605 = arith.subf %mul3A_603, %mul3A_604 : vector<16xf32>
    %mul3A_606 = arith.constant 0.0883883461 : f32
    %mul3A_607 = vector.broadcast %mul3A_606 : f32 to vector<16xf32>
    %mul3A_608 = arith.mulf %sub3A_605, %mul3A_607 : vector<16xf32>
    %swap3A_609 = arith.constant 3 : i32
    %swap3A_610 = arith.index_cast %swap3A_609 : i32 to index
    %swap3A_611 = arith.constant 0 : index
    %swap3A_612 = tpu.vector_load %arg18[%swap3A_610, %swap3A_611] {strides = array<i32>} : memref<4x128xf32, #tpu.memory_space<vmem>>, vector<1x16xf32>,
    %swap3A_613 = vector.shape_cast %swap3A_612 : vector<1x16xf32> to vector<16xf32>
    %swap3A_614 = vector.shape_cast %mul3A_608 : vector<16xf32> to vector<1x16xf32>
    tpu.vector_store %arg18[%swap3A_610, %swap3A_611], %swap3A_614 {strides = array<i32>} : memref<4x128xf32, #tpu.memory_space<vmem>>, vector<1x16xf32>,
    %mul3A_615 = arith.mulf %get3A_602, %get3A_164 : vector<16xf32>
    %mul3A_616 = arith.mulf %get3A_597, %get3A_176 : vector<16xf32>
    %add3A_617 = arith.addf %mul3A_615, %mul3A_616 : vector<16xf32>
    %mul3A_618 = arith.constant 0.0883883461 : f32
    %mul3A_619 = vector.broadcast %mul3A_618 : f32 to vector<16xf32>
    %mul3A_620 = arith.mulf %add3A_617, %mul3A_619 : vector<16xf32>
    %swap3A_621 = arith.constant 3 : i32
    %swap3A_622 = arith.index_cast %swap3A_621 : i32 to index
    %swap3A_623 = arith.constant 64 : index
    %swap3A_624 = tpu.vector_load %arg18[%swap3A_622, %swap3A_623] {strides = array<i32>} : memref<4x128xf32, #tpu.memory_space<vmem>>, vector<1x16xf32>,
    %swap3A_625 = vector.shape_cast %swap3A_624 : vector<1x16xf32> to vector<16xf32>
    %swap3A_626 = vector.shape_cast %mul3A_620 : vector<16xf32> to vector<1x16xf32>
    tpu.vector_store %arg18[%swap3A_622, %swap3A_623], %swap3A_626 {strides = array<i32>} : memref<4x128xf32, #tpu.memory_space<vmem>>, vector<1x16xf32>,
    %get3A_627 = arith.constant 3 : i32
    %get3A_628 = arith.index_cast %get3A_627 : i32 to index
    %get3A_629 = arith.constant 16 : index
    %get3A_630 = tpu.vector_load %arg17[%get3A_628, %get3A_629] {strides = array<i32>} : memref<4x128xf32, #tpu.memory_space<vmem>>, vector<1x16xf32>,
    %get3A_631 = vector.shape_cast %get3A_630 : vector<1x16xf32> to vector<16xf32>
    %get3A_632 = arith.constant 3 : i32
    %get3A_633 = arith.index_cast %get3A_632 : i32 to index
    %get3A_634 = arith.constant 80 : index
    %get3A_635 = tpu.vector_load %arg17[%get3A_633, %get3A_634] {strides = array<i32>} : memref<4x128xf32, #tpu.memory_space<vmem>>, vector<1x16xf32>,
    %get3A_636 = vector.shape_cast %get3A_635 : vector<1x16xf32> to vector<16xf32>
    %mul3A_637 = arith.mulf %get3A_631, %get3A_167 : vector<16xf32>
    %mul3A_638 = arith.mulf %get3A_636, %get3A_179 : vector<16xf32>
    %sub3A_639 = arith.subf %mul3A_637, %mul3A_638 : vector<16xf32>
    %mul3A_640 = arith.constant 0.0883883461 : f32
    %mul3A_641 = vector.broadcast %mul3A_640 : f32 to vector<16xf32>
    %mul3A_642 = arith.mulf %sub3A_639, %mul3A_641 : vector<16xf32>
    %swap3A_643 = arith.constant 3 : i32
    %swap3A_644 = arith.index_cast %swap3A_643 : i32 to index
    %swap3A_645 = arith.constant 16 : index
    %swap3A_646 = tpu.vector_load %arg18[%swap3A_644, %swap3A_645] {strides = array<i32>} : memref<4x128xf32, #tpu.memory_space<vmem>>, vector<1x16xf32>,
    %swap3A_647 = vector.shape_cast %swap3A_646 : vector<1x16xf32> to vector<16xf32>
    %swap3A_648 = vector.shape_cast %mul3A_642 : vector<16xf32> to vector<1x16xf32>
    tpu.vector_store %arg18[%swap3A_644, %swap3A_645], %swap3A_648 {strides = array<i32>} : memref<4x128xf32, #tpu.memory_space<vmem>>, vector<1x16xf32>,
    %mul3A_649 = arith.mulf %get3A_636, %get3A_167 : vector<16xf32>
    %mul3A_650 = arith.mulf %get3A_631, %get3A_179 : vector<16xf32>
    %add3A_651 = arith.addf %mul3A_649, %mul3A_650 : vector<16xf32>
    %mul3A_652 = arith.constant 0.0883883461 : f32
    %mul3A_653 = vector.broadcast %mul3A_652 : f32 to vector<16xf32>
    %mul3A_654 = arith.mulf %add3A_651, %mul3A_653 : vector<16xf32>
    %swap3A_655 = arith.constant 3 : i32
    %swap3A_656 = arith.index_cast %swap3A_655 : i32 to index
    %swap3A_657 = arith.constant 80 : index
    %swap3A_658 = tpu.vector_load %arg18[%swap3A_656, %swap3A_657] {strides = array<i32>} : memref<4x128xf32, #tpu.memory_space<vmem>>, vector<1x16xf32>,
    %swap3A_659 = vector.shape_cast %swap3A_658 : vector<1x16xf32> to vector<16xf32>
    %swap3A_660 = vector.shape_cast %mul3A_654 : vector<16xf32> to vector<1x16xf32>
    tpu.vector_store %arg18[%swap3A_656, %swap3A_657], %swap3A_660 {strides = array<i32>} : memref<4x128xf32, #tpu.memory_space<vmem>>, vector<1x16xf32>,
    %get3A_661 = arith.constant 3 : i32
    %get3A_662 = arith.index_cast %get3A_661 : i32 to index
    %get3A_663 = arith.constant 32 : index
    %get3A_664 = tpu.vector_load %arg17[%get3A_662, %get3A_663] {strides = array<i32>} : memref<4x128xf32, #tpu.memory_space<vmem>>, vector<1x16xf32>,
    %get3A_665 = vector.shape_cast %get3A_664 : vector<1x16xf32> to vector<16xf32>
    %get3A_666 = arith.constant 3 : i32
    %get3A_667 = arith.index_cast %get3A_666 : i32 to index
    %get3A_668 = arith.constant 96 : index
    %get3A_669 = tpu.vector_load %arg17[%get3A_667, %get3A_668] {strides = array<i32>} : memref<4x128xf32, #tpu.memory_space<vmem>>, vector<1x16xf32>,
    %get3A_670 = vector.shape_cast %get3A_669 : vector<1x16xf32> to vector<16xf32>
    %mul3A_671 = arith.mulf %get3A_665, %get3A_170 : vector<16xf32>
    %mul3A_672 = arith.mulf %get3A_670, %get3A_182 : vector<16xf32>
    %sub3A_673 = arith.subf %mul3A_671, %mul3A_672 : vector<16xf32>
    %mul3A_674 = arith.constant 0.0883883461 : f32
    %mul3A_675 = vector.broadcast %mul3A_674 : f32 to vector<16xf32>
    %mul3A_676 = arith.mulf %sub3A_673, %mul3A_675 : vector<16xf32>
    %swap3A_677 = arith.constant 3 : i32
    %swap3A_678 = arith.index_cast %swap3A_677 : i32 to index
    %swap3A_679 = arith.constant 32 : index
    %swap3A_680 = tpu.vector_load %arg18[%swap3A_678, %swap3A_679] {strides = array<i32>} : memref<4x128xf32, #tpu.memory_space<vmem>>, vector<1x16xf32>,
    %swap3A_681 = vector.shape_cast %swap3A_680 : vector<1x16xf32> to vector<16xf32>
    %swap3A_682 = vector.shape_cast %mul3A_676 : vector<16xf32> to vector<1x16xf32>
    tpu.vector_store %arg18[%swap3A_678, %swap3A_679], %swap3A_682 {strides = array<i32>} : memref<4x128xf32, #tpu.memory_space<vmem>>, vector<1x16xf32>,
    %mul3A_683 = arith.mulf %get3A_670, %get3A_170 : vector<16xf32>
    %mul3A_684 = arith.mulf %get3A_665, %get3A_182 : vector<16xf32>
    %add3A_685 = arith.addf %mul3A_683, %mul3A_684 : vector<16xf32>
    %mul3A_686 = arith.constant 0.0883883461 : f32
    %mul3A_687 = vector.broadcast %mul3A_686 : f32 to vector<16xf32>
    %mul3A_688 = arith.mulf %add3A_685, %mul3A_687 : vector<16xf32>
    %swap3A_689 = arith.constant 3 : i32
    %swap3A_690 = arith.index_cast %swap3A_689 : i32 to index
    %swap3A_691 = arith.constant 96 : index
    %swap3A_692 = tpu.vector_load %arg18[%swap3A_690, %swap3A_691] {strides = array<i32>} : memref<4x128xf32, #tpu.memory_space<vmem>>, vector<1x16xf32>,
    %swap3A_693 = vector.shape_cast %swap3A_692 : vector<1x16xf32> to vector<16xf32>
    %swap3A_694 = vector.shape_cast %mul3A_688 : vector<16xf32> to vector<1x16xf32>
    tpu.vector_store %arg18[%swap3A_690, %swap3A_691], %swap3A_694 {strides = array<i32>} : memref<4x128xf32, #tpu.memory_space<vmem>>, vector<1x16xf32>,
    %get3A_695 = arith.constant 3 : i32
    %get3A_696 = arith.index_cast %get3A_695 : i32 to index
    %get3A_697 = arith.constant 48 : index
    %get3A_698 = tpu.vector_load %arg17[%get3A_696, %get3A_697] {strides = array<i32>} : memref<4x128xf32, #tpu.memory_space<vmem>>, vector<1x16xf32>,
    %get3A_699 = vector.shape_cast %get3A_698 : vector<1x16xf32> to vector<16xf32>
    %get3A_700 = arith.constant 3 : i32
    %get3A_701 = arith.index_cast %get3A_700 : i32 to index
    %get3A_702 = arith.constant 112 : index
    %get3A_703 = tpu.vector_load %arg17[%get3A_701, %get3A_702] {strides = array<i32>} : memref<4x128xf32, #tpu.memory_space<vmem>>, vector<1x16xf32>,
    %get3A_704 = vector.shape_cast %get3A_703 : vector<1x16xf32> to vector<16xf32>
    %mul3A_705 = arith.mulf %get3A_699, %get3A_173 : vector<16xf32>
    %mul3A_706 = arith.mulf %get3A_704, %get3A_185 : vector<16xf32>
    %sub3A_707 = arith.subf %mul3A_705, %mul3A_706 : vector<16xf32>
    %mul3A_708 = arith.constant 0.0883883461 : f32
    %mul3A_709 = vector.broadcast %mul3A_708 : f32 to vector<16xf32>
    %mul3A_710 = arith.mulf %sub3A_707, %mul3A_709 : vector<16xf32>
    %swap3A_711 = arith.constant 3 : i32
    %swap3A_712 = arith.index_cast %swap3A_711 : i32 to index
    %swap3A_713 = arith.constant 48 : index
    %swap3A_714 = tpu.vector_load %arg18[%swap3A_712, %swap3A_713] {strides = array<i32>} : memref<4x128xf32, #tpu.memory_space<vmem>>, vector<1x16xf32>,
    %swap3A_715 = vector.shape_cast %swap3A_714 : vector<1x16xf32> to vector<16xf32>
    %swap3A_716 = vector.shape_cast %mul3A_710 : vector<16xf32> to vector<1x16xf32>
    tpu.vector_store %arg18[%swap3A_712, %swap3A_713], %swap3A_716 {strides = array<i32>} : memref<4x128xf32, #tpu.memory_space<vmem>>, vector<1x16xf32>,
    %mul3A_717 = arith.mulf %get3A_704, %get3A_173 : vector<16xf32>
    %mul3A_718 = arith.mulf %get3A_699, %get3A_185 : vector<16xf32>
    %add3A_719 = arith.addf %mul3A_717, %mul3A_718 : vector<16xf32>
    %mul3A_720 = arith.constant 0.0883883461 : f32
    %mul3A_721 = vector.broadcast %mul3A_720 : f32 to vector<16xf32>
    %mul3A_722 = arith.mulf %add3A_719, %mul3A_721 : vector<16xf32>
    %swap3A_723 = arith.constant 3 : i32
    %swap3A_724 = arith.index_cast %swap3A_723 : i32 to index
    %swap3A_725 = arith.constant 112 : index
    %swap3A_726 = tpu.vector_load %arg18[%swap3A_724, %swap3A_725] {strides = array<i32>} : memref<4x128xf32, #tpu.memory_space<vmem>>, vector<1x16xf32>,
    %swap3A_727 = vector.shape_cast %swap3A_726 : vector<1x16xf32> to vector<16xf32>
    %swap3A_728 = vector.shape_cast %mul3A_722 : vector<16xf32> to vector<1x16xf32>
    tpu.vector_store %arg18[%swap3A_724, %swap3A_725], %swap3A_728 {strides = array<i32>} : memref<4x128xf32, #tpu.memory_space<vmem>>, vector<1x16xf32>,
    %broadcast_in_dim3A = arith.constant 0.000000e+00 : f32
    %broadcast_in_dim3A_729 = vector.broadcast %broadcast_in_dim3A : f32 to vector<16xf32>
    %scan3A = arith.constant 0 : i32
    %scan3A_730 = arith.constant 4 : i32
    %scan3A_731 = arith.addi %scan3A, %scan3A_730 : i32
    %scan3A_732 = arith.constant 1 : i32
    %scan3A_733:36 = scf.for %scan3A_1547 = %scan3A to %scan3A_731 step %scan3A_732 iter_args(%scan3A_1548 = %broadcast_in_dim3A_729, %scan3A_1549 = %broadcast_in_dim3A_729, %scan3A_1550 = %broadcast_in_dim3A_729, %scan3A_1551 = %broadcast_in_dim3A_729, %scan3A_1552 = %broadcast_in_dim3A_729, %scan3A_1553 = %broadcast_in_dim3A_729, %scan3A_1554 = %broadcast_in_dim3A_729, %scan3A_1555 = %broadcast_in_dim3A_729, %scan3A_1556 = %broadcast_in_dim3A_729, %scan3A_1557 = %broadcast_in_dim3A_729, %scan3A_1558 = %broadcast_in_dim3A_729, %scan3A_1559 = %broadcast_in_dim3A_729, %scan3A_1560 = %broadcast_in_dim3A_729, %scan3A_1561 = %broadcast_in_dim3A_729, %scan3A_1562 = %broadcast_in_dim3A_729, %scan3A_1563 = %broadcast_in_dim3A_729, %scan3A_1564 = %broadcast_in_dim3A_729, %scan3A_1565 = %broadcast_in_dim3A_729, %scan3A_1566 = %broadcast_in_dim3A_729, %scan3A_1567 = %broadcast_in_dim3A_729, %scan3A_1568 = %broadcast_in_dim3A_729, %scan3A_1569 = %broadcast_in_dim3A_729, %scan3A_1570 = %broadcast_in_dim3A_729, %scan3A_1571 = %broadcast_in_dim3A_729, %scan3A_1572 = %broadcast_in_dim3A_729, %scan3A_1573 = %broadcast_in_dim3A_729, %scan3A_1574 = %broadcast_in_dim3A_729, %scan3A_1575 = %broadcast_in_dim3A_729, %scan3A_1576 = %broadcast_in_dim3A_729, %scan3A_1577 = %broadcast_in_dim3A_729, %scan3A_1578 = %broadcast_in_dim3A_729, %scan3A_1579 = %broadcast_in_dim3A_729, %scan3A_1580 = %broadcast_in_dim3A_729, %scan3A_1581 = %broadcast_in_dim3A_729, %scan3A_1582 = %broadcast_in_dim3A_729, %scan3A_1583 = %broadcast_in_dim3A_729) -> (vector<16xf32>, vector<16xf32>, vector<16xf32>, vector<16xf32>, vector<16xf32>, vector<16xf32>, vector<16xf32>, vector<16xf32>, vector<16xf32>, vector<16xf32>, vector<16xf32>, vector<16xf32>, vector<16xf32>, vector<16xf32>, vector<16xf32>, vector<16xf32>, vector<16xf32>, vector<16xf32>, vector<16xf32>, vector<16xf32>, vector<16xf32>, vector<16xf32>, vector<16xf32>, vector<16xf32>, vector<16xf32>, vector<16xf32>, vector<16xf32>, vector<16xf32>, vector<16xf32>, vector<16xf32>, vector<16xf32>, vector<16xf32>, vector<16xf32>, vector<16xf32>, vector<16xf32>, vector<16xf32>)  : i32 {
      %dma_wait3A_1584 = arith.constant 0 : i32
      %dma_wait3A_1585 = arith.constant 0 : i32
      %dma_wait3A_1586 = tpu.memref_slice %arg7[%add3A_18, %dma_wait3A_1584, %select_n3A_56, %dma_wait3A_1585] : memref<64x2048x4x128xf32, #tpu.memory_space<hbm>> -> memref<1x128x1x128xf32, #tpu.memory_space<hbm>>
      %dma_wait3A_1587 = tpu.memref_squeeze %dma_wait3A_1586 : memref<1x128x1x128xf32, #tpu.memory_space<hbm>> -> memref<128x128xf32, #tpu.memory_space<hbm>>
      %dma_wait3A_1588 = arith.constant 0 : i32
      %dma_wait3A_1589 = arith.constant 0 : i32
      %dma_wait3A_1590 = tpu.memref_slice %arg7[%add3A_18, %dma_wait3A_1588, %select_n3A_56, %dma_wait3A_1589] : memref<64x2048x4x128xf32, #tpu.memory_space<hbm>> -> memref<1x128x1x128xf32, #tpu.memory_space<hbm>>
      %dma_wait3A_1591 = tpu.memref_squeeze %dma_wait3A_1590 : memref<1x128x1x128xf32, #tpu.memory_space<hbm>> -> memref<128x128xf32, #tpu.memory_space<hbm>>
      tpu.wait_dma2 semaphore(%arg25 : memref<!tpu.dma_semaphore, #tpu.memory_space<semaphore_mem>>) src(%dma_wait3A_1591 : memref<128x128xf32, #tpu.memory_space<hbm>>) dst(%arg11 : memref<128x128xf32, #tpu.memory_space<vmem>>)
      %dma_wait3A_1592 = arith.constant 0 : i32
      %dma_wait3A_1593 = arith.constant 0 : i32
      %dma_wait3A_1594 = tpu.memref_slice %arg8[%add3A_18, %dma_wait3A_1592, %select_n3A_56, %dma_wait3A_1593] : memref<64x2048x4x128xf32, #tpu.memory_space<hbm>> -> memref<1x128x1x128xf32, #tpu.memory_space<hbm>>
      %dma_wait3A_1595 = tpu.memref_squeeze %dma_wait3A_1594 : memref<1x128x1x128xf32, #tpu.memory_space<hbm>> -> memref<128x128xf32, #tpu.memory_space<hbm>>
      %dma_wait3A_1596 = arith.constant 0 : i32
      %dma_wait3A_1597 = arith.constant 0 : i32
      %dma_wait3A_1598 = tpu.memref_slice %arg8[%add3A_18, %dma_wait3A_1596, %select_n3A_56, %dma_wait3A_1597] : memref<64x2048x4x128xf32, #tpu.memory_space<hbm>> -> memref<1x128x1x128xf32, #tpu.memory_space<hbm>>
      %dma_wait3A_1599 = tpu.memref_squeeze %dma_wait3A_1598 : memref<1x128x1x128xf32, #tpu.memory_space<hbm>> -> memref<128x128xf32, #tpu.memory_space<hbm>>
      tpu.wait_dma2 semaphore(%arg27 : memref<!tpu.dma_semaphore, #tpu.memory_space<semaphore_mem>>) src(%dma_wait3A_1599 : memref<128x128xf32, #tpu.memory_space<hbm>>) dst(%arg13 : memref<128x128xf32, #tpu.memory_space<vmem>>)
      %dma_wait3A_1600 = arith.constant 0 : i32
      %dma_wait3A_1601 = arith.constant 0 : i32
      %dma_wait3A_1602 = tpu.memref_slice %arg6[%dma_wait3A_1600, %dma_wait3A_1601] : memref<2048x128xf32, #tpu.memory_space<hbm>> -> memref<128x128xf32, #tpu.memory_space<hbm>>
      %dma_wait3A_1603 = arith.constant 0 : i32
      %dma_wait3A_1604 = arith.constant 0 : i32
      %dma_wait3A_1605 = tpu.memref_slice %arg6[%dma_wait3A_1603, %dma_wait3A_1604] : memref<2048x128xf32, #tpu.memory_space<hbm>> -> memref<128x128xf32, #tpu.memory_space<hbm>>
      tpu.wait_dma2 semaphore(%arg29 : memref<!tpu.dma_semaphore, #tpu.memory_space<semaphore_mem>>) src(%dma_wait3A_1605 : memref<128x128xf32, #tpu.memory_space<hbm>>) dst(%arg15 : memref<128x128xf32, #tpu.memory_space<vmem>>)
      %scan3A_1606 = arith.constant 0 : i32
      %scan3A_1607 = arith.constant 128 : i32
      %scan3A_1608 = arith.addi %scan3A_1606, %scan3A_1607 : i32
      %scan3A_1609 = arith.constant 1 : i32
      %scan3A_1610:4 = scf.for %scan3A_1690 = %scan3A_1606 to %scan3A_1608 step %scan3A_1609 iter_args(%scan3A_1691 = %scan3A_1548, %scan3A_1692 = %scan3A_1549, %scan3A_1693 = %scan3A_1550, %scan3A_1694 = %scan3A_1551) -> (vector<16xf32>, vector<16xf32>, vector<16xf32>, vector<16xf32>)  : i32 {
        %get3A_1695 = arith.index_cast %scan3A_1690 : i32 to index
        %get3A_1696 = arith.constant 0 : index
        %get3A_1697 = tpu.vector_load %arg15[%get3A_1695, %get3A_1696] {strides = array<i32>} : memref<128x128xf32, #tpu.memory_space<vmem>>, vector<1x16xf32>,
        %get3A_1698 = vector.shape_cast %get3A_1697 : vector<1x16xf32> to vector<16xf32>
        %get3A_1699 = arith.index_cast %scan3A_1690 : i32 to index
        %get3A_1700 = arith.constant 16 : index
        %get3A_1701 = tpu.vector_load %arg15[%get3A_1699, %get3A_1700] {strides = array<i32>} : memref<128x128xf32, #tpu.memory_space<vmem>>, vector<1x16xf32>,
        %get3A_1702 = vector.shape_cast %get3A_1701 : vector<1x16xf32> to vector<16xf32>
        %get3A_1703 = arith.index_cast %scan3A_1690 : i32 to index
        %get3A_1704 = arith.constant 32 : index
        %get3A_1705 = tpu.vector_load %arg15[%get3A_1703, %get3A_1704] {strides = array<i32>} : memref<128x128xf32, #tpu.memory_space<vmem>>, vector<1x16xf32>,
        %get3A_1706 = vector.shape_cast %get3A_1705 : vector<1x16xf32> to vector<16xf32>
        %get3A_1707 = arith.index_cast %scan3A_1690 : i32 to index
        %get3A_1708 = arith.constant 48 : index
        %get3A_1709 = tpu.vector_load %arg15[%get3A_1707, %get3A_1708] {strides = array<i32>} : memref<128x128xf32, #tpu.memory_space<vmem>>, vector<1x16xf32>,
        %get3A_1710 = vector.shape_cast %get3A_1709 : vector<1x16xf32> to vector<16xf32>
        %get3A_1711 = arith.index_cast %scan3A_1690 : i32 to index
        %get3A_1712 = arith.constant 64 : index
        %get3A_1713 = tpu.vector_load %arg15[%get3A_1711, %get3A_1712] {strides = array<i32>} : memref<128x128xf32, #tpu.memory_space<vmem>>, vector<1x16xf32>,
        %get3A_1714 = vector.shape_cast %get3A_1713 : vector<1x16xf32> to vector<16xf32>
        %get3A_1715 = arith.index_cast %scan3A_1690 : i32 to index
        %get3A_1716 = arith.constant 80 : index
        %get3A_1717 = tpu.vector_load %arg15[%get3A_1715, %get3A_1716] {strides = array<i32>} : memref<128x128xf32, #tpu.memory_space<vmem>>, vector<1x16xf32>,
        %get3A_1718 = vector.shape_cast %get3A_1717 : vector<1x16xf32> to vector<16xf32>
        %get3A_1719 = arith.index_cast %scan3A_1690 : i32 to index
        %get3A_1720 = arith.constant 96 : index
        %get3A_1721 = tpu.vector_load %arg15[%get3A_1719, %get3A_1720] {strides = array<i32>} : memref<128x128xf32, #tpu.memory_space<vmem>>, vector<1x16xf32>,
        %get3A_1722 = vector.shape_cast %get3A_1721 : vector<1x16xf32> to vector<16xf32>
        %get3A_1723 = arith.index_cast %scan3A_1690 : i32 to index
        %get3A_1724 = arith.constant 112 : index
        %get3A_1725 = tpu.vector_load %arg15[%get3A_1723, %get3A_1724] {strides = array<i32>} : memref<128x128xf32, #tpu.memory_space<vmem>>, vector<1x16xf32>,
        %get3A_1726 = vector.shape_cast %get3A_1725 : vector<1x16xf32> to vector<16xf32>
        %get3A_1727 = arith.index_cast %scan3A_1690 : i32 to index
        %get3A_1728 = arith.constant 0 : index
        %get3A_1729 = tpu.vector_load %arg11[%get3A_1727, %get3A_1728] {strides = array<i32>} : memref<128x128xf32, #tpu.memory_space<vmem>>, vector<1x16xf32>,
        %get3A_1730 = vector.shape_cast %get3A_1729 : vector<1x16xf32> to vector<16xf32>
        %get3A_1731 = arith.index_cast %scan3A_1690 : i32 to index
        %get3A_1732 = arith.constant 64 : index
        %get3A_1733 = tpu.vector_load %arg11[%get3A_1731, %get3A_1732] {strides = array<i32>} : memref<128x128xf32, #tpu.memory_space<vmem>>, vector<1x16xf32>,
        %get3A_1734 = vector.shape_cast %get3A_1733 : vector<1x16xf32> to vector<16xf32>
        %mul3A_1735 = arith.mulf %get3A_1730, %get3A_1698 : vector<16xf32>
        %mul3A_1736 = arith.mulf %get3A_1734, %get3A_1714 : vector<16xf32>
        %sub3A_1737 = arith.subf %mul3A_1735, %mul3A_1736 : vector<16xf32>
        %mul3A_1738 = arith.mulf %get3A_1734, %get3A_1698 : vector<16xf32>
        %mul3A_1739 = arith.mulf %get3A_1730, %get3A_1714 : vector<16xf32>
        %add3A_1740 = arith.addf %mul3A_1738, %mul3A_1739 : vector<16xf32>
        %get3A_1741 = arith.index_cast %scan3A_1690 : i32 to index
        %get3A_1742 = arith.constant 16 : index
        %get3A_1743 = tpu.vector_load %arg11[%get3A_1741, %get3A_1742] {strides = array<i32>} : memref<128x128xf32, #tpu.memory_space<vmem>>, vector<1x16xf32>,
        %get3A_1744 = vector.shape_cast %get3A_1743 : vector<1x16xf32> to vector<16xf32>
        %get3A_1745 = arith.index_cast %scan3A_1690 : i32 to index
        %get3A_1746 = arith.constant 80 : index
        %get3A_1747 = tpu.vector_load %arg11[%get3A_1745, %get3A_1746] {strides = array<i32>} : memref<128x128xf32, #tpu.memory_space<vmem>>, vector<1x16xf32>,
        %get3A_1748 = vector.shape_cast %get3A_1747 : vector<1x16xf32> to vector<16xf32>
        %mul3A_1749 = arith.mulf %get3A_1744, %get3A_1702 : vector<16xf32>
        %mul3A_1750 = arith.mulf %get3A_1748, %get3A_1718 : vector<16xf32>
        %sub3A_1751 = arith.subf %mul3A_1749, %mul3A_1750 : vector<16xf32>
        %mul3A_1752 = arith.mulf %get3A_1748, %get3A_1702 : vector<16xf32>
        %mul3A_1753 = arith.mulf %get3A_1744, %get3A_1718 : vector<16xf32>
        %add3A_1754 = arith.addf %mul3A_1752, %mul3A_1753 : vector<16xf32>
        %get3A_1755 = arith.index_cast %scan3A_1690 : i32 to index
        %get3A_1756 = arith.constant 32 : index
        %get3A_1757 = tpu.vector_load %arg11[%get3A_1755, %get3A_1756] {strides = array<i32>} : memref<128x128xf32, #tpu.memory_space<vmem>>, vector<1x16xf32>,
        %get3A_1758 = vector.shape_cast %get3A_1757 : vector<1x16xf32> to vector<16xf32>
        %get3A_1759 = arith.index_cast %scan3A_1690 : i32 to index
        %get3A_1760 = arith.constant 96 : index
        %get3A_1761 = tpu.vector_load %arg11[%get3A_1759, %get3A_1760] {strides = array<i32>} : memref<128x128xf32, #tpu.memory_space<vmem>>, vector<1x16xf32>,
        %get3A_1762 = vector.shape_cast %get3A_1761 : vector<1x16xf32> to vector<16xf32>
        %mul3A_1763 = arith.mulf %get3A_1758, %get3A_1706 : vector<16xf32>
        %mul3A_1764 = arith.mulf %get3A_1762, %get3A_1722 : vector<16xf32>
        %sub3A_1765 = arith.subf %mul3A_1763, %mul3A_1764 : vector<16xf32>
        %mul3A_1766 = arith.mulf %get3A_1762, %get3A_1706 : vector<16xf32>
        %mul3A_1767 = arith.mulf %get3A_1758, %get3A_1722 : vector<16xf32>
        %add3A_1768 = arith.addf %mul3A_1766, %mul3A_1767 : vector<16xf32>
        %get3A_1769 = arith.index_cast %scan3A_1690 : i32 to index
        %get3A_1770 = arith.constant 48 : index
        %get3A_1771 = tpu.vector_load %arg11[%get3A_1769, %get3A_1770] {strides = array<i32>} : memref<128x128xf32, #tpu.memory_space<vmem>>, vector<1x16xf32>,
        %get3A_1772 = vector.shape_cast %get3A_1771 : vector<1x16xf32> to vector<16xf32>
        %get3A_1773 = arith.index_cast %scan3A_1690 : i32 to index
        %get3A_1774 = arith.constant 112 : index
        %get3A_1775 = tpu.vector_load %arg11[%get3A_1773, %get3A_1774] {strides = array<i32>} : memref<128x128xf32, #tpu.memory_space<vmem>>, vector<1x16xf32>,
        %get3A_1776 = vector.shape_cast %get3A_1775 : vector<1x16xf32> to vector<16xf32>
        %mul3A_1777 = arith.mulf %get3A_1772, %get3A_1710 : vector<16xf32>
        %mul3A_1778 = arith.mulf %get3A_1776, %get3A_1726 : vector<16xf32>
        %sub3A_1779 = arith.subf %mul3A_1777, %mul3A_1778 : vector<16xf32>
        %mul3A_1780 = arith.mulf %get3A_1776, %get3A_1710 : vector<16xf32>
        %mul3A_1781 = arith.mulf %get3A_1772, %get3A_1726 : vector<16xf32>
        %add3A_1782 = arith.addf %mul3A_1780, %mul3A_1781 : vector<16xf32>
        %get3A_1783 = arith.constant 0 : i32
        %get3A_1784 = arith.index_cast %get3A_1783 : i32 to index
        %get3A_1785 = arith.constant 0 : index
        %get3A_1786 = tpu.vector_load %arg18[%get3A_1784, %get3A_1785] {strides = array<i32>} : memref<4x128xf32, #tpu.memory_space<vmem>>, vector<1x16xf32>,
        %get3A_1787 = vector.shape_cast %get3A_1786 : vector<1x16xf32> to vector<16xf32>
        %mul3A_1788 = arith.mulf %sub3A_1737, %get3A_1787 : vector<16xf32>
        %get3A_1789 = arith.constant 0 : i32
        %get3A_1790 = arith.index_cast %get3A_1789 : i32 to index
        %get3A_1791 = arith.constant 16 : index
        %get3A_1792 = tpu.vector_load %arg18[%get3A_1790, %get3A_1791] {strides = array<i32>} : memref<4x128xf32, #tpu.memory_space<vmem>>, vector<1x16xf32>,
        %get3A_1793 = vector.shape_cast %get3A_1792 : vector<1x16xf32> to vector<16xf32>
        %mul3A_1794 = arith.mulf %sub3A_1751, %get3A_1793 : vector<16xf32>
        %add3A_1795 = arith.addf %mul3A_1788, %mul3A_1794 : vector<16xf32>
        %get3A_1796 = arith.constant 0 : i32
        %get3A_1797 = arith.index_cast %get3A_1796 : i32 to index
        %get3A_1798 = arith.constant 32 : index
        %get3A_1799 = tpu.vector_load %arg18[%get3A_1797, %get3A_1798] {strides = array<i32>} : memref<4x128xf32, #tpu.memory_space<vmem>>, vector<1x16xf32>,
        %get3A_1800 = vector.shape_cast %get3A_1799 : vector<1x16xf32> to vector<16xf32>
        %mul3A_1801 = arith.mulf %sub3A_1765, %get3A_1800 : vector<16xf32>
        %add3A_1802 = arith.addf %add3A_1795, %mul3A_1801 : vector<16xf32>
        %get3A_1803 = arith.constant 0 : i32
        %get3A_1804 = arith.index_cast %get3A_1803 : i32 to index
        %get3A_1805 = arith.constant 48 : index
        %get3A_1806 = tpu.vector_load %arg18[%get3A_1804, %get3A_1805] {strides = array<i32>} : memref<4x128xf32, #tpu.memory_space<vmem>>, vector<1x16xf32>,
        %get3A_1807 = vector.shape_cast %get3A_1806 : vector<1x16xf32> to vector<16xf32>
        %mul3A_1808 = arith.mulf %sub3A_1779, %get3A_1807 : vector<16xf32>
        %add3A_1809 = arith.addf %add3A_1802, %mul3A_1808 : vector<16xf32>
        %get3A_1810 = arith.constant 0 : i32
        %get3A_1811 = arith.index_cast %get3A_1810 : i32 to index
        %get3A_1812 = arith.constant 64 : index
        %get3A_1813 = tpu.vector_load %arg18[%get3A_1811, %get3A_1812] {strides = array<i32>} : memref<4x128xf32, #tpu.memory_space<vmem>>, vector<1x16xf32>,
        %get3A_1814 = vector.shape_cast %get3A_1813 : vector<1x16xf32> to vector<16xf32>
        %mul3A_1815 = arith.mulf %add3A_1740, %get3A_1814 : vector<16xf32>
        %add3A_1816 = arith.addf %add3A_1809, %mul3A_1815 : vector<16xf32>
        %get3A_1817 = arith.constant 0 : i32
        %get3A_1818 = arith.index_cast %get3A_1817 : i32 to index
        %get3A_1819 = arith.constant 80 : index
        %get3A_1820 = tpu.vector_load %arg18[%get3A_1818, %get3A_1819] {strides = array<i32>} : memref<4x128xf32, #tpu.memory_space<vmem>>, vector<1x16xf32>,
        %get3A_1821 = vector.shape_cast %get3A_1820 : vector<1x16xf32> to vector<16xf32>
        %mul3A_1822 = arith.mulf %add3A_1754, %get3A_1821 : vector<16xf32>
        %add3A_1823 = arith.addf %add3A_1816, %mul3A_1822 : vector<16xf32>
        %get3A_1824 = arith.constant 0 : i32
        %get3A_1825 = arith.index_cast %get3A_1824 : i32 to index
        %get3A_1826 = arith.constant 96 : index
        %get3A_1827 = tpu.vector_load %arg18[%get3A_1825, %get3A_1826] {strides = array<i32>} : memref<4x128xf32, #tpu.memory_space<vmem>>, vector<1x16xf32>,
        %get3A_1828 = vector.shape_cast %get3A_1827 : vector<1x16xf32> to vector<16xf32>
        %mul3A_1829 = arith.mulf %add3A_1768, %get3A_1828 : vector<16xf32>
        %add3A_1830 = arith.addf %add3A_1823, %mul3A_1829 : vector<16xf32>
        %get3A_1831 = arith.constant 0 : i32
        %get3A_1832 = arith.index_cast %get3A_1831 : i32 to index
        %get3A_1833 = arith.constant 112 : index
        %get3A_1834 = tpu.vector_load %arg18[%get3A_1832, %get3A_1833] {strides = array<i32>} : memref<4x128xf32, #tpu.memory_space<vmem>>, vector<1x16xf32>,
        %get3A_1835 = vector.shape_cast %get3A_1834 : vector<1x16xf32> to vector<16xf32>
        %mul3A_1836 = arith.mulf %add3A_1782, %get3A_1835 : vector<16xf32>
        %add3A_1837 = arith.addf %add3A_1830, %mul3A_1836 : vector<16xf32>
        %iota3A_1838 = tpu.iota {dimensions = array<i32: 0>} : vector<16xi32>
        %xor3A_1839 = arith.constant 8 : i32
        %xor3A_1840 = vector.broadcast %xor3A_1839 : i32 to vector<16xi32>
        %xor3A_1841 = arith.xori %iota3A_1838, %xor3A_1840 : vector<16xi32>
        %broadcast_in_dim3A_1842 = vector.shape_cast %xor3A_1841 : vector<16xi32> to vector<16x1xi32>
        %gather3A_1843 = vector.shape_cast %broadcast_in_dim3A_1842 : vector<16x1xi32> to vector<16xi32>
        %gather3A_1844 = tpu.dynamic_gather %add3A_1837[%gather3A_1843] in [0] : vector<16xf32>, vector<16xi32> -> vector<16xf32>
        %add3A_1845 = arith.addf %add3A_1837, %gather3A_1844 : vector<16xf32>
        %iota3A_1846 = tpu.iota {dimensions = array<i32: 0>} : vector<16xi32>
        %xor3A_1847 = arith.constant 4 : i32
        %xor3A_1848 = vector.broadcast %xor3A_1847 : i32 to vector<16xi32>
        %xor3A_1849 = arith.xori %iota3A_1846, %xor3A_1848 : vector<16xi32>
        %broadcast_in_dim3A_1850 = vector.shape_cast %xor3A_1849 : vector<16xi32> to vector<16x1xi32>
        %gather3A_1851 = vector.shape_cast %broadcast_in_dim3A_1850 : vector<16x1xi32> to vector<16xi32>
        %gather3A_1852 = tpu.dynamic_gather %add3A_1845[%gather3A_1851] in [0] : vector<16xf32>, vector<16xi32> -> vector<16xf32>
        %add3A_1853 = arith.addf %add3A_1845, %gather3A_1852 : vector<16xf32>
        %iota3A_1854 = tpu.iota {dimensions = array<i32: 0>} : vector<16xi32>
        %xor3A_1855 = arith.constant 2 : i32
        %xor3A_1856 = vector.broadcast %xor3A_1855 : i32 to vector<16xi32>
        %xor3A_1857 = arith.xori %iota3A_1854, %xor3A_1856 : vector<16xi32>
        %broadcast_in_dim3A_1858 = vector.shape_cast %xor3A_1857 : vector<16xi32> to vector<16x1xi32>
        %gather3A_1859 = vector.shape_cast %broadcast_in_dim3A_1858 : vector<16x1xi32> to vector<16xi32>
        %gather3A_1860 = tpu.dynamic_gather %add3A_1853[%gather3A_1859] in [0] : vector<16xf32>, vector<16xi32> -> vector<16xf32>
        %add3A_1861 = arith.addf %add3A_1853, %gather3A_1860 : vector<16xf32>
        %iota3A_1862 = tpu.iota {dimensions = array<i32: 0>} : vector<16xi32>
        %xor3A_1863 = arith.constant 1 : i32
        %xor3A_1864 = vector.broadcast %xor3A_1863 : i32 to vector<16xi32>
        %xor3A_1865 = arith.xori %iota3A_1862, %xor3A_1864 : vector<16xi32>
        %broadcast_in_dim3A_1866 = vector.shape_cast %xor3A_1865 : vector<16xi32> to vector<16x1xi32>
        %gather3A_1867 = vector.shape_cast %broadcast_in_dim3A_1866 : vector<16x1xi32> to vector<16xi32>
        %gather3A_1868 = tpu.dynamic_gather %add3A_1861[%gather3A_1867] in [0] : vector<16xf32>, vector<16xi32> -> vector<16xf32>
        %add3A_1869 = arith.addf %add3A_1861, %gather3A_1868 : vector<16xf32>
        %exp3A_1870 = math.exp %add3A_1869 : vector<16xf32>
        %add3A_1871 = arith.constant 0 : i32
        %add3A_1872 = arith.addi %add3A_1871, %scan3A_1690 : i32
        %mul3A_1873 = arith.constant 16 : i32
        %mul3A_1874 = arith.muli %add3A_1872, %mul3A_1873 : i32
        %swap3A_1875 = arith.index_cast %mul3A_1874 : i32 to index
        %swap3A_1876 = tpu.vector_load %arg22[%swap3A_1875] {strides = array<i32>} : memref<8192xf32, #tpu.memory_space<vmem>>, vector<16xf32>,
        %swap3A_1877 = vector.shape_cast %swap3A_1876 : vector<16xf32> to vector<16xf32>
        %swap3A_1878 = vector.shape_cast %exp3A_1870 : vector<16xf32> to vector<16xf32>
        tpu.vector_store %arg22[%swap3A_1875], %swap3A_1878 {strides = array<i32>} : memref<8192xf32, #tpu.memory_space<vmem>>, vector<16xf32>,
        %get3A_1879 = arith.constant 1 : i32
        %get3A_1880 = arith.index_cast %get3A_1879 : i32 to index
        %get3A_1881 = arith.constant 0 : index
        %get3A_1882 = tpu.vector_load %arg18[%get3A_1880, %get3A_1881] {strides = array<i32>} : memref<4x128xf32, #tpu.memory_space<vmem>>, vector<1x16xf32>,
        %get3A_1883 = vector.shape_cast %get3A_1882 : vector<1x16xf32> to vector<16xf32>
        %mul3A_1884 = arith.mulf %sub3A_1737, %get3A_1883 : vector<16xf32>
        %get3A_1885 = arith.constant 1 : i32
        %get3A_1886 = arith.index_cast %get3A_1885 : i32 to index
        %get3A_1887 = arith.constant 16 : index
        %get3A_1888 = tpu.vector_load %arg18[%get3A_1886, %get3A_1887] {strides = array<i32>} : memref<4x128xf32, #tpu.memory_space<vmem>>, vector<1x16xf32>,
        %get3A_1889 = vector.shape_cast %get3A_1888 : vector<1x16xf32> to vector<16xf32>
        %mul3A_1890 = arith.mulf %sub3A_1751, %get3A_1889 : vector<16xf32>
        %add3A_1891 = arith.addf %mul3A_1884, %mul3A_1890 : vector<16xf32>
        %get3A_1892 = arith.constant 1 : i32
        %get3A_1893 = arith.index_cast %get3A_1892 : i32 to index
        %get3A_1894 = arith.constant 32 : index
        %get3A_1895 = tpu.vector_load %arg18[%get3A_1893, %get3A_1894] {strides = array<i32>} : memref<4x128xf32, #tpu.memory_space<vmem>>, vector<1x16xf32>,
        %get3A_1896 = vector.shape_cast %get3A_1895 : vector<1x16xf32> to vector<16xf32>
        %mul3A_1897 = arith.mulf %sub3A_1765, %get3A_1896 : vector<16xf32>
        %add3A_1898 = arith.addf %add3A_1891, %mul3A_1897 : vector<16xf32>
        %get3A_1899 = arith.constant 1 : i32
        %get3A_1900 = arith.index_cast %get3A_1899 : i32 to index
        %get3A_1901 = arith.constant 48 : index
        %get3A_1902 = tpu.vector_load %arg18[%get3A_1900, %get3A_1901] {strides = array<i32>} : memref<4x128xf32, #tpu.memory_space<vmem>>, vector<1x16xf32>,
        %get3A_1903 = vector.shape_cast %get3A_1902 : vector<1x16xf32> to vector<16xf32>
        %mul3A_1904 = arith.mulf %sub3A_1779, %get3A_1903 : vector<16xf32>
        %add3A_1905 = arith.addf %add3A_1898, %mul3A_1904 : vector<16xf32>
        %get3A_1906 = arith.constant 1 : i32
        %get3A_1907 = arith.index_cast %get3A_1906 : i32 to index
        %get3A_1908 = arith.constant 64 : index
        %get3A_1909 = tpu.vector_load %arg18[%get3A_1907, %get3A_1908] {strides = array<i32>} : memref<4x128xf32, #tpu.memory_space<vmem>>, vector<1x16xf32>,
        %get3A_1910 = vector.shape_cast %get3A_1909 : vector<1x16xf32> to vector<16xf32>
        %mul3A_1911 = arith.mulf %add3A_1740, %get3A_1910 : vector<16xf32>
        %add3A_1912 = arith.addf %add3A_1905, %mul3A_1911 : vector<16xf32>
        %get3A_1913 = arith.constant 1 : i32
        %get3A_1914 = arith.index_cast %get3A_1913 : i32 to index
        %get3A_1915 = arith.constant 80 : index
        %get3A_1916 = tpu.vector_load %arg18[%get3A_1914, %get3A_1915] {strides = array<i32>} : memref<4x128xf32, #tpu.memory_space<vmem>>, vector<1x16xf32>,
        %get3A_1917 = vector.shape_cast %get3A_1916 : vector<1x16xf32> to vector<16xf32>
        %mul3A_1918 = arith.mulf %add3A_1754, %get3A_1917 : vector<16xf32>
        %add3A_1919 = arith.addf %add3A_1912, %mul3A_1918 : vector<16xf32>
        %get3A_1920 = arith.constant 1 : i32
        %get3A_1921 = arith.index_cast %get3A_1920 : i32 to index
        %get3A_1922 = arith.constant 96 : index
        %get3A_1923 = tpu.vector_load %arg18[%get3A_1921, %get3A_1922] {strides = array<i32>} : memref<4x128xf32, #tpu.memory_space<vmem>>, vector<1x16xf32>,
        %get3A_1924 = vector.shape_cast %get3A_1923 : vector<1x16xf32> to vector<16xf32>
        %mul3A_1925 = arith.mulf %add3A_1768, %get3A_1924 : vector<16xf32>
        %add3A_1926 = arith.addf %add3A_1919, %mul3A_1925 : vector<16xf32>
        %get3A_1927 = arith.constant 1 : i32
        %get3A_1928 = arith.index_cast %get3A_1927 : i32 to index
        %get3A_1929 = arith.constant 112 : index
        %get3A_1930 = tpu.vector_load %arg18[%get3A_1928, %get3A_1929] {strides = array<i32>} : memref<4x128xf32, #tpu.memory_space<vmem>>, vector<1x16xf32>,
        %get3A_1931 = vector.shape_cast %get3A_1930 : vector<1x16xf32> to vector<16xf32>
        %mul3A_1932 = arith.mulf %add3A_1782, %get3A_1931 : vector<16xf32>
        %add3A_1933 = arith.addf %add3A_1926, %mul3A_1932 : vector<16xf32>
        %iota3A_1934 = tpu.iota {dimensions = array<i32: 0>} : vector<16xi32>
        %xor3A_1935 = arith.constant 8 : i32
        %xor3A_1936 = vector.broadcast %xor3A_1935 : i32 to vector<16xi32>
        %xor3A_1937 = arith.xori %iota3A_1934, %xor3A_1936 : vector<16xi32>
        %broadcast_in_dim3A_1938 = vector.shape_cast %xor3A_1937 : vector<16xi32> to vector<16x1xi32>
        %gather3A_1939 = vector.shape_cast %broadcast_in_dim3A_1938 : vector<16x1xi32> to vector<16xi32>
        %gather3A_1940 = tpu.dynamic_gather %add3A_1933[%gather3A_1939] in [0] : vector<16xf32>, vector<16xi32> -> vector<16xf32>
        %add3A_1941 = arith.addf %add3A_1933, %gather3A_1940 : vector<16xf32>
        %iota3A_1942 = tpu.iota {dimensions = array<i32: 0>} : vector<16xi32>
        %xor3A_1943 = arith.constant 4 : i32
        %xor3A_1944 = vector.broadcast %xor3A_1943 : i32 to vector<16xi32>
        %xor3A_1945 = arith.xori %iota3A_1942, %xor3A_1944 : vector<16xi32>
        %broadcast_in_dim3A_1946 = vector.shape_cast %xor3A_1945 : vector<16xi32> to vector<16x1xi32>
        %gather3A_1947 = vector.shape_cast %broadcast_in_dim3A_1946 : vector<16x1xi32> to vector<16xi32>
        %gather3A_1948 = tpu.dynamic_gather %add3A_1941[%gather3A_1947] in [0] : vector<16xf32>, vector<16xi32> -> vector<16xf32>
        %add3A_1949 = arith.addf %add3A_1941, %gather3A_1948 : vector<16xf32>
        %iota3A_1950 = tpu.iota {dimensions = array<i32: 0>} : vector<16xi32>
        %xor3A_1951 = arith.constant 2 : i32
        %xor3A_1952 = vector.broadcast %xor3A_1951 : i32 to vector<16xi32>
        %xor3A_1953 = arith.xori %iota3A_1950, %xor3A_1952 : vector<16xi32>
        %broadcast_in_dim3A_1954 = vector.shape_cast %xor3A_1953 : vector<16xi32> to vector<16x1xi32>
        %gather3A_1955 = vector.shape_cast %broadcast_in_dim3A_1954 : vector<16x1xi32> to vector<16xi32>
        %gather3A_1956 = tpu.dynamic_gather %add3A_1949[%gather3A_1955] in [0] : vector<16xf32>, vector<16xi32> -> vector<16xf32>
        %add3A_1957 = arith.addf %add3A_1949, %gather3A_1956 : vector<16xf32>
        %iota3A_1958 = tpu.iota {dimensions = array<i32: 0>} : vector<16xi32>
        %xor3A_1959 = arith.constant 1 : i32
        %xor3A_1960 = vector.broadcast %xor3A_1959 : i32 to vector<16xi32>
        %xor3A_1961 = arith.xori %iota3A_1958, %xor3A_1960 : vector<16xi32>
        %broadcast_in_dim3A_1962 = vector.shape_cast %xor3A_1961 : vector<16xi32> to vector<16x1xi32>
        %gather3A_1963 = vector.shape_cast %broadcast_in_dim3A_1962 : vector<16x1xi32> to vector<16xi32>
        %gather3A_1964 = tpu.dynamic_gather %add3A_1957[%gather3A_1963] in [0] : vector<16xf32>, vector<16xi32> -> vector<16xf32>
        %add3A_1965 = arith.addf %add3A_1957, %gather3A_1964 : vector<16xf32>
        %exp3A_1966 = math.exp %add3A_1965 : vector<16xf32>
        %add3A_1967 = arith.constant 128 : i32
        %add3A_1968 = arith.addi %add3A_1967, %scan3A_1690 : i32
        %mul3A_1969 = arith.constant 16 : i32
        %mul3A_1970 = arith.muli %add3A_1968, %mul3A_1969 : i32
        %swap3A_1971 = arith.index_cast %mul3A_1970 : i32 to index
        %swap3A_1972 = tpu.vector_load %arg22[%swap3A_1971] {strides = array<i32>} : memref<8192xf32, #tpu.memory_space<vmem>>, vector<16xf32>,
        %swap3A_1973 = vector.shape_cast %swap3A_1972 : vector<16xf32> to vector<16xf32>
        %swap3A_1974 = vector.shape_cast %exp3A_1966 : vector<16xf32> to vector<16xf32>
        tpu.vector_store %arg22[%swap3A_1971], %swap3A_1974 {strides = array<i32>} : memref<8192xf32, #tpu.memory_space<vmem>>, vector<16xf32>,
        %get3A_1975 = arith.constant 2 : i32
        %get3A_1976 = arith.index_cast %get3A_1975 : i32 to index
        %get3A_1977 = arith.constant 0 : index
        %get3A_1978 = tpu.vector_load %arg18[%get3A_1976, %get3A_1977] {strides = array<i32>} : memref<4x128xf32, #tpu.memory_space<vmem>>, vector<1x16xf32>,
        %get3A_1979 = vector.shape_cast %get3A_1978 : vector<1x16xf32> to vector<16xf32>
        %mul3A_1980 = arith.mulf %sub3A_1737, %get3A_1979 : vector<16xf32>
        %get3A_1981 = arith.constant 2 : i32
        %get3A_1982 = arith.index_cast %get3A_1981 : i32 to index
        %get3A_1983 = arith.constant 16 : index
        %get3A_1984 = tpu.vector_load %arg18[%get3A_1982, %get3A_1983] {strides = array<i32>} : memref<4x128xf32, #tpu.memory_space<vmem>>, vector<1x16xf32>,
        %get3A_1985 = vector.shape_cast %get3A_1984 : vector<1x16xf32> to vector<16xf32>
        %mul3A_1986 = arith.mulf %sub3A_1751, %get3A_1985 : vector<16xf32>
        %add3A_1987 = arith.addf %mul3A_1980, %mul3A_1986 : vector<16xf32>
        %get3A_1988 = arith.constant 2 : i32
        %get3A_1989 = arith.index_cast %get3A_1988 : i32 to index
        %get3A_1990 = arith.constant 32 : index
        %get3A_1991 = tpu.vector_load %arg18[%get3A_1989, %get3A_1990] {strides = array<i32>} : memref<4x128xf32, #tpu.memory_space<vmem>>, vector<1x16xf32>,
        %get3A_1992 = vector.shape_cast %get3A_1991 : vector<1x16xf32> to vector<16xf32>
        %mul3A_1993 = arith.mulf %sub3A_1765, %get3A_1992 : vector<16xf32>
        %add3A_1994 = arith.addf %add3A_1987, %mul3A_1993 : vector<16xf32>
        %get3A_1995 = arith.constant 2 : i32
        %get3A_1996 = arith.index_cast %get3A_1995 : i32 to index
        %get3A_1997 = arith.constant 48 : index
        %get3A_1998 = tpu.vector_load %arg18[%get3A_1996, %get3A_1997] {strides = array<i32>} : memref<4x128xf32, #tpu.memory_space<vmem>>, vector<1x16xf32>,
        %get3A_1999 = vector.shape_cast %get3A_1998 : vector<1x16xf32> to vector<16xf32>
        %mul3A_2000 = arith.mulf %sub3A_1779, %get3A_1999 : vector<16xf32>
        %add3A_2001 = arith.addf %add3A_1994, %mul3A_2000 : vector<16xf32>
        %get3A_2002 = arith.constant 2 : i32
        %get3A_2003 = arith.index_cast %get3A_2002 : i32 to index
        %get3A_2004 = arith.constant 64 : index
        %get3A_2005 = tpu.vector_load %arg18[%get3A_2003, %get3A_2004] {strides = array<i32>} : memref<4x128xf32, #tpu.memory_space<vmem>>, vector<1x16xf32>,
        %get3A_2006 = vector.shape_cast %get3A_2005 : vector<1x16xf32> to vector<16xf32>
        %mul3A_2007 = arith.mulf %add3A_1740, %get3A_2006 : vector<16xf32>
        %add3A_2008 = arith.addf %add3A_2001, %mul3A_2007 : vector<16xf32>
        %get3A_2009 = arith.constant 2 : i32
        %get3A_2010 = arith.index_cast %get3A_2009 : i32 to index
        %get3A_2011 = arith.constant 80 : index
        %get3A_2012 = tpu.vector_load %arg18[%get3A_2010, %get3A_2011] {strides = array<i32>} : memref<4x128xf32, #tpu.memory_space<vmem>>, vector<1x16xf32>,
        %get3A_2013 = vector.shape_cast %get3A_2012 : vector<1x16xf32> to vector<16xf32>
        %mul3A_2014 = arith.mulf %add3A_1754, %get3A_2013 : vector<16xf32>
        %add3A_2015 = arith.addf %add3A_2008, %mul3A_2014 : vector<16xf32>
        %get3A_2016 = arith.constant 2 : i32
        %get3A_2017 = arith.index_cast %get3A_2016 : i32 to index
        %get3A_2018 = arith.constant 96 : index
        %get3A_2019 = tpu.vector_load %arg18[%get3A_2017, %get3A_2018] {strides = array<i32>} : memref<4x128xf32, #tpu.memory_space<vmem>>, vector<1x16xf32>,
        %get3A_2020 = vector.shape_cast %get3A_2019 : vector<1x16xf32> to vector<16xf32>
        %mul3A_2021 = arith.mulf %add3A_1768, %get3A_2020 : vector<16xf32>
        %add3A_2022 = arith.addf %add3A_2015, %mul3A_2021 : vector<16xf32>
        %get3A_2023 = arith.constant 2 : i32
        %get3A_2024 = arith.index_cast %get3A_2023 : i32 to index
        %get3A_2025 = arith.constant 112 : index
        %get3A_2026 = tpu.vector_load %arg18[%get3A_2024, %get3A_2025] {strides = array<i32>} : memref<4x128xf32, #tpu.memory_space<vmem>>, vector<1x16xf32>,
        %get3A_2027 = vector.shape_cast %get3A_2026 : vector<1x16xf32> to vector<16xf32>
        %mul3A_2028 = arith.mulf %add3A_1782, %get3A_2027 : vector<16xf32>
        %add3A_2029 = arith.addf %add3A_2022, %mul3A_2028 : vector<16xf32>
        %iota3A_2030 = tpu.iota {dimensions = array<i32: 0>} : vector<16xi32>
        %xor3A_2031 = arith.constant 8 : i32
        %xor3A_2032 = vector.broadcast %xor3A_2031 : i32 to vector<16xi32>
        %xor3A_2033 = arith.xori %iota3A_2030, %xor3A_2032 : vector<16xi32>
        %broadcast_in_dim3A_2034 = vector.shape_cast %xor3A_2033 : vector<16xi32> to vector<16x1xi32>
        %gather3A_2035 = vector.shape_cast %broadcast_in_dim3A_2034 : vector<16x1xi32> to vector<16xi32>
        %gather3A_2036 = tpu.dynamic_gather %add3A_2029[%gather3A_2035] in [0] : vector<16xf32>, vector<16xi32> -> vector<16xf32>
        %add3A_2037 = arith.addf %add3A_2029, %gather3A_2036 : vector<16xf32>
        %iota3A_2038 = tpu.iota {dimensions = array<i32: 0>} : vector<16xi32>
        %xor3A_2039 = arith.constant 4 : i32
        %xor3A_2040 = vector.broadcast %xor3A_2039 : i32 to vector<16xi32>
        %xor3A_2041 = arith.xori %iota3A_2038, %xor3A_2040 : vector<16xi32>
        %broadcast_in_dim3A_2042 = vector.shape_cast %xor3A_2041 : vector<16xi32> to vector<16x1xi32>
        %gather3A_2043 = vector.shape_cast %broadcast_in_dim3A_2042 : vector<16x1xi32> to vector<16xi32>
        %gather3A_2044 = tpu.dynamic_gather %add3A_2037[%gather3A_2043] in [0] : vector<16xf32>, vector<16xi32> -> vector<16xf32>
        %add3A_2045 = arith.addf %add3A_2037, %gather3A_2044 : vector<16xf32>
        %iota3A_2046 = tpu.iota {dimensions = array<i32: 0>} : vector<16xi32>
        %xor3A_2047 = arith.constant 2 : i32
        %xor3A_2048 = vector.broadcast %xor3A_2047 : i32 to vector<16xi32>
        %xor3A_2049 = arith.xori %iota3A_2046, %xor3A_2048 : vector<16xi32>
        %broadcast_in_dim3A_2050 = vector.shape_cast %xor3A_2049 : vector<16xi32> to vector<16x1xi32>
        %gather3A_2051 = vector.shape_cast %broadcast_in_dim3A_2050 : vector<16x1xi32> to vector<16xi32>
        %gather3A_2052 = tpu.dynamic_gather %add3A_2045[%gather3A_2051] in [0] : vector<16xf32>, vector<16xi32> -> vector<16xf32>
        %add3A_2053 = arith.addf %add3A_2045, %gather3A_2052 : vector<16xf32>
        %iota3A_2054 = tpu.iota {dimensions = array<i32: 0>} : vector<16xi32>
        %xor3A_2055 = arith.constant 1 : i32
        %xor3A_2056 = vector.broadcast %xor3A_2055 : i32 to vector<16xi32>
        %xor3A_2057 = arith.xori %iota3A_2054, %xor3A_2056 : vector<16xi32>
        %broadcast_in_dim3A_2058 = vector.shape_cast %xor3A_2057 : vector<16xi32> to vector<16x1xi32>
        %gather3A_2059 = vector.shape_cast %broadcast_in_dim3A_2058 : vector<16x1xi32> to vector<16xi32>
        %gather3A_2060 = tpu.dynamic_gather %add3A_2053[%gather3A_2059] in [0] : vector<16xf32>, vector<16xi32> -> vector<16xf32>
        %add3A_2061 = arith.addf %add3A_2053, %gather3A_2060 : vector<16xf32>
        %exp3A_2062 = math.exp %add3A_2061 : vector<16xf32>
        %add3A_2063 = arith.constant 256 : i32
        %add3A_2064 = arith.addi %add3A_2063, %scan3A_1690 : i32
        %mul3A_2065 = arith.constant 16 : i32
        %mul3A_2066 = arith.muli %add3A_2064, %mul3A_2065 : i32
        %swap3A_2067 = arith.index_cast %mul3A_2066 : i32 to index
        %swap3A_2068 = tpu.vector_load %arg22[%swap3A_2067] {strides = array<i32>} : memref<8192xf32, #tpu.memory_space<vmem>>, vector<16xf32>,
        %swap3A_2069 = vector.shape_cast %swap3A_2068 : vector<16xf32> to vector<16xf32>
        %swap3A_2070 = vector.shape_cast %exp3A_2062 : vector<16xf32> to vector<16xf32>
        tpu.vector_store %arg22[%swap3A_2067], %swap3A_2070 {strides = array<i32>} : memref<8192xf32, #tpu.memory_space<vmem>>, vector<16xf32>,
        %get3A_2071 = arith.constant 3 : i32
        %get3A_2072 = arith.index_cast %get3A_2071 : i32 to index
        %get3A_2073 = arith.constant 0 : index
        %get3A_2074 = tpu.vector_load %arg18[%get3A_2072, %get3A_2073] {strides = array<i32>} : memref<4x128xf32, #tpu.memory_space<vmem>>, vector<1x16xf32>,
        %get3A_2075 = vector.shape_cast %get3A_2074 : vector<1x16xf32> to vector<16xf32>
        %mul3A_2076 = arith.mulf %sub3A_1737, %get3A_2075 : vector<16xf32>
        %get3A_2077 = arith.constant 3 : i32
        %get3A_2078 = arith.index_cast %get3A_2077 : i32 to index
        %get3A_2079 = arith.constant 16 : index
        %get3A_2080 = tpu.vector_load %arg18[%get3A_2078, %get3A_2079] {strides = array<i32>} : memref<4x128xf32, #tpu.memory_space<vmem>>, vector<1x16xf32>,
        %get3A_2081 = vector.shape_cast %get3A_2080 : vector<1x16xf32> to vector<16xf32>
        %mul3A_2082 = arith.mulf %sub3A_1751, %get3A_2081 : vector<16xf32>
        %add3A_2083 = arith.addf %mul3A_2076, %mul3A_2082 : vector<16xf32>
        %get3A_2084 = arith.constant 3 : i32
        %get3A_2085 = arith.index_cast %get3A_2084 : i32 to index
        %get3A_2086 = arith.constant 32 : index
        %get3A_2087 = tpu.vector_load %arg18[%get3A_2085, %get3A_2086] {strides = array<i32>} : memref<4x128xf32, #tpu.memory_space<vmem>>, vector<1x16xf32>,
        %get3A_2088 = vector.shape_cast %get3A_2087 : vector<1x16xf32> to vector<16xf32>
        %mul3A_2089 = arith.mulf %sub3A_1765, %get3A_2088 : vector<16xf32>
        %add3A_2090 = arith.addf %add3A_2083, %mul3A_2089 : vector<16xf32>
        %get3A_2091 = arith.constant 3 : i32
        %get3A_2092 = arith.index_cast %get3A_2091 : i32 to index
        %get3A_2093 = arith.constant 48 : index
        %get3A_2094 = tpu.vector_load %arg18[%get3A_2092, %get3A_2093] {strides = array<i32>} : memref<4x128xf32, #tpu.memory_space<vmem>>, vector<1x16xf32>,
        %get3A_2095 = vector.shape_cast %get3A_2094 : vector<1x16xf32> to vector<16xf32>
        %mul3A_2096 = arith.mulf %sub3A_1779, %get3A_2095 : vector<16xf32>
        %add3A_2097 = arith.addf %add3A_2090, %mul3A_2096 : vector<16xf32>
        %get3A_2098 = arith.constant 3 : i32
        %get3A_2099 = arith.index_cast %get3A_2098 : i32 to index
        %get3A_2100 = arith.constant 64 : index
        %get3A_2101 = tpu.vector_load %arg18[%get3A_2099, %get3A_2100] {strides = array<i32>} : memref<4x128xf32, #tpu.memory_space<vmem>>, vector<1x16xf32>,
        %get3A_2102 = vector.shape_cast %get3A_2101 : vector<1x16xf32> to vector<16xf32>
        %mul3A_2103 = arith.mulf %add3A_1740, %get3A_2102 : vector<16xf32>
        %add3A_2104 = arith.addf %add3A_2097, %mul3A_2103 : vector<16xf32>
        %get3A_2105 = arith.constant 3 : i32
        %get3A_2106 = arith.index_cast %get3A_2105 : i32 to index
        %get3A_2107 = arith.constant 80 : index
        %get3A_2108 = tpu.vector_load %arg18[%get3A_2106, %get3A_2107] {strides = array<i32>} : memref<4x128xf32, #tpu.memory_space<vmem>>, vector<1x16xf32>,
        %get3A_2109 = vector.shape_cast %get3A_2108 : vector<1x16xf32> to vector<16xf32>
        %mul3A_2110 = arith.mulf %add3A_1754, %get3A_2109 : vector<16xf32>
        %add3A_2111 = arith.addf %add3A_2104, %mul3A_2110 : vector<16xf32>
        %get3A_2112 = arith.constant 3 : i32
        %get3A_2113 = arith.index_cast %get3A_2112 : i32 to index
        %get3A_2114 = arith.constant 96 : index
        %get3A_2115 = tpu.vector_load %arg18[%get3A_2113, %get3A_2114] {strides = array<i32>} : memref<4x128xf32, #tpu.memory_space<vmem>>, vector<1x16xf32>,
        %get3A_2116 = vector.shape_cast %get3A_2115 : vector<1x16xf32> to vector<16xf32>
        %mul3A_2117 = arith.mulf %add3A_1768, %get3A_2116 : vector<16xf32>
        %add3A_2118 = arith.addf %add3A_2111, %mul3A_2117 : vector<16xf32>
        %get3A_2119 = arith.constant 3 : i32
        %get3A_2120 = arith.index_cast %get3A_2119 : i32 to index
        %get3A_2121 = arith.constant 112 : index
        %get3A_2122 = tpu.vector_load %arg18[%get3A_2120, %get3A_2121] {strides = array<i32>} : memref<4x128xf32, #tpu.memory_space<vmem>>, vector<1x16xf32>,
        %get3A_2123 = vector.shape_cast %get3A_2122 : vector<1x16xf32> to vector<16xf32>
        %mul3A_2124 = arith.mulf %add3A_1782, %get3A_2123 : vector<16xf32>
        %add3A_2125 = arith.addf %add3A_2118, %mul3A_2124 : vector<16xf32>
        %iota3A_2126 = tpu.iota {dimensions = array<i32: 0>} : vector<16xi32>
        %xor3A_2127 = arith.constant 8 : i32
        %xor3A_2128 = vector.broadcast %xor3A_2127 : i32 to vector<16xi32>
        %xor3A_2129 = arith.xori %iota3A_2126, %xor3A_2128 : vector<16xi32>
        %broadcast_in_dim3A_2130 = vector.shape_cast %xor3A_2129 : vector<16xi32> to vector<16x1xi32>
        %gather3A_2131 = vector.shape_cast %broadcast_in_dim3A_2130 : vector<16x1xi32> to vector<16xi32>
        %gather3A_2132 = tpu.dynamic_gather %add3A_2125[%gather3A_2131] in [0] : vector<16xf32>, vector<16xi32> -> vector<16xf32>
        %add3A_2133 = arith.addf %add3A_2125, %gather3A_2132 : vector<16xf32>
        %iota3A_2134 = tpu.iota {dimensions = array<i32: 0>} : vector<16xi32>
        %xor3A_2135 = arith.constant 4 : i32
        %xor3A_2136 = vector.broadcast %xor3A_2135 : i32 to vector<16xi32>
        %xor3A_2137 = arith.xori %iota3A_2134, %xor3A_2136 : vector<16xi32>
        %broadcast_in_dim3A_2138 = vector.shape_cast %xor3A_2137 : vector<16xi32> to vector<16x1xi32>
        %gather3A_2139 = vector.shape_cast %broadcast_in_dim3A_2138 : vector<16x1xi32> to vector<16xi32>
        %gather3A_2140 = tpu.dynamic_gather %add3A_2133[%gather3A_2139] in [0] : vector<16xf32>, vector<16xi32> -> vector<16xf32>
        %add3A_2141 = arith.addf %add3A_2133, %gather3A_2140 : vector<16xf32>
        %iota3A_2142 = tpu.iota {dimensions = array<i32: 0>} : vector<16xi32>
        %xor3A_2143 = arith.constant 2 : i32
        %xor3A_2144 = vector.broadcast %xor3A_2143 : i32 to vector<16xi32>
        %xor3A_2145 = arith.xori %iota3A_2142, %xor3A_2144 : vector<16xi32>
        %broadcast_in_dim3A_2146 = vector.shape_cast %xor3A_2145 : vector<16xi32> to vector<16x1xi32>
        %gather3A_2147 = vector.shape_cast %broadcast_in_dim3A_2146 : vector<16x1xi32> to vector<16xi32>
        %gather3A_2148 = tpu.dynamic_gather %add3A_2141[%gather3A_2147] in [0] : vector<16xf32>, vector<16xi32> -> vector<16xf32>
        %add3A_2149 = arith.addf %add3A_2141, %gather3A_2148 : vector<16xf32>
        %iota3A_2150 = tpu.iota {dimensions = array<i32: 0>} : vector<16xi32>
        %xor3A_2151 = arith.constant 1 : i32
        %xor3A_2152 = vector.broadcast %xor3A_2151 : i32 to vector<16xi32>
        %xor3A_2153 = arith.xori %iota3A_2150, %xor3A_2152 : vector<16xi32>
        %broadcast_in_dim3A_2154 = vector.shape_cast %xor3A_2153 : vector<16xi32> to vector<16x1xi32>
        %gather3A_2155 = vector.shape_cast %broadcast_in_dim3A_2154 : vector<16x1xi32> to vector<16xi32>
        %gather3A_2156 = tpu.dynamic_gather %add3A_2149[%gather3A_2155] in [0] : vector<16xf32>, vector<16xi32> -> vector<16xf32>
        %add3A_2157 = arith.addf %add3A_2149, %gather3A_2156 : vector<16xf32>
        %exp3A_2158 = math.exp %add3A_2157 : vector<16xf32>
        %add3A_2159 = arith.constant 384 : i32
        %add3A_2160 = arith.addi %add3A_2159, %scan3A_1690 : i32
        %mul3A_2161 = arith.constant 16 : i32
        %mul3A_2162 = arith.muli %add3A_2160, %mul3A_2161 : i32
        %swap3A_2163 = arith.index_cast %mul3A_2162 : i32 to index
        %swap3A_2164 = tpu.vector_load %arg22[%swap3A_2163] {strides = array<i32>} : memref<8192xf32, #tpu.memory_space<vmem>>, vector<16xf32>,
        %swap3A_2165 = vector.shape_cast %swap3A_2164 : vector<16xf32> to vector<16xf32>
        %swap3A_2166 = vector.shape_cast %exp3A_2158 : vector<16xf32> to vector<16xf32>
        tpu.vector_store %arg22[%swap3A_2163], %swap3A_2166 {strides = array<i32>} : memref<8192xf32, #tpu.memory_space<vmem>>, vector<16xf32>,
        %add3A_2167 = arith.addf %scan3A_1691, %exp3A_1870 : vector<16xf32>
        %add3A_2168 = arith.addf %scan3A_1692, %exp3A_1966 : vector<16xf32>
        %add3A_2169 = arith.addf %scan3A_1693, %exp3A_2062 : vector<16xf32>
        %add3A_2170 = arith.addf %scan3A_1694, %exp3A_2158 : vector<16xf32>
        scf.yield %add3A_2167, %add3A_2168, %add3A_2169, %add3A_2170 : vector<16xf32>, vector<16xf32>, vector<16xf32>, vector<16xf32>
      }
      %scan3A_1611 = arith.constant 128 : i32
      %scan3A_1612 = arith.constant 0 : i32
      %scan3A_1613 = arith.constant 128 : i32
      %scan3A_1614 = arith.addi %scan3A_1612, %scan3A_1613 : i32
      %scan3A_1615 = arith.constant 1 : i32
      %scan3A_1616:32 = scf.for %scan3A_1690 = %scan3A_1612 to %scan3A_1614 step %scan3A_1615 iter_args(%scan3A_1691 = %scan3A_1552, %scan3A_1692 = %scan3A_1553, %scan3A_1693 = %scan3A_1554, %scan3A_1694 = %scan3A_1555, %scan3A_1695 = %scan3A_1556, %scan3A_1696 = %scan3A_1557, %scan3A_1697 = %scan3A_1558, %scan3A_1698 = %scan3A_1559, %scan3A_1699 = %scan3A_1560, %scan3A_1700 = %scan3A_1561, %scan3A_1701 = %scan3A_1562, %scan3A_1702 = %scan3A_1563, %scan3A_1703 = %scan3A_1564, %scan3A_1704 = %scan3A_1565, %scan3A_1705 = %scan3A_1566, %scan3A_1706 = %scan3A_1567, %scan3A_1707 = %scan3A_1568, %scan3A_1708 = %scan3A_1569, %scan3A_1709 = %scan3A_1570, %scan3A_1710 = %scan3A_1571, %scan3A_1711 = %scan3A_1572, %scan3A_1712 = %scan3A_1573, %scan3A_1713 = %scan3A_1574, %scan3A_1714 = %scan3A_1575, %scan3A_1715 = %scan3A_1576, %scan3A_1716 = %scan3A_1577, %scan3A_1717 = %scan3A_1578, %scan3A_1718 = %scan3A_1579, %scan3A_1719 = %scan3A_1580, %scan3A_1720 = %scan3A_1581, %scan3A_1721 = %scan3A_1582, %scan3A_1722 = %scan3A_1583) -> (vector<16xf32>, vector<16xf32>, vector<16xf32>, vector<16xf32>, vector<16xf32>, vector<16xf32>, vector<16xf32>, vector<16xf32>, vector<16xf32>, vector<16xf32>, vector<16xf32>, vector<16xf32>, vector<16xf32>, vector<16xf32>, vector<16xf32>, vector<16xf32>, vector<16xf32>, vector<16xf32>, vector<16xf32>, vector<16xf32>, vector<16xf32>, vector<16xf32>, vector<16xf32>, vector<16xf32>, vector<16xf32>, vector<16xf32>, vector<16xf32>, vector<16xf32>, vector<16xf32>, vector<16xf32>, vector<16xf32>, vector<16xf32>)  : i32 {
        %get3A_1723 = arith.index_cast %scan3A_1690 : i32 to index
        %get3A_1724 = arith.constant 0 : index
        %get3A_1725 = tpu.vector_load %arg13[%get3A_1723, %get3A_1724] {strides = array<i32>} : memref<128x128xf32, #tpu.memory_space<vmem>>, vector<1x16xf32>,
        %get3A_1726 = vector.shape_cast %get3A_1725 : vector<1x16xf32> to vector<16xf32>
        %get3A_1727 = arith.index_cast %scan3A_1690 : i32 to index
        %get3A_1728 = arith.constant 16 : index
        %get3A_1729 = tpu.vector_load %arg13[%get3A_1727, %get3A_1728] {strides = array<i32>} : memref<128x128xf32, #tpu.memory_space<vmem>>, vector<1x16xf32>,
        %get3A_1730 = vector.shape_cast %get3A_1729 : vector<1x16xf32> to vector<16xf32>
        %get3A_1731 = arith.index_cast %scan3A_1690 : i32 to index
        %get3A_1732 = arith.constant 32 : index
        %get3A_1733 = tpu.vector_load %arg13[%get3A_1731, %get3A_1732] {strides = array<i32>} : memref<128x128xf32, #tpu.memory_space<vmem>>, vector<1x16xf32>,
        %get3A_1734 = vector.shape_cast %get3A_1733 : vector<1x16xf32> to vector<16xf32>
        %get3A_1735 = arith.index_cast %scan3A_1690 : i32 to index
        %get3A_1736 = arith.constant 48 : index
        %get3A_1737 = tpu.vector_load %arg13[%get3A_1735, %get3A_1736] {strides = array<i32>} : memref<128x128xf32, #tpu.memory_space<vmem>>, vector<1x16xf32>,
        %get3A_1738 = vector.shape_cast %get3A_1737 : vector<1x16xf32> to vector<16xf32>
        %get3A_1739 = arith.index_cast %scan3A_1690 : i32 to index
        %get3A_1740 = arith.constant 64 : index
        %get3A_1741 = tpu.vector_load %arg13[%get3A_1739, %get3A_1740] {strides = array<i32>} : memref<128x128xf32, #tpu.memory_space<vmem>>, vector<1x16xf32>,
        %get3A_1742 = vector.shape_cast %get3A_1741 : vector<1x16xf32> to vector<16xf32>
        %get3A_1743 = arith.index_cast %scan3A_1690 : i32 to index
        %get3A_1744 = arith.constant 80 : index
        %get3A_1745 = tpu.vector_load %arg13[%get3A_1743, %get3A_1744] {strides = array<i32>} : memref<128x128xf32, #tpu.memory_space<vmem>>, vector<1x16xf32>,
        %get3A_1746 = vector.shape_cast %get3A_1745 : vector<1x16xf32> to vector<16xf32>
        %get3A_1747 = arith.index_cast %scan3A_1690 : i32 to index
        %get3A_1748 = arith.constant 96 : index
        %get3A_1749 = tpu.vector_load %arg13[%get3A_1747, %get3A_1748] {strides = array<i32>} : memref<128x128xf32, #tpu.memory_space<vmem>>, vector<1x16xf32>,
        %get3A_1750 = vector.shape_cast %get3A_1749 : vector<1x16xf32> to vector<16xf32>
        %get3A_1751 = arith.index_cast %scan3A_1690 : i32 to index
        %get3A_1752 = arith.constant 112 : index
        %get3A_1753 = tpu.vector_load %arg13[%get3A_1751, %get3A_1752] {strides = array<i32>} : memref<128x128xf32, #tpu.memory_space<vmem>>, vector<1x16xf32>,
        %get3A_1754 = vector.shape_cast %get3A_1753 : vector<1x16xf32> to vector<16xf32>
        %add3A_1755 = arith.constant 0 : i32
        %add3A_1756 = arith.addi %add3A_1755, %scan3A_1690 : i32
        %mul3A_1757 = arith.constant 16 : i32
        %mul3A_1758 = arith.muli %add3A_1756, %mul3A_1757 : i32
        %get3A_1759 = arith.index_cast %mul3A_1758 : i32 to index
        %get3A_1760 = tpu.vector_load %arg22[%get3A_1759] {strides = array<i32>} : memref<8192xf32, #tpu.memory_space<vmem>>, vector<16xf32>,
        %get3A_1761 = vector.shape_cast %get3A_1760 : vector<16xf32> to vector<16xf32>
        %mul3A_1762 = arith.mulf %get3A_1761, %get3A_1726 : vector<16xf32>
        %add3A_1763 = arith.addf %scan3A_1691, %mul3A_1762 : vector<16xf32>
        %mul3A_1764 = arith.mulf %get3A_1761, %get3A_1730 : vector<16xf32>
        %add3A_1765 = arith.addf %scan3A_1692, %mul3A_1764 : vector<16xf32>
        %mul3A_1766 = arith.mulf %get3A_1761, %get3A_1734 : vector<16xf32>
        %add3A_1767 = arith.addf %scan3A_1693, %mul3A_1766 : vector<16xf32>
        %mul3A_1768 = arith.mulf %get3A_1761, %get3A_1738 : vector<16xf32>
        %add3A_1769 = arith.addf %scan3A_1694, %mul3A_1768 : vector<16xf32>
        %mul3A_1770 = arith.mulf %get3A_1761, %get3A_1742 : vector<16xf32>
        %add3A_1771 = arith.addf %scan3A_1695, %mul3A_1770 : vector<16xf32>
        %mul3A_1772 = arith.mulf %get3A_1761, %get3A_1746 : vector<16xf32>
        %add3A_1773 = arith.addf %scan3A_1696, %mul3A_1772 : vector<16xf32>
        %mul3A_1774 = arith.mulf %get3A_1761, %get3A_1750 : vector<16xf32>
        %add3A_1775 = arith.addf %scan3A_1697, %mul3A_1774 : vector<16xf32>
        %mul3A_1776 = arith.mulf %get3A_1761, %get3A_1754 : vector<16xf32>
        %add3A_1777 = arith.addf %scan3A_1698, %mul3A_1776 : vector<16xf32>
        %add3A_1778 = arith.constant 128 : i32
        %add3A_1779 = arith.addi %add3A_1778, %scan3A_1690 : i32
        %mul3A_1780 = arith.constant 16 : i32
        %mul3A_1781 = arith.muli %add3A_1779, %mul3A_1780 : i32
        %get3A_1782 = arith.index_cast %mul3A_1781 : i32 to index
        %get3A_1783 = tpu.vector_load %arg22[%get3A_1782] {strides = array<i32>} : memref<8192xf32, #tpu.memory_space<vmem>>, vector<16xf32>,
        %get3A_1784 = vector.shape_cast %get3A_1783 : vector<16xf32> to vector<16xf32>
        %mul3A_1785 = arith.mulf %get3A_1784, %get3A_1726 : vector<16xf32>
        %add3A_1786 = arith.addf %scan3A_1699, %mul3A_1785 : vector<16xf32>
        %mul3A_1787 = arith.mulf %get3A_1784, %get3A_1730 : vector<16xf32>
        %add3A_1788 = arith.addf %scan3A_1700, %mul3A_1787 : vector<16xf32>
        %mul3A_1789 = arith.mulf %get3A_1784, %get3A_1734 : vector<16xf32>
        %add3A_1790 = arith.addf %scan3A_1701, %mul3A_1789 : vector<16xf32>
        %mul3A_1791 = arith.mulf %get3A_1784, %get3A_1738 : vector<16xf32>
        %add3A_1792 = arith.addf %scan3A_1702, %mul3A_1791 : vector<16xf32>
        %mul3A_1793 = arith.mulf %get3A_1784, %get3A_1742 : vector<16xf32>
        %add3A_1794 = arith.addf %scan3A_1703, %mul3A_1793 : vector<16xf32>
        %mul3A_1795 = arith.mulf %get3A_1784, %get3A_1746 : vector<16xf32>
        %add3A_1796 = arith.addf %scan3A_1704, %mul3A_1795 : vector<16xf32>
        %mul3A_1797 = arith.mulf %get3A_1784, %get3A_1750 : vector<16xf32>
        %add3A_1798 = arith.addf %scan3A_1705, %mul3A_1797 : vector<16xf32>
        %mul3A_1799 = arith.mulf %get3A_1784, %get3A_1754 : vector<16xf32>
        %add3A_1800 = arith.addf %scan3A_1706, %mul3A_1799 : vector<16xf32>
        %add3A_1801 = arith.constant 256 : i32
        %add3A_1802 = arith.addi %add3A_1801, %scan3A_1690 : i32
        %mul3A_1803 = arith.constant 16 : i32
        %mul3A_1804 = arith.muli %add3A_1802, %mul3A_1803 : i32
        %get3A_1805 = arith.index_cast %mul3A_1804 : i32 to index
        %get3A_1806 = tpu.vector_load %arg22[%get3A_1805] {strides = array<i32>} : memref<8192xf32, #tpu.memory_space<vmem>>, vector<16xf32>,
        %get3A_1807 = vector.shape_cast %get3A_1806 : vector<16xf32> to vector<16xf32>
        %mul3A_1808 = arith.mulf %get3A_1807, %get3A_1726 : vector<16xf32>
        %add3A_1809 = arith.addf %scan3A_1707, %mul3A_1808 : vector<16xf32>
        %mul3A_1810 = arith.mulf %get3A_1807, %get3A_1730 : vector<16xf32>
        %add3A_1811 = arith.addf %scan3A_1708, %mul3A_1810 : vector<16xf32>
        %mul3A_1812 = arith.mulf %get3A_1807, %get3A_1734 : vector<16xf32>
        %add3A_1813 = arith.addf %scan3A_1709, %mul3A_1812 : vector<16xf32>
        %mul3A_1814 = arith.mulf %get3A_1807, %get3A_1738 : vector<16xf32>
        %add3A_1815 = arith.addf %scan3A_1710, %mul3A_1814 : vector<16xf32>
        %mul3A_1816 = arith.mulf %get3A_1807, %get3A_1742 : vector<16xf32>
        %add3A_1817 = arith.addf %scan3A_1711, %mul3A_1816 : vector<16xf32>
        %mul3A_1818 = arith.mulf %get3A_1807, %get3A_1746 : vector<16xf32>
        %add3A_1819 = arith.addf %scan3A_1712, %mul3A_1818 : vector<16xf32>
        %mul3A_1820 = arith.mulf %get3A_1807, %get3A_1750 : vector<16xf32>
        %add3A_1821 = arith.addf %scan3A_1713, %mul3A_1820 : vector<16xf32>
        %mul3A_1822 = arith.mulf %get3A_1807, %get3A_1754 : vector<16xf32>
        %add3A_1823 = arith.addf %scan3A_1714, %mul3A_1822 : vector<16xf32>
        %add3A_1824 = arith.constant 384 : i32
        %add3A_1825 = arith.addi %add3A_1824, %scan3A_1690 : i32
        %mul3A_1826 = arith.constant 16 : i32
        %mul3A_1827 = arith.muli %add3A_1825, %mul3A_1826 : i32
        %get3A_1828 = arith.index_cast %mul3A_1827 : i32 to index
        %get3A_1829 = tpu.vector_load %arg22[%get3A_1828] {strides = array<i32>} : memref<8192xf32, #tpu.memory_space<vmem>>, vector<16xf32>,
        %get3A_1830 = vector.shape_cast %get3A_1829 : vector<16xf32> to vector<16xf32>
        %mul3A_1831 = arith.mulf %get3A_1830, %get3A_1726 : vector<16xf32>
        %add3A_1832 = arith.addf %scan3A_1715, %mul3A_1831 : vector<16xf32>
        %mul3A_1833 = arith.mulf %get3A_1830, %get3A_1730 : vector<16xf32>
        %add3A_1834 = arith.addf %scan3A_1716, %mul3A_1833 : vector<16xf32>
        %mul3A_1835 = arith.mulf %get3A_1830, %get3A_1734 : vector<16xf32>
        %add3A_1836 = arith.addf %scan3A_1717, %mul3A_1835 : vector<16xf32>
        %mul3A_1837 = arith.mulf %get3A_1830, %get3A_1738 : vector<16xf32>
        %add3A_1838 = arith.addf %scan3A_1718, %mul3A_1837 : vector<16xf32>
        %mul3A_1839 = arith.mulf %get3A_1830, %get3A_1742 : vector<16xf32>
        %add3A_1840 = arith.addf %scan3A_1719, %mul3A_1839 : vector<16xf32>
        %mul3A_1841 = arith.mulf %get3A_1830, %get3A_1746 : vector<16xf32>
        %add3A_1842 = arith.addf %scan3A_1720, %mul3A_1841 : vector<16xf32>
        %mul3A_1843 = arith.mulf %get3A_1830, %get3A_1750 : vector<16xf32>
        %add3A_1844 = arith.addf %scan3A_1721, %mul3A_1843 : vector<16xf32>
        %mul3A_1845 = arith.mulf %get3A_1830, %get3A_1754 : vector<16xf32>
        %add3A_1846 = arith.addf %scan3A_1722, %mul3A_1845 : vector<16xf32>
        scf.yield %add3A_1763, %add3A_1765, %add3A_1767, %add3A_1769, %add3A_1771, %add3A_1773, %add3A_1775, %add3A_1777, %add3A_1786, %add3A_1788, %add3A_1790, %add3A_1792, %add3A_1794, %add3A_1796, %add3A_1798, %add3A_1800, %add3A_1809, %add3A_1811, %add3A_1813, %add3A_1815, %add3A_1817, %add3A_1819, %add3A_1821, %add3A_1823, %add3A_1832, %add3A_1834, %add3A_1836, %add3A_1838, %add3A_1840, %add3A_1842, %add3A_1844, %add3A_1846 : vector<16xf32>, vector<16xf32>, vector<16xf32>, vector<16xf32>, vector<16xf32>, vector<16xf32>, vector<16xf32>, vector<16xf32>, vector<16xf32>, vector<16xf32>, vector<16xf32>, vector<16xf32>, vector<16xf32>, vector<16xf32>, vector<16xf32>, vector<16xf32>, vector<16xf32>, vector<16xf32>, vector<16xf32>, vector<16xf32>, vector<16xf32>, vector<16xf32>, vector<16xf32>, vector<16xf32>, vector<16xf32>, vector<16xf32>, vector<16xf32>, vector<16xf32>, vector<16xf32>, vector<16xf32>, vector<16xf32>, vector<16xf32>
      }
      %scan3A_1617 = arith.constant 128 : i32
      %mul3A_1618 = arith.constant 2 : i32
      %mul3A_1619 = arith.muli %mul3A_1618, %scan3A_1547 : i32
      %add3A_1620 = arith.constant 0 : i32
      %add3A_1621 = arith.addi %mul3A_1619, %add3A_1620 : i32
      %add3A_1622 = arith.constant 2 : i32
      %add3A_1623 = arith.addi %add3A_1621, %add3A_1622 : i32
      %mul3A_1624 = arith.constant 128 : i32
      %mul3A_1625 = arith.muli %add3A_1623, %mul3A_1624 : i32
      %add3A_1626 = arith.addi %mul3A_74, %mul3A_1625 : i32
      %mul3A_1627 = arith.constant 2 : i32
      %mul3A_1628 = arith.muli %mul3A_1627, %scan3A_1547 : i32
      %add3A_1629 = arith.constant 0 : i32
      %add3A_1630 = arith.addi %mul3A_1628, %add3A_1629 : i32
      %add3A_1631 = arith.constant 2 : i32
      %add3A_1632 = arith.addi %add3A_1630, %add3A_1631 : i32
      %lt3A_1633 = arith.constant 8 : i32
      %lt3A_1634 = arith.cmpi slt, %add3A_1632, %lt3A_1633 : i32
      %convert_element_type3A = arith.extui %lt3A_1634 : i1 to i32
      %cond3A = arith.constant 0 : i32
      %cond3A_1635 = arith.cmpi ne, %convert_element_type3A, %cond3A : i32
      scf.if %cond3A_1635 {
        %dma_start3A_1690 = arith.constant 0 : i32
        %dma_start3A_1691 = tpu.memref_slice %arg7[%add3A_18, %add3A_1626, %select_n3A_56, %dma_start3A_1690] : memref<64x2048x4x128xf32, #tpu.memory_space<hbm>> -> memref<1x128x1x128xf32, #tpu.memory_space<hbm>>
        %dma_start3A_1692 = tpu.memref_squeeze %dma_start3A_1691 : memref<1x128x1x128xf32, #tpu.memory_space<hbm>> -> memref<128x128xf32, #tpu.memory_space<hbm>>
        %dma_start3A_1693 = arith.constant 0 : i32
        %dma_start3A_1694 = tpu.memref_slice %arg7[%add3A_18, %add3A_1626, %select_n3A_56, %dma_start3A_1693] : memref<64x2048x4x128xf32, #tpu.memory_space<hbm>> -> memref<1x128x1x128xf32, #tpu.memory_space<hbm>>
        %dma_start3A_1695 = tpu.memref_squeeze %dma_start3A_1694 : memref<1x128x1x128xf32, #tpu.memory_space<hbm>> -> memref<128x128xf32, #tpu.memory_space<hbm>>
        tpu.enqueue_dma source(%dma_start3A_1695 : memref<128x128xf32, #tpu.memory_space<hbm>>) target(%arg11 : memref<128x128xf32, #tpu.memory_space<vmem>>) target_semaphore(%arg25 : memref<!tpu.dma_semaphore, #tpu.memory_space<semaphore_mem>>)
        %dma_start3A_1696 = arith.constant 0 : i32
        %dma_start3A_1697 = tpu.memref_slice %arg8[%add3A_18, %add3A_1626, %select_n3A_56, %dma_start3A_1696] : memref<64x2048x4x128xf32, #tpu.memory_space<hbm>> -> memref<1x128x1x128xf32, #tpu.memory_space<hbm>>
        %dma_start3A_1698 = tpu.memref_squeeze %dma_start3A_1697 : memref<1x128x1x128xf32, #tpu.memory_space<hbm>> -> memref<128x128xf32, #tpu.memory_space<hbm>>
        %dma_start3A_1699 = arith.constant 0 : i32
        %dma_start3A_1700 = tpu.memref_slice %arg8[%add3A_18, %add3A_1626, %select_n3A_56, %dma_start3A_1699] : memref<64x2048x4x128xf32, #tpu.memory_space<hbm>> -> memref<1x128x1x128xf32, #tpu.memory_space<hbm>>
        %dma_start3A_1701 = tpu.memref_squeeze %dma_start3A_1700 : memref<1x128x1x128xf32, #tpu.memory_space<hbm>> -> memref<128x128xf32, #tpu.memory_space<hbm>>
        tpu.enqueue_dma source(%dma_start3A_1701 : memref<128x128xf32, #tpu.memory_space<hbm>>) target(%arg13 : memref<128x128xf32, #tpu.memory_space<vmem>>) target_semaphore(%arg27 : memref<!tpu.dma_semaphore, #tpu.memory_space<semaphore_mem>>)
        %dma_start3A_1702 = arith.constant 0 : i32
        %dma_start3A_1703 = tpu.memref_slice %arg6[%add3A_1626, %dma_start3A_1702] : memref<2048x128xf32, #tpu.memory_space<hbm>> -> memref<128x128xf32, #tpu.memory_space<hbm>>
        %dma_start3A_1704 = arith.constant 0 : i32
        %dma_start3A_1705 = tpu.memref_slice %arg6[%add3A_1626, %dma_start3A_1704] : memref<2048x128xf32, #tpu.memory_space<hbm>> -> memref<128x128xf32, #tpu.memory_space<hbm>>
        tpu.enqueue_dma source(%dma_start3A_1705 : memref<128x128xf32, #tpu.memory_space<hbm>>) target(%arg15 : memref<128x128xf32, #tpu.memory_space<vmem>>) target_semaphore(%arg29 : memref<!tpu.dma_semaphore, #tpu.memory_space<semaphore_mem>>)
      } else {
      }
      %dma_wait3A_1636 = arith.constant 0 : i32
      %dma_wait3A_1637 = arith.constant 0 : i32
      %dma_wait3A_1638 = tpu.memref_slice %arg7[%add3A_18, %dma_wait3A_1636, %select_n3A_56, %dma_wait3A_1637] : memref<64x2048x4x128xf32, #tpu.memory_space<hbm>> -> memref<1x128x1x128xf32, #tpu.memory_space<hbm>>
      %dma_wait3A_1639 = tpu.memref_squeeze %dma_wait3A_1638 : memref<1x128x1x128xf32, #tpu.memory_space<hbm>> -> memref<128x128xf32, #tpu.memory_space<hbm>>
      %dma_wait3A_1640 = arith.constant 0 : i32
      %dma_wait3A_1641 = arith.constant 0 : i32
      %dma_wait3A_1642 = tpu.memref_slice %arg7[%add3A_18, %dma_wait3A_1640, %select_n3A_56, %dma_wait3A_1641] : memref<64x2048x4x128xf32, #tpu.memory_space<hbm>> -> memref<1x128x1x128xf32, #tpu.memory_space<hbm>>
      %dma_wait3A_1643 = tpu.memref_squeeze %dma_wait3A_1642 : memref<1x128x1x128xf32, #tpu.memory_space<hbm>> -> memref<128x128xf32, #tpu.memory_space<hbm>>
      tpu.wait_dma2 semaphore(%arg26 : memref<!tpu.dma_semaphore, #tpu.memory_space<semaphore_mem>>) src(%dma_wait3A_1643 : memref<128x128xf32, #tpu.memory_space<hbm>>) dst(%arg12 : memref<128x128xf32, #tpu.memory_space<vmem>>)
      %dma_wait3A_1644 = arith.constant 0 : i32
      %dma_wait3A_1645 = arith.constant 0 : i32
      %dma_wait3A_1646 = tpu.memref_slice %arg8[%add3A_18, %dma_wait3A_1644, %select_n3A_56, %dma_wait3A_1645] : memref<64x2048x4x128xf32, #tpu.memory_space<hbm>> -> memref<1x128x1x128xf32, #tpu.memory_space<hbm>>
      %dma_wait3A_1647 = tpu.memref_squeeze %dma_wait3A_1646 : memref<1x128x1x128xf32, #tpu.memory_space<hbm>> -> memref<128x128xf32, #tpu.memory_space<hbm>>
      %dma_wait3A_1648 = arith.constant 0 : i32
      %dma_wait3A_1649 = arith.constant 0 : i32
      %dma_wait3A_1650 = tpu.memref_slice %arg8[%add3A_18, %dma_wait3A_1648, %select_n3A_56, %dma_wait3A_1649] : memref<64x2048x4x128xf32, #tpu.memory_space<hbm>> -> memref<1x128x1x128xf32, #tpu.memory_space<hbm>>
      %dma_wait3A_1651 = tpu.memref_squeeze %dma_wait3A_1650 : memref<1x128x1x128xf32, #tpu.memory_space<hbm>> -> memref<128x128xf32, #tpu.memory_space<hbm>>
      tpu.wait_dma2 semaphore(%arg28 : memref<!tpu.dma_semaphore, #tpu.memory_space<semaphore_mem>>) src(%dma_wait3A_1651 : memref<128x128xf32, #tpu.memory_space<hbm>>) dst(%arg14 : memref<128x128xf32, #tpu.memory_space<vmem>>)
      %dma_wait3A_1652 = arith.constant 0 : i32
      %dma_wait3A_1653 = arith.constant 0 : i32
      %dma_wait3A_1654 = tpu.memref_slice %arg6[%dma_wait3A_1652, %dma_wait3A_1653] : memref<2048x128xf32, #tpu.memory_space<hbm>> -> memref<128x128xf32, #tpu.memory_space<hbm>>
      %dma_wait3A_1655 = arith.constant 0 : i32
      %dma_wait3A_1656 = arith.constant 0 : i32
      %dma_wait3A_1657 = tpu.memref_slice %arg6[%dma_wait3A_1655, %dma_wait3A_1656] : memref<2048x128xf32, #tpu.memory_space<hbm>> -> memref<128x128xf32, #tpu.memory_space<hbm>>
      tpu.wait_dma2 semaphore(%arg30 : memref<!tpu.dma_semaphore, #tpu.memory_space<semaphore_mem>>) src(%dma_wait3A_1657 : memref<128x128xf32, #tpu.memory_space<hbm>>) dst(%arg16 : memref<128x128xf32, #tpu.memory_space<vmem>>)
      %scan3A_1658 = arith.constant 0 : i32
      %scan3A_1659 = arith.constant 128 : i32
      %scan3A_1660 = arith.addi %scan3A_1658, %scan3A_1659 : i32
      %scan3A_1661 = arith.constant 1 : i32
      %scan3A_1662:4 = scf.for %scan3A_1690 = %scan3A_1658 to %scan3A_1660 step %scan3A_1661 iter_args(%scan3A_1691 = %scan3A_1610#0, %scan3A_1692 = %scan3A_1610#1, %scan3A_1693 = %scan3A_1610#2, %scan3A_1694 = %scan3A_1610#3) -> (vector<16xf32>, vector<16xf32>, vector<16xf32>, vector<16xf32>)  : i32 {
        %get3A_1695 = arith.index_cast %scan3A_1690 : i32 to index
        %get3A_1696 = arith.constant 0 : index
        %get3A_1697 = tpu.vector_load %arg16[%get3A_1695, %get3A_1696] {strides = array<i32>} : memref<128x128xf32, #tpu.memory_space<vmem>>, vector<1x16xf32>,
        %get3A_1698 = vector.shape_cast %get3A_1697 : vector<1x16xf32> to vector<16xf32>
        %get3A_1699 = arith.index_cast %scan3A_1690 : i32 to index
        %get3A_1700 = arith.constant 16 : index
        %get3A_1701 = tpu.vector_load %arg16[%get3A_1699, %get3A_1700] {strides = array<i32>} : memref<128x128xf32, #tpu.memory_space<vmem>>, vector<1x16xf32>,
        %get3A_1702 = vector.shape_cast %get3A_1701 : vector<1x16xf32> to vector<16xf32>
        %get3A_1703 = arith.index_cast %scan3A_1690 : i32 to index
        %get3A_1704 = arith.constant 32 : index
        %get3A_1705 = tpu.vector_load %arg16[%get3A_1703, %get3A_1704] {strides = array<i32>} : memref<128x128xf32, #tpu.memory_space<vmem>>, vector<1x16xf32>,
        %get3A_1706 = vector.shape_cast %get3A_1705 : vector<1x16xf32> to vector<16xf32>
        %get3A_1707 = arith.index_cast %scan3A_1690 : i32 to index
        %get3A_1708 = arith.constant 48 : index
        %get3A_1709 = tpu.vector_load %arg16[%get3A_1707, %get3A_1708] {strides = array<i32>} : memref<128x128xf32, #tpu.memory_space<vmem>>, vector<1x16xf32>,
        %get3A_1710 = vector.shape_cast %get3A_1709 : vector<1x16xf32> to vector<16xf32>
        %get3A_1711 = arith.index_cast %scan3A_1690 : i32 to index
        %get3A_1712 = arith.constant 64 : index
        %get3A_1713 = tpu.vector_load %arg16[%get3A_1711, %get3A_1712] {strides = array<i32>} : memref<128x128xf32, #tpu.memory_space<vmem>>, vector<1x16xf32>,
        %get3A_1714 = vector.shape_cast %get3A_1713 : vector<1x16xf32> to vector<16xf32>
        %get3A_1715 = arith.index_cast %scan3A_1690 : i32 to index
        %get3A_1716 = arith.constant 80 : index
        %get3A_1717 = tpu.vector_load %arg16[%get3A_1715, %get3A_1716] {strides = array<i32>} : memref<128x128xf32, #tpu.memory_space<vmem>>, vector<1x16xf32>,
        %get3A_1718 = vector.shape_cast %get3A_1717 : vector<1x16xf32> to vector<16xf32>
        %get3A_1719 = arith.index_cast %scan3A_1690 : i32 to index
        %get3A_1720 = arith.constant 96 : index
        %get3A_1721 = tpu.vector_load %arg16[%get3A_1719, %get3A_1720] {strides = array<i32>} : memref<128x128xf32, #tpu.memory_space<vmem>>, vector<1x16xf32>,
        %get3A_1722 = vector.shape_cast %get3A_1721 : vector<1x16xf32> to vector<16xf32>
        %get3A_1723 = arith.index_cast %scan3A_1690 : i32 to index
        %get3A_1724 = arith.constant 112 : index
        %get3A_1725 = tpu.vector_load %arg16[%get3A_1723, %get3A_1724] {strides = array<i32>} : memref<128x128xf32, #tpu.memory_space<vmem>>, vector<1x16xf32>,
        %get3A_1726 = vector.shape_cast %get3A_1725 : vector<1x16xf32> to vector<16xf32>
        %get3A_1727 = arith.index_cast %scan3A_1690 : i32 to index
        %get3A_1728 = arith.constant 0 : index
        %get3A_1729 = tpu.vector_load %arg12[%get3A_1727, %get3A_1728] {strides = array<i32>} : memref<128x128xf32, #tpu.memory_space<vmem>>, vector<1x16xf32>,
        %get3A_1730 = vector.shape_cast %get3A_1729 : vector<1x16xf32> to vector<16xf32>
        %get3A_1731 = arith.index_cast %scan3A_1690 : i32 to index
        %get3A_1732 = arith.constant 64 : index
        %get3A_1733 = tpu.vector_load %arg12[%get3A_1731, %get3A_1732] {strides = array<i32>} : memref<128x128xf32, #tpu.memory_space<vmem>>, vector<1x16xf32>,
        %get3A_1734 = vector.shape_cast %get3A_1733 : vector<1x16xf32> to vector<16xf32>
        %mul3A_1735 = arith.mulf %get3A_1730, %get3A_1698 : vector<16xf32>
        %mul3A_1736 = arith.mulf %get3A_1734, %get3A_1714 : vector<16xf32>
        %sub3A_1737 = arith.subf %mul3A_1735, %mul3A_1736 : vector<16xf32>
        %mul3A_1738 = arith.mulf %get3A_1734, %get3A_1698 : vector<16xf32>
        %mul3A_1739 = arith.mulf %get3A_1730, %get3A_1714 : vector<16xf32>
        %add3A_1740 = arith.addf %mul3A_1738, %mul3A_1739 : vector<16xf32>
        %get3A_1741 = arith.index_cast %scan3A_1690 : i32 to index
        %get3A_1742 = arith.constant 16 : index
        %get3A_1743 = tpu.vector_load %arg12[%get3A_1741, %get3A_1742] {strides = array<i32>} : memref<128x128xf32, #tpu.memory_space<vmem>>, vector<1x16xf32>,
        %get3A_1744 = vector.shape_cast %get3A_1743 : vector<1x16xf32> to vector<16xf32>
        %get3A_1745 = arith.index_cast %scan3A_1690 : i32 to index
        %get3A_1746 = arith.constant 80 : index
        %get3A_1747 = tpu.vector_load %arg12[%get3A_1745, %get3A_1746] {strides = array<i32>} : memref<128x128xf32, #tpu.memory_space<vmem>>, vector<1x16xf32>,
        %get3A_1748 = vector.shape_cast %get3A_1747 : vector<1x16xf32> to vector<16xf32>
        %mul3A_1749 = arith.mulf %get3A_1744, %get3A_1702 : vector<16xf32>
        %mul3A_1750 = arith.mulf %get3A_1748, %get3A_1718 : vector<16xf32>
        %sub3A_1751 = arith.subf %mul3A_1749, %mul3A_1750 : vector<16xf32>
        %mul3A_1752 = arith.mulf %get3A_1748, %get3A_1702 : vector<16xf32>
        %mul3A_1753 = arith.mulf %get3A_1744, %get3A_1718 : vector<16xf32>
        %add3A_1754 = arith.addf %mul3A_1752, %mul3A_1753 : vector<16xf32>
        %get3A_1755 = arith.index_cast %scan3A_1690 : i32 to index
        %get3A_1756 = arith.constant 32 : index
        %get3A_1757 = tpu.vector_load %arg12[%get3A_1755, %get3A_1756] {strides = array<i32>} : memref<128x128xf32, #tpu.memory_space<vmem>>, vector<1x16xf32>,
        %get3A_1758 = vector.shape_cast %get3A_1757 : vector<1x16xf32> to vector<16xf32>
        %get3A_1759 = arith.index_cast %scan3A_1690 : i32 to index
        %get3A_1760 = arith.constant 96 : index
        %get3A_1761 = tpu.vector_load %arg12[%get3A_1759, %get3A_1760] {strides = array<i32>} : memref<128x128xf32, #tpu.memory_space<vmem>>, vector<1x16xf32>,
        %get3A_1762 = vector.shape_cast %get3A_1761 : vector<1x16xf32> to vector<16xf32>
        %mul3A_1763 = arith.mulf %get3A_1758, %get3A_1706 : vector<16xf32>
        %mul3A_1764 = arith.mulf %get3A_1762, %get3A_1722 : vector<16xf32>
        %sub3A_1765 = arith.subf %mul3A_1763, %mul3A_1764 : vector<16xf32>
        %mul3A_1766 = arith.mulf %get3A_1762, %get3A_1706 : vector<16xf32>
        %mul3A_1767 = arith.mulf %get3A_1758, %get3A_1722 : vector<16xf32>
        %add3A_1768 = arith.addf %mul3A_1766, %mul3A_1767 : vector<16xf32>
        %get3A_1769 = arith.index_cast %scan3A_1690 : i32 to index
        %get3A_1770 = arith.constant 48 : index
        %get3A_1771 = tpu.vector_load %arg12[%get3A_1769, %get3A_1770] {strides = array<i32>} : memref<128x128xf32, #tpu.memory_space<vmem>>, vector<1x16xf32>,
        %get3A_1772 = vector.shape_cast %get3A_1771 : vector<1x16xf32> to vector<16xf32>
        %get3A_1773 = arith.index_cast %scan3A_1690 : i32 to index
        %get3A_1774 = arith.constant 112 : index
        %get3A_1775 = tpu.vector_load %arg12[%get3A_1773, %get3A_1774] {strides = array<i32>} : memref<128x128xf32, #tpu.memory_space<vmem>>, vector<1x16xf32>,
        %get3A_1776 = vector.shape_cast %get3A_1775 : vector<1x16xf32> to vector<16xf32>
        %mul3A_1777 = arith.mulf %get3A_1772, %get3A_1710 : vector<16xf32>
        %mul3A_1778 = arith.mulf %get3A_1776, %get3A_1726 : vector<16xf32>
        %sub3A_1779 = arith.subf %mul3A_1777, %mul3A_1778 : vector<16xf32>
        %mul3A_1780 = arith.mulf %get3A_1776, %get3A_1710 : vector<16xf32>
        %mul3A_1781 = arith.mulf %get3A_1772, %get3A_1726 : vector<16xf32>
        %add3A_1782 = arith.addf %mul3A_1780, %mul3A_1781 : vector<16xf32>
        %get3A_1783 = arith.constant 0 : i32
        %get3A_1784 = arith.index_cast %get3A_1783 : i32 to index
        %get3A_1785 = arith.constant 0 : index
        %get3A_1786 = tpu.vector_load %arg18[%get3A_1784, %get3A_1785] {strides = array<i32>} : memref<4x128xf32, #tpu.memory_space<vmem>>, vector<1x16xf32>,
        %get3A_1787 = vector.shape_cast %get3A_1786 : vector<1x16xf32> to vector<16xf32>
        %mul3A_1788 = arith.mulf %sub3A_1737, %get3A_1787 : vector<16xf32>
        %get3A_1789 = arith.constant 0 : i32
        %get3A_1790 = arith.index_cast %get3A_1789 : i32 to index
        %get3A_1791 = arith.constant 16 : index
        %get3A_1792 = tpu.vector_load %arg18[%get3A_1790, %get3A_1791] {strides = array<i32>} : memref<4x128xf32, #tpu.memory_space<vmem>>, vector<1x16xf32>,
        %get3A_1793 = vector.shape_cast %get3A_1792 : vector<1x16xf32> to vector<16xf32>
        %mul3A_1794 = arith.mulf %sub3A_1751, %get3A_1793 : vector<16xf32>
        %add3A_1795 = arith.addf %mul3A_1788, %mul3A_1794 : vector<16xf32>
        %get3A_1796 = arith.constant 0 : i32
        %get3A_1797 = arith.index_cast %get3A_1796 : i32 to index
        %get3A_1798 = arith.constant 32 : index
        %get3A_1799 = tpu.vector_load %arg18[%get3A_1797, %get3A_1798] {strides = array<i32>} : memref<4x128xf32, #tpu.memory_space<vmem>>, vector<1x16xf32>,
        %get3A_1800 = vector.shape_cast %get3A_1799 : vector<1x16xf32> to vector<16xf32>
        %mul3A_1801 = arith.mulf %sub3A_1765, %get3A_1800 : vector<16xf32>
        %add3A_1802 = arith.addf %add3A_1795, %mul3A_1801 : vector<16xf32>
        %get3A_1803 = arith.constant 0 : i32
        %get3A_1804 = arith.index_cast %get3A_1803 : i32 to index
        %get3A_1805 = arith.constant 48 : index
        %get3A_1806 = tpu.vector_load %arg18[%get3A_1804, %get3A_1805] {strides = array<i32>} : memref<4x128xf32, #tpu.memory_space<vmem>>, vector<1x16xf32>,
        %get3A_1807 = vector.shape_cast %get3A_1806 : vector<1x16xf32> to vector<16xf32>
        %mul3A_1808 = arith.mulf %sub3A_1779, %get3A_1807 : vector<16xf32>
        %add3A_1809 = arith.addf %add3A_1802, %mul3A_1808 : vector<16xf32>
        %get3A_1810 = arith.constant 0 : i32
        %get3A_1811 = arith.index_cast %get3A_1810 : i32 to index
        %get3A_1812 = arith.constant 64 : index
        %get3A_1813 = tpu.vector_load %arg18[%get3A_1811, %get3A_1812] {strides = array<i32>} : memref<4x128xf32, #tpu.memory_space<vmem>>, vector<1x16xf32>,
        %get3A_1814 = vector.shape_cast %get3A_1813 : vector<1x16xf32> to vector<16xf32>
        %mul3A_1815 = arith.mulf %add3A_1740, %get3A_1814 : vector<16xf32>
        %add3A_1816 = arith.addf %add3A_1809, %mul3A_1815 : vector<16xf32>
        %get3A_1817 = arith.constant 0 : i32
        %get3A_1818 = arith.index_cast %get3A_1817 : i32 to index
        %get3A_1819 = arith.constant 80 : index
        %get3A_1820 = tpu.vector_load %arg18[%get3A_1818, %get3A_1819] {strides = array<i32>} : memref<4x128xf32, #tpu.memory_space<vmem>>, vector<1x16xf32>,
        %get3A_1821 = vector.shape_cast %get3A_1820 : vector<1x16xf32> to vector<16xf32>
        %mul3A_1822 = arith.mulf %add3A_1754, %get3A_1821 : vector<16xf32>
        %add3A_1823 = arith.addf %add3A_1816, %mul3A_1822 : vector<16xf32>
        %get3A_1824 = arith.constant 0 : i32
        %get3A_1825 = arith.index_cast %get3A_1824 : i32 to index
        %get3A_1826 = arith.constant 96 : index
        %get3A_1827 = tpu.vector_load %arg18[%get3A_1825, %get3A_1826] {strides = array<i32>} : memref<4x128xf32, #tpu.memory_space<vmem>>, vector<1x16xf32>,
        %get3A_1828 = vector.shape_cast %get3A_1827 : vector<1x16xf32> to vector<16xf32>
        %mul3A_1829 = arith.mulf %add3A_1768, %get3A_1828 : vector<16xf32>
        %add3A_1830 = arith.addf %add3A_1823, %mul3A_1829 : vector<16xf32>
        %get3A_1831 = arith.constant 0 : i32
        %get3A_1832 = arith.index_cast %get3A_1831 : i32 to index
        %get3A_1833 = arith.constant 112 : index
        %get3A_1834 = tpu.vector_load %arg18[%get3A_1832, %get3A_1833] {strides = array<i32>} : memref<4x128xf32, #tpu.memory_space<vmem>>, vector<1x16xf32>,
        %get3A_1835 = vector.shape_cast %get3A_1834 : vector<1x16xf32> to vector<16xf32>
        %mul3A_1836 = arith.mulf %add3A_1782, %get3A_1835 : vector<16xf32>
        %add3A_1837 = arith.addf %add3A_1830, %mul3A_1836 : vector<16xf32>
        %iota3A_1838 = tpu.iota {dimensions = array<i32: 0>} : vector<16xi32>
        %xor3A_1839 = arith.constant 8 : i32
        %xor3A_1840 = vector.broadcast %xor3A_1839 : i32 to vector<16xi32>
        %xor3A_1841 = arith.xori %iota3A_1838, %xor3A_1840 : vector<16xi32>
        %broadcast_in_dim3A_1842 = vector.shape_cast %xor3A_1841 : vector<16xi32> to vector<16x1xi32>
        %gather3A_1843 = vector.shape_cast %broadcast_in_dim3A_1842 : vector<16x1xi32> to vector<16xi32>
        %gather3A_1844 = tpu.dynamic_gather %add3A_1837[%gather3A_1843] in [0] : vector<16xf32>, vector<16xi32> -> vector<16xf32>
        %add3A_1845 = arith.addf %add3A_1837, %gather3A_1844 : vector<16xf32>
        %iota3A_1846 = tpu.iota {dimensions = array<i32: 0>} : vector<16xi32>
        %xor3A_1847 = arith.constant 4 : i32
        %xor3A_1848 = vector.broadcast %xor3A_1847 : i32 to vector<16xi32>
        %xor3A_1849 = arith.xori %iota3A_1846, %xor3A_1848 : vector<16xi32>
        %broadcast_in_dim3A_1850 = vector.shape_cast %xor3A_1849 : vector<16xi32> to vector<16x1xi32>
        %gather3A_1851 = vector.shape_cast %broadcast_in_dim3A_1850 : vector<16x1xi32> to vector<16xi32>
        %gather3A_1852 = tpu.dynamic_gather %add3A_1845[%gather3A_1851] in [0] : vector<16xf32>, vector<16xi32> -> vector<16xf32>
        %add3A_1853 = arith.addf %add3A_1845, %gather3A_1852 : vector<16xf32>
        %iota3A_1854 = tpu.iota {dimensions = array<i32: 0>} : vector<16xi32>
        %xor3A_1855 = arith.constant 2 : i32
        %xor3A_1856 = vector.broadcast %xor3A_1855 : i32 to vector<16xi32>
        %xor3A_1857 = arith.xori %iota3A_1854, %xor3A_1856 : vector<16xi32>
        %broadcast_in_dim3A_1858 = vector.shape_cast %xor3A_1857 : vector<16xi32> to vector<16x1xi32>
        %gather3A_1859 = vector.shape_cast %broadcast_in_dim3A_1858 : vector<16x1xi32> to vector<16xi32>
        %gather3A_1860 = tpu.dynamic_gather %add3A_1853[%gather3A_1859] in [0] : vector<16xf32>, vector<16xi32> -> vector<16xf32>
        %add3A_1861 = arith.addf %add3A_1853, %gather3A_1860 : vector<16xf32>
        %iota3A_1862 = tpu.iota {dimensions = array<i32: 0>} : vector<16xi32>
        %xor3A_1863 = arith.constant 1 : i32
        %xor3A_1864 = vector.broadcast %xor3A_1863 : i32 to vector<16xi32>
        %xor3A_1865 = arith.xori %iota3A_1862, %xor3A_1864 : vector<16xi32>
        %broadcast_in_dim3A_1866 = vector.shape_cast %xor3A_1865 : vector<16xi32> to vector<16x1xi32>
        %gather3A_1867 = vector.shape_cast %broadcast_in_dim3A_1866 : vector<16x1xi32> to vector<16xi32>
        %gather3A_1868 = tpu.dynamic_gather %add3A_1861[%gather3A_1867] in [0] : vector<16xf32>, vector<16xi32> -> vector<16xf32>
        %add3A_1869 = arith.addf %add3A_1861, %gather3A_1868 : vector<16xf32>
        %exp3A_1870 = math.exp %add3A_1869 : vector<16xf32>
        %add3A_1871 = arith.constant 0 : i32
        %add3A_1872 = arith.addi %add3A_1871, %scan3A_1690 : i32
        %mul3A_1873 = arith.constant 16 : i32
        %mul3A_1874 = arith.muli %add3A_1872, %mul3A_1873 : i32
        %swap3A_1875 = arith.index_cast %mul3A_1874 : i32 to index
        %swap3A_1876 = tpu.vector_load %arg22[%swap3A_1875] {strides = array<i32>} : memref<8192xf32, #tpu.memory_space<vmem>>, vector<16xf32>,
        %swap3A_1877 = vector.shape_cast %swap3A_1876 : vector<16xf32> to vector<16xf32>
        %swap3A_1878 = vector.shape_cast %exp3A_1870 : vector<16xf32> to vector<16xf32>
        tpu.vector_store %arg22[%swap3A_1875], %swap3A_1878 {strides = array<i32>} : memref<8192xf32, #tpu.memory_space<vmem>>, vector<16xf32>,
        %get3A_1879 = arith.constant 1 : i32
        %get3A_1880 = arith.index_cast %get3A_1879 : i32 to index
        %get3A_1881 = arith.constant 0 : index
        %get3A_1882 = tpu.vector_load %arg18[%get3A_1880, %get3A_1881] {strides = array<i32>} : memref<4x128xf32, #tpu.memory_space<vmem>>, vector<1x16xf32>,
        %get3A_1883 = vector.shape_cast %get3A_1882 : vector<1x16xf32> to vector<16xf32>
        %mul3A_1884 = arith.mulf %sub3A_1737, %get3A_1883 : vector<16xf32>
        %get3A_1885 = arith.constant 1 : i32
        %get3A_1886 = arith.index_cast %get3A_1885 : i32 to index
        %get3A_1887 = arith.constant 16 : index
        %get3A_1888 = tpu.vector_load %arg18[%get3A_1886, %get3A_1887] {strides = array<i32>} : memref<4x128xf32, #tpu.memory_space<vmem>>, vector<1x16xf32>,
        %get3A_1889 = vector.shape_cast %get3A_1888 : vector<1x16xf32> to vector<16xf32>
        %mul3A_1890 = arith.mulf %sub3A_1751, %get3A_1889 : vector<16xf32>
        %add3A_1891 = arith.addf %mul3A_1884, %mul3A_1890 : vector<16xf32>
        %get3A_1892 = arith.constant 1 : i32
        %get3A_1893 = arith.index_cast %get3A_1892 : i32 to index
        %get3A_1894 = arith.constant 32 : index
        %get3A_1895 = tpu.vector_load %arg18[%get3A_1893, %get3A_1894] {strides = array<i32>} : memref<4x128xf32, #tpu.memory_space<vmem>>, vector<1x16xf32>,
        %get3A_1896 = vector.shape_cast %get3A_1895 : vector<1x16xf32> to vector<16xf32>
        %mul3A_1897 = arith.mulf %sub3A_1765, %get3A_1896 : vector<16xf32>
        %add3A_1898 = arith.addf %add3A_1891, %mul3A_1897 : vector<16xf32>
        %get3A_1899 = arith.constant 1 : i32
        %get3A_1900 = arith.index_cast %get3A_1899 : i32 to index
        %get3A_1901 = arith.constant 48 : index
        %get3A_1902 = tpu.vector_load %arg18[%get3A_1900, %get3A_1901] {strides = array<i32>} : memref<4x128xf32, #tpu.memory_space<vmem>>, vector<1x16xf32>,
        %get3A_1903 = vector.shape_cast %get3A_1902 : vector<1x16xf32> to vector<16xf32>
        %mul3A_1904 = arith.mulf %sub3A_1779, %get3A_1903 : vector<16xf32>
        %add3A_1905 = arith.addf %add3A_1898, %mul3A_1904 : vector<16xf32>
        %get3A_1906 = arith.constant 1 : i32
        %get3A_1907 = arith.index_cast %get3A_1906 : i32 to index
        %get3A_1908 = arith.constant 64 : index
        %get3A_1909 = tpu.vector_load %arg18[%get3A_1907, %get3A_1908] {strides = array<i32>} : memref<4x128xf32, #tpu.memory_space<vmem>>, vector<1x16xf32>,
        %get3A_1910 = vector.shape_cast %get3A_1909 : vector<1x16xf32> to vector<16xf32>
        %mul3A_1911 = arith.mulf %add3A_1740, %get3A_1910 : vector<16xf32>
        %add3A_1912 = arith.addf %add3A_1905, %mul3A_1911 : vector<16xf32>
        %get3A_1913 = arith.constant 1 : i32
        %get3A_1914 = arith.index_cast %get3A_1913 : i32 to index
        %get3A_1915 = arith.constant 80 : index
        %get3A_1916 = tpu.vector_load %arg18[%get3A_1914, %get3A_1915] {strides = array<i32>} : memref<4x128xf32, #tpu.memory_space<vmem>>, vector<1x16xf32>,
        %get3A_1917 = vector.shape_cast %get3A_1916 : vector<1x16xf32> to vector<16xf32>
        %mul3A_1918 = arith.mulf %add3A_1754, %get3A_1917 : vector<16xf32>
        %add3A_1919 = arith.addf %add3A_1912, %mul3A_1918 : vector<16xf32>
        %get3A_1920 = arith.constant 1 : i32
        %get3A_1921 = arith.index_cast %get3A_1920 : i32 to index
        %get3A_1922 = arith.constant 96 : index
        %get3A_1923 = tpu.vector_load %arg18[%get3A_1921, %get3A_1922] {strides = array<i32>} : memref<4x128xf32, #tpu.memory_space<vmem>>, vector<1x16xf32>,
        %get3A_1924 = vector.shape_cast %get3A_1923 : vector<1x16xf32> to vector<16xf32>
        %mul3A_1925 = arith.mulf %add3A_1768, %get3A_1924 : vector<16xf32>
        %add3A_1926 = arith.addf %add3A_1919, %mul3A_1925 : vector<16xf32>
        %get3A_1927 = arith.constant 1 : i32
        %get3A_1928 = arith.index_cast %get3A_1927 : i32 to index
        %get3A_1929 = arith.constant 112 : index
        %get3A_1930 = tpu.vector_load %arg18[%get3A_1928, %get3A_1929] {strides = array<i32>} : memref<4x128xf32, #tpu.memory_space<vmem>>, vector<1x16xf32>,
        %get3A_1931 = vector.shape_cast %get3A_1930 : vector<1x16xf32> to vector<16xf32>
        %mul3A_1932 = arith.mulf %add3A_1782, %get3A_1931 : vector<16xf32>
        %add3A_1933 = arith.addf %add3A_1926, %mul3A_1932 : vector<16xf32>
        %iota3A_1934 = tpu.iota {dimensions = array<i32: 0>} : vector<16xi32>
        %xor3A_1935 = arith.constant 8 : i32
        %xor3A_1936 = vector.broadcast %xor3A_1935 : i32 to vector<16xi32>
        %xor3A_1937 = arith.xori %iota3A_1934, %xor3A_1936 : vector<16xi32>
        %broadcast_in_dim3A_1938 = vector.shape_cast %xor3A_1937 : vector<16xi32> to vector<16x1xi32>
        %gather3A_1939 = vector.shape_cast %broadcast_in_dim3A_1938 : vector<16x1xi32> to vector<16xi32>
        %gather3A_1940 = tpu.dynamic_gather %add3A_1933[%gather3A_1939] in [0] : vector<16xf32>, vector<16xi32> -> vector<16xf32>
        %add3A_1941 = arith.addf %add3A_1933, %gather3A_1940 : vector<16xf32>
        %iota3A_1942 = tpu.iota {dimensions = array<i32: 0>} : vector<16xi32>
        %xor3A_1943 = arith.constant 4 : i32
        %xor3A_1944 = vector.broadcast %xor3A_1943 : i32 to vector<16xi32>
        %xor3A_1945 = arith.xori %iota3A_1942, %xor3A_1944 : vector<16xi32>
        %broadcast_in_dim3A_1946 = vector.shape_cast %xor3A_1945 : vector<16xi32> to vector<16x1xi32>
        %gather3A_1947 = vector.shape_cast %broadcast_in_dim3A_1946 : vector<16x1xi32> to vector<16xi32>
        %gather3A_1948 = tpu.dynamic_gather %add3A_1941[%gather3A_1947] in [0] : vector<16xf32>, vector<16xi32> -> vector<16xf32>
        %add3A_1949 = arith.addf %add3A_1941, %gather3A_1948 : vector<16xf32>
        %iota3A_1950 = tpu.iota {dimensions = array<i32: 0>} : vector<16xi32>
        %xor3A_1951 = arith.constant 2 : i32
        %xor3A_1952 = vector.broadcast %xor3A_1951 : i32 to vector<16xi32>
        %xor3A_1953 = arith.xori %iota3A_1950, %xor3A_1952 : vector<16xi32>
        %broadcast_in_dim3A_1954 = vector.shape_cast %xor3A_1953 : vector<16xi32> to vector<16x1xi32>
        %gather3A_1955 = vector.shape_cast %broadcast_in_dim3A_1954 : vector<16x1xi32> to vector<16xi32>
        %gather3A_1956 = tpu.dynamic_gather %add3A_1949[%gather3A_1955] in [0] : vector<16xf32>, vector<16xi32> -> vector<16xf32>
        %add3A_1957 = arith.addf %add3A_1949, %gather3A_1956 : vector<16xf32>
        %iota3A_1958 = tpu.iota {dimensions = array<i32: 0>} : vector<16xi32>
        %xor3A_1959 = arith.constant 1 : i32
        %xor3A_1960 = vector.broadcast %xor3A_1959 : i32 to vector<16xi32>
        %xor3A_1961 = arith.xori %iota3A_1958, %xor3A_1960 : vector<16xi32>
        %broadcast_in_dim3A_1962 = vector.shape_cast %xor3A_1961 : vector<16xi32> to vector<16x1xi32>
        %gather3A_1963 = vector.shape_cast %broadcast_in_dim3A_1962 : vector<16x1xi32> to vector<16xi32>
        %gather3A_1964 = tpu.dynamic_gather %add3A_1957[%gather3A_1963] in [0] : vector<16xf32>, vector<16xi32> -> vector<16xf32>
        %add3A_1965 = arith.addf %add3A_1957, %gather3A_1964 : vector<16xf32>
        %exp3A_1966 = math.exp %add3A_1965 : vector<16xf32>
        %add3A_1967 = arith.constant 128 : i32
        %add3A_1968 = arith.addi %add3A_1967, %scan3A_1690 : i32
        %mul3A_1969 = arith.constant 16 : i32
        %mul3A_1970 = arith.muli %add3A_1968, %mul3A_1969 : i32
        %swap3A_1971 = arith.index_cast %mul3A_1970 : i32 to index
        %swap3A_1972 = tpu.vector_load %arg22[%swap3A_1971] {strides = array<i32>} : memref<8192xf32, #tpu.memory_space<vmem>>, vector<16xf32>,
        %swap3A_1973 = vector.shape_cast %swap3A_1972 : vector<16xf32> to vector<16xf32>
        %swap3A_1974 = vector.shape_cast %exp3A_1966 : vector<16xf32> to vector<16xf32>
        tpu.vector_store %arg22[%swap3A_1971], %swap3A_1974 {strides = array<i32>} : memref<8192xf32, #tpu.memory_space<vmem>>, vector<16xf32>,
        %get3A_1975 = arith.constant 2 : i32
        %get3A_1976 = arith.index_cast %get3A_1975 : i32 to index
        %get3A_1977 = arith.constant 0 : index
        %get3A_1978 = tpu.vector_load %arg18[%get3A_1976, %get3A_1977] {strides = array<i32>} : memref<4x128xf32, #tpu.memory_space<vmem>>, vector<1x16xf32>,
        %get3A_1979 = vector.shape_cast %get3A_1978 : vector<1x16xf32> to vector<16xf32>
        %mul3A_1980 = arith.mulf %sub3A_1737, %get3A_1979 : vector<16xf32>
        %get3A_1981 = arith.constant 2 : i32
        %get3A_1982 = arith.index_cast %get3A_1981 : i32 to index
        %get3A_1983 = arith.constant 16 : index
        %get3A_1984 = tpu.vector_load %arg18[%get3A_1982, %get3A_1983] {strides = array<i32>} : memref<4x128xf32, #tpu.memory_space<vmem>>, vector<1x16xf32>,
        %get3A_1985 = vector.shape_cast %get3A_1984 : vector<1x16xf32> to vector<16xf32>
        %mul3A_1986 = arith.mulf %sub3A_1751, %get3A_1985 : vector<16xf32>
        %add3A_1987 = arith.addf %mul3A_1980, %mul3A_1986 : vector<16xf32>
        %get3A_1988 = arith.constant 2 : i32
        %get3A_1989 = arith.index_cast %get3A_1988 : i32 to index
        %get3A_1990 = arith.constant 32 : index
        %get3A_1991 = tpu.vector_load %arg18[%get3A_1989, %get3A_1990] {strides = array<i32>} : memref<4x128xf32, #tpu.memory_space<vmem>>, vector<1x16xf32>,
        %get3A_1992 = vector.shape_cast %get3A_1991 : vector<1x16xf32> to vector<16xf32>
        %mul3A_1993 = arith.mulf %sub3A_1765, %get3A_1992 : vector<16xf32>
        %add3A_1994 = arith.addf %add3A_1987, %mul3A_1993 : vector<16xf32>
        %get3A_1995 = arith.constant 2 : i32
        %get3A_1996 = arith.index_cast %get3A_1995 : i32 to index
        %get3A_1997 = arith.constant 48 : index
        %get3A_1998 = tpu.vector_load %arg18[%get3A_1996, %get3A_1997] {strides = array<i32>} : memref<4x128xf32, #tpu.memory_space<vmem>>, vector<1x16xf32>,
        %get3A_1999 = vector.shape_cast %get3A_1998 : vector<1x16xf32> to vector<16xf32>
        %mul3A_2000 = arith.mulf %sub3A_1779, %get3A_1999 : vector<16xf32>
        %add3A_2001 = arith.addf %add3A_1994, %mul3A_2000 : vector<16xf32>
        %get3A_2002 = arith.constant 2 : i32
        %get3A_2003 = arith.index_cast %get3A_2002 : i32 to index
        %get3A_2004 = arith.constant 64 : index
        %get3A_2005 = tpu.vector_load %arg18[%get3A_2003, %get3A_2004] {strides = array<i32>} : memref<4x128xf32, #tpu.memory_space<vmem>>, vector<1x16xf32>,
        %get3A_2006 = vector.shape_cast %get3A_2005 : vector<1x16xf32> to vector<16xf32>
        %mul3A_2007 = arith.mulf %add3A_1740, %get3A_2006 : vector<16xf32>
        %add3A_2008 = arith.addf %add3A_2001, %mul3A_2007 : vector<16xf32>
        %get3A_2009 = arith.constant 2 : i32
        %get3A_2010 = arith.index_cast %get3A_2009 : i32 to index
        %get3A_2011 = arith.constant 80 : index
        %get3A_2012 = tpu.vector_load %arg18[%get3A_2010, %get3A_2011] {strides = array<i32>} : memref<4x128xf32, #tpu.memory_space<vmem>>, vector<1x16xf32>,
        %get3A_2013 = vector.shape_cast %get3A_2012 : vector<1x16xf32> to vector<16xf32>
        %mul3A_2014 = arith.mulf %add3A_1754, %get3A_2013 : vector<16xf32>
        %add3A_2015 = arith.addf %add3A_2008, %mul3A_2014 : vector<16xf32>
        %get3A_2016 = arith.constant 2 : i32
        %get3A_2017 = arith.index_cast %get3A_2016 : i32 to index
        %get3A_2018 = arith.constant 96 : index
        %get3A_2019 = tpu.vector_load %arg18[%get3A_2017, %get3A_2018] {strides = array<i32>} : memref<4x128xf32, #tpu.memory_space<vmem>>, vector<1x16xf32>,
        %get3A_2020 = vector.shape_cast %get3A_2019 : vector<1x16xf32> to vector<16xf32>
        %mul3A_2021 = arith.mulf %add3A_1768, %get3A_2020 : vector<16xf32>
        %add3A_2022 = arith.addf %add3A_2015, %mul3A_2021 : vector<16xf32>
        %get3A_2023 = arith.constant 2 : i32
        %get3A_2024 = arith.index_cast %get3A_2023 : i32 to index
        %get3A_2025 = arith.constant 112 : index
        %get3A_2026 = tpu.vector_load %arg18[%get3A_2024, %get3A_2025] {strides = array<i32>} : memref<4x128xf32, #tpu.memory_space<vmem>>, vector<1x16xf32>,
        %get3A_2027 = vector.shape_cast %get3A_2026 : vector<1x16xf32> to vector<16xf32>
        %mul3A_2028 = arith.mulf %add3A_1782, %get3A_2027 : vector<16xf32>
        %add3A_2029 = arith.addf %add3A_2022, %mul3A_2028 : vector<16xf32>
        %iota3A_2030 = tpu.iota {dimensions = array<i32: 0>} : vector<16xi32>
        %xor3A_2031 = arith.constant 8 : i32
        %xor3A_2032 = vector.broadcast %xor3A_2031 : i32 to vector<16xi32>
        %xor3A_2033 = arith.xori %iota3A_2030, %xor3A_2032 : vector<16xi32>
        %broadcast_in_dim3A_2034 = vector.shape_cast %xor3A_2033 : vector<16xi32> to vector<16x1xi32>
        %gather3A_2035 = vector.shape_cast %broadcast_in_dim3A_2034 : vector<16x1xi32> to vector<16xi32>
        %gather3A_2036 = tpu.dynamic_gather %add3A_2029[%gather3A_2035] in [0] : vector<16xf32>, vector<16xi32> -> vector<16xf32>
        %add3A_2037 = arith.addf %add3A_2029, %gather3A_2036 : vector<16xf32>
        %iota3A_2038 = tpu.iota {dimensions = array<i32: 0>} : vector<16xi32>
        %xor3A_2039 = arith.constant 4 : i32
        %xor3A_2040 = vector.broadcast %xor3A_2039 : i32 to vector<16xi32>
        %xor3A_2041 = arith.xori %iota3A_2038, %xor3A_2040 : vector<16xi32>
        %broadcast_in_dim3A_2042 = vector.shape_cast %xor3A_2041 : vector<16xi32> to vector<16x1xi32>
        %gather3A_2043 = vector.shape_cast %broadcast_in_dim3A_2042 : vector<16x1xi32> to vector<16xi32>
        %gather3A_2044 = tpu.dynamic_gather %add3A_2037[%gather3A_2043] in [0] : vector<16xf32>, vector<16xi32> -> vector<16xf32>
        %add3A_2045 = arith.addf %add3A_2037, %gather3A_2044 : vector<16xf32>
        %iota3A_2046 = tpu.iota {dimensions = array<i32: 0>} : vector<16xi32>
        %xor3A_2047 = arith.constant 2 : i32
        %xor3A_2048 = vector.broadcast %xor3A_2047 : i32 to vector<16xi32>
        %xor3A_2049 = arith.xori %iota3A_2046, %xor3A_2048 : vector<16xi32>
        %broadcast_in_dim3A_2050 = vector.shape_cast %xor3A_2049 : vector<16xi32> to vector<16x1xi32>
        %gather3A_2051 = vector.shape_cast %broadcast_in_dim3A_2050 : vector<16x1xi32> to vector<16xi32>
        %gather3A_2052 = tpu.dynamic_gather %add3A_2045[%gather3A_2051] in [0] : vector<16xf32>, vector<16xi32> -> vector<16xf32>
        %add3A_2053 = arith.addf %add3A_2045, %gather3A_2052 : vector<16xf32>
        %iota3A_2054 = tpu.iota {dimensions = array<i32: 0>} : vector<16xi32>
        %xor3A_2055 = arith.constant 1 : i32
        %xor3A_2056 = vector.broadcast %xor3A_2055 : i32 to vector<16xi32>
        %xor3A_2057 = arith.xori %iota3A_2054, %xor3A_2056 : vector<16xi32>
        %broadcast_in_dim3A_2058 = vector.shape_cast %xor3A_2057 : vector<16xi32> to vector<16x1xi32>
        %gather3A_2059 = vector.shape_cast %broadcast_in_dim3A_2058 : vector<16x1xi32> to vector<16xi32>
        %gather3A_2060 = tpu.dynamic_gather %add3A_2053[%gather3A_2059] in [0] : vector<16xf32>, vector<16xi32> -> vector<16xf32>
        %add3A_2061 = arith.addf %add3A_2053, %gather3A_2060 : vector<16xf32>
        %exp3A_2062 = math.exp %add3A_2061 : vector<16xf32>
        %add3A_2063 = arith.constant 256 : i32
        %add3A_2064 = arith.addi %add3A_2063, %scan3A_1690 : i32
        %mul3A_2065 = arith.constant 16 : i32
        %mul3A_2066 = arith.muli %add3A_2064, %mul3A_2065 : i32
        %swap3A_2067 = arith.index_cast %mul3A_2066 : i32 to index
        %swap3A_2068 = tpu.vector_load %arg22[%swap3A_2067] {strides = array<i32>} : memref<8192xf32, #tpu.memory_space<vmem>>, vector<16xf32>,
        %swap3A_2069 = vector.shape_cast %swap3A_2068 : vector<16xf32> to vector<16xf32>
        %swap3A_2070 = vector.shape_cast %exp3A_2062 : vector<16xf32> to vector<16xf32>
        tpu.vector_store %arg22[%swap3A_2067], %swap3A_2070 {strides = array<i32>} : memref<8192xf32, #tpu.memory_space<vmem>>, vector<16xf32>,
        %get3A_2071 = arith.constant 3 : i32
        %get3A_2072 = arith.index_cast %get3A_2071 : i32 to index
        %get3A_2073 = arith.constant 0 : index
        %get3A_2074 = tpu.vector_load %arg18[%get3A_2072, %get3A_2073] {strides = array<i32>} : memref<4x128xf32, #tpu.memory_space<vmem>>, vector<1x16xf32>,
        %get3A_2075 = vector.shape_cast %get3A_2074 : vector<1x16xf32> to vector<16xf32>
        %mul3A_2076 = arith.mulf %sub3A_1737, %get3A_2075 : vector<16xf32>
        %get3A_2077 = arith.constant 3 : i32
        %get3A_2078 = arith.index_cast %get3A_2077 : i32 to index
        %get3A_2079 = arith.constant 16 : index
        %get3A_2080 = tpu.vector_load %arg18[%get3A_2078, %get3A_2079] {strides = array<i32>} : memref<4x128xf32, #tpu.memory_space<vmem>>, vector<1x16xf32>,
        %get3A_2081 = vector.shape_cast %get3A_2080 : vector<1x16xf32> to vector<16xf32>
        %mul3A_2082 = arith.mulf %sub3A_1751, %get3A_2081 : vector<16xf32>
        %add3A_2083 = arith.addf %mul3A_2076, %mul3A_2082 : vector<16xf32>
        %get3A_2084 = arith.constant 3 : i32
        %get3A_2085 = arith.index_cast %get3A_2084 : i32 to index
        %get3A_2086 = arith.constant 32 : index
        %get3A_2087 = tpu.vector_load %arg18[%get3A_2085, %get3A_2086] {strides = array<i32>} : memref<4x128xf32, #tpu.memory_space<vmem>>, vector<1x16xf32>,
        %get3A_2088 = vector.shape_cast %get3A_2087 : vector<1x16xf32> to vector<16xf32>
        %mul3A_2089 = arith.mulf %sub3A_1765, %get3A_2088 : vector<16xf32>
        %add3A_2090 = arith.addf %add3A_2083, %mul3A_2089 : vector<16xf32>
        %get3A_2091 = arith.constant 3 : i32
        %get3A_2092 = arith.index_cast %get3A_2091 : i32 to index
        %get3A_2093 = arith.constant 48 : index
        %get3A_2094 = tpu.vector_load %arg18[%get3A_2092, %get3A_2093] {strides = array<i32>} : memref<4x128xf32, #tpu.memory_space<vmem>>, vector<1x16xf32>,
        %get3A_2095 = vector.shape_cast %get3A_2094 : vector<1x16xf32> to vector<16xf32>
        %mul3A_2096 = arith.mulf %sub3A_1779, %get3A_2095 : vector<16xf32>
        %add3A_2097 = arith.addf %add3A_2090, %mul3A_2096 : vector<16xf32>
        %get3A_2098 = arith.constant 3 : i32
        %get3A_2099 = arith.index_cast %get3A_2098 : i32 to index
        %get3A_2100 = arith.constant 64 : index
        %get3A_2101 = tpu.vector_load %arg18[%get3A_2099, %get3A_2100] {strides = array<i32>} : memref<4x128xf32, #tpu.memory_space<vmem>>, vector<1x16xf32>,
        %get3A_2102 = vector.shape_cast %get3A_2101 : vector<1x16xf32> to vector<16xf32>
        %mul3A_2103 = arith.mulf %add3A_1740, %get3A_2102 : vector<16xf32>
        %add3A_2104 = arith.addf %add3A_2097, %mul3A_2103 : vector<16xf32>
        %get3A_2105 = arith.constant 3 : i32
        %get3A_2106 = arith.index_cast %get3A_2105 : i32 to index
        %get3A_2107 = arith.constant 80 : index
        %get3A_2108 = tpu.vector_load %arg18[%get3A_2106, %get3A_2107] {strides = array<i32>} : memref<4x128xf32, #tpu.memory_space<vmem>>, vector<1x16xf32>,
        %get3A_2109 = vector.shape_cast %get3A_2108 : vector<1x16xf32> to vector<16xf32>
        %mul3A_2110 = arith.mulf %add3A_1754, %get3A_2109 : vector<16xf32>
        %add3A_2111 = arith.addf %add3A_2104, %mul3A_2110 : vector<16xf32>
        %get3A_2112 = arith.constant 3 : i32
        %get3A_2113 = arith.index_cast %get3A_2112 : i32 to index
        %get3A_2114 = arith.constant 96 : index
        %get3A_2115 = tpu.vector_load %arg18[%get3A_2113, %get3A_2114] {strides = array<i32>} : memref<4x128xf32, #tpu.memory_space<vmem>>, vector<1x16xf32>,
        %get3A_2116 = vector.shape_cast %get3A_2115 : vector<1x16xf32> to vector<16xf32>
        %mul3A_2117 = arith.mulf %add3A_1768, %get3A_2116 : vector<16xf32>
        %add3A_2118 = arith.addf %add3A_2111, %mul3A_2117 : vector<16xf32>
        %get3A_2119 = arith.constant 3 : i32
        %get3A_2120 = arith.index_cast %get3A_2119 : i32 to index
        %get3A_2121 = arith.constant 112 : index
        %get3A_2122 = tpu.vector_load %arg18[%get3A_2120, %get3A_2121] {strides = array<i32>} : memref<4x128xf32, #tpu.memory_space<vmem>>, vector<1x16xf32>,
        %get3A_2123 = vector.shape_cast %get3A_2122 : vector<1x16xf32> to vector<16xf32>
        %mul3A_2124 = arith.mulf %add3A_1782, %get3A_2123 : vector<16xf32>
        %add3A_2125 = arith.addf %add3A_2118, %mul3A_2124 : vector<16xf32>
        %iota3A_2126 = tpu.iota {dimensions = array<i32: 0>} : vector<16xi32>
        %xor3A_2127 = arith.constant 8 : i32
        %xor3A_2128 = vector.broadcast %xor3A_2127 : i32 to vector<16xi32>
        %xor3A_2129 = arith.xori %iota3A_2126, %xor3A_2128 : vector<16xi32>
        %broadcast_in_dim3A_2130 = vector.shape_cast %xor3A_2129 : vector<16xi32> to vector<16x1xi32>
        %gather3A_2131 = vector.shape_cast %broadcast_in_dim3A_2130 : vector<16x1xi32> to vector<16xi32>
        %gather3A_2132 = tpu.dynamic_gather %add3A_2125[%gather3A_2131] in [0] : vector<16xf32>, vector<16xi32> -> vector<16xf32>
        %add3A_2133 = arith.addf %add3A_2125, %gather3A_2132 : vector<16xf32>
        %iota3A_2134 = tpu.iota {dimensions = array<i32: 0>} : vector<16xi32>
        %xor3A_2135 = arith.constant 4 : i32
        %xor3A_2136 = vector.broadcast %xor3A_2135 : i32 to vector<16xi32>
        %xor3A_2137 = arith.xori %iota3A_2134, %xor3A_2136 : vector<16xi32>
        %broadcast_in_dim3A_2138 = vector.shape_cast %xor3A_2137 : vector<16xi32> to vector<16x1xi32>
        %gather3A_2139 = vector.shape_cast %broadcast_in_dim3A_2138 : vector<16x1xi32> to vector<16xi32>
        %gather3A_2140 = tpu.dynamic_gather %add3A_2133[%gather3A_2139] in [0] : vector<16xf32>, vector<16xi32> -> vector<16xf32>
        %add3A_2141 = arith.addf %add3A_2133, %gather3A_2140 : vector<16xf32>
        %iota3A_2142 = tpu.iota {dimensions = array<i32: 0>} : vector<16xi32>
        %xor3A_2143 = arith.constant 2 : i32
        %xor3A_2144 = vector.broadcast %xor3A_2143 : i32 to vector<16xi32>
        %xor3A_2145 = arith.xori %iota3A_2142, %xor3A_2144 : vector<16xi32>
        %broadcast_in_dim3A_2146 = vector.shape_cast %xor3A_2145 : vector<16xi32> to vector<16x1xi32>
        %gather3A_2147 = vector.shape_cast %broadcast_in_dim3A_2146 : vector<16x1xi32> to vector<16xi32>
        %gather3A_2148 = tpu.dynamic_gather %add3A_2141[%gather3A_2147] in [0] : vector<16xf32>, vector<16xi32> -> vector<16xf32>
        %add3A_2149 = arith.addf %add3A_2141, %gather3A_2148 : vector<16xf32>
        %iota3A_2150 = tpu.iota {dimensions = array<i32: 0>} : vector<16xi32>
        %xor3A_2151 = arith.constant 1 : i32
        %xor3A_2152 = vector.broadcast %xor3A_2151 : i32 to vector<16xi32>
        %xor3A_2153 = arith.xori %iota3A_2150, %xor3A_2152 : vector<16xi32>
        %broadcast_in_dim3A_2154 = vector.shape_cast %xor3A_2153 : vector<16xi32> to vector<16x1xi32>
        %gather3A_2155 = vector.shape_cast %broadcast_in_dim3A_2154 : vector<16x1xi32> to vector<16xi32>
        %gather3A_2156 = tpu.dynamic_gather %add3A_2149[%gather3A_2155] in [0] : vector<16xf32>, vector<16xi32> -> vector<16xf32>
        %add3A_2157 = arith.addf %add3A_2149, %gather3A_2156 : vector<16xf32>
        %exp3A_2158 = math.exp %add3A_2157 : vector<16xf32>
        %add3A_2159 = arith.constant 384 : i32
        %add3A_2160 = arith.addi %add3A_2159, %scan3A_1690 : i32
        %mul3A_2161 = arith.constant 16 : i32
        %mul3A_2162 = arith.muli %add3A_2160, %mul3A_2161 : i32
        %swap3A_2163 = arith.index_cast %mul3A_2162 : i32 to index
        %swap3A_2164 = tpu.vector_load %arg22[%swap3A_2163] {strides = array<i32>} : memref<8192xf32, #tpu.memory_space<vmem>>, vector<16xf32>,
        %swap3A_2165 = vector.shape_cast %swap3A_2164 : vector<16xf32> to vector<16xf32>
        %swap3A_2166 = vector.shape_cast %exp3A_2158 : vector<16xf32> to vector<16xf32>
        tpu.vector_store %arg22[%swap3A_2163], %swap3A_2166 {strides = array<i32>} : memref<8192xf32, #tpu.memory_space<vmem>>, vector<16xf32>,
        %add3A_2167 = arith.addf %scan3A_1691, %exp3A_1870 : vector<16xf32>
        %add3A_2168 = arith.addf %scan3A_1692, %exp3A_1966 : vector<16xf32>
        %add3A_2169 = arith.addf %scan3A_1693, %exp3A_2062 : vector<16xf32>
        %add3A_2170 = arith.addf %scan3A_1694, %exp3A_2158 : vector<16xf32>
        scf.yield %add3A_2167, %add3A_2168, %add3A_2169, %add3A_2170 : vector<16xf32>, vector<16xf32>, vector<16xf32>, vector<16xf32>
      }
      %scan3A_1663 = arith.constant 128 : i32
      %scan3A_1664 = arith.constant 0 : i32
      %scan3A_1665 = arith.constant 128 : i32
      %scan3A_1666 = arith.addi %scan3A_1664, %scan3A_1665 : i32
      %scan3A_1667 = arith.constant 1 : i32
      %scan3A_1668:32 = scf.for %scan3A_1690 = %scan3A_1664 to %scan3A_1666 step %scan3A_1667 iter_args(%scan3A_1691 = %scan3A_1616#0, %scan3A_1692 = %scan3A_1616#1, %scan3A_1693 = %scan3A_1616#2, %scan3A_1694 = %scan3A_1616#3, %scan3A_1695 = %scan3A_1616#4, %scan3A_1696 = %scan3A_1616#5, %scan3A_1697 = %scan3A_1616#6, %scan3A_1698 = %scan3A_1616#7, %scan3A_1699 = %scan3A_1616#8, %scan3A_1700 = %scan3A_1616#9, %scan3A_1701 = %scan3A_1616#10, %scan3A_1702 = %scan3A_1616#11, %scan3A_1703 = %scan3A_1616#12, %scan3A_1704 = %scan3A_1616#13, %scan3A_1705 = %scan3A_1616#14, %scan3A_1706 = %scan3A_1616#15, %scan3A_1707 = %scan3A_1616#16, %scan3A_1708 = %scan3A_1616#17, %scan3A_1709 = %scan3A_1616#18, %scan3A_1710 = %scan3A_1616#19, %scan3A_1711 = %scan3A_1616#20, %scan3A_1712 = %scan3A_1616#21, %scan3A_1713 = %scan3A_1616#22, %scan3A_1714 = %scan3A_1616#23, %scan3A_1715 = %scan3A_1616#24, %scan3A_1716 = %scan3A_1616#25, %scan3A_1717 = %scan3A_1616#26, %scan3A_1718 = %scan3A_1616#27, %scan3A_1719 = %scan3A_1616#28, %scan3A_1720 = %scan3A_1616#29, %scan3A_1721 = %scan3A_1616#30, %scan3A_1722 = %scan3A_1616#31) -> (vector<16xf32>, vector<16xf32>, vector<16xf32>, vector<16xf32>, vector<16xf32>, vector<16xf32>, vector<16xf32>, vector<16xf32>, vector<16xf32>, vector<16xf32>, vector<16xf32>, vector<16xf32>, vector<16xf32>, vector<16xf32>, vector<16xf32>, vector<16xf32>, vector<16xf32>, vector<16xf32>, vector<16xf32>, vector<16xf32>, vector<16xf32>, vector<16xf32>, vector<16xf32>, vector<16xf32>, vector<16xf32>, vector<16xf32>, vector<16xf32>, vector<16xf32>, vector<16xf32>, vector<16xf32>, vector<16xf32>, vector<16xf32>)  : i32 {
        %get3A_1723 = arith.index_cast %scan3A_1690 : i32 to index
        %get3A_1724 = arith.constant 0 : index
        %get3A_1725 = tpu.vector_load %arg14[%get3A_1723, %get3A_1724] {strides = array<i32>} : memref<128x128xf32, #tpu.memory_space<vmem>>, vector<1x16xf32>,
        %get3A_1726 = vector.shape_cast %get3A_1725 : vector<1x16xf32> to vector<16xf32>
        %get3A_1727 = arith.index_cast %scan3A_1690 : i32 to index
        %get3A_1728 = arith.constant 16 : index
        %get3A_1729 = tpu.vector_load %arg14[%get3A_1727, %get3A_1728] {strides = array<i32>} : memref<128x128xf32, #tpu.memory_space<vmem>>, vector<1x16xf32>,
        %get3A_1730 = vector.shape_cast %get3A_1729 : vector<1x16xf32> to vector<16xf32>
        %get3A_1731 = arith.index_cast %scan3A_1690 : i32 to index
        %get3A_1732 = arith.constant 32 : index
        %get3A_1733 = tpu.vector_load %arg14[%get3A_1731, %get3A_1732] {strides = array<i32>} : memref<128x128xf32, #tpu.memory_space<vmem>>, vector<1x16xf32>,
        %get3A_1734 = vector.shape_cast %get3A_1733 : vector<1x16xf32> to vector<16xf32>
        %get3A_1735 = arith.index_cast %scan3A_1690 : i32 to index
        %get3A_1736 = arith.constant 48 : index
        %get3A_1737 = tpu.vector_load %arg14[%get3A_1735, %get3A_1736] {strides = array<i32>} : memref<128x128xf32, #tpu.memory_space<vmem>>, vector<1x16xf32>,
        %get3A_1738 = vector.shape_cast %get3A_1737 : vector<1x16xf32> to vector<16xf32>
        %get3A_1739 = arith.index_cast %scan3A_1690 : i32 to index
        %get3A_1740 = arith.constant 64 : index
        %get3A_1741 = tpu.vector_load %arg14[%get3A_1739, %get3A_1740] {strides = array<i32>} : memref<128x128xf32, #tpu.memory_space<vmem>>, vector<1x16xf32>,
        %get3A_1742 = vector.shape_cast %get3A_1741 : vector<1x16xf32> to vector<16xf32>
        %get3A_1743 = arith.index_cast %scan3A_1690 : i32 to index
        %get3A_1744 = arith.constant 80 : index
        %get3A_1745 = tpu.vector_load %arg14[%get3A_1743, %get3A_1744] {strides = array<i32>} : memref<128x128xf32, #tpu.memory_space<vmem>>, vector<1x16xf32>,
        %get3A_1746 = vector.shape_cast %get3A_1745 : vector<1x16xf32> to vector<16xf32>
        %get3A_1747 = arith.index_cast %scan3A_1690 : i32 to index
        %get3A_1748 = arith.constant 96 : index
        %get3A_1749 = tpu.vector_load %arg14[%get3A_1747, %get3A_1748] {strides = array<i32>} : memref<128x128xf32, #tpu.memory_space<vmem>>, vector<1x16xf32>,
        %get3A_1750 = vector.shape_cast %get3A_1749 : vector<1x16xf32> to vector<16xf32>
        %get3A_1751 = arith.index_cast %scan3A_1690 : i32 to index
        %get3A_1752 = arith.constant 112 : index
        %get3A_1753 = tpu.vector_load %arg14[%get3A_1751, %get3A_1752] {strides = array<i32>} : memref<128x128xf32, #tpu.memory_space<vmem>>, vector<1x16xf32>,
        %get3A_1754 = vector.shape_cast %get3A_1753 : vector<1x16xf32> to vector<16xf32>
        %add3A_1755 = arith.constant 0 : i32
        %add3A_1756 = arith.addi %add3A_1755, %scan3A_1690 : i32
        %mul3A_1757 = arith.constant 16 : i32
        %mul3A_1758 = arith.muli %add3A_1756, %mul3A_1757 : i32
        %get3A_1759 = arith.index_cast %mul3A_1758 : i32 to index
        %get3A_1760 = tpu.vector_load %arg22[%get3A_1759] {strides = array<i32>} : memref<8192xf32, #tpu.memory_space<vmem>>, vector<16xf32>,
        %get3A_1761 = vector.shape_cast %get3A_1760 : vector<16xf32> to vector<16xf32>
        %mul3A_1762 = arith.mulf %get3A_1761, %get3A_1726 : vector<16xf32>
        %add3A_1763 = arith.addf %scan3A_1691, %mul3A_1762 : vector<16xf32>
        %mul3A_1764 = arith.mulf %get3A_1761, %get3A_1730 : vector<16xf32>
        %add3A_1765 = arith.addf %scan3A_1692, %mul3A_1764 : vector<16xf32>
        %mul3A_1766 = arith.mulf %get3A_1761, %get3A_1734 : vector<16xf32>
        %add3A_1767 = arith.addf %scan3A_1693, %mul3A_1766 : vector<16xf32>
        %mul3A_1768 = arith.mulf %get3A_1761, %get3A_1738 : vector<16xf32>
        %add3A_1769 = arith.addf %scan3A_1694, %mul3A_1768 : vector<16xf32>
        %mul3A_1770 = arith.mulf %get3A_1761, %get3A_1742 : vector<16xf32>
        %add3A_1771 = arith.addf %scan3A_1695, %mul3A_1770 : vector<16xf32>
        %mul3A_1772 = arith.mulf %get3A_1761, %get3A_1746 : vector<16xf32>
        %add3A_1773 = arith.addf %scan3A_1696, %mul3A_1772 : vector<16xf32>
        %mul3A_1774 = arith.mulf %get3A_1761, %get3A_1750 : vector<16xf32>
        %add3A_1775 = arith.addf %scan3A_1697, %mul3A_1774 : vector<16xf32>
        %mul3A_1776 = arith.mulf %get3A_1761, %get3A_1754 : vector<16xf32>
        %add3A_1777 = arith.addf %scan3A_1698, %mul3A_1776 : vector<16xf32>
        %add3A_1778 = arith.constant 128 : i32
        %add3A_1779 = arith.addi %add3A_1778, %scan3A_1690 : i32
        %mul3A_1780 = arith.constant 16 : i32
        %mul3A_1781 = arith.muli %add3A_1779, %mul3A_1780 : i32
        %get3A_1782 = arith.index_cast %mul3A_1781 : i32 to index
        %get3A_1783 = tpu.vector_load %arg22[%get3A_1782] {strides = array<i32>} : memref<8192xf32, #tpu.memory_space<vmem>>, vector<16xf32>,
        %get3A_1784 = vector.shape_cast %get3A_1783 : vector<16xf32> to vector<16xf32>
        %mul3A_1785 = arith.mulf %get3A_1784, %get3A_1726 : vector<16xf32>
        %add3A_1786 = arith.addf %scan3A_1699, %mul3A_1785 : vector<16xf32>
        %mul3A_1787 = arith.mulf %get3A_1784, %get3A_1730 : vector<16xf32>
        %add3A_1788 = arith.addf %scan3A_1700, %mul3A_1787 : vector<16xf32>
        %mul3A_1789 = arith.mulf %get3A_1784, %get3A_1734 : vector<16xf32>
        %add3A_1790 = arith.addf %scan3A_1701, %mul3A_1789 : vector<16xf32>
        %mul3A_1791 = arith.mulf %get3A_1784, %get3A_1738 : vector<16xf32>
        %add3A_1792 = arith.addf %scan3A_1702, %mul3A_1791 : vector<16xf32>
        %mul3A_1793 = arith.mulf %get3A_1784, %get3A_1742 : vector<16xf32>
        %add3A_1794 = arith.addf %scan3A_1703, %mul3A_1793 : vector<16xf32>
        %mul3A_1795 = arith.mulf %get3A_1784, %get3A_1746 : vector<16xf32>
        %add3A_1796 = arith.addf %scan3A_1704, %mul3A_1795 : vector<16xf32>
        %mul3A_1797 = arith.mulf %get3A_1784, %get3A_1750 : vector<16xf32>
        %add3A_1798 = arith.addf %scan3A_1705, %mul3A_1797 : vector<16xf32>
        %mul3A_1799 = arith.mulf %get3A_1784, %get3A_1754 : vector<16xf32>
        %add3A_1800 = arith.addf %scan3A_1706, %mul3A_1799 : vector<16xf32>
        %add3A_1801 = arith.constant 256 : i32
        %add3A_1802 = arith.addi %add3A_1801, %scan3A_1690 : i32
        %mul3A_1803 = arith.constant 16 : i32
        %mul3A_1804 = arith.muli %add3A_1802, %mul3A_1803 : i32
        %get3A_1805 = arith.index_cast %mul3A_1804 : i32 to index
        %get3A_1806 = tpu.vector_load %arg22[%get3A_1805] {strides = array<i32>} : memref<8192xf32, #tpu.memory_space<vmem>>, vector<16xf32>,
        %get3A_1807 = vector.shape_cast %get3A_1806 : vector<16xf32> to vector<16xf32>
        %mul3A_1808 = arith.mulf %get3A_1807, %get3A_1726 : vector<16xf32>
        %add3A_1809 = arith.addf %scan3A_1707, %mul3A_1808 : vector<16xf32>
        %mul3A_1810 = arith.mulf %get3A_1807, %get3A_1730 : vector<16xf32>
        %add3A_1811 = arith.addf %scan3A_1708, %mul3A_1810 : vector<16xf32>
        %mul3A_1812 = arith.mulf %get3A_1807, %get3A_1734 : vector<16xf32>
        %add3A_1813 = arith.addf %scan3A_1709, %mul3A_1812 : vector<16xf32>
        %mul3A_1814 = arith.mulf %get3A_1807, %get3A_1738 : vector<16xf32>
        %add3A_1815 = arith.addf %scan3A_1710, %mul3A_1814 : vector<16xf32>
        %mul3A_1816 = arith.mulf %get3A_1807, %get3A_1742 : vector<16xf32>
        %add3A_1817 = arith.addf %scan3A_1711, %mul3A_1816 : vector<16xf32>
        %mul3A_1818 = arith.mulf %get3A_1807, %get3A_1746 : vector<16xf32>
        %add3A_1819 = arith.addf %scan3A_1712, %mul3A_1818 : vector<16xf32>
        %mul3A_1820 = arith.mulf %get3A_1807, %get3A_1750 : vector<16xf32>
        %add3A_1821 = arith.addf %scan3A_1713, %mul3A_1820 : vector<16xf32>
        %mul3A_1822 = arith.mulf %get3A_1807, %get3A_1754 : vector<16xf32>
        %add3A_1823 = arith.addf %scan3A_1714, %mul3A_1822 : vector<16xf32>
        %add3A_1824 = arith.constant 384 : i32
        %add3A_1825 = arith.addi %add3A_1824, %scan3A_1690 : i32
        %mul3A_1826 = arith.constant 16 : i32
        %mul3A_1827 = arith.muli %add3A_1825, %mul3A_1826 : i32
        %get3A_1828 = arith.index_cast %mul3A_1827 : i32 to index
        %get3A_1829 = tpu.vector_load %arg22[%get3A_1828] {strides = array<i32>} : memref<8192xf32, #tpu.memory_space<vmem>>, vector<16xf32>,
        %get3A_1830 = vector.shape_cast %get3A_1829 : vector<16xf32> to vector<16xf32>
        %mul3A_1831 = arith.mulf %get3A_1830, %get3A_1726 : vector<16xf32>
        %add3A_1832 = arith.addf %scan3A_1715, %mul3A_1831 : vector<16xf32>
        %mul3A_1833 = arith.mulf %get3A_1830, %get3A_1730 : vector<16xf32>
        %add3A_1834 = arith.addf %scan3A_1716, %mul3A_1833 : vector<16xf32>
        %mul3A_1835 = arith.mulf %get3A_1830, %get3A_1734 : vector<16xf32>
        %add3A_1836 = arith.addf %scan3A_1717, %mul3A_1835 : vector<16xf32>
        %mul3A_1837 = arith.mulf %get3A_1830, %get3A_1738 : vector<16xf32>
        %add3A_1838 = arith.addf %scan3A_1718, %mul3A_1837 : vector<16xf32>
        %mul3A_1839 = arith.mulf %get3A_1830, %get3A_1742 : vector<16xf32>
        %add3A_1840 = arith.addf %scan3A_1719, %mul3A_1839 : vector<16xf32>
        %mul3A_1841 = arith.mulf %get3A_1830, %get3A_1746 : vector<16xf32>
        %add3A_1842 = arith.addf %scan3A_1720, %mul3A_1841 : vector<16xf32>
        %mul3A_1843 = arith.mulf %get3A_1830, %get3A_1750 : vector<16xf32>
        %add3A_1844 = arith.addf %scan3A_1721, %mul3A_1843 : vector<16xf32>
        %mul3A_1845 = arith.mulf %get3A_1830, %get3A_1754 : vector<16xf32>
        %add3A_1846 = arith.addf %scan3A_1722, %mul3A_1845 : vector<16xf32>
        scf.yield %add3A_1763, %add3A_1765, %add3A_1767, %add3A_1769, %add3A_1771, %add3A_1773, %add3A_1775, %add3A_1777, %add3A_1786, %add3A_1788, %add3A_1790, %add3A_1792, %add3A_1794, %add3A_1796, %add3A_1798, %add3A_1800, %add3A_1809, %add3A_1811, %add3A_1813, %add3A_1815, %add3A_1817, %add3A_1819, %add3A_1821, %add3A_1823, %add3A_1832, %add3A_1834, %add3A_1836, %add3A_1838, %add3A_1840, %add3A_1842, %add3A_1844, %add3A_1846 : vector<16xf32>, vector<16xf32>, vector<16xf32>, vector<16xf32>, vector<16xf32>, vector<16xf32>, vector<16xf32>, vector<16xf32>, vector<16xf32>, vector<16xf32>, vector<16xf32>, vector<16xf32>, vector<16xf32>, vector<16xf32>, vector<16xf32>, vector<16xf32>, vector<16xf32>, vector<16xf32>, vector<16xf32>, vector<16xf32>, vector<16xf32>, vector<16xf32>, vector<16xf32>, vector<16xf32>, vector<16xf32>, vector<16xf32>, vector<16xf32>, vector<16xf32>, vector<16xf32>, vector<16xf32>, vector<16xf32>, vector<16xf32>
      }
      %scan3A_1669 = arith.constant 128 : i32
      %mul3A_1670 = arith.constant 2 : i32
      %mul3A_1671 = arith.muli %mul3A_1670, %scan3A_1547 : i32
      %add3A_1672 = arith.constant 1 : i32
      %add3A_1673 = arith.addi %mul3A_1671, %add3A_1672 : i32
      %add3A_1674 = arith.constant 2 : i32
      %add3A_1675 = arith.addi %add3A_1673, %add3A_1674 : i32
      %mul3A_1676 = arith.constant 128 : i32
      %mul3A_1677 = arith.muli %add3A_1675, %mul3A_1676 : i32
      %add3A_1678 = arith.addi %mul3A_74, %mul3A_1677 : i32
      %mul3A_1679 = arith.constant 2 : i32
      %mul3A_1680 = arith.muli %mul3A_1679, %scan3A_1547 : i32
      %add3A_1681 = arith.constant 1 : i32
      %add3A_1682 = arith.addi %mul3A_1680, %add3A_1681 : i32
      %add3A_1683 = arith.constant 2 : i32
      %add3A_1684 = arith.addi %add3A_1682, %add3A_1683 : i32
      %lt3A_1685 = arith.constant 8 : i32
      %lt3A_1686 = arith.cmpi slt, %add3A_1684, %lt3A_1685 : i32
      %convert_element_type3A_1687 = arith.extui %lt3A_1686 : i1 to i32
      %cond3A_1688 = arith.constant 0 : i32
      %cond3A_1689 = arith.cmpi ne, %convert_element_type3A_1687, %cond3A_1688 : i32
      scf.if %cond3A_1689 {
        %dma_start3A_1690 = arith.constant 0 : i32
        %dma_start3A_1691 = tpu.memref_slice %arg7[%add3A_18, %add3A_1678, %select_n3A_56, %dma_start3A_1690] : memref<64x2048x4x128xf32, #tpu.memory_space<hbm>> -> memref<1x128x1x128xf32, #tpu.memory_space<hbm>>
        %dma_start3A_1692 = tpu.memref_squeeze %dma_start3A_1691 : memref<1x128x1x128xf32, #tpu.memory_space<hbm>> -> memref<128x128xf32, #tpu.memory_space<hbm>>
        %dma_start3A_1693 = arith.constant 0 : i32
        %dma_start3A_1694 = tpu.memref_slice %arg7[%add3A_18, %add3A_1678, %select_n3A_56, %dma_start3A_1693] : memref<64x2048x4x128xf32, #tpu.memory_space<hbm>> -> memref<1x128x1x128xf32, #tpu.memory_space<hbm>>
        %dma_start3A_1695 = tpu.memref_squeeze %dma_start3A_1694 : memref<1x128x1x128xf32, #tpu.memory_space<hbm>> -> memref<128x128xf32, #tpu.memory_space<hbm>>
        tpu.enqueue_dma source(%dma_start3A_1695 : memref<128x128xf32, #tpu.memory_space<hbm>>) target(%arg12 : memref<128x128xf32, #tpu.memory_space<vmem>>) target_semaphore(%arg26 : memref<!tpu.dma_semaphore, #tpu.memory_space<semaphore_mem>>)
        %dma_start3A_1696 = arith.constant 0 : i32
        %dma_start3A_1697 = tpu.memref_slice %arg8[%add3A_18, %add3A_1678, %select_n3A_56, %dma_start3A_1696] : memref<64x2048x4x128xf32, #tpu.memory_space<hbm>> -> memref<1x128x1x128xf32, #tpu.memory_space<hbm>>
        %dma_start3A_1698 = tpu.memref_squeeze %dma_start3A_1697 : memref<1x128x1x128xf32, #tpu.memory_space<hbm>> -> memref<128x128xf32, #tpu.memory_space<hbm>>
        %dma_start3A_1699 = arith.constant 0 : i32
        %dma_start3A_1700 = tpu.memref_slice %arg8[%add3A_18, %add3A_1678, %select_n3A_56, %dma_start3A_1699] : memref<64x2048x4x128xf32, #tpu.memory_space<hbm>> -> memref<1x128x1x128xf32, #tpu.memory_space<hbm>>
        %dma_start3A_1701 = tpu.memref_squeeze %dma_start3A_1700 : memref<1x128x1x128xf32, #tpu.memory_space<hbm>> -> memref<128x128xf32, #tpu.memory_space<hbm>>
        tpu.enqueue_dma source(%dma_start3A_1701 : memref<128x128xf32, #tpu.memory_space<hbm>>) target(%arg14 : memref<128x128xf32, #tpu.memory_space<vmem>>) target_semaphore(%arg28 : memref<!tpu.dma_semaphore, #tpu.memory_space<semaphore_mem>>)
        %dma_start3A_1702 = arith.constant 0 : i32
        %dma_start3A_1703 = tpu.memref_slice %arg6[%add3A_1678, %dma_start3A_1702] : memref<2048x128xf32, #tpu.memory_space<hbm>> -> memref<128x128xf32, #tpu.memory_space<hbm>>
        %dma_start3A_1704 = arith.constant 0 : i32
        %dma_start3A_1705 = tpu.memref_slice %arg6[%add3A_1678, %dma_start3A_1704] : memref<2048x128xf32, #tpu.memory_space<hbm>> -> memref<128x128xf32, #tpu.memory_space<hbm>>
        tpu.enqueue_dma source(%dma_start3A_1705 : memref<128x128xf32, #tpu.memory_space<hbm>>) target(%arg16 : memref<128x128xf32, #tpu.memory_space<vmem>>) target_semaphore(%arg30 : memref<!tpu.dma_semaphore, #tpu.memory_space<semaphore_mem>>)
      } else {
      }
      scf.yield %scan3A_1662#0, %scan3A_1662#1, %scan3A_1662#2, %scan3A_1662#3, %scan3A_1668#0, %scan3A_1668#1, %scan3A_1668#2, %scan3A_1668#3, %scan3A_1668#4, %scan3A_1668#5, %scan3A_1668#6, %scan3A_1668#7, %scan3A_1668#8, %scan3A_1668#9, %scan3A_1668#10, %scan3A_1668#11, %scan3A_1668#12, %scan3A_1668#13, %scan3A_1668#14, %scan3A_1668#15, %scan3A_1668#16, %scan3A_1668#17, %scan3A_1668#18, %scan3A_1668#19, %scan3A_1668#20, %scan3A_1668#21, %scan3A_1668#22, %scan3A_1668#23, %scan3A_1668#24, %scan3A_1668#25, %scan3A_1668#26, %scan3A_1668#27, %scan3A_1668#28, %scan3A_1668#29, %scan3A_1668#30, %scan3A_1668#31 : vector<16xf32>, vector<16xf32>, vector<16xf32>, vector<16xf32>, vector<16xf32>, vector<16xf32>, vector<16xf32>, vector<16xf32>, vector<16xf32>, vector<16xf32>, vector<16xf32>, vector<16xf32>, vector<16xf32>, vector<16xf32>, vector<16xf32>, vector<16xf32>, vector<16xf32>, vector<16xf32>, vector<16xf32>, vector<16xf32>, vector<16xf32>, vector<16xf32>, vector<16xf32>, vector<16xf32>, vector<16xf32>, vector<16xf32>, vector<16xf32>, vector<16xf32>, vector<16xf32>, vector<16xf32>, vector<16xf32>, vector<16xf32>, vector<16xf32>, vector<16xf32>, vector<16xf32>, vector<16xf32>
    }
    %scan3A_734 = arith.constant 4 : i32
    %get3A_735 = arith.constant 0 : index
    %get3A_736 = tpu.vector_load %arg20[%get3A_735] {strides = array<i32>} : memref<128xf32, #tpu.memory_space<vmem>>, vector<16xf32>,
    %get3A_737 = vector.shape_cast %get3A_736 : vector<16xf32> to vector<16xf32>
    %get3A_738 = arith.constant 64 : index
    %get3A_739 = tpu.vector_load %arg20[%get3A_738] {strides = array<i32>} : memref<128xf32, #tpu.memory_space<vmem>>, vector<16xf32>,
    %get3A_740 = vector.shape_cast %get3A_739 : vector<16xf32> to vector<16xf32>
    %mul3A_741 = arith.mulf %get3A_737, %get3A_164 : vector<16xf32>
    %mul3A_742 = arith.mulf %get3A_740, %get3A_176 : vector<16xf32>
    %sub3A_743 = arith.subf %mul3A_741, %mul3A_742 : vector<16xf32>
    %mul3A_744 = arith.mulf %get3A_740, %get3A_164 : vector<16xf32>
    %mul3A_745 = arith.mulf %get3A_737, %get3A_176 : vector<16xf32>
    %add3A_746 = arith.addf %mul3A_744, %mul3A_745 : vector<16xf32>
    %get3A_747 = arith.constant 16 : index
    %get3A_748 = tpu.vector_load %arg20[%get3A_747] {strides = array<i32>} : memref<128xf32, #tpu.memory_space<vmem>>, vector<16xf32>,
    %get3A_749 = vector.shape_cast %get3A_748 : vector<16xf32> to vector<16xf32>
    %get3A_750 = arith.constant 80 : index
    %get3A_751 = tpu.vector_load %arg20[%get3A_750] {strides = array<i32>} : memref<128xf32, #tpu.memory_space<vmem>>, vector<16xf32>,
    %get3A_752 = vector.shape_cast %get3A_751 : vector<16xf32> to vector<16xf32>
    %mul3A_753 = arith.mulf %get3A_749, %get3A_167 : vector<16xf32>
    %mul3A_754 = arith.mulf %get3A_752, %get3A_179 : vector<16xf32>
    %sub3A_755 = arith.subf %mul3A_753, %mul3A_754 : vector<16xf32>
    %mul3A_756 = arith.mulf %get3A_752, %get3A_167 : vector<16xf32>
    %mul3A_757 = arith.mulf %get3A_749, %get3A_179 : vector<16xf32>
    %add3A_758 = arith.addf %mul3A_756, %mul3A_757 : vector<16xf32>
    %get3A_759 = arith.constant 32 : index
    %get3A_760 = tpu.vector_load %arg20[%get3A_759] {strides = array<i32>} : memref<128xf32, #tpu.memory_space<vmem>>, vector<16xf32>,
    %get3A_761 = vector.shape_cast %get3A_760 : vector<16xf32> to vector<16xf32>
    %get3A_762 = arith.constant 96 : index
    %get3A_763 = tpu.vector_load %arg20[%get3A_762] {strides = array<i32>} : memref<128xf32, #tpu.memory_space<vmem>>, vector<16xf32>,
    %get3A_764 = vector.shape_cast %get3A_763 : vector<16xf32> to vector<16xf32>
    %mul3A_765 = arith.mulf %get3A_761, %get3A_170 : vector<16xf32>
    %mul3A_766 = arith.mulf %get3A_764, %get3A_182 : vector<16xf32>
    %sub3A_767 = arith.subf %mul3A_765, %mul3A_766 : vector<16xf32>
    %mul3A_768 = arith.mulf %get3A_764, %get3A_170 : vector<16xf32>
    %mul3A_769 = arith.mulf %get3A_761, %get3A_182 : vector<16xf32>
    %add3A_770 = arith.addf %mul3A_768, %mul3A_769 : vector<16xf32>
    %get3A_771 = arith.constant 48 : index
    %get3A_772 = tpu.vector_load %arg20[%get3A_771] {strides = array<i32>} : memref<128xf32, #tpu.memory_space<vmem>>, vector<16xf32>,
    %get3A_773 = vector.shape_cast %get3A_772 : vector<16xf32> to vector<16xf32>
    %get3A_774 = arith.constant 112 : index
    %get3A_775 = tpu.vector_load %arg20[%get3A_774] {strides = array<i32>} : memref<128xf32, #tpu.memory_space<vmem>>, vector<16xf32>,
    %get3A_776 = vector.shape_cast %get3A_775 : vector<16xf32> to vector<16xf32>
    %mul3A_777 = arith.mulf %get3A_773, %get3A_173 : vector<16xf32>
    %mul3A_778 = arith.mulf %get3A_776, %get3A_185 : vector<16xf32>
    %sub3A_779 = arith.subf %mul3A_777, %mul3A_778 : vector<16xf32>
    %mul3A_780 = arith.mulf %get3A_776, %get3A_173 : vector<16xf32>
    %mul3A_781 = arith.mulf %get3A_773, %get3A_185 : vector<16xf32>
    %add3A_782 = arith.addf %mul3A_780, %mul3A_781 : vector<16xf32>
    %get3A_783 = arith.constant 0 : i32
    %get3A_784 = arith.index_cast %get3A_783 : i32 to index
    %get3A_785 = arith.constant 0 : index
    %get3A_786 = tpu.vector_load %arg18[%get3A_784, %get3A_785] {strides = array<i32>} : memref<4x128xf32, #tpu.memory_space<vmem>>, vector<1x16xf32>,
    %get3A_787 = vector.shape_cast %get3A_786 : vector<1x16xf32> to vector<16xf32>
    %mul3A_788 = arith.mulf %sub3A_743, %get3A_787 : vector<16xf32>
    %get3A_789 = arith.constant 0 : i32
    %get3A_790 = arith.index_cast %get3A_789 : i32 to index
    %get3A_791 = arith.constant 16 : index
    %get3A_792 = tpu.vector_load %arg18[%get3A_790, %get3A_791] {strides = array<i32>} : memref<4x128xf32, #tpu.memory_space<vmem>>, vector<1x16xf32>,
    %get3A_793 = vector.shape_cast %get3A_792 : vector<1x16xf32> to vector<16xf32>
    %mul3A_794 = arith.mulf %sub3A_755, %get3A_793 : vector<16xf32>
    %add3A_795 = arith.addf %mul3A_788, %mul3A_794 : vector<16xf32>
    %get3A_796 = arith.constant 0 : i32
    %get3A_797 = arith.index_cast %get3A_796 : i32 to index
    %get3A_798 = arith.constant 32 : index
    %get3A_799 = tpu.vector_load %arg18[%get3A_797, %get3A_798] {strides = array<i32>} : memref<4x128xf32, #tpu.memory_space<vmem>>, vector<1x16xf32>,
    %get3A_800 = vector.shape_cast %get3A_799 : vector<1x16xf32> to vector<16xf32>
    %mul3A_801 = arith.mulf %sub3A_767, %get3A_800 : vector<16xf32>
    %add3A_802 = arith.addf %add3A_795, %mul3A_801 : vector<16xf32>
    %get3A_803 = arith.constant 0 : i32
    %get3A_804 = arith.index_cast %get3A_803 : i32 to index
    %get3A_805 = arith.constant 48 : index
    %get3A_806 = tpu.vector_load %arg18[%get3A_804, %get3A_805] {strides = array<i32>} : memref<4x128xf32, #tpu.memory_space<vmem>>, vector<1x16xf32>,
    %get3A_807 = vector.shape_cast %get3A_806 : vector<1x16xf32> to vector<16xf32>
    %mul3A_808 = arith.mulf %sub3A_779, %get3A_807 : vector<16xf32>
    %add3A_809 = arith.addf %add3A_802, %mul3A_808 : vector<16xf32>
    %get3A_810 = arith.constant 0 : i32
    %get3A_811 = arith.index_cast %get3A_810 : i32 to index
    %get3A_812 = arith.constant 64 : index
    %get3A_813 = tpu.vector_load %arg18[%get3A_811, %get3A_812] {strides = array<i32>} : memref<4x128xf32, #tpu.memory_space<vmem>>, vector<1x16xf32>,
    %get3A_814 = vector.shape_cast %get3A_813 : vector<1x16xf32> to vector<16xf32>
    %mul3A_815 = arith.mulf %add3A_746, %get3A_814 : vector<16xf32>
    %add3A_816 = arith.addf %add3A_809, %mul3A_815 : vector<16xf32>
    %get3A_817 = arith.constant 0 : i32
    %get3A_818 = arith.index_cast %get3A_817 : i32 to index
    %get3A_819 = arith.constant 80 : index
    %get3A_820 = tpu.vector_load %arg18[%get3A_818, %get3A_819] {strides = array<i32>} : memref<4x128xf32, #tpu.memory_space<vmem>>, vector<1x16xf32>,
    %get3A_821 = vector.shape_cast %get3A_820 : vector<1x16xf32> to vector<16xf32>
    %mul3A_822 = arith.mulf %add3A_758, %get3A_821 : vector<16xf32>
    %add3A_823 = arith.addf %add3A_816, %mul3A_822 : vector<16xf32>
    %get3A_824 = arith.constant 0 : i32
    %get3A_825 = arith.index_cast %get3A_824 : i32 to index
    %get3A_826 = arith.constant 96 : index
    %get3A_827 = tpu.vector_load %arg18[%get3A_825, %get3A_826] {strides = array<i32>} : memref<4x128xf32, #tpu.memory_space<vmem>>, vector<1x16xf32>,
    %get3A_828 = vector.shape_cast %get3A_827 : vector<1x16xf32> to vector<16xf32>
    %mul3A_829 = arith.mulf %add3A_770, %get3A_828 : vector<16xf32>
    %add3A_830 = arith.addf %add3A_823, %mul3A_829 : vector<16xf32>
    %get3A_831 = arith.constant 0 : i32
    %get3A_832 = arith.index_cast %get3A_831 : i32 to index
    %get3A_833 = arith.constant 112 : index
    %get3A_834 = tpu.vector_load %arg18[%get3A_832, %get3A_833] {strides = array<i32>} : memref<4x128xf32, #tpu.memory_space<vmem>>, vector<1x16xf32>,
    %get3A_835 = vector.shape_cast %get3A_834 : vector<1x16xf32> to vector<16xf32>
    %mul3A_836 = arith.mulf %add3A_782, %get3A_835 : vector<16xf32>
    %add3A_837 = arith.addf %add3A_830, %mul3A_836 : vector<16xf32>
    %eq3A_838 = arith.constant 0 : i32
    %eq3A_839 = arith.cmpi eq, %select_n3A_72, %eq3A_838 : i32
    %jit3A_840 = arith.constant 1.000000e+00 : f32
    %jit3A_841 = arith.constant 0.000000e+00 : f32
    %select_n3A_842 = arith.select %eq3A_839, %jit3A_840, %jit3A_841 : f32
    %iota3A = tpu.iota {dimensions = array<i32: 0>} : vector<16xi32>
    %xor3A = arith.constant 8 : i32
    %xor3A_843 = vector.broadcast %xor3A : i32 to vector<16xi32>
    %xor3A_844 = arith.xori %iota3A, %xor3A_843 : vector<16xi32>
    %broadcast_in_dim3A_845 = vector.shape_cast %xor3A_844 : vector<16xi32> to vector<16x1xi32>
    %gather3A = vector.shape_cast %broadcast_in_dim3A_845 : vector<16x1xi32> to vector<16xi32>
    %gather3A_846 = tpu.dynamic_gather %add3A_837[%gather3A] in [0] : vector<16xf32>, vector<16xi32> -> vector<16xf32>
    %add3A_847 = arith.addf %add3A_837, %gather3A_846 : vector<16xf32>
    %iota3A_848 = tpu.iota {dimensions = array<i32: 0>} : vector<16xi32>
    %xor3A_849 = arith.constant 4 : i32
    %xor3A_850 = vector.broadcast %xor3A_849 : i32 to vector<16xi32>
    %xor3A_851 = arith.xori %iota3A_848, %xor3A_850 : vector<16xi32>
    %broadcast_in_dim3A_852 = vector.shape_cast %xor3A_851 : vector<16xi32> to vector<16x1xi32>
    %gather3A_853 = vector.shape_cast %broadcast_in_dim3A_852 : vector<16x1xi32> to vector<16xi32>
    %gather3A_854 = tpu.dynamic_gather %add3A_847[%gather3A_853] in [0] : vector<16xf32>, vector<16xi32> -> vector<16xf32>
    %add3A_855 = arith.addf %add3A_847, %gather3A_854 : vector<16xf32>
    %iota3A_856 = tpu.iota {dimensions = array<i32: 0>} : vector<16xi32>
    %xor3A_857 = arith.constant 2 : i32
    %xor3A_858 = vector.broadcast %xor3A_857 : i32 to vector<16xi32>
    %xor3A_859 = arith.xori %iota3A_856, %xor3A_858 : vector<16xi32>
    %broadcast_in_dim3A_860 = vector.shape_cast %xor3A_859 : vector<16xi32> to vector<16x1xi32>
    %gather3A_861 = vector.shape_cast %broadcast_in_dim3A_860 : vector<16x1xi32> to vector<16xi32>
    %gather3A_862 = tpu.dynamic_gather %add3A_855[%gather3A_861] in [0] : vector<16xf32>, vector<16xi32> -> vector<16xf32>
    %add3A_863 = arith.addf %add3A_855, %gather3A_862 : vector<16xf32>
    %iota3A_864 = tpu.iota {dimensions = array<i32: 0>} : vector<16xi32>
    %xor3A_865 = arith.constant 1 : i32
    %xor3A_866 = vector.broadcast %xor3A_865 : i32 to vector<16xi32>
    %xor3A_867 = arith.xori %iota3A_864, %xor3A_866 : vector<16xi32>
    %broadcast_in_dim3A_868 = vector.shape_cast %xor3A_867 : vector<16xi32> to vector<16x1xi32>
    %gather3A_869 = vector.shape_cast %broadcast_in_dim3A_868 : vector<16x1xi32> to vector<16xi32>
    %gather3A_870 = tpu.dynamic_gather %add3A_863[%gather3A_869] in [0] : vector<16xf32>, vector<16xi32> -> vector<16xf32>
    %add3A_871 = arith.addf %add3A_863, %gather3A_870 : vector<16xf32>
    %exp3A = math.exp %add3A_871 : vector<16xf32>
    %mul3A_872 = vector.broadcast %select_n3A_842 : f32 to vector<16xf32>
    %mul3A_873 = arith.mulf %exp3A, %mul3A_872 : vector<16xf32>
    %add3A_874 = arith.addf %scan3A_733#0, %mul3A_873 : vector<16xf32>
    %get3A_875 = arith.constant 0 : index
    %get3A_876 = tpu.vector_load %arg21[%get3A_875] {strides = array<i32>} : memref<128xf32, #tpu.memory_space<vmem>>, vector<16xf32>,
    %get3A_877 = vector.shape_cast %get3A_876 : vector<16xf32> to vector<16xf32>
    %mul3A_878 = arith.mulf %mul3A_873, %get3A_877 : vector<16xf32>
    %add3A_879 = arith.addf %scan3A_733#4, %mul3A_878 : vector<16xf32>
    %get3A_880 = arith.constant 16 : index
    %get3A_881 = tpu.vector_load %arg21[%get3A_880] {strides = array<i32>} : memref<128xf32, #tpu.memory_space<vmem>>, vector<16xf32>,
    %get3A_882 = vector.shape_cast %get3A_881 : vector<16xf32> to vector<16xf32>
    %mul3A_883 = arith.mulf %mul3A_873, %get3A_882 : vector<16xf32>
    %add3A_884 = arith.addf %scan3A_733#5, %mul3A_883 : vector<16xf32>
    %get3A_885 = arith.constant 32 : index
    %get3A_886 = tpu.vector_load %arg21[%get3A_885] {strides = array<i32>} : memref<128xf32, #tpu.memory_space<vmem>>, vector<16xf32>,
    %get3A_887 = vector.shape_cast %get3A_886 : vector<16xf32> to vector<16xf32>
    %mul3A_888 = arith.mulf %mul3A_873, %get3A_887 : vector<16xf32>
    %add3A_889 = arith.addf %scan3A_733#6, %mul3A_888 : vector<16xf32>
    %get3A_890 = arith.constant 48 : index
    %get3A_891 = tpu.vector_load %arg21[%get3A_890] {strides = array<i32>} : memref<128xf32, #tpu.memory_space<vmem>>, vector<16xf32>,
    %get3A_892 = vector.shape_cast %get3A_891 : vector<16xf32> to vector<16xf32>
    %mul3A_893 = arith.mulf %mul3A_873, %get3A_892 : vector<16xf32>
    %add3A_894 = arith.addf %scan3A_733#7, %mul3A_893 : vector<16xf32>
    %get3A_895 = arith.constant 64 : index
    %get3A_896 = tpu.vector_load %arg21[%get3A_895] {strides = array<i32>} : memref<128xf32, #tpu.memory_space<vmem>>, vector<16xf32>,
    %get3A_897 = vector.shape_cast %get3A_896 : vector<16xf32> to vector<16xf32>
    %mul3A_898 = arith.mulf %mul3A_873, %get3A_897 : vector<16xf32>
    %add3A_899 = arith.addf %scan3A_733#8, %mul3A_898 : vector<16xf32>
    %get3A_900 = arith.constant 80 : index
    %get3A_901 = tpu.vector_load %arg21[%get3A_900] {strides = array<i32>} : memref<128xf32, #tpu.memory_space<vmem>>, vector<16xf32>,
    %get3A_902 = vector.shape_cast %get3A_901 : vector<16xf32> to vector<16xf32>
    %mul3A_903 = arith.mulf %mul3A_873, %get3A_902 : vector<16xf32>
    %add3A_904 = arith.addf %scan3A_733#9, %mul3A_903 : vector<16xf32>
    %get3A_905 = arith.constant 96 : index
    %get3A_906 = tpu.vector_load %arg21[%get3A_905] {strides = array<i32>} : memref<128xf32, #tpu.memory_space<vmem>>, vector<16xf32>,
    %get3A_907 = vector.shape_cast %get3A_906 : vector<16xf32> to vector<16xf32>
    %mul3A_908 = arith.mulf %mul3A_873, %get3A_907 : vector<16xf32>
    %add3A_909 = arith.addf %scan3A_733#10, %mul3A_908 : vector<16xf32>
    %get3A_910 = arith.constant 112 : index
    %get3A_911 = tpu.vector_load %arg21[%get3A_910] {strides = array<i32>} : memref<128xf32, #tpu.memory_space<vmem>>, vector<16xf32>,
    %get3A_912 = vector.shape_cast %get3A_911 : vector<16xf32> to vector<16xf32>
    %mul3A_913 = arith.mulf %mul3A_873, %get3A_912 : vector<16xf32>
    %add3A_914 = arith.addf %scan3A_733#11, %mul3A_913 : vector<16xf32>
    %get3A_915 = arith.constant 1 : i32
    %get3A_916 = arith.index_cast %get3A_915 : i32 to index
    %get3A_917 = arith.constant 0 : index
    %get3A_918 = tpu.vector_load %arg18[%get3A_916, %get3A_917] {strides = array<i32>} : memref<4x128xf32, #tpu.memory_space<vmem>>, vector<1x16xf32>,
    %get3A_919 = vector.shape_cast %get3A_918 : vector<1x16xf32> to vector<16xf32>
    %mul3A_920 = arith.mulf %sub3A_743, %get3A_919 : vector<16xf32>
    %get3A_921 = arith.constant 1 : i32
    %get3A_922 = arith.index_cast %get3A_921 : i32 to index
    %get3A_923 = arith.constant 16 : index
    %get3A_924 = tpu.vector_load %arg18[%get3A_922, %get3A_923] {strides = array<i32>} : memref<4x128xf32, #tpu.memory_space<vmem>>, vector<1x16xf32>,
    %get3A_925 = vector.shape_cast %get3A_924 : vector<1x16xf32> to vector<16xf32>
    %mul3A_926 = arith.mulf %sub3A_755, %get3A_925 : vector<16xf32>
    %add3A_927 = arith.addf %mul3A_920, %mul3A_926 : vector<16xf32>
    %get3A_928 = arith.constant 1 : i32
    %get3A_929 = arith.index_cast %get3A_928 : i32 to index
    %get3A_930 = arith.constant 32 : index
    %get3A_931 = tpu.vector_load %arg18[%get3A_929, %get3A_930] {strides = array<i32>} : memref<4x128xf32, #tpu.memory_space<vmem>>, vector<1x16xf32>,
    %get3A_932 = vector.shape_cast %get3A_931 : vector<1x16xf32> to vector<16xf32>
    %mul3A_933 = arith.mulf %sub3A_767, %get3A_932 : vector<16xf32>
    %add3A_934 = arith.addf %add3A_927, %mul3A_933 : vector<16xf32>
    %get3A_935 = arith.constant 1 : i32
    %get3A_936 = arith.index_cast %get3A_935 : i32 to index
    %get3A_937 = arith.constant 48 : index
    %get3A_938 = tpu.vector_load %arg18[%get3A_936, %get3A_937] {strides = array<i32>} : memref<4x128xf32, #tpu.memory_space<vmem>>, vector<1x16xf32>,
    %get3A_939 = vector.shape_cast %get3A_938 : vector<1x16xf32> to vector<16xf32>
    %mul3A_940 = arith.mulf %sub3A_779, %get3A_939 : vector<16xf32>
    %add3A_941 = arith.addf %add3A_934, %mul3A_940 : vector<16xf32>
    %get3A_942 = arith.constant 1 : i32
    %get3A_943 = arith.index_cast %get3A_942 : i32 to index
    %get3A_944 = arith.constant 64 : index
    %get3A_945 = tpu.vector_load %arg18[%get3A_943, %get3A_944] {strides = array<i32>} : memref<4x128xf32, #tpu.memory_space<vmem>>, vector<1x16xf32>,
    %get3A_946 = vector.shape_cast %get3A_945 : vector<1x16xf32> to vector<16xf32>
    %mul3A_947 = arith.mulf %add3A_746, %get3A_946 : vector<16xf32>
    %add3A_948 = arith.addf %add3A_941, %mul3A_947 : vector<16xf32>
    %get3A_949 = arith.constant 1 : i32
    %get3A_950 = arith.index_cast %get3A_949 : i32 to index
    %get3A_951 = arith.constant 80 : index
    %get3A_952 = tpu.vector_load %arg18[%get3A_950, %get3A_951] {strides = array<i32>} : memref<4x128xf32, #tpu.memory_space<vmem>>, vector<1x16xf32>,
    %get3A_953 = vector.shape_cast %get3A_952 : vector<1x16xf32> to vector<16xf32>
    %mul3A_954 = arith.mulf %add3A_758, %get3A_953 : vector<16xf32>
    %add3A_955 = arith.addf %add3A_948, %mul3A_954 : vector<16xf32>
    %get3A_956 = arith.constant 1 : i32
    %get3A_957 = arith.index_cast %get3A_956 : i32 to index
    %get3A_958 = arith.constant 96 : index
    %get3A_959 = tpu.vector_load %arg18[%get3A_957, %get3A_958] {strides = array<i32>} : memref<4x128xf32, #tpu.memory_space<vmem>>, vector<1x16xf32>,
    %get3A_960 = vector.shape_cast %get3A_959 : vector<1x16xf32> to vector<16xf32>
    %mul3A_961 = arith.mulf %add3A_770, %get3A_960 : vector<16xf32>
    %add3A_962 = arith.addf %add3A_955, %mul3A_961 : vector<16xf32>
    %get3A_963 = arith.constant 1 : i32
    %get3A_964 = arith.index_cast %get3A_963 : i32 to index
    %get3A_965 = arith.constant 112 : index
    %get3A_966 = tpu.vector_load %arg18[%get3A_964, %get3A_965] {strides = array<i32>} : memref<4x128xf32, #tpu.memory_space<vmem>>, vector<1x16xf32>,
    %get3A_967 = vector.shape_cast %get3A_966 : vector<1x16xf32> to vector<16xf32>
    %mul3A_968 = arith.mulf %add3A_782, %get3A_967 : vector<16xf32>
    %add3A_969 = arith.addf %add3A_962, %mul3A_968 : vector<16xf32>
    %eq3A_970 = arith.constant 0 : i32
    %eq3A_971 = arith.cmpi eq, %select_n3A_72, %eq3A_970 : i32
    %jit3A_972 = arith.constant 1.000000e+00 : f32
    %jit3A_973 = arith.constant 0.000000e+00 : f32
    %select_n3A_974 = arith.select %eq3A_971, %jit3A_972, %jit3A_973 : f32
    %iota3A_975 = tpu.iota {dimensions = array<i32: 0>} : vector<16xi32>
    %xor3A_976 = arith.constant 8 : i32
    %xor3A_977 = vector.broadcast %xor3A_976 : i32 to vector<16xi32>
    %xor3A_978 = arith.xori %iota3A_975, %xor3A_977 : vector<16xi32>
    %broadcast_in_dim3A_979 = vector.shape_cast %xor3A_978 : vector<16xi32> to vector<16x1xi32>
    %gather3A_980 = vector.shape_cast %broadcast_in_dim3A_979 : vector<16x1xi32> to vector<16xi32>
    %gather3A_981 = tpu.dynamic_gather %add3A_969[%gather3A_980] in [0] : vector<16xf32>, vector<16xi32> -> vector<16xf32>
    %add3A_982 = arith.addf %add3A_969, %gather3A_981 : vector<16xf32>
    %iota3A_983 = tpu.iota {dimensions = array<i32: 0>} : vector<16xi32>
    %xor3A_984 = arith.constant 4 : i32
    %xor3A_985 = vector.broadcast %xor3A_984 : i32 to vector<16xi32>
    %xor3A_986 = arith.xori %iota3A_983, %xor3A_985 : vector<16xi32>
    %broadcast_in_dim3A_987 = vector.shape_cast %xor3A_986 : vector<16xi32> to vector<16x1xi32>
    %gather3A_988 = vector.shape_cast %broadcast_in_dim3A_987 : vector<16x1xi32> to vector<16xi32>
    %gather3A_989 = tpu.dynamic_gather %add3A_982[%gather3A_988] in [0] : vector<16xf32>, vector<16xi32> -> vector<16xf32>
    %add3A_990 = arith.addf %add3A_982, %gather3A_989 : vector<16xf32>
    %iota3A_991 = tpu.iota {dimensions = array<i32: 0>} : vector<16xi32>
    %xor3A_992 = arith.constant 2 : i32
    %xor3A_993 = vector.broadcast %xor3A_992 : i32 to vector<16xi32>
    %xor3A_994 = arith.xori %iota3A_991, %xor3A_993 : vector<16xi32>
    %broadcast_in_dim3A_995 = vector.shape_cast %xor3A_994 : vector<16xi32> to vector<16x1xi32>
    %gather3A_996 = vector.shape_cast %broadcast_in_dim3A_995 : vector<16x1xi32> to vector<16xi32>
    %gather3A_997 = tpu.dynamic_gather %add3A_990[%gather3A_996] in [0] : vector<16xf32>, vector<16xi32> -> vector<16xf32>
    %add3A_998 = arith.addf %add3A_990, %gather3A_997 : vector<16xf32>
    %iota3A_999 = tpu.iota {dimensions = array<i32: 0>} : vector<16xi32>
    %xor3A_1000 = arith.constant 1 : i32
    %xor3A_1001 = vector.broadcast %xor3A_1000 : i32 to vector<16xi32>
    %xor3A_1002 = arith.xori %iota3A_999, %xor3A_1001 : vector<16xi32>
    %broadcast_in_dim3A_1003 = vector.shape_cast %xor3A_1002 : vector<16xi32> to vector<16x1xi32>
    %gather3A_1004 = vector.shape_cast %broadcast_in_dim3A_1003 : vector<16x1xi32> to vector<16xi32>
    %gather3A_1005 = tpu.dynamic_gather %add3A_998[%gather3A_1004] in [0] : vector<16xf32>, vector<16xi32> -> vector<16xf32>
    %add3A_1006 = arith.addf %add3A_998, %gather3A_1005 : vector<16xf32>
    %exp3A_1007 = math.exp %add3A_1006 : vector<16xf32>
    %mul3A_1008 = vector.broadcast %select_n3A_974 : f32 to vector<16xf32>
    %mul3A_1009 = arith.mulf %exp3A_1007, %mul3A_1008 : vector<16xf32>
    %add3A_1010 = arith.addf %scan3A_733#1, %mul3A_1009 : vector<16xf32>
    %get3A_1011 = arith.constant 0 : index
    %get3A_1012 = tpu.vector_load %arg21[%get3A_1011] {strides = array<i32>} : memref<128xf32, #tpu.memory_space<vmem>>, vector<16xf32>,
    %get3A_1013 = vector.shape_cast %get3A_1012 : vector<16xf32> to vector<16xf32>
    %mul3A_1014 = arith.mulf %mul3A_1009, %get3A_1013 : vector<16xf32>
    %add3A_1015 = arith.addf %scan3A_733#12, %mul3A_1014 : vector<16xf32>
    %get3A_1016 = arith.constant 16 : index
    %get3A_1017 = tpu.vector_load %arg21[%get3A_1016] {strides = array<i32>} : memref<128xf32, #tpu.memory_space<vmem>>, vector<16xf32>,
    %get3A_1018 = vector.shape_cast %get3A_1017 : vector<16xf32> to vector<16xf32>
    %mul3A_1019 = arith.mulf %mul3A_1009, %get3A_1018 : vector<16xf32>
    %add3A_1020 = arith.addf %scan3A_733#13, %mul3A_1019 : vector<16xf32>
    %get3A_1021 = arith.constant 32 : index
    %get3A_1022 = tpu.vector_load %arg21[%get3A_1021] {strides = array<i32>} : memref<128xf32, #tpu.memory_space<vmem>>, vector<16xf32>,
    %get3A_1023 = vector.shape_cast %get3A_1022 : vector<16xf32> to vector<16xf32>
    %mul3A_1024 = arith.mulf %mul3A_1009, %get3A_1023 : vector<16xf32>
    %add3A_1025 = arith.addf %scan3A_733#14, %mul3A_1024 : vector<16xf32>
    %get3A_1026 = arith.constant 48 : index
    %get3A_1027 = tpu.vector_load %arg21[%get3A_1026] {strides = array<i32>} : memref<128xf32, #tpu.memory_space<vmem>>, vector<16xf32>,
    %get3A_1028 = vector.shape_cast %get3A_1027 : vector<16xf32> to vector<16xf32>
    %mul3A_1029 = arith.mulf %mul3A_1009, %get3A_1028 : vector<16xf32>
    %add3A_1030 = arith.addf %scan3A_733#15, %mul3A_1029 : vector<16xf32>
    %get3A_1031 = arith.constant 64 : index
    %get3A_1032 = tpu.vector_load %arg21[%get3A_1031] {strides = array<i32>} : memref<128xf32, #tpu.memory_space<vmem>>, vector<16xf32>,
    %get3A_1033 = vector.shape_cast %get3A_1032 : vector<16xf32> to vector<16xf32>
    %mul3A_1034 = arith.mulf %mul3A_1009, %get3A_1033 : vector<16xf32>
    %add3A_1035 = arith.addf %scan3A_733#16, %mul3A_1034 : vector<16xf32>
    %get3A_1036 = arith.constant 80 : index
    %get3A_1037 = tpu.vector_load %arg21[%get3A_1036] {strides = array<i32>} : memref<128xf32, #tpu.memory_space<vmem>>, vector<16xf32>,
    %get3A_1038 = vector.shape_cast %get3A_1037 : vector<16xf32> to vector<16xf32>
    %mul3A_1039 = arith.mulf %mul3A_1009, %get3A_1038 : vector<16xf32>
    %add3A_1040 = arith.addf %scan3A_733#17, %mul3A_1039 : vector<16xf32>
    %get3A_1041 = arith.constant 96 : index
    %get3A_1042 = tpu.vector_load %arg21[%get3A_1041] {strides = array<i32>} : memref<128xf32, #tpu.memory_space<vmem>>, vector<16xf32>,
    %get3A_1043 = vector.shape_cast %get3A_1042 : vector<16xf32> to vector<16xf32>
    %mul3A_1044 = arith.mulf %mul3A_1009, %get3A_1043 : vector<16xf32>
    %add3A_1045 = arith.addf %scan3A_733#18, %mul3A_1044 : vector<16xf32>
    %get3A_1046 = arith.constant 112 : index
    %get3A_1047 = tpu.vector_load %arg21[%get3A_1046] {strides = array<i32>} : memref<128xf32, #tpu.memory_space<vmem>>, vector<16xf32>,
    %get3A_1048 = vector.shape_cast %get3A_1047 : vector<16xf32> to vector<16xf32>
    %mul3A_1049 = arith.mulf %mul3A_1009, %get3A_1048 : vector<16xf32>
    %add3A_1050 = arith.addf %scan3A_733#19, %mul3A_1049 : vector<16xf32>
    %get3A_1051 = arith.constant 2 : i32
    %get3A_1052 = arith.index_cast %get3A_1051 : i32 to index
    %get3A_1053 = arith.constant 0 : index
    %get3A_1054 = tpu.vector_load %arg18[%get3A_1052, %get3A_1053] {strides = array<i32>} : memref<4x128xf32, #tpu.memory_space<vmem>>, vector<1x16xf32>,
    %get3A_1055 = vector.shape_cast %get3A_1054 : vector<1x16xf32> to vector<16xf32>
    %mul3A_1056 = arith.mulf %sub3A_743, %get3A_1055 : vector<16xf32>
    %get3A_1057 = arith.constant 2 : i32
    %get3A_1058 = arith.index_cast %get3A_1057 : i32 to index
    %get3A_1059 = arith.constant 16 : index
    %get3A_1060 = tpu.vector_load %arg18[%get3A_1058, %get3A_1059] {strides = array<i32>} : memref<4x128xf32, #tpu.memory_space<vmem>>, vector<1x16xf32>,
    %get3A_1061 = vector.shape_cast %get3A_1060 : vector<1x16xf32> to vector<16xf32>
    %mul3A_1062 = arith.mulf %sub3A_755, %get3A_1061 : vector<16xf32>
    %add3A_1063 = arith.addf %mul3A_1056, %mul3A_1062 : vector<16xf32>
    %get3A_1064 = arith.constant 2 : i32
    %get3A_1065 = arith.index_cast %get3A_1064 : i32 to index
    %get3A_1066 = arith.constant 32 : index
    %get3A_1067 = tpu.vector_load %arg18[%get3A_1065, %get3A_1066] {strides = array<i32>} : memref<4x128xf32, #tpu.memory_space<vmem>>, vector<1x16xf32>,
    %get3A_1068 = vector.shape_cast %get3A_1067 : vector<1x16xf32> to vector<16xf32>
    %mul3A_1069 = arith.mulf %sub3A_767, %get3A_1068 : vector<16xf32>
    %add3A_1070 = arith.addf %add3A_1063, %mul3A_1069 : vector<16xf32>
    %get3A_1071 = arith.constant 2 : i32
    %get3A_1072 = arith.index_cast %get3A_1071 : i32 to index
    %get3A_1073 = arith.constant 48 : index
    %get3A_1074 = tpu.vector_load %arg18[%get3A_1072, %get3A_1073] {strides = array<i32>} : memref<4x128xf32, #tpu.memory_space<vmem>>, vector<1x16xf32>,
    %get3A_1075 = vector.shape_cast %get3A_1074 : vector<1x16xf32> to vector<16xf32>
    %mul3A_1076 = arith.mulf %sub3A_779, %get3A_1075 : vector<16xf32>
    %add3A_1077 = arith.addf %add3A_1070, %mul3A_1076 : vector<16xf32>
    %get3A_1078 = arith.constant 2 : i32
    %get3A_1079 = arith.index_cast %get3A_1078 : i32 to index
    %get3A_1080 = arith.constant 64 : index
    %get3A_1081 = tpu.vector_load %arg18[%get3A_1079, %get3A_1080] {strides = array<i32>} : memref<4x128xf32, #tpu.memory_space<vmem>>, vector<1x16xf32>,
    %get3A_1082 = vector.shape_cast %get3A_1081 : vector<1x16xf32> to vector<16xf32>
    %mul3A_1083 = arith.mulf %add3A_746, %get3A_1082 : vector<16xf32>
    %add3A_1084 = arith.addf %add3A_1077, %mul3A_1083 : vector<16xf32>
    %get3A_1085 = arith.constant 2 : i32
    %get3A_1086 = arith.index_cast %get3A_1085 : i32 to index
    %get3A_1087 = arith.constant 80 : index
    %get3A_1088 = tpu.vector_load %arg18[%get3A_1086, %get3A_1087] {strides = array<i32>} : memref<4x128xf32, #tpu.memory_space<vmem>>, vector<1x16xf32>,
    %get3A_1089 = vector.shape_cast %get3A_1088 : vector<1x16xf32> to vector<16xf32>
    %mul3A_1090 = arith.mulf %add3A_758, %get3A_1089 : vector<16xf32>
    %add3A_1091 = arith.addf %add3A_1084, %mul3A_1090 : vector<16xf32>
    %get3A_1092 = arith.constant 2 : i32
    %get3A_1093 = arith.index_cast %get3A_1092 : i32 to index
    %get3A_1094 = arith.constant 96 : index
    %get3A_1095 = tpu.vector_load %arg18[%get3A_1093, %get3A_1094] {strides = array<i32>} : memref<4x128xf32, #tpu.memory_space<vmem>>, vector<1x16xf32>,
    %get3A_1096 = vector.shape_cast %get3A_1095 : vector<1x16xf32> to vector<16xf32>
    %mul3A_1097 = arith.mulf %add3A_770, %get3A_1096 : vector<16xf32>
    %add3A_1098 = arith.addf %add3A_1091, %mul3A_1097 : vector<16xf32>
    %get3A_1099 = arith.constant 2 : i32
    %get3A_1100 = arith.index_cast %get3A_1099 : i32 to index
    %get3A_1101 = arith.constant 112 : index
    %get3A_1102 = tpu.vector_load %arg18[%get3A_1100, %get3A_1101] {strides = array<i32>} : memref<4x128xf32, #tpu.memory_space<vmem>>, vector<1x16xf32>,
    %get3A_1103 = vector.shape_cast %get3A_1102 : vector<1x16xf32> to vector<16xf32>
    %mul3A_1104 = arith.mulf %add3A_782, %get3A_1103 : vector<16xf32>
    %add3A_1105 = arith.addf %add3A_1098, %mul3A_1104 : vector<16xf32>
    %eq3A_1106 = arith.constant 0 : i32
    %eq3A_1107 = arith.cmpi eq, %select_n3A_72, %eq3A_1106 : i32
    %jit3A_1108 = arith.constant 1.000000e+00 : f32
    %jit3A_1109 = arith.constant 0.000000e+00 : f32
    %select_n3A_1110 = arith.select %eq3A_1107, %jit3A_1108, %jit3A_1109 : f32
    %iota3A_1111 = tpu.iota {dimensions = array<i32: 0>} : vector<16xi32>
    %xor3A_1112 = arith.constant 8 : i32
    %xor3A_1113 = vector.broadcast %xor3A_1112 : i32 to vector<16xi32>
    %xor3A_1114 = arith.xori %iota3A_1111, %xor3A_1113 : vector<16xi32>
    %broadcast_in_dim3A_1115 = vector.shape_cast %xor3A_1114 : vector<16xi32> to vector<16x1xi32>
    %gather3A_1116 = vector.shape_cast %broadcast_in_dim3A_1115 : vector<16x1xi32> to vector<16xi32>
    %gather3A_1117 = tpu.dynamic_gather %add3A_1105[%gather3A_1116] in [0] : vector<16xf32>, vector<16xi32> -> vector<16xf32>
    %add3A_1118 = arith.addf %add3A_1105, %gather3A_1117 : vector<16xf32>
    %iota3A_1119 = tpu.iota {dimensions = array<i32: 0>} : vector<16xi32>
    %xor3A_1120 = arith.constant 4 : i32
    %xor3A_1121 = vector.broadcast %xor3A_1120 : i32 to vector<16xi32>
    %xor3A_1122 = arith.xori %iota3A_1119, %xor3A_1121 : vector<16xi32>
    %broadcast_in_dim3A_1123 = vector.shape_cast %xor3A_1122 : vector<16xi32> to vector<16x1xi32>
    %gather3A_1124 = vector.shape_cast %broadcast_in_dim3A_1123 : vector<16x1xi32> to vector<16xi32>
    %gather3A_1125 = tpu.dynamic_gather %add3A_1118[%gather3A_1124] in [0] : vector<16xf32>, vector<16xi32> -> vector<16xf32>
    %add3A_1126 = arith.addf %add3A_1118, %gather3A_1125 : vector<16xf32>
    %iota3A_1127 = tpu.iota {dimensions = array<i32: 0>} : vector<16xi32>
    %xor3A_1128 = arith.constant 2 : i32
    %xor3A_1129 = vector.broadcast %xor3A_1128 : i32 to vector<16xi32>
    %xor3A_1130 = arith.xori %iota3A_1127, %xor3A_1129 : vector<16xi32>
    %broadcast_in_dim3A_1131 = vector.shape_cast %xor3A_1130 : vector<16xi32> to vector<16x1xi32>
    %gather3A_1132 = vector.shape_cast %broadcast_in_dim3A_1131 : vector<16x1xi32> to vector<16xi32>
    %gather3A_1133 = tpu.dynamic_gather %add3A_1126[%gather3A_1132] in [0] : vector<16xf32>, vector<16xi32> -> vector<16xf32>
    %add3A_1134 = arith.addf %add3A_1126, %gather3A_1133 : vector<16xf32>
    %iota3A_1135 = tpu.iota {dimensions = array<i32: 0>} : vector<16xi32>
    %xor3A_1136 = arith.constant 1 : i32
    %xor3A_1137 = vector.broadcast %xor3A_1136 : i32 to vector<16xi32>
    %xor3A_1138 = arith.xori %iota3A_1135, %xor3A_1137 : vector<16xi32>
    %broadcast_in_dim3A_1139 = vector.shape_cast %xor3A_1138 : vector<16xi32> to vector<16x1xi32>
    %gather3A_1140 = vector.shape_cast %broadcast_in_dim3A_1139 : vector<16x1xi32> to vector<16xi32>
    %gather3A_1141 = tpu.dynamic_gather %add3A_1134[%gather3A_1140] in [0] : vector<16xf32>, vector<16xi32> -> vector<16xf32>
    %add3A_1142 = arith.addf %add3A_1134, %gather3A_1141 : vector<16xf32>
    %exp3A_1143 = math.exp %add3A_1142 : vector<16xf32>
    %mul3A_1144 = vector.broadcast %select_n3A_1110 : f32 to vector<16xf32>
    %mul3A_1145 = arith.mulf %exp3A_1143, %mul3A_1144 : vector<16xf32>
    %add3A_1146 = arith.addf %scan3A_733#2, %mul3A_1145 : vector<16xf32>
    %get3A_1147 = arith.constant 0 : index
    %get3A_1148 = tpu.vector_load %arg21[%get3A_1147] {strides = array<i32>} : memref<128xf32, #tpu.memory_space<vmem>>, vector<16xf32>,
    %get3A_1149 = vector.shape_cast %get3A_1148 : vector<16xf32> to vector<16xf32>
    %mul3A_1150 = arith.mulf %mul3A_1145, %get3A_1149 : vector<16xf32>
    %add3A_1151 = arith.addf %scan3A_733#20, %mul3A_1150 : vector<16xf32>
    %get3A_1152 = arith.constant 16 : index
    %get3A_1153 = tpu.vector_load %arg21[%get3A_1152] {strides = array<i32>} : memref<128xf32, #tpu.memory_space<vmem>>, vector<16xf32>,
    %get3A_1154 = vector.shape_cast %get3A_1153 : vector<16xf32> to vector<16xf32>
    %mul3A_1155 = arith.mulf %mul3A_1145, %get3A_1154 : vector<16xf32>
    %add3A_1156 = arith.addf %scan3A_733#21, %mul3A_1155 : vector<16xf32>
    %get3A_1157 = arith.constant 32 : index
    %get3A_1158 = tpu.vector_load %arg21[%get3A_1157] {strides = array<i32>} : memref<128xf32, #tpu.memory_space<vmem>>, vector<16xf32>,
    %get3A_1159 = vector.shape_cast %get3A_1158 : vector<16xf32> to vector<16xf32>
    %mul3A_1160 = arith.mulf %mul3A_1145, %get3A_1159 : vector<16xf32>
    %add3A_1161 = arith.addf %scan3A_733#22, %mul3A_1160 : vector<16xf32>
    %get3A_1162 = arith.constant 48 : index
    %get3A_1163 = tpu.vector_load %arg21[%get3A_1162] {strides = array<i32>} : memref<128xf32, #tpu.memory_space<vmem>>, vector<16xf32>,
    %get3A_1164 = vector.shape_cast %get3A_1163 : vector<16xf32> to vector<16xf32>
    %mul3A_1165 = arith.mulf %mul3A_1145, %get3A_1164 : vector<16xf32>
    %add3A_1166 = arith.addf %scan3A_733#23, %mul3A_1165 : vector<16xf32>
    %get3A_1167 = arith.constant 64 : index
    %get3A_1168 = tpu.vector_load %arg21[%get3A_1167] {strides = array<i32>} : memref<128xf32, #tpu.memory_space<vmem>>, vector<16xf32>,
    %get3A_1169 = vector.shape_cast %get3A_1168 : vector<16xf32> to vector<16xf32>
    %mul3A_1170 = arith.mulf %mul3A_1145, %get3A_1169 : vector<16xf32>
    %add3A_1171 = arith.addf %scan3A_733#24, %mul3A_1170 : vector<16xf32>
    %get3A_1172 = arith.constant 80 : index
    %get3A_1173 = tpu.vector_load %arg21[%get3A_1172] {strides = array<i32>} : memref<128xf32, #tpu.memory_space<vmem>>, vector<16xf32>,
    %get3A_1174 = vector.shape_cast %get3A_1173 : vector<16xf32> to vector<16xf32>
    %mul3A_1175 = arith.mulf %mul3A_1145, %get3A_1174 : vector<16xf32>
    %add3A_1176 = arith.addf %scan3A_733#25, %mul3A_1175 : vector<16xf32>
    %get3A_1177 = arith.constant 96 : index
    %get3A_1178 = tpu.vector_load %arg21[%get3A_1177] {strides = array<i32>} : memref<128xf32, #tpu.memory_space<vmem>>, vector<16xf32>,
    %get3A_1179 = vector.shape_cast %get3A_1178 : vector<16xf32> to vector<16xf32>
    %mul3A_1180 = arith.mulf %mul3A_1145, %get3A_1179 : vector<16xf32>
    %add3A_1181 = arith.addf %scan3A_733#26, %mul3A_1180 : vector<16xf32>
    %get3A_1182 = arith.constant 112 : index
    %get3A_1183 = tpu.vector_load %arg21[%get3A_1182] {strides = array<i32>} : memref<128xf32, #tpu.memory_space<vmem>>, vector<16xf32>,
    %get3A_1184 = vector.shape_cast %get3A_1183 : vector<16xf32> to vector<16xf32>
    %mul3A_1185 = arith.mulf %mul3A_1145, %get3A_1184 : vector<16xf32>
    %add3A_1186 = arith.addf %scan3A_733#27, %mul3A_1185 : vector<16xf32>
    %get3A_1187 = arith.constant 3 : i32
    %get3A_1188 = arith.index_cast %get3A_1187 : i32 to index
    %get3A_1189 = arith.constant 0 : index
    %get3A_1190 = tpu.vector_load %arg18[%get3A_1188, %get3A_1189] {strides = array<i32>} : memref<4x128xf32, #tpu.memory_space<vmem>>, vector<1x16xf32>,
    %get3A_1191 = vector.shape_cast %get3A_1190 : vector<1x16xf32> to vector<16xf32>
    %mul3A_1192 = arith.mulf %sub3A_743, %get3A_1191 : vector<16xf32>
    %get3A_1193 = arith.constant 3 : i32
    %get3A_1194 = arith.index_cast %get3A_1193 : i32 to index
    %get3A_1195 = arith.constant 16 : index
    %get3A_1196 = tpu.vector_load %arg18[%get3A_1194, %get3A_1195] {strides = array<i32>} : memref<4x128xf32, #tpu.memory_space<vmem>>, vector<1x16xf32>,
    %get3A_1197 = vector.shape_cast %get3A_1196 : vector<1x16xf32> to vector<16xf32>
    %mul3A_1198 = arith.mulf %sub3A_755, %get3A_1197 : vector<16xf32>
    %add3A_1199 = arith.addf %mul3A_1192, %mul3A_1198 : vector<16xf32>
    %get3A_1200 = arith.constant 3 : i32
    %get3A_1201 = arith.index_cast %get3A_1200 : i32 to index
    %get3A_1202 = arith.constant 32 : index
    %get3A_1203 = tpu.vector_load %arg18[%get3A_1201, %get3A_1202] {strides = array<i32>} : memref<4x128xf32, #tpu.memory_space<vmem>>, vector<1x16xf32>,
    %get3A_1204 = vector.shape_cast %get3A_1203 : vector<1x16xf32> to vector<16xf32>
    %mul3A_1205 = arith.mulf %sub3A_767, %get3A_1204 : vector<16xf32>
    %add3A_1206 = arith.addf %add3A_1199, %mul3A_1205 : vector<16xf32>
    %get3A_1207 = arith.constant 3 : i32
    %get3A_1208 = arith.index_cast %get3A_1207 : i32 to index
    %get3A_1209 = arith.constant 48 : index
    %get3A_1210 = tpu.vector_load %arg18[%get3A_1208, %get3A_1209] {strides = array<i32>} : memref<4x128xf32, #tpu.memory_space<vmem>>, vector<1x16xf32>,
    %get3A_1211 = vector.shape_cast %get3A_1210 : vector<1x16xf32> to vector<16xf32>
    %mul3A_1212 = arith.mulf %sub3A_779, %get3A_1211 : vector<16xf32>
    %add3A_1213 = arith.addf %add3A_1206, %mul3A_1212 : vector<16xf32>
    %get3A_1214 = arith.constant 3 : i32
    %get3A_1215 = arith.index_cast %get3A_1214 : i32 to index
    %get3A_1216 = arith.constant 64 : index
    %get3A_1217 = tpu.vector_load %arg18[%get3A_1215, %get3A_1216] {strides = array<i32>} : memref<4x128xf32, #tpu.memory_space<vmem>>, vector<1x16xf32>,
    %get3A_1218 = vector.shape_cast %get3A_1217 : vector<1x16xf32> to vector<16xf32>
    %mul3A_1219 = arith.mulf %add3A_746, %get3A_1218 : vector<16xf32>
    %add3A_1220 = arith.addf %add3A_1213, %mul3A_1219 : vector<16xf32>
    %get3A_1221 = arith.constant 3 : i32
    %get3A_1222 = arith.index_cast %get3A_1221 : i32 to index
    %get3A_1223 = arith.constant 80 : index
    %get3A_1224 = tpu.vector_load %arg18[%get3A_1222, %get3A_1223] {strides = array<i32>} : memref<4x128xf32, #tpu.memory_space<vmem>>, vector<1x16xf32>,
    %get3A_1225 = vector.shape_cast %get3A_1224 : vector<1x16xf32> to vector<16xf32>
    %mul3A_1226 = arith.mulf %add3A_758, %get3A_1225 : vector<16xf32>
    %add3A_1227 = arith.addf %add3A_1220, %mul3A_1226 : vector<16xf32>
    %get3A_1228 = arith.constant 3 : i32
    %get3A_1229 = arith.index_cast %get3A_1228 : i32 to index
    %get3A_1230 = arith.constant 96 : index
    %get3A_1231 = tpu.vector_load %arg18[%get3A_1229, %get3A_1230] {strides = array<i32>} : memref<4x128xf32, #tpu.memory_space<vmem>>, vector<1x16xf32>,
    %get3A_1232 = vector.shape_cast %get3A_1231 : vector<1x16xf32> to vector<16xf32>
    %mul3A_1233 = arith.mulf %add3A_770, %get3A_1232 : vector<16xf32>
    %add3A_1234 = arith.addf %add3A_1227, %mul3A_1233 : vector<16xf32>
    %get3A_1235 = arith.constant 3 : i32
    %get3A_1236 = arith.index_cast %get3A_1235 : i32 to index
    %get3A_1237 = arith.constant 112 : index
    %get3A_1238 = tpu.vector_load %arg18[%get3A_1236, %get3A_1237] {strides = array<i32>} : memref<4x128xf32, #tpu.memory_space<vmem>>, vector<1x16xf32>,
    %get3A_1239 = vector.shape_cast %get3A_1238 : vector<1x16xf32> to vector<16xf32>
    %mul3A_1240 = arith.mulf %add3A_782, %get3A_1239 : vector<16xf32>
    %add3A_1241 = arith.addf %add3A_1234, %mul3A_1240 : vector<16xf32>
    %eq3A_1242 = arith.constant 0 : i32
    %eq3A_1243 = arith.cmpi eq, %select_n3A_72, %eq3A_1242 : i32
    %jit3A_1244 = arith.constant 1.000000e+00 : f32
    %jit3A_1245 = arith.constant 0.000000e+00 : f32
    %select_n3A_1246 = arith.select %eq3A_1243, %jit3A_1244, %jit3A_1245 : f32
    %iota3A_1247 = tpu.iota {dimensions = array<i32: 0>} : vector<16xi32>
    %xor3A_1248 = arith.constant 8 : i32
    %xor3A_1249 = vector.broadcast %xor3A_1248 : i32 to vector<16xi32>
    %xor3A_1250 = arith.xori %iota3A_1247, %xor3A_1249 : vector<16xi32>
    %broadcast_in_dim3A_1251 = vector.shape_cast %xor3A_1250 : vector<16xi32> to vector<16x1xi32>
    %gather3A_1252 = vector.shape_cast %broadcast_in_dim3A_1251 : vector<16x1xi32> to vector<16xi32>
    %gather3A_1253 = tpu.dynamic_gather %add3A_1241[%gather3A_1252] in [0] : vector<16xf32>, vector<16xi32> -> vector<16xf32>
    %add3A_1254 = arith.addf %add3A_1241, %gather3A_1253 : vector<16xf32>
    %iota3A_1255 = tpu.iota {dimensions = array<i32: 0>} : vector<16xi32>
    %xor3A_1256 = arith.constant 4 : i32
    %xor3A_1257 = vector.broadcast %xor3A_1256 : i32 to vector<16xi32>
    %xor3A_1258 = arith.xori %iota3A_1255, %xor3A_1257 : vector<16xi32>
    %broadcast_in_dim3A_1259 = vector.shape_cast %xor3A_1258 : vector<16xi32> to vector<16x1xi32>
    %gather3A_1260 = vector.shape_cast %broadcast_in_dim3A_1259 : vector<16x1xi32> to vector<16xi32>
    %gather3A_1261 = tpu.dynamic_gather %add3A_1254[%gather3A_1260] in [0] : vector<16xf32>, vector<16xi32> -> vector<16xf32>
    %add3A_1262 = arith.addf %add3A_1254, %gather3A_1261 : vector<16xf32>
    %iota3A_1263 = tpu.iota {dimensions = array<i32: 0>} : vector<16xi32>
    %xor3A_1264 = arith.constant 2 : i32
    %xor3A_1265 = vector.broadcast %xor3A_1264 : i32 to vector<16xi32>
    %xor3A_1266 = arith.xori %iota3A_1263, %xor3A_1265 : vector<16xi32>
    %broadcast_in_dim3A_1267 = vector.shape_cast %xor3A_1266 : vector<16xi32> to vector<16x1xi32>
    %gather3A_1268 = vector.shape_cast %broadcast_in_dim3A_1267 : vector<16x1xi32> to vector<16xi32>
    %gather3A_1269 = tpu.dynamic_gather %add3A_1262[%gather3A_1268] in [0] : vector<16xf32>, vector<16xi32> -> vector<16xf32>
    %add3A_1270 = arith.addf %add3A_1262, %gather3A_1269 : vector<16xf32>
    %iota3A_1271 = tpu.iota {dimensions = array<i32: 0>} : vector<16xi32>
    %xor3A_1272 = arith.constant 1 : i32
    %xor3A_1273 = vector.broadcast %xor3A_1272 : i32 to vector<16xi32>
    %xor3A_1274 = arith.xori %iota3A_1271, %xor3A_1273 : vector<16xi32>
    %broadcast_in_dim3A_1275 = vector.shape_cast %xor3A_1274 : vector<16xi32> to vector<16x1xi32>
    %gather3A_1276 = vector.shape_cast %broadcast_in_dim3A_1275 : vector<16x1xi32> to vector<16xi32>
    %gather3A_1277 = tpu.dynamic_gather %add3A_1270[%gather3A_1276] in [0] : vector<16xf32>, vector<16xi32> -> vector<16xf32>
    %add3A_1278 = arith.addf %add3A_1270, %gather3A_1277 : vector<16xf32>
    %exp3A_1279 = math.exp %add3A_1278 : vector<16xf32>
    %mul3A_1280 = vector.broadcast %select_n3A_1246 : f32 to vector<16xf32>
    %mul3A_1281 = arith.mulf %exp3A_1279, %mul3A_1280 : vector<16xf32>
    %add3A_1282 = arith.addf %scan3A_733#3, %mul3A_1281 : vector<16xf32>
    %get3A_1283 = arith.constant 0 : index
    %get3A_1284 = tpu.vector_load %arg21[%get3A_1283] {strides = array<i32>} : memref<128xf32, #tpu.memory_space<vmem>>, vector<16xf32>,
    %get3A_1285 = vector.shape_cast %get3A_1284 : vector<16xf32> to vector<16xf32>
    %mul3A_1286 = arith.mulf %mul3A_1281, %get3A_1285 : vector<16xf32>
    %add3A_1287 = arith.addf %scan3A_733#28, %mul3A_1286 : vector<16xf32>
    %get3A_1288 = arith.constant 16 : index
    %get3A_1289 = tpu.vector_load %arg21[%get3A_1288] {strides = array<i32>} : memref<128xf32, #tpu.memory_space<vmem>>, vector<16xf32>,
    %get3A_1290 = vector.shape_cast %get3A_1289 : vector<16xf32> to vector<16xf32>
    %mul3A_1291 = arith.mulf %mul3A_1281, %get3A_1290 : vector<16xf32>
    %add3A_1292 = arith.addf %scan3A_733#29, %mul3A_1291 : vector<16xf32>
    %get3A_1293 = arith.constant 32 : index
    %get3A_1294 = tpu.vector_load %arg21[%get3A_1293] {strides = array<i32>} : memref<128xf32, #tpu.memory_space<vmem>>, vector<16xf32>,
    %get3A_1295 = vector.shape_cast %get3A_1294 : vector<16xf32> to vector<16xf32>
    %mul3A_1296 = arith.mulf %mul3A_1281, %get3A_1295 : vector<16xf32>
    %add3A_1297 = arith.addf %scan3A_733#30, %mul3A_1296 : vector<16xf32>
    %get3A_1298 = arith.constant 48 : index
    %get3A_1299 = tpu.vector_load %arg21[%get3A_1298] {strides = array<i32>} : memref<128xf32, #tpu.memory_space<vmem>>, vector<16xf32>,
    %get3A_1300 = vector.shape_cast %get3A_1299 : vector<16xf32> to vector<16xf32>
    %mul3A_1301 = arith.mulf %mul3A_1281, %get3A_1300 : vector<16xf32>
    %add3A_1302 = arith.addf %scan3A_733#31, %mul3A_1301 : vector<16xf32>
    %get3A_1303 = arith.constant 64 : index
    %get3A_1304 = tpu.vector_load %arg21[%get3A_1303] {strides = array<i32>} : memref<128xf32, #tpu.memory_space<vmem>>, vector<16xf32>,
    %get3A_1305 = vector.shape_cast %get3A_1304 : vector<16xf32> to vector<16xf32>
    %mul3A_1306 = arith.mulf %mul3A_1281, %get3A_1305 : vector<16xf32>
    %add3A_1307 = arith.addf %scan3A_733#32, %mul3A_1306 : vector<16xf32>
    %get3A_1308 = arith.constant 80 : index
    %get3A_1309 = tpu.vector_load %arg21[%get3A_1308] {strides = array<i32>} : memref<128xf32, #tpu.memory_space<vmem>>, vector<16xf32>,
    %get3A_1310 = vector.shape_cast %get3A_1309 : vector<16xf32> to vector<16xf32>
    %mul3A_1311 = arith.mulf %mul3A_1281, %get3A_1310 : vector<16xf32>
    %add3A_1312 = arith.addf %scan3A_733#33, %mul3A_1311 : vector<16xf32>
    %get3A_1313 = arith.constant 96 : index
    %get3A_1314 = tpu.vector_load %arg21[%get3A_1313] {strides = array<i32>} : memref<128xf32, #tpu.memory_space<vmem>>, vector<16xf32>,
    %get3A_1315 = vector.shape_cast %get3A_1314 : vector<16xf32> to vector<16xf32>
    %mul3A_1316 = arith.mulf %mul3A_1281, %get3A_1315 : vector<16xf32>
    %add3A_1317 = arith.addf %scan3A_733#34, %mul3A_1316 : vector<16xf32>
    %get3A_1318 = arith.constant 112 : index
    %get3A_1319 = tpu.vector_load %arg21[%get3A_1318] {strides = array<i32>} : memref<128xf32, #tpu.memory_space<vmem>>, vector<16xf32>,
    %get3A_1320 = vector.shape_cast %get3A_1319 : vector<16xf32> to vector<16xf32>
    %mul3A_1321 = arith.mulf %mul3A_1281, %get3A_1320 : vector<16xf32>
    %add3A_1322 = arith.addf %scan3A_733#35, %mul3A_1321 : vector<16xf32>
    %swap3A_1323 = arith.constant 0 : i32
    %swap3A_1324 = arith.index_cast %swap3A_1323 : i32 to index
    %swap3A_1325 = arith.constant 0 : index
    %swap3A_1326 = tpu.vector_load %arg23[%swap3A_1324, %swap3A_1325] {strides = array<i32>} : memref<4x128xf32, #tpu.memory_space<vmem>>, vector<1x16xf32>,
    %swap3A_1327 = vector.shape_cast %swap3A_1326 : vector<1x16xf32> to vector<16xf32>
    %swap3A_1328 = vector.shape_cast %add3A_879 : vector<16xf32> to vector<1x16xf32>
    tpu.vector_store %arg23[%swap3A_1324, %swap3A_1325], %swap3A_1328 {strides = array<i32>} : memref<4x128xf32, #tpu.memory_space<vmem>>, vector<1x16xf32>,
    %swap3A_1329 = arith.constant 0 : i32
    %swap3A_1330 = arith.index_cast %swap3A_1329 : i32 to index
    %swap3A_1331 = arith.constant 16 : index
    %swap3A_1332 = tpu.vector_load %arg23[%swap3A_1330, %swap3A_1331] {strides = array<i32>} : memref<4x128xf32, #tpu.memory_space<vmem>>, vector<1x16xf32>,
    %swap3A_1333 = vector.shape_cast %swap3A_1332 : vector<1x16xf32> to vector<16xf32>
    %swap3A_1334 = vector.shape_cast %add3A_884 : vector<16xf32> to vector<1x16xf32>
    tpu.vector_store %arg23[%swap3A_1330, %swap3A_1331], %swap3A_1334 {strides = array<i32>} : memref<4x128xf32, #tpu.memory_space<vmem>>, vector<1x16xf32>,
    %swap3A_1335 = arith.constant 0 : i32
    %swap3A_1336 = arith.index_cast %swap3A_1335 : i32 to index
    %swap3A_1337 = arith.constant 32 : index
    %swap3A_1338 = tpu.vector_load %arg23[%swap3A_1336, %swap3A_1337] {strides = array<i32>} : memref<4x128xf32, #tpu.memory_space<vmem>>, vector<1x16xf32>,
    %swap3A_1339 = vector.shape_cast %swap3A_1338 : vector<1x16xf32> to vector<16xf32>
    %swap3A_1340 = vector.shape_cast %add3A_889 : vector<16xf32> to vector<1x16xf32>
    tpu.vector_store %arg23[%swap3A_1336, %swap3A_1337], %swap3A_1340 {strides = array<i32>} : memref<4x128xf32, #tpu.memory_space<vmem>>, vector<1x16xf32>,
    %swap3A_1341 = arith.constant 0 : i32
    %swap3A_1342 = arith.index_cast %swap3A_1341 : i32 to index
    %swap3A_1343 = arith.constant 48 : index
    %swap3A_1344 = tpu.vector_load %arg23[%swap3A_1342, %swap3A_1343] {strides = array<i32>} : memref<4x128xf32, #tpu.memory_space<vmem>>, vector<1x16xf32>,
    %swap3A_1345 = vector.shape_cast %swap3A_1344 : vector<1x16xf32> to vector<16xf32>
    %swap3A_1346 = vector.shape_cast %add3A_894 : vector<16xf32> to vector<1x16xf32>
    tpu.vector_store %arg23[%swap3A_1342, %swap3A_1343], %swap3A_1346 {strides = array<i32>} : memref<4x128xf32, #tpu.memory_space<vmem>>, vector<1x16xf32>,
    %swap3A_1347 = arith.constant 0 : i32
    %swap3A_1348 = arith.index_cast %swap3A_1347 : i32 to index
    %swap3A_1349 = arith.constant 64 : index
    %swap3A_1350 = tpu.vector_load %arg23[%swap3A_1348, %swap3A_1349] {strides = array<i32>} : memref<4x128xf32, #tpu.memory_space<vmem>>, vector<1x16xf32>,
    %swap3A_1351 = vector.shape_cast %swap3A_1350 : vector<1x16xf32> to vector<16xf32>
    %swap3A_1352 = vector.shape_cast %add3A_899 : vector<16xf32> to vector<1x16xf32>
    tpu.vector_store %arg23[%swap3A_1348, %swap3A_1349], %swap3A_1352 {strides = array<i32>} : memref<4x128xf32, #tpu.memory_space<vmem>>, vector<1x16xf32>,
    %swap3A_1353 = arith.constant 0 : i32
    %swap3A_1354 = arith.index_cast %swap3A_1353 : i32 to index
    %swap3A_1355 = arith.constant 80 : index
    %swap3A_1356 = tpu.vector_load %arg23[%swap3A_1354, %swap3A_1355] {strides = array<i32>} : memref<4x128xf32, #tpu.memory_space<vmem>>, vector<1x16xf32>,
    %swap3A_1357 = vector.shape_cast %swap3A_1356 : vector<1x16xf32> to vector<16xf32>
    %swap3A_1358 = vector.shape_cast %add3A_904 : vector<16xf32> to vector<1x16xf32>
    tpu.vector_store %arg23[%swap3A_1354, %swap3A_1355], %swap3A_1358 {strides = array<i32>} : memref<4x128xf32, #tpu.memory_space<vmem>>, vector<1x16xf32>,
    %swap3A_1359 = arith.constant 0 : i32
    %swap3A_1360 = arith.index_cast %swap3A_1359 : i32 to index
    %swap3A_1361 = arith.constant 96 : index
    %swap3A_1362 = tpu.vector_load %arg23[%swap3A_1360, %swap3A_1361] {strides = array<i32>} : memref<4x128xf32, #tpu.memory_space<vmem>>, vector<1x16xf32>,
    %swap3A_1363 = vector.shape_cast %swap3A_1362 : vector<1x16xf32> to vector<16xf32>
    %swap3A_1364 = vector.shape_cast %add3A_909 : vector<16xf32> to vector<1x16xf32>
    tpu.vector_store %arg23[%swap3A_1360, %swap3A_1361], %swap3A_1364 {strides = array<i32>} : memref<4x128xf32, #tpu.memory_space<vmem>>, vector<1x16xf32>,
    %swap3A_1365 = arith.constant 0 : i32
    %swap3A_1366 = arith.index_cast %swap3A_1365 : i32 to index
    %swap3A_1367 = arith.constant 112 : index
    %swap3A_1368 = tpu.vector_load %arg23[%swap3A_1366, %swap3A_1367] {strides = array<i32>} : memref<4x128xf32, #tpu.memory_space<vmem>>, vector<1x16xf32>,
    %swap3A_1369 = vector.shape_cast %swap3A_1368 : vector<1x16xf32> to vector<16xf32>
    %swap3A_1370 = vector.shape_cast %add3A_914 : vector<16xf32> to vector<1x16xf32>
    tpu.vector_store %arg23[%swap3A_1366, %swap3A_1367], %swap3A_1370 {strides = array<i32>} : memref<4x128xf32, #tpu.memory_space<vmem>>, vector<1x16xf32>,
    %swap3A_1371 = arith.constant 0 : i32
    %swap3A_1372 = arith.index_cast %swap3A_1371 : i32 to index
    %swap3A_1373 = arith.constant 0 : index
    %swap3A_1374 = tpu.vector_load %arg24[%swap3A_1372, %swap3A_1373] {strides = array<i32>} : memref<4x16xf32, #tpu.memory_space<vmem>>, vector<1x16xf32>,
    %swap3A_1375 = vector.shape_cast %swap3A_1374 : vector<1x16xf32> to vector<16xf32>
    %swap3A_1376 = vector.shape_cast %add3A_874 : vector<16xf32> to vector<1x16xf32>
    tpu.vector_store %arg24[%swap3A_1372, %swap3A_1373], %swap3A_1376 {strides = array<i32>} : memref<4x16xf32, #tpu.memory_space<vmem>>, vector<1x16xf32>,
    %swap3A_1377 = arith.constant 1 : i32
    %swap3A_1378 = arith.index_cast %swap3A_1377 : i32 to index
    %swap3A_1379 = arith.constant 0 : index
    %swap3A_1380 = tpu.vector_load %arg23[%swap3A_1378, %swap3A_1379] {strides = array<i32>} : memref<4x128xf32, #tpu.memory_space<vmem>>, vector<1x16xf32>,
    %swap3A_1381 = vector.shape_cast %swap3A_1380 : vector<1x16xf32> to vector<16xf32>
    %swap3A_1382 = vector.shape_cast %add3A_1015 : vector<16xf32> to vector<1x16xf32>
    tpu.vector_store %arg23[%swap3A_1378, %swap3A_1379], %swap3A_1382 {strides = array<i32>} : memref<4x128xf32, #tpu.memory_space<vmem>>, vector<1x16xf32>,
    %swap3A_1383 = arith.constant 1 : i32
    %swap3A_1384 = arith.index_cast %swap3A_1383 : i32 to index
    %swap3A_1385 = arith.constant 16 : index
    %swap3A_1386 = tpu.vector_load %arg23[%swap3A_1384, %swap3A_1385] {strides = array<i32>} : memref<4x128xf32, #tpu.memory_space<vmem>>, vector<1x16xf32>,
    %swap3A_1387 = vector.shape_cast %swap3A_1386 : vector<1x16xf32> to vector<16xf32>
    %swap3A_1388 = vector.shape_cast %add3A_1020 : vector<16xf32> to vector<1x16xf32>
    tpu.vector_store %arg23[%swap3A_1384, %swap3A_1385], %swap3A_1388 {strides = array<i32>} : memref<4x128xf32, #tpu.memory_space<vmem>>, vector<1x16xf32>,
    %swap3A_1389 = arith.constant 1 : i32
    %swap3A_1390 = arith.index_cast %swap3A_1389 : i32 to index
    %swap3A_1391 = arith.constant 32 : index
    %swap3A_1392 = tpu.vector_load %arg23[%swap3A_1390, %swap3A_1391] {strides = array<i32>} : memref<4x128xf32, #tpu.memory_space<vmem>>, vector<1x16xf32>,
    %swap3A_1393 = vector.shape_cast %swap3A_1392 : vector<1x16xf32> to vector<16xf32>
    %swap3A_1394 = vector.shape_cast %add3A_1025 : vector<16xf32> to vector<1x16xf32>
    tpu.vector_store %arg23[%swap3A_1390, %swap3A_1391], %swap3A_1394 {strides = array<i32>} : memref<4x128xf32, #tpu.memory_space<vmem>>, vector<1x16xf32>,
    %swap3A_1395 = arith.constant 1 : i32
    %swap3A_1396 = arith.index_cast %swap3A_1395 : i32 to index
    %swap3A_1397 = arith.constant 48 : index
    %swap3A_1398 = tpu.vector_load %arg23[%swap3A_1396, %swap3A_1397] {strides = array<i32>} : memref<4x128xf32, #tpu.memory_space<vmem>>, vector<1x16xf32>,
    %swap3A_1399 = vector.shape_cast %swap3A_1398 : vector<1x16xf32> to vector<16xf32>
    %swap3A_1400 = vector.shape_cast %add3A_1030 : vector<16xf32> to vector<1x16xf32>
    tpu.vector_store %arg23[%swap3A_1396, %swap3A_1397], %swap3A_1400 {strides = array<i32>} : memref<4x128xf32, #tpu.memory_space<vmem>>, vector<1x16xf32>,
    %swap3A_1401 = arith.constant 1 : i32
    %swap3A_1402 = arith.index_cast %swap3A_1401 : i32 to index
    %swap3A_1403 = arith.constant 64 : index
    %swap3A_1404 = tpu.vector_load %arg23[%swap3A_1402, %swap3A_1403] {strides = array<i32>} : memref<4x128xf32, #tpu.memory_space<vmem>>, vector<1x16xf32>,
    %swap3A_1405 = vector.shape_cast %swap3A_1404 : vector<1x16xf32> to vector<16xf32>
    %swap3A_1406 = vector.shape_cast %add3A_1035 : vector<16xf32> to vector<1x16xf32>
    tpu.vector_store %arg23[%swap3A_1402, %swap3A_1403], %swap3A_1406 {strides = array<i32>} : memref<4x128xf32, #tpu.memory_space<vmem>>, vector<1x16xf32>,
    %swap3A_1407 = arith.constant 1 : i32
    %swap3A_1408 = arith.index_cast %swap3A_1407 : i32 to index
    %swap3A_1409 = arith.constant 80 : index
    %swap3A_1410 = tpu.vector_load %arg23[%swap3A_1408, %swap3A_1409] {strides = array<i32>} : memref<4x128xf32, #tpu.memory_space<vmem>>, vector<1x16xf32>,
    %swap3A_1411 = vector.shape_cast %swap3A_1410 : vector<1x16xf32> to vector<16xf32>
    %swap3A_1412 = vector.shape_cast %add3A_1040 : vector<16xf32> to vector<1x16xf32>
    tpu.vector_store %arg23[%swap3A_1408, %swap3A_1409], %swap3A_1412 {strides = array<i32>} : memref<4x128xf32, #tpu.memory_space<vmem>>, vector<1x16xf32>,
    %swap3A_1413 = arith.constant 1 : i32
    %swap3A_1414 = arith.index_cast %swap3A_1413 : i32 to index
    %swap3A_1415 = arith.constant 96 : index
    %swap3A_1416 = tpu.vector_load %arg23[%swap3A_1414, %swap3A_1415] {strides = array<i32>} : memref<4x128xf32, #tpu.memory_space<vmem>>, vector<1x16xf32>,
    %swap3A_1417 = vector.shape_cast %swap3A_1416 : vector<1x16xf32> to vector<16xf32>
    %swap3A_1418 = vector.shape_cast %add3A_1045 : vector<16xf32> to vector<1x16xf32>
    tpu.vector_store %arg23[%swap3A_1414, %swap3A_1415], %swap3A_1418 {strides = array<i32>} : memref<4x128xf32, #tpu.memory_space<vmem>>, vector<1x16xf32>,
    %swap3A_1419 = arith.constant 1 : i32
    %swap3A_1420 = arith.index_cast %swap3A_1419 : i32 to index
    %swap3A_1421 = arith.constant 112 : index
    %swap3A_1422 = tpu.vector_load %arg23[%swap3A_1420, %swap3A_1421] {strides = array<i32>} : memref<4x128xf32, #tpu.memory_space<vmem>>, vector<1x16xf32>,
    %swap3A_1423 = vector.shape_cast %swap3A_1422 : vector<1x16xf32> to vector<16xf32>
    %swap3A_1424 = vector.shape_cast %add3A_1050 : vector<16xf32> to vector<1x16xf32>
    tpu.vector_store %arg23[%swap3A_1420, %swap3A_1421], %swap3A_1424 {strides = array<i32>} : memref<4x128xf32, #tpu.memory_space<vmem>>, vector<1x16xf32>,
    %swap3A_1425 = arith.constant 1 : i32
    %swap3A_1426 = arith.index_cast %swap3A_1425 : i32 to index
    %swap3A_1427 = arith.constant 0 : index
    %swap3A_1428 = tpu.vector_load %arg24[%swap3A_1426, %swap3A_1427] {strides = array<i32>} : memref<4x16xf32, #tpu.memory_space<vmem>>, vector<1x16xf32>,
    %swap3A_1429 = vector.shape_cast %swap3A_1428 : vector<1x16xf32> to vector<16xf32>
    %swap3A_1430 = vector.shape_cast %add3A_1010 : vector<16xf32> to vector<1x16xf32>
    tpu.vector_store %arg24[%swap3A_1426, %swap3A_1427], %swap3A_1430 {strides = array<i32>} : memref<4x16xf32, #tpu.memory_space<vmem>>, vector<1x16xf32>,
    %swap3A_1431 = arith.constant 2 : i32
    %swap3A_1432 = arith.index_cast %swap3A_1431 : i32 to index
    %swap3A_1433 = arith.constant 0 : index
    %swap3A_1434 = tpu.vector_load %arg23[%swap3A_1432, %swap3A_1433] {strides = array<i32>} : memref<4x128xf32, #tpu.memory_space<vmem>>, vector<1x16xf32>,
    %swap3A_1435 = vector.shape_cast %swap3A_1434 : vector<1x16xf32> to vector<16xf32>
    %swap3A_1436 = vector.shape_cast %add3A_1151 : vector<16xf32> to vector<1x16xf32>
    tpu.vector_store %arg23[%swap3A_1432, %swap3A_1433], %swap3A_1436 {strides = array<i32>} : memref<4x128xf32, #tpu.memory_space<vmem>>, vector<1x16xf32>,
    %swap3A_1437 = arith.constant 2 : i32
    %swap3A_1438 = arith.index_cast %swap3A_1437 : i32 to index
    %swap3A_1439 = arith.constant 16 : index
    %swap3A_1440 = tpu.vector_load %arg23[%swap3A_1438, %swap3A_1439] {strides = array<i32>} : memref<4x128xf32, #tpu.memory_space<vmem>>, vector<1x16xf32>,
    %swap3A_1441 = vector.shape_cast %swap3A_1440 : vector<1x16xf32> to vector<16xf32>
    %swap3A_1442 = vector.shape_cast %add3A_1156 : vector<16xf32> to vector<1x16xf32>
    tpu.vector_store %arg23[%swap3A_1438, %swap3A_1439], %swap3A_1442 {strides = array<i32>} : memref<4x128xf32, #tpu.memory_space<vmem>>, vector<1x16xf32>,
    %swap3A_1443 = arith.constant 2 : i32
    %swap3A_1444 = arith.index_cast %swap3A_1443 : i32 to index
    %swap3A_1445 = arith.constant 32 : index
    %swap3A_1446 = tpu.vector_load %arg23[%swap3A_1444, %swap3A_1445] {strides = array<i32>} : memref<4x128xf32, #tpu.memory_space<vmem>>, vector<1x16xf32>,
    %swap3A_1447 = vector.shape_cast %swap3A_1446 : vector<1x16xf32> to vector<16xf32>
    %swap3A_1448 = vector.shape_cast %add3A_1161 : vector<16xf32> to vector<1x16xf32>
    tpu.vector_store %arg23[%swap3A_1444, %swap3A_1445], %swap3A_1448 {strides = array<i32>} : memref<4x128xf32, #tpu.memory_space<vmem>>, vector<1x16xf32>,
    %swap3A_1449 = arith.constant 2 : i32
    %swap3A_1450 = arith.index_cast %swap3A_1449 : i32 to index
    %swap3A_1451 = arith.constant 48 : index
    %swap3A_1452 = tpu.vector_load %arg23[%swap3A_1450, %swap3A_1451] {strides = array<i32>} : memref<4x128xf32, #tpu.memory_space<vmem>>, vector<1x16xf32>,
    %swap3A_1453 = vector.shape_cast %swap3A_1452 : vector<1x16xf32> to vector<16xf32>
    %swap3A_1454 = vector.shape_cast %add3A_1166 : vector<16xf32> to vector<1x16xf32>
    tpu.vector_store %arg23[%swap3A_1450, %swap3A_1451], %swap3A_1454 {strides = array<i32>} : memref<4x128xf32, #tpu.memory_space<vmem>>, vector<1x16xf32>,
    %swap3A_1455 = arith.constant 2 : i32
    %swap3A_1456 = arith.index_cast %swap3A_1455 : i32 to index
    %swap3A_1457 = arith.constant 64 : index
    %swap3A_1458 = tpu.vector_load %arg23[%swap3A_1456, %swap3A_1457] {strides = array<i32>} : memref<4x128xf32, #tpu.memory_space<vmem>>, vector<1x16xf32>,
    %swap3A_1459 = vector.shape_cast %swap3A_1458 : vector<1x16xf32> to vector<16xf32>
    %swap3A_1460 = vector.shape_cast %add3A_1171 : vector<16xf32> to vector<1x16xf32>
    tpu.vector_store %arg23[%swap3A_1456, %swap3A_1457], %swap3A_1460 {strides = array<i32>} : memref<4x128xf32, #tpu.memory_space<vmem>>, vector<1x16xf32>,
    %swap3A_1461 = arith.constant 2 : i32
    %swap3A_1462 = arith.index_cast %swap3A_1461 : i32 to index
    %swap3A_1463 = arith.constant 80 : index
    %swap3A_1464 = tpu.vector_load %arg23[%swap3A_1462, %swap3A_1463] {strides = array<i32>} : memref<4x128xf32, #tpu.memory_space<vmem>>, vector<1x16xf32>,
    %swap3A_1465 = vector.shape_cast %swap3A_1464 : vector<1x16xf32> to vector<16xf32>
    %swap3A_1466 = vector.shape_cast %add3A_1176 : vector<16xf32> to vector<1x16xf32>
    tpu.vector_store %arg23[%swap3A_1462, %swap3A_1463], %swap3A_1466 {strides = array<i32>} : memref<4x128xf32, #tpu.memory_space<vmem>>, vector<1x16xf32>,
    %swap3A_1467 = arith.constant 2 : i32
    %swap3A_1468 = arith.index_cast %swap3A_1467 : i32 to index
    %swap3A_1469 = arith.constant 96 : index
    %swap3A_1470 = tpu.vector_load %arg23[%swap3A_1468, %swap3A_1469] {strides = array<i32>} : memref<4x128xf32, #tpu.memory_space<vmem>>, vector<1x16xf32>,
    %swap3A_1471 = vector.shape_cast %swap3A_1470 : vector<1x16xf32> to vector<16xf32>
    %swap3A_1472 = vector.shape_cast %add3A_1181 : vector<16xf32> to vector<1x16xf32>
    tpu.vector_store %arg23[%swap3A_1468, %swap3A_1469], %swap3A_1472 {strides = array<i32>} : memref<4x128xf32, #tpu.memory_space<vmem>>, vector<1x16xf32>,
    %swap3A_1473 = arith.constant 2 : i32
    %swap3A_1474 = arith.index_cast %swap3A_1473 : i32 to index
    %swap3A_1475 = arith.constant 112 : index
    %swap3A_1476 = tpu.vector_load %arg23[%swap3A_1474, %swap3A_1475] {strides = array<i32>} : memref<4x128xf32, #tpu.memory_space<vmem>>, vector<1x16xf32>,
    %swap3A_1477 = vector.shape_cast %swap3A_1476 : vector<1x16xf32> to vector<16xf32>
    %swap3A_1478 = vector.shape_cast %add3A_1186 : vector<16xf32> to vector<1x16xf32>
    tpu.vector_store %arg23[%swap3A_1474, %swap3A_1475], %swap3A_1478 {strides = array<i32>} : memref<4x128xf32, #tpu.memory_space<vmem>>, vector<1x16xf32>,
    %swap3A_1479 = arith.constant 2 : i32
    %swap3A_1480 = arith.index_cast %swap3A_1479 : i32 to index
    %swap3A_1481 = arith.constant 0 : index
    %swap3A_1482 = tpu.vector_load %arg24[%swap3A_1480, %swap3A_1481] {strides = array<i32>} : memref<4x16xf32, #tpu.memory_space<vmem>>, vector<1x16xf32>,
    %swap3A_1483 = vector.shape_cast %swap3A_1482 : vector<1x16xf32> to vector<16xf32>
    %swap3A_1484 = vector.shape_cast %add3A_1146 : vector<16xf32> to vector<1x16xf32>
    tpu.vector_store %arg24[%swap3A_1480, %swap3A_1481], %swap3A_1484 {strides = array<i32>} : memref<4x16xf32, #tpu.memory_space<vmem>>, vector<1x16xf32>,
    %swap3A_1485 = arith.constant 3 : i32
    %swap3A_1486 = arith.index_cast %swap3A_1485 : i32 to index
    %swap3A_1487 = arith.constant 0 : index
    %swap3A_1488 = tpu.vector_load %arg23[%swap3A_1486, %swap3A_1487] {strides = array<i32>} : memref<4x128xf32, #tpu.memory_space<vmem>>, vector<1x16xf32>,
    %swap3A_1489 = vector.shape_cast %swap3A_1488 : vector<1x16xf32> to vector<16xf32>
    %swap3A_1490 = vector.shape_cast %add3A_1287 : vector<16xf32> to vector<1x16xf32>
    tpu.vector_store %arg23[%swap3A_1486, %swap3A_1487], %swap3A_1490 {strides = array<i32>} : memref<4x128xf32, #tpu.memory_space<vmem>>, vector<1x16xf32>,
    %swap3A_1491 = arith.constant 3 : i32
    %swap3A_1492 = arith.index_cast %swap3A_1491 : i32 to index
    %swap3A_1493 = arith.constant 16 : index
    %swap3A_1494 = tpu.vector_load %arg23[%swap3A_1492, %swap3A_1493] {strides = array<i32>} : memref<4x128xf32, #tpu.memory_space<vmem>>, vector<1x16xf32>,
    %swap3A_1495 = vector.shape_cast %swap3A_1494 : vector<1x16xf32> to vector<16xf32>
    %swap3A_1496 = vector.shape_cast %add3A_1292 : vector<16xf32> to vector<1x16xf32>
    tpu.vector_store %arg23[%swap3A_1492, %swap3A_1493], %swap3A_1496 {strides = array<i32>} : memref<4x128xf32, #tpu.memory_space<vmem>>, vector<1x16xf32>,
    %swap3A_1497 = arith.constant 3 : i32
    %swap3A_1498 = arith.index_cast %swap3A_1497 : i32 to index
    %swap3A_1499 = arith.constant 32 : index
    %swap3A_1500 = tpu.vector_load %arg23[%swap3A_1498, %swap3A_1499] {strides = array<i32>} : memref<4x128xf32, #tpu.memory_space<vmem>>, vector<1x16xf32>,
    %swap3A_1501 = vector.shape_cast %swap3A_1500 : vector<1x16xf32> to vector<16xf32>
    %swap3A_1502 = vector.shape_cast %add3A_1297 : vector<16xf32> to vector<1x16xf32>
    tpu.vector_store %arg23[%swap3A_1498, %swap3A_1499], %swap3A_1502 {strides = array<i32>} : memref<4x128xf32, #tpu.memory_space<vmem>>, vector<1x16xf32>,
    %swap3A_1503 = arith.constant 3 : i32
    %swap3A_1504 = arith.index_cast %swap3A_1503 : i32 to index
    %swap3A_1505 = arith.constant 48 : index
    %swap3A_1506 = tpu.vector_load %arg23[%swap3A_1504, %swap3A_1505] {strides = array<i32>} : memref<4x128xf32, #tpu.memory_space<vmem>>, vector<1x16xf32>,
    %swap3A_1507 = vector.shape_cast %swap3A_1506 : vector<1x16xf32> to vector<16xf32>
    %swap3A_1508 = vector.shape_cast %add3A_1302 : vector<16xf32> to vector<1x16xf32>
    tpu.vector_store %arg23[%swap3A_1504, %swap3A_1505], %swap3A_1508 {strides = array<i32>} : memref<4x128xf32, #tpu.memory_space<vmem>>, vector<1x16xf32>,
    %swap3A_1509 = arith.constant 3 : i32
    %swap3A_1510 = arith.index_cast %swap3A_1509 : i32 to index
    %swap3A_1511 = arith.constant 64 : index
    %swap3A_1512 = tpu.vector_load %arg23[%swap3A_1510, %swap3A_1511] {strides = array<i32>} : memref<4x128xf32, #tpu.memory_space<vmem>>, vector<1x16xf32>,
    %swap3A_1513 = vector.shape_cast %swap3A_1512 : vector<1x16xf32> to vector<16xf32>
    %swap3A_1514 = vector.shape_cast %add3A_1307 : vector<16xf32> to vector<1x16xf32>
    tpu.vector_store %arg23[%swap3A_1510, %swap3A_1511], %swap3A_1514 {strides = array<i32>} : memref<4x128xf32, #tpu.memory_space<vmem>>, vector<1x16xf32>,
    %swap3A_1515 = arith.constant 3 : i32
    %swap3A_1516 = arith.index_cast %swap3A_1515 : i32 to index
    %swap3A_1517 = arith.constant 80 : index
    %swap3A_1518 = tpu.vector_load %arg23[%swap3A_1516, %swap3A_1517] {strides = array<i32>} : memref<4x128xf32, #tpu.memory_space<vmem>>, vector<1x16xf32>,
    %swap3A_1519 = vector.shape_cast %swap3A_1518 : vector<1x16xf32> to vector<16xf32>
    %swap3A_1520 = vector.shape_cast %add3A_1312 : vector<16xf32> to vector<1x16xf32>
    tpu.vector_store %arg23[%swap3A_1516, %swap3A_1517], %swap3A_1520 {strides = array<i32>} : memref<4x128xf32, #tpu.memory_space<vmem>>, vector<1x16xf32>,
    %swap3A_1521 = arith.constant 3 : i32
    %swap3A_1522 = arith.index_cast %swap3A_1521 : i32 to index
    %swap3A_1523 = arith.constant 96 : index
    %swap3A_1524 = tpu.vector_load %arg23[%swap3A_1522, %swap3A_1523] {strides = array<i32>} : memref<4x128xf32, #tpu.memory_space<vmem>>, vector<1x16xf32>,
    %swap3A_1525 = vector.shape_cast %swap3A_1524 : vector<1x16xf32> to vector<16xf32>
    %swap3A_1526 = vector.shape_cast %add3A_1317 : vector<16xf32> to vector<1x16xf32>
    tpu.vector_store %arg23[%swap3A_1522, %swap3A_1523], %swap3A_1526 {strides = array<i32>} : memref<4x128xf32, #tpu.memory_space<vmem>>, vector<1x16xf32>,
    %swap3A_1527 = arith.constant 3 : i32
    %swap3A_1528 = arith.index_cast %swap3A_1527 : i32 to index
    %swap3A_1529 = arith.constant 112 : index
    %swap3A_1530 = tpu.vector_load %arg23[%swap3A_1528, %swap3A_1529] {strides = array<i32>} : memref<4x128xf32, #tpu.memory_space<vmem>>, vector<1x16xf32>,
    %swap3A_1531 = vector.shape_cast %swap3A_1530 : vector<1x16xf32> to vector<16xf32>
    %swap3A_1532 = vector.shape_cast %add3A_1322 : vector<16xf32> to vector<1x16xf32>
    tpu.vector_store %arg23[%swap3A_1528, %swap3A_1529], %swap3A_1532 {strides = array<i32>} : memref<4x128xf32, #tpu.memory_space<vmem>>, vector<1x16xf32>,
    %swap3A_1533 = arith.constant 3 : i32
    %swap3A_1534 = arith.index_cast %swap3A_1533 : i32 to index
    %swap3A_1535 = arith.constant 0 : index
    %swap3A_1536 = tpu.vector_load %arg24[%swap3A_1534, %swap3A_1535] {strides = array<i32>} : memref<4x16xf32, #tpu.memory_space<vmem>>, vector<1x16xf32>,
    %swap3A_1537 = vector.shape_cast %swap3A_1536 : vector<1x16xf32> to vector<16xf32>
    %swap3A_1538 = vector.shape_cast %add3A_1282 : vector<16xf32> to vector<1x16xf32>
    tpu.vector_store %arg24[%swap3A_1534, %swap3A_1535], %swap3A_1538 {strides = array<i32>} : memref<4x16xf32, #tpu.memory_space<vmem>>, vector<1x16xf32>,
    %sub3A_1539 = arith.constant 60 : i32
    %sub3A_1540 = arith.subi %add3A_18, %sub3A_1539 : i32
    %mul3A_1541 = arith.constant 4 : i32
    %mul3A_1542 = arith.muli %select_n3A_56, %mul3A_1541 : i32
    "tpu.region"() ({
      %run_scoped3A = tpu.sem_alloc : memref<!tpu.dma_semaphore, #tpu.memory_space<semaphore_mem>>
      %dma_start3A_1547 = arith.constant 0 : i32
      %dma_start3A_1548 = tpu.memref_slice %arg9[%select_n3A_72, %sub3A_1540, %mul3A_1542, %dma_start3A_1547] : memref<2x4x16x128xf32, #tpu.memory_space<hbm>> -> memref<1x1x4x128xf32, #tpu.memory_space<hbm>>
      %dma_start3A_1549 = tpu.memref_squeeze %dma_start3A_1548 : memref<1x1x4x128xf32, #tpu.memory_space<hbm>> -> memref<4x128xf32, #tpu.memory_space<hbm>>
      %dma_start3A_1550 = arith.constant 0 : i32
      %dma_start3A_1551 = tpu.memref_slice %arg9[%select_n3A_72, %sub3A_1540, %mul3A_1542, %dma_start3A_1550] : memref<2x4x16x128xf32, #tpu.memory_space<hbm>> -> memref<1x1x4x128xf32, #tpu.memory_space<hbm>>
      %dma_start3A_1552 = tpu.memref_squeeze %dma_start3A_1551 : memref<1x1x4x128xf32, #tpu.memory_space<hbm>> -> memref<4x128xf32, #tpu.memory_space<hbm>>
      tpu.enqueue_dma source(%arg23 : memref<4x128xf32, #tpu.memory_space<vmem>>) target(%dma_start3A_1552 : memref<4x128xf32, #tpu.memory_space<hbm>>) target_semaphore(%run_scoped3A : memref<!tpu.dma_semaphore, #tpu.memory_space<semaphore_mem>>)
      %dma_wait3A_1553 = arith.constant 0 : i32
      %dma_wait3A_1554 = tpu.memref_slice %arg9[%select_n3A_72, %sub3A_1540, %mul3A_1542, %dma_wait3A_1553] : memref<2x4x16x128xf32, #tpu.memory_space<hbm>> -> memref<1x1x4x128xf32, #tpu.memory_space<hbm>>
      %dma_wait3A_1555 = tpu.memref_squeeze %dma_wait3A_1554 : memref<1x1x4x128xf32, #tpu.memory_space<hbm>> -> memref<4x128xf32, #tpu.memory_space<hbm>>
      %dma_wait3A_1556 = arith.constant 0 : i32
      %dma_wait3A_1557 = tpu.memref_slice %arg9[%select_n3A_72, %sub3A_1540, %mul3A_1542, %dma_wait3A_1556] : memref<2x4x16x128xf32, #tpu.memory_space<hbm>> -> memref<1x1x4x128xf32, #tpu.memory_space<hbm>>
      %dma_wait3A_1558 = tpu.memref_squeeze %dma_wait3A_1557 : memref<1x1x4x128xf32, #tpu.memory_space<hbm>> -> memref<4x128xf32, #tpu.memory_space<hbm>>
      tpu.wait_dma2 semaphore(%run_scoped3A : memref<!tpu.dma_semaphore, #tpu.memory_space<semaphore_mem>>) src(%arg23 : memref<4x128xf32, #tpu.memory_space<vmem>>) dst(%dma_wait3A_1558 : memref<4x128xf32, #tpu.memory_space<hbm>>)
      tpu.yield
    }) : () -> ()
    %sub3A_1543 = arith.constant 60 : i32
    %sub3A_1544 = arith.subi %add3A_18, %sub3A_1543 : i32
    %mul3A_1545 = arith.constant 4 : i32
    %mul3A_1546 = arith.muli %select_n3A_56, %mul3A_1545 : i32
    "tpu.region"() ({
      %run_scoped3A = tpu.sem_alloc : memref<!tpu.dma_semaphore, #tpu.memory_space<semaphore_mem>>
      %dma_start3A_1547 = arith.constant 0 : i32
      %dma_start3A_1548 = tpu.memref_slice %arg10[%select_n3A_72, %sub3A_1544, %mul3A_1546, %dma_start3A_1547] : memref<2x4x16x16xf32, #tpu.memory_space<hbm>> -> memref<1x1x4x16xf32, #tpu.memory_space<hbm>>
      %dma_start3A_1549 = tpu.memref_squeeze %dma_start3A_1548 : memref<1x1x4x16xf32, #tpu.memory_space<hbm>> -> memref<4x16xf32, #tpu.memory_space<hbm>>
      %dma_start3A_1550 = arith.constant 0 : i32
      %dma_start3A_1551 = tpu.memref_slice %arg10[%select_n3A_72, %sub3A_1544, %mul3A_1546, %dma_start3A_1550] : memref<2x4x16x16xf32, #tpu.memory_space<hbm>> -> memref<1x1x4x16xf32, #tpu.memory_space<hbm>>
      %dma_start3A_1552 = tpu.memref_squeeze %dma_start3A_1551 : memref<1x1x4x16xf32, #tpu.memory_space<hbm>> -> memref<4x16xf32, #tpu.memory_space<hbm>>
      tpu.enqueue_dma source(%arg24 : memref<4x16xf32, #tpu.memory_space<vmem>>) target(%dma_start3A_1552 : memref<4x16xf32, #tpu.memory_space<hbm>>) target_semaphore(%run_scoped3A : memref<!tpu.dma_semaphore, #tpu.memory_space<semaphore_mem>>)
      %dma_wait3A_1553 = arith.constant 0 : i32
      %dma_wait3A_1554 = tpu.memref_slice %arg10[%select_n3A_72, %sub3A_1544, %mul3A_1546, %dma_wait3A_1553] : memref<2x4x16x16xf32, #tpu.memory_space<hbm>> -> memref<1x1x4x16xf32, #tpu.memory_space<hbm>>
      %dma_wait3A_1555 = tpu.memref_squeeze %dma_wait3A_1554 : memref<1x1x4x16xf32, #tpu.memory_space<hbm>> -> memref<4x16xf32, #tpu.memory_space<hbm>>
      %dma_wait3A_1556 = arith.constant 0 : i32
      %dma_wait3A_1557 = tpu.memref_slice %arg10[%select_n3A_72, %sub3A_1544, %mul3A_1546, %dma_wait3A_1556] : memref<2x4x16x16xf32, #tpu.memory_space<hbm>> -> memref<1x1x4x16xf32, #tpu.memory_space<hbm>>
      %dma_wait3A_1558 = tpu.memref_squeeze %dma_wait3A_1557 : memref<1x1x4x16xf32, #tpu.memory_space<hbm>> -> memref<4x16xf32, #tpu.memory_space<hbm>>
      tpu.wait_dma2 semaphore(%run_scoped3A : memref<!tpu.dma_semaphore, #tpu.memory_space<semaphore_mem>>) src(%arg24 : memref<4x16xf32, #tpu.memory_space<vmem>>) dst(%dma_wait3A_1558 : memref<4x16xf32, #tpu.memory_space<hbm>>)
      tpu.yield
    }) : () -> ()
    return
  }
}

module attributes {stable_mosaic.version = 14 : i64} {
  func.func @_matmul_body(%arg0: i32, %arg1: memref<64x2048xf32, #tpu.memory_space<vmem>>, %arg2: memref<2048x512xf32, #tpu.memory_space<vmem>>, %arg3: memref<64x512xf32, #tpu.memory_space<vmem>>) attributes {dimension_semantics = [#tpu.dimension_semantics<arbitrary>], iteration_bounds = array<i64: 6>, scalar_prefetch = 0 : i64, scratch_operands = 0 : i64, tpu.core_type = #tpu.core_type<tc>, window_params = [{pipeline_mode = #tpu.pipeline_mode<synchronous>, transform_indices = @transform_0, window_bounds = array<i64: 64, 2048>}, {transform_indices = @transform_1, window_bounds = array<i64: 2048, 512>}, {transform_indices = @transform_2, window_bounds = array<i64: 64, 512>}]} {
    %get3A = arith.constant 0 : index
    %get3A_0 = arith.constant 0 : index
    %get3A_1 = vector.load %arg1[%get3A, %get3A_0] : memref<64x2048xf32, #tpu.memory_space<vmem>>, vector<64x2048xf32>
    %get3A_2 = arith.constant 0 : index
    %get3A_3 = arith.constant 0 : index
    %get3A_4 = vector.load %arg2[%get3A_2, %get3A_3] : memref<2048x512xf32, #tpu.memory_space<vmem>>, vector<2048x512xf32>
    %dot_general3A = arith.constant dense<0.000000e+00> : vector<64x512xf32>
    %dot_general3A_5 = tpu.matmul %get3A_1, %get3A_4, %dot_general3A {dimension_numbers = #tpu.dot_dimension_numbers<[1], [0], [0], [1], [0, 0, 1, 1], [], []>, transpose_lhs_hint = false} : vector<64x2048xf32>, vector<2048x512xf32>, vector<64x512xf32> -> vector<64x512xf32>
    %swap3A = arith.constant 0 : index
    %swap3A_6 = arith.constant 0 : index
    %swap3A_7 = vector.load %arg3[%swap3A, %swap3A_6] : memref<64x512xf32, #tpu.memory_space<vmem>>, vector<64x512xf32>
    tpu.vector_store %arg3[%swap3A, %swap3A_6], %dot_general3A_5 {strides = array<i32>} : memref<64x512xf32, #tpu.memory_space<vmem>>, vector<64x512xf32>,
    return
  }
  func.func @transform_0(%arg0: i32) -> (i32, i32) {
    %c0_i32 = arith.constant 0 : i32
    %c0_i32_0 = arith.constant 0 : i32
    %c0_i32_1 = arith.constant 0 : i32
    return %c0_i32, %c0_i32_0 : i32, i32
  }
  func.func @transform_1(%arg0: i32) -> (i32, i32) {
    %c0_i32 = arith.constant 0 : i32
    %c0_i32_0 = arith.constant 0 : i32
    return %c0_i32, %arg0 : i32, i32
  }
  func.func @transform_2(%arg0: i32) -> (i32, i32) {
    %c0_i32 = arith.constant 0 : i32
    %c0_i32_0 = arith.constant 0 : i32
    return %c0_i32, %arg0 : i32, i32
  }
}

module attributes {stable_mosaic.version = 14 : i64} {
  func.func @_matmul_body(%arg0: i32, %arg1: memref<64x2048xf32, #tpu.memory_space<vmem>>, %arg2: memref<2048x512xf32, #tpu.memory_space<vmem>>, %arg3: memref<64x512xf32, #tpu.memory_space<vmem>>) attributes {dimension_semantics = [#tpu.dimension_semantics<arbitrary>], iteration_bounds = array<i64: 4>, scalar_prefetch = 0 : i64, scratch_operands = 0 : i64, tpu.core_type = #tpu.core_type<tc>, window_params = [{pipeline_mode = #tpu.pipeline_mode<synchronous>, transform_indices = @transform_0, window_bounds = array<i64: 64, 2048>}, {transform_indices = @transform_1, window_bounds = array<i64: 2048, 512>}, {transform_indices = @transform_2, window_bounds = array<i64: 64, 512>}]} {
    %get3A = arith.constant 0 : index
    %get3A_0 = arith.constant 0 : index
    %get3A_1 = vector.load %arg1[%get3A, %get3A_0] : memref<64x2048xf32, #tpu.memory_space<vmem>>, vector<64x2048xf32>
    %get3A_2 = arith.constant 0 : index
    %get3A_3 = arith.constant 0 : index
    %get3A_4 = vector.load %arg2[%get3A_2, %get3A_3] : memref<2048x512xf32, #tpu.memory_space<vmem>>, vector<2048x512xf32>
    %dot_general3A = arith.constant dense<0.000000e+00> : vector<64x512xf32>
    %dot_general3A_5 = tpu.matmul %get3A_1, %get3A_4, %dot_general3A {dimension_numbers = #tpu.dot_dimension_numbers<[1], [0], [0], [1], [0, 0, 1, 1], [], []>, transpose_lhs_hint = false} : vector<64x2048xf32>, vector<2048x512xf32>, vector<64x512xf32> -> vector<64x512xf32>
    %swap3A = arith.constant 0 : index
    %swap3A_6 = arith.constant 0 : index
    %swap3A_7 = vector.load %arg3[%swap3A, %swap3A_6] : memref<64x512xf32, #tpu.memory_space<vmem>>, vector<64x512xf32>
    tpu.vector_store %arg3[%swap3A, %swap3A_6], %dot_general3A_5 {strides = array<i32>} : memref<64x512xf32, #tpu.memory_space<vmem>>, vector<64x512xf32>,
    return
  }
  func.func @transform_0(%arg0: i32) -> (i32, i32) {
    %c0_i32 = arith.constant 0 : i32
    %c0_i32_0 = arith.constant 0 : i32
    %c0_i32_1 = arith.constant 0 : i32
    return %c0_i32, %c0_i32_0 : i32, i32
  }
  func.func @transform_1(%arg0: i32) -> (i32, i32) {
    %c0_i32 = arith.constant 0 : i32
    %c0_i32_0 = arith.constant 0 : i32
    return %c0_i32, %arg0 : i32, i32
  }
  func.func @transform_2(%arg0: i32) -> (i32, i32) {
    %c0_i32 = arith.constant 0 : i32
    %c0_i32_0 = arith.constant 0 : i32
    return %c0_i32, %arg0 : i32, i32
  }
}

module attributes {stable_mosaic.version = 14 : i64} {
  func.func @_attn_body(%arg0: i32, %arg1: memref<1x16x128xf32, #tpu.memory_space<vmem>>, %arg2: memref<1x16x128xf32, #tpu.memory_space<vmem>>, %arg3: memref<1x16x128xf32, #tpu.memory_space<vmem>>, %arg4: memref<1x1x64xf32, #tpu.memory_space<vmem>>, %arg5: memref<1x1x64xf32, #tpu.memory_space<vmem>>, %arg6: memref<8192x128xf32, #tpu.memory_space<vmem>>, %arg7: memref<8192x128xf32, #tpu.memory_space<vmem>>, %arg8: memref<1x8192x128xf32, #tpu.memory_space<vmem>>, %arg9: memref<1x8192x128xf32, #tpu.memory_space<vmem>>, %arg10: memref<1x16x128xf32, #tpu.memory_space<vmem>>) attributes {dimension_semantics = [#tpu.dimension_semantics<arbitrary>], iteration_bounds = array<i64: 60>, scalar_prefetch = 0 : i64, scratch_operands = 0 : i64, tpu.core_type = #tpu.core_type<tc>, window_params = [{transform_indices = @transform_0, window_bounds = array<i64: 1, 16, 128>}, {transform_indices = @transform_1, window_bounds = array<i64: 1, 16, 128>}, {transform_indices = @transform_2, window_bounds = array<i64: 1, 16, 128>}, {transform_indices = @transform_3, window_bounds = array<i64: 1, 1, 64>}, {transform_indices = @transform_4, window_bounds = array<i64: 1, 1, 64>}, {pipeline_mode = #tpu.pipeline_mode<synchronous>, transform_indices = @transform_5, window_bounds = array<i64: 8192, 128>}, {pipeline_mode = #tpu.pipeline_mode<synchronous>, transform_indices = @transform_6, window_bounds = array<i64: 8192, 128>}, {transform_indices = @transform_7, window_bounds = array<i64: 1, 8192, 128>}, {transform_indices = @transform_8, window_bounds = array<i64: 1, 8192, 128>}, {transform_indices = @transform_9, window_bounds = array<i64: 1, 16, 128>}]} {
    %get3A = arith.constant 0 : index
    %get3A_0 = arith.constant 0 : index
    %get3A_1 = arith.constant 0 : index
    %get3A_2 = vector.load %arg4[%get3A, %get3A_0, %get3A_1] : memref<1x1x64xf32, #tpu.memory_space<vmem>>, vector<1x1x64xf32>
    %get3A_3 = vector.shape_cast %get3A_2 : vector<1x1x64xf32> to vector<1x64xf32>
    %get3A_4 = arith.constant 0 : index
    %get3A_5 = arith.constant 0 : index
    %get3A_6 = arith.constant 0 : index
    %get3A_7 = vector.load %arg5[%get3A_4, %get3A_5, %get3A_6] : memref<1x1x64xf32, #tpu.memory_space<vmem>>, vector<1x1x64xf32>
    %get3A_8 = vector.shape_cast %get3A_7 : vector<1x1x64xf32> to vector<1x64xf32>
    %get3A_9 = arith.constant 0 : index
    %get3A_10 = arith.constant 0 : index
    %get3A_11 = arith.constant 0 : index
    %get3A_12 = vector.load %arg1[%get3A_9, %get3A_10, %get3A_11] : memref<1x16x128xf32, #tpu.memory_space<vmem>>, vector<1x16x128xf32>
    %get3A_13 = vector.shape_cast %get3A_12 : vector<1x16x128xf32> to vector<16x128xf32>
    %slice3A = vector.extract_strided_slice %get3A_13 {offsets = [0, 0], sizes = [16, 64], strides = [1, 1]} : vector<16x128xf32> to vector<16x64xf32>
    %slice3A_14 = vector.extract_strided_slice %get3A_13 {offsets = [0, 64], sizes = [16, 64], strides = [1, 1]} : vector<16x128xf32> to vector<16x64xf32>
    %mul3A = vector.broadcast %get3A_3 : vector<1x64xf32> to vector<16x64xf32>
    %mul3A_15 = arith.mulf %slice3A, %mul3A : vector<16x64xf32>
    %mul3A_16 = vector.broadcast %get3A_8 : vector<1x64xf32> to vector<16x64xf32>
    %mul3A_17 = arith.mulf %slice3A_14, %mul3A_16 : vector<16x64xf32>
    %sub3A = arith.subf %mul3A_15, %mul3A_17 : vector<16x64xf32>
    %mul3A_18 = arith.constant 0.0883883461 : f32
    %mul3A_19 = vector.broadcast %mul3A_18 : f32 to vector<16x64xf32>
    %mul3A_20 = arith.mulf %sub3A, %mul3A_19 : vector<16x64xf32>
    %mul3A_21 = vector.broadcast %get3A_3 : vector<1x64xf32> to vector<16x64xf32>
    %mul3A_22 = arith.mulf %slice3A_14, %mul3A_21 : vector<16x64xf32>
    %mul3A_23 = vector.broadcast %get3A_8 : vector<1x64xf32> to vector<16x64xf32>
    %mul3A_24 = arith.mulf %slice3A, %mul3A_23 : vector<16x64xf32>
    %add3A = arith.addf %mul3A_22, %mul3A_24 : vector<16x64xf32>
    %mul3A_25 = arith.constant 0.0883883461 : f32
    %mul3A_26 = vector.broadcast %mul3A_25 : f32 to vector<16x64xf32>
    %mul3A_27 = arith.mulf %add3A, %mul3A_26 : vector<16x64xf32>
    %concatenate3A = tpu.concatenate %mul3A_20, %mul3A_27 in 1 : vector<16x64xf32>, vector<16x64xf32> -> vector<16x128xf32>
    %neg3A = arith.constant 0.000000e+00 : f32
    %neg3A_28 = vector.broadcast %neg3A : f32 to vector<16x64xf32>
    %neg3A_29 = arith.subf %neg3A_28, %mul3A_20 : vector<16x64xf32>
    %concatenate3A_30 = tpu.concatenate %mul3A_27, %neg3A_29 in 1 : vector<16x64xf32>, vector<16x64xf32> -> vector<16x128xf32>
    %get3A_31 = arith.constant 0 : index
    %get3A_32 = arith.constant 0 : index
    %get3A_33 = arith.constant 0 : index
    %get3A_34 = vector.load %arg2[%get3A_31, %get3A_32, %get3A_33] : memref<1x16x128xf32, #tpu.memory_space<vmem>>, vector<1x16x128xf32>
    %get3A_35 = vector.shape_cast %get3A_34 : vector<1x16x128xf32> to vector<16x128xf32>
    %slice3A_36 = vector.extract_strided_slice %get3A_35 {offsets = [0, 0], sizes = [16, 64], strides = [1, 1]} : vector<16x128xf32> to vector<16x64xf32>
    %slice3A_37 = vector.extract_strided_slice %get3A_35 {offsets = [0, 64], sizes = [16, 64], strides = [1, 1]} : vector<16x128xf32> to vector<16x64xf32>
    %mul3A_38 = vector.broadcast %get3A_3 : vector<1x64xf32> to vector<16x64xf32>
    %mul3A_39 = arith.mulf %slice3A_36, %mul3A_38 : vector<16x64xf32>
    %mul3A_40 = vector.broadcast %get3A_8 : vector<1x64xf32> to vector<16x64xf32>
    %mul3A_41 = arith.mulf %slice3A_37, %mul3A_40 : vector<16x64xf32>
    %sub3A_42 = arith.subf %mul3A_39, %mul3A_41 : vector<16x64xf32>
    %mul3A_43 = vector.broadcast %get3A_3 : vector<1x64xf32> to vector<16x64xf32>
    %mul3A_44 = arith.mulf %slice3A_37, %mul3A_43 : vector<16x64xf32>
    %mul3A_45 = vector.broadcast %get3A_8 : vector<1x64xf32> to vector<16x64xf32>
    %mul3A_46 = arith.mulf %slice3A_36, %mul3A_45 : vector<16x64xf32>
    %add3A_47 = arith.addf %mul3A_44, %mul3A_46 : vector<16x64xf32>
    %concatenate3A_48 = tpu.concatenate %sub3A_42, %add3A_47 in 1 : vector<16x64xf32>, vector<16x64xf32> -> vector<16x128xf32>
    %get3A_49 = arith.constant 0 : index
    %get3A_50 = arith.constant 0 : index
    %get3A_51 = arith.constant 0 : index
    %get3A_52 = vector.load %arg8[%get3A_49, %get3A_50, %get3A_51] : memref<1x8192x128xf32, #tpu.memory_space<vmem>>, vector<1x8192x128xf32>
    %get3A_53 = vector.shape_cast %get3A_52 : vector<1x8192x128xf32> to vector<8192x128xf32>
    %get3A_54 = arith.constant 0 : index
    %get3A_55 = arith.constant 0 : index
    %get3A_56 = vector.load %arg6[%get3A_54, %get3A_55] : memref<8192x128xf32, #tpu.memory_space<vmem>>, vector<8192x128xf32>
    %mul3A_57 = arith.mulf %get3A_53, %get3A_56 : vector<8192x128xf32>
    %get3A_58 = arith.constant 0 : index
    %get3A_59 = arith.constant 0 : index
    %get3A_60 = vector.load %arg7[%get3A_58, %get3A_59] : memref<8192x128xf32, #tpu.memory_space<vmem>>, vector<8192x128xf32>
    %mul3A_61 = arith.mulf %get3A_53, %get3A_60 : vector<8192x128xf32>
    %dot_general3A = arith.constant dense<0.000000e+00> : vector<16x8192xf32>
    %dot_general3A_62 = tpu.matmul %concatenate3A, %mul3A_57, %dot_general3A {dimension_numbers = #tpu.dot_dimension_numbers<[1], [1], [0], [0], [0, 0, 1, 0], [], []>, transpose_lhs_hint = false} : vector<16x128xf32>, vector<8192x128xf32>, vector<16x8192xf32> -> vector<16x8192xf32>
    %dot_general3A_63 = arith.constant dense<0.000000e+00> : vector<16x8192xf32>
    %dot_general3A_64 = tpu.matmul %concatenate3A_30, %mul3A_61, %dot_general3A_63 {dimension_numbers = #tpu.dot_dimension_numbers<[1], [1], [0], [0], [0, 0, 1, 0], [], []>, transpose_lhs_hint = false} : vector<16x128xf32>, vector<8192x128xf32>, vector<16x8192xf32> -> vector<16x8192xf32>
    %add3A_65 = arith.addf %dot_general3A_62, %dot_general3A_64 : vector<16x8192xf32>
    %iota3A = tpu.iota {dimensions = array<i32: 1>} : vector<16x8192xi32>
    %jit3A = arith.constant 4 : i32
    %eq3A = arith.constant 0 : i32
    %eq3A_66 = arith.cmpi eq, %jit3A, %eq3A : i32
    %jit3A_67 = arith.constant 1 : i32
    %select_n3A = arith.select %eq3A_66, %jit3A_67, %jit3A : i32
    %rem3A = vector.broadcast %select_n3A : i32 to vector<16x8192xi32>
    %rem3A_68 = arith.remsi %iota3A, %rem3A : vector<16x8192xi32>
    %ne3A = arith.constant 0 : i32
    %ne3A_69 = vector.broadcast %ne3A : i32 to vector<16x8192xi32>
    %ne3A_70 = arith.cmpi ne, %rem3A_68, %ne3A_69 : vector<16x8192xi32>
    %lt3A = arith.constant 0 : i32
    %lt3A_71 = vector.broadcast %lt3A : i32 to vector<16x8192xi32>
    %lt3A_72 = arith.cmpi slt, %rem3A_68, %lt3A_71 : vector<16x8192xi32>
    %lt3A_73 = arith.constant 0 : i32
    %lt3A_74 = arith.cmpi slt, %select_n3A, %lt3A_73 : i32
    %ne3A_75 = vector.broadcast %lt3A_74 : i1 to vector<16x8192xi1>
    %ne3A_76 = vector.broadcast %ne3A_75 : vector<16x8192xi1> to vector<16x8192xi1>
    %ne3A_77 = arith.xori %lt3A_72, %ne3A_76 : vector<16x8192xi1>
    %and3A = arith.andi %ne3A_77, %ne3A_70 : vector<16x8192xi1>
    %add3A_78 = vector.broadcast %select_n3A : i32 to vector<16x8192xi32>
    %add3A_79 = arith.addi %rem3A_68, %add3A_78 : vector<16x8192xi32>
    %select_n3A_80 = arith.select %and3A, %add3A_79, %rem3A_68 : vector<16x8192xi1>, vector<16x8192xi32>
    %iota3A_81 = tpu.iota {dimensions = array<i32: 0>} : vector<16x8192xi32>
    %jit3A_82 = arith.constant 4 : i32
    %div3A = vector.broadcast %jit3A_82 : i32 to vector<16x8192xi32>
    %div3A_83 = arith.divsi %iota3A_81, %div3A : vector<16x8192xi32>
    %sign3A = arith.constant 0 : i32
    %sign3A_84 = vector.broadcast %sign3A : i32 to vector<16x8192xi32>
    %sign3A_85 = arith.cmpi sgt, %iota3A_81, %sign3A_84 : vector<16x8192xi32>
    %sign3A_86 = arith.extui %sign3A_85 : vector<16x8192xi1> to vector<16x8192xi32>
    %sign3A_87 = arith.constant 0 : i32
    %sign3A_88 = vector.broadcast %sign3A_87 : i32 to vector<16x8192xi32>
    %sign3A_89 = arith.cmpi slt, %iota3A_81, %sign3A_88 : vector<16x8192xi32>
    %sign3A_90 = arith.extui %sign3A_89 : vector<16x8192xi1> to vector<16x8192xi32>
    %sign3A_91 = arith.subi %sign3A_86, %sign3A_90 : vector<16x8192xi32>
    %sign3A_92 = arith.constant 0 : i32
    %sign3A_93 = arith.cmpi sgt, %jit3A_82, %sign3A_92 : i32
    %sign3A_94 = arith.extui %sign3A_93 : i1 to i32
    %sign3A_95 = arith.constant 0 : i32
    %sign3A_96 = arith.cmpi slt, %jit3A_82, %sign3A_95 : i32
    %sign3A_97 = arith.extui %sign3A_96 : i1 to i32
    %sign3A_98 = arith.subi %sign3A_94, %sign3A_97 : i32
    %ne3A_99 = vector.broadcast %sign3A_98 : i32 to vector<16x8192xi32>
    %ne3A_100 = arith.cmpi ne, %sign3A_91, %ne3A_99 : vector<16x8192xi32>
    %rem3A_101 = vector.broadcast %jit3A_82 : i32 to vector<16x8192xi32>
    %rem3A_102 = arith.remsi %iota3A_81, %rem3A_101 : vector<16x8192xi32>
    %ne3A_103 = arith.constant 0 : i32
    %ne3A_104 = vector.broadcast %ne3A_103 : i32 to vector<16x8192xi32>
    %ne3A_105 = arith.cmpi ne, %rem3A_102, %ne3A_104 : vector<16x8192xi32>
    %and3A_106 = arith.andi %ne3A_100, %ne3A_105 : vector<16x8192xi1>
    %sub3A_107 = arith.constant 1 : i32
    %sub3A_108 = vector.broadcast %sub3A_107 : i32 to vector<16x8192xi32>
    %sub3A_109 = arith.subi %div3A_83, %sub3A_108 : vector<16x8192xi32>
    %select_n3A_110 = arith.select %and3A_106, %sub3A_109, %div3A_83 : vector<16x8192xi1>, vector<16x8192xi32>
    %eq3A_111 = arith.cmpi eq, %select_n3A_80, %select_n3A_110 : vector<16x8192xi32>
    %dot_general3A_112 = arith.constant dense<0.000000e+00> : vector<16x16xf32>
    %dot_general3A_113 = tpu.matmul %concatenate3A, %concatenate3A_48, %dot_general3A_112 {dimension_numbers = #tpu.dot_dimension_numbers<[1], [1], [0], [0], [0, 0, 1, 0], [], []>, transpose_lhs_hint = false} : vector<16x128xf32>, vector<16x128xf32>, vector<16x16xf32> -> vector<16x16xf32>
    %iota3A_114 = tpu.iota {dimensions = array<i32: 0>} : vector<16x16xi32>
    %iota3A_115 = tpu.iota {dimensions = array<i32: 1>} : vector<16x16xi32>
    %eq3A_116 = arith.cmpi eq, %iota3A_114, %iota3A_115 : vector<16x16xi32>
    %jit3A_117 = arith.constant -1.000000e+30 : f32
    %broadcast_in_dim3A = vector.broadcast %jit3A_117 : f32 to vector<16x8192xf32>
    %select_n3A_118 = arith.select %eq3A_111, %add3A_65, %broadcast_in_dim3A : vector<16x8192xi1>, vector<16x8192xf32>
    %jit3A_119 = arith.constant -1.000000e+30 : f32
    %broadcast_in_dim3A_120 = vector.broadcast %jit3A_119 : f32 to vector<16x16xf32>
    %select_n3A_121 = arith.select %eq3A_116, %dot_general3A_113, %broadcast_in_dim3A_120 : vector<16x16xi1>, vector<16x16xf32>
    %reduce_max3A = arith.constant dense<0xFF800000> : vector<16xf32>
    %reduce_max3A_122 = vector.multi_reduction <maximumf>, %select_n3A_118, %reduce_max3A [1] : vector<16x8192xf32> to vector<16xf32>
    %broadcast_in_dim3A_123 = vector.shape_cast %reduce_max3A_122 : vector<16xf32> to vector<16x1xf32>
    %reduce_max3A_124 = arith.constant dense<0xFF800000> : vector<16xf32>
    %reduce_max3A_125 = vector.multi_reduction <maximumf>, %select_n3A_121, %reduce_max3A_124 [1] : vector<16x16xf32> to vector<16xf32>
    %broadcast_in_dim3A_126 = vector.shape_cast %reduce_max3A_125 : vector<16xf32> to vector<16x1xf32>
    %max3A = arith.maximumf %broadcast_in_dim3A_123, %broadcast_in_dim3A_126 : vector<16x1xf32>
    %sub3A_127 = vector.broadcast %max3A : vector<16x1xf32> to vector<16x8192xf32>
    %sub3A_128 = arith.subf %add3A_65, %sub3A_127 : vector<16x8192xf32>
    %exp3A = math.exp %sub3A_128 : vector<16x8192xf32>
    %jit3A_129 = arith.constant 0.000000e+00 : f32
    %broadcast_in_dim3A_130 = vector.broadcast %jit3A_129 : f32 to vector<16x8192xf32>
    %select_n3A_131 = arith.select %eq3A_111, %exp3A, %broadcast_in_dim3A_130 : vector<16x8192xi1>, vector<16x8192xf32>
    %sub3A_132 = vector.broadcast %max3A : vector<16x1xf32> to vector<16x16xf32>
    %sub3A_133 = arith.subf %dot_general3A_113, %sub3A_132 : vector<16x16xf32>
    %exp3A_134 = math.exp %sub3A_133 : vector<16x16xf32>
    %jit3A_135 = arith.constant 0.000000e+00 : f32
    %broadcast_in_dim3A_136 = vector.broadcast %jit3A_135 : f32 to vector<16x16xf32>
    %select_n3A_137 = arith.select %eq3A_116, %exp3A_134, %broadcast_in_dim3A_136 : vector<16x16xi1>, vector<16x16xf32>
    %reduce_sum3A = arith.constant dense<0.000000e+00> : vector<16xf32>
    %reduce_sum3A_138 = vector.multi_reduction <add>, %select_n3A_131, %reduce_sum3A [1] : vector<16x8192xf32> to vector<16xf32>
    %broadcast_in_dim3A_139 = vector.shape_cast %reduce_sum3A_138 : vector<16xf32> to vector<16x1xf32>
    %reduce_sum3A_140 = arith.constant dense<0.000000e+00> : vector<16xf32>
    %reduce_sum3A_141 = vector.multi_reduction <add>, %select_n3A_137, %reduce_sum3A_140 [1] : vector<16x16xf32> to vector<16xf32>
    %broadcast_in_dim3A_142 = vector.shape_cast %reduce_sum3A_141 : vector<16xf32> to vector<16x1xf32>
    %add3A_143 = arith.addf %broadcast_in_dim3A_139, %broadcast_in_dim3A_142 : vector<16x1xf32>
    %get3A_144 = arith.constant 0 : index
    %get3A_145 = arith.constant 0 : index
    %get3A_146 = arith.constant 0 : index
    %get3A_147 = vector.load %arg9[%get3A_144, %get3A_145, %get3A_146] : memref<1x8192x128xf32, #tpu.memory_space<vmem>>, vector<1x8192x128xf32>
    %get3A_148 = vector.shape_cast %get3A_147 : vector<1x8192x128xf32> to vector<8192x128xf32>
    %dot_general3A_149 = arith.constant dense<0.000000e+00> : vector<16x128xf32>
    %dot_general3A_150 = tpu.matmul %select_n3A_131, %get3A_148, %dot_general3A_149 {dimension_numbers = #tpu.dot_dimension_numbers<[1], [0], [0], [1], [0, 0, 1, 1], [], []>, transpose_lhs_hint = false} : vector<16x8192xf32>, vector<8192x128xf32>, vector<16x128xf32> -> vector<16x128xf32>
    %get3A_151 = arith.constant 0 : index
    %get3A_152 = arith.constant 0 : index
    %get3A_153 = arith.constant 0 : index
    %get3A_154 = vector.load %arg3[%get3A_151, %get3A_152, %get3A_153] : memref<1x16x128xf32, #tpu.memory_space<vmem>>, vector<1x16x128xf32>
    %get3A_155 = vector.shape_cast %get3A_154 : vector<1x16x128xf32> to vector<16x128xf32>
    %dot_general3A_156 = arith.constant dense<0.000000e+00> : vector<16x128xf32>
    %dot_general3A_157 = tpu.matmul %select_n3A_137, %get3A_155, %dot_general3A_156 {dimension_numbers = #tpu.dot_dimension_numbers<[1], [0], [0], [1], [0, 0, 1, 1], [], []>, transpose_lhs_hint = false} : vector<16x16xf32>, vector<16x128xf32>, vector<16x128xf32> -> vector<16x128xf32>
    %add3A_158 = arith.addf %dot_general3A_150, %dot_general3A_157 : vector<16x128xf32>
    %div3A_159 = vector.broadcast %add3A_143 : vector<16x1xf32> to vector<16x128xf32>
    %div3A_160 = arith.divf %add3A_158, %div3A_159 : vector<16x128xf32>
    %swap3A = arith.constant 0 : index
    %swap3A_161 = arith.constant 0 : index
    %swap3A_162 = arith.constant 0 : index
    %swap3A_163 = vector.load %arg10[%swap3A, %swap3A_161, %swap3A_162] : memref<1x16x128xf32, #tpu.memory_space<vmem>>, vector<1x16x128xf32>
    %swap3A_164 = vector.shape_cast %swap3A_163 : vector<1x16x128xf32> to vector<16x128xf32>
    %swap3A_165 = vector.shape_cast %div3A_160 : vector<16x128xf32> to vector<1x16x128xf32>
    tpu.vector_store %arg10[%swap3A, %swap3A_161, %swap3A_162], %swap3A_165 {strides = array<i32>} : memref<1x16x128xf32, #tpu.memory_space<vmem>>, vector<1x16x128xf32>,
    return
  }
  func.func @transform_0(%arg0: i32) -> (i32, i32, i32) {
    %c0_i32 = arith.constant 0 : i32
    %c0_i32_0 = arith.constant 0 : i32
    %c0_i32_1 = arith.constant 0 : i32
    return %arg0, %c0_i32, %c0_i32_0 : i32, i32, i32
  }
  func.func @transform_1(%arg0: i32) -> (i32, i32, i32) {
    %c0_i32 = arith.constant 0 : i32
    %c0_i32_0 = arith.constant 0 : i32
    %c0_i32_1 = arith.constant 0 : i32
    return %arg0, %c0_i32, %c0_i32_0 : i32, i32, i32
  }
  func.func @transform_2(%arg0: i32) -> (i32, i32, i32) {
    %c0_i32 = arith.constant 0 : i32
    %c0_i32_0 = arith.constant 0 : i32
    %c0_i32_1 = arith.constant 0 : i32
    return %arg0, %c0_i32, %c0_i32_0 : i32, i32, i32
  }
  func.func @transform_3(%arg0: i32) -> (i32, i32, i32) {
    %c0_i32 = arith.constant 0 : i32
    %c0_i32_0 = arith.constant 0 : i32
    %c0_i32_1 = arith.constant 0 : i32
    return %arg0, %c0_i32, %c0_i32_0 : i32, i32, i32
  }
  func.func @transform_4(%arg0: i32) -> (i32, i32, i32) {
    %c0_i32 = arith.constant 0 : i32
    %c0_i32_0 = arith.constant 0 : i32
    %c0_i32_1 = arith.constant 0 : i32
    return %arg0, %c0_i32, %c0_i32_0 : i32, i32, i32
  }
  func.func @transform_5(%arg0: i32) -> (i32, i32) {
    %c0_i32 = arith.constant 0 : i32
    %c0_i32_0 = arith.constant 0 : i32
    %c0_i32_1 = arith.constant 0 : i32
    return %c0_i32, %c0_i32_0 : i32, i32
  }
  func.func @transform_6(%arg0: i32) -> (i32, i32) {
    %c0_i32 = arith.constant 0 : i32
    %c0_i32_0 = arith.constant 0 : i32
    %c0_i32_1 = arith.constant 0 : i32
    return %c0_i32, %c0_i32_0 : i32, i32
  }
  func.func @transform_7(%arg0: i32) -> (i32, i32, i32) {
    %c0_i32 = arith.constant 0 : i32
    %c0_i32_0 = arith.constant 0 : i32
    %c0_i32_1 = arith.constant 0 : i32
    return %arg0, %c0_i32, %c0_i32_0 : i32, i32, i32
  }
  func.func @transform_8(%arg0: i32) -> (i32, i32, i32) {
    %c0_i32 = arith.constant 0 : i32
    %c0_i32_0 = arith.constant 0 : i32
    %c0_i32_1 = arith.constant 0 : i32
    return %arg0, %c0_i32, %c0_i32_0 : i32, i32, i32
  }
  func.func @transform_9(%arg0: i32) -> (i32, i32, i32) {
    %c0_i32 = arith.constant 0 : i32
    %c0_i32_0 = arith.constant 0 : i32
    %c0_i32_1 = arith.constant 0 : i32
    return %arg0, %c0_i32, %c0_i32_0 : i32, i32, i32
  }
}

</mosaic_0001>

<sc_bundles>
// kernel: kernel.6.cloned.1.call-start
scs
__scs_entry_jumppad:
0x0: {  	(pc) =	sbr.rel $0x88, $3  }
0x1: {  	(tag) =	ssettag $0x0;
	lr =	simm.s32 $0x1  }
0x2: {  	[smem:$0x3F9B] =	sst lr;
	_ =	strace $0xD0000000  }
0x3: {  	_ = 	snop  }
0x4: {  	_ = 	snop  }
0x5: {  	_ = 	snop  }
0x6: {  	_ = 	snop  }
0x7: {  	_ = 	snop  }
__scs_overlays_trampoline_lowered:
0x8: {  	[smem:$0x3FAA] =	sst s0  }
0x9: {  	[smem:$0x3FAB] =	sst s1  }
0xa: {  	[smem:$0x3FAC] =	sst s2  }
0xb: {  	[smem:$0x3FAD] =	sst s3  }
0xc: {  	[smem:$0x3FAE] =	sst s4  }
0xd: {  	[smem:$0x3FAF] =	sst s5  }
0xe: {  	[smem:$0x3FB0] =	sst s6  }
0xf: {  	[smem:$0x3FB1] =	sst s7  }
0x10: {  	[smem:$0x3FB2] =	sst s8  }
0x11: {  	[smem:$0x3FB3] =	sst s9;
	s0 =	simm.s32 @!p0 $0x0  }
0x12: {  	s1 =	sld [smem:$0x3F99];
	s0 =	simm.s32 @p0 $0x1  }
0x13: {  	[smem:$0x3FB4] =	sst s0;
	s0 =	simm.s32 @!p1 $0x0  }
0x14: {  	s2 =	sld [smem:$0x3F98];
	s0 =	simm.s32 @p1 $0x1  }
0x15: {  	[smem:$0x3FB5] =	sst s0;
	s0 =	simm.s32 @!p2 $0x0  }
0x16: {  	s3 =	sld [smem:$0x3FDB];
	s0 =	simm.s32 @p2 $0x1  }
0x17: {  	s4 =	simm.s32 $0x1BF5;
	[smem:$0x3FB7] =	sst s0  }
0x18: {  	s0 =	sld [smem:$0x3F9A];
	_ =	swait.ge [sflag:s4], $0x0  }
0x19: {  	s7 =	sld [smem:$0x3F9B]  }
0x1a: {  	s8 =	sadd.s32 $0xFFFFE003, lr  }
0x1b: {  	s9 =	sadd.s32 $0xFFFFFEF7, lr;
	s5 =	simm.s32 $0xFFFFFFFF;
	p2 =	slt.u32 s8, $0xFFFFF086  }
0x1c: {  	p1 =	slt.u32 s9, $0xF7A;
	s5 =	simm.s32 @!p2 $0x0  }
0x1d: {  	s5 =	simm.s32 @p1 $0x1;
	p0 =	seq.s32 s7, s2  }
0x1e: {  	s7 =	smul.u32 @!p0 $0xF7A, s2;
	p2 =	seq.s32 @!p0 s5, $0x0  }
0x1f: {  	s9 =	smul.u32 $0xF7A, s1;
	s8 =	simm.s32 @!p0 $0x1BF5;
	p2 =	por !p2, p0  }
0x20: {  	[sflag:s8] =	ssyncset.s32 @!p0 $0xFFFFF086;
	s6 =	sadd.s32 @!p0 s3, s7;
	s7 =	simm.s32 @!p0 $0x108  }
0x21: {  	s3 =	sadd.s32 s3, s9;
	s6 =	sadd.s32 @!p0 $0x88, s6;
	s7 =	simm.s32 @p2 $0x1082  }
0x22: {  	[simem:s7], [sflag:s8] =	dma.local @!p0 [hbm:s6], $0xF7A  }
0x23: {  	s9 =	sor.u32 $0xD0000000, s2;
	s6 =	simm.s32 $0x108;
	_ =	swait.ge @!p0 [sflag:s8], $0x0  }
0x24: {  	s3 =	sadd.s32 $0x88, s3;
	s6 =	simm.s32 @!p1 $0x1082;
	[sflag:s4] =	ssyncset.s32 $0xFFFFF086  }
0x25: {  	[simem:s6], [sflag:s4] =	dma.local [hbm:s3], $0xF7A  }
0x26: {  	[smem:$0x3F9B] =	sst s1;
	(tag) =	ssettag s2;
	_ =	strace s9  }
0x27: {  	s1 =	sld [smem:$0x3FAB]  }
0x28: {  	s2 =	sld [smem:$0x3FAC]  }
0x29: {  	s4 =	sld [smem:$0x3FAE]  }
0x2a: {  	p0 =	seq.s32 s5, $0x0;
	s5 =	sld [smem:$0x3FAF]  }
0x2b: {  	s6 =	sld [smem:$0x3FB0]  }
0x2c: {  	s7 =	sld [smem:$0x3FB1]  }
0x2d: {  	s3 =	simm.s32 $0x108;
	s8 =	sld [smem:$0x3FB2]  }
0x2e: {  	s3 =	simm.s32 @!p0 $0x1082;
	s9 =	sld [smem:$0x3FB3]  }
0x2f: {  	lr =	sadd.s32 s0, s3;
	s0 =	sld [smem:$0x3FAA]  }
0x30: {  	s3 =	sld [smem:$0x3FAD]  }
0x31: {  	[smem:$0x3FB6] =	sst s10  }
0x32: {  	s10 =	sld [smem:$0x3FB4];
	_ =	sdelay $0x3  }
0x33: {  	p0 =	seq.s32 s10, $0x1;
	s10 =	sld [smem:$0x3FB6];
	_ =	sdelay $0x3  }
0x34: {  	[smem:$0x3FB6] =	sst s10  }
0x35: {  	s10 =	sld [smem:$0x3FB5];
	_ =	sdelay $0x3  }
0x36: {  	p1 =	seq.s32 s10, $0x1;
	s10 =	sld [smem:$0x3FB6];
	_ =	sdelay $0x3  }
0x37: {  	[smem:$0x3FB6] =	sst s10  }
0x38: {  	s10 =	sld [smem:$0x3FB7]  }
0x39: {  	_ = 	snop;
	(pc) =	sbr.ind lr, $3  }
0x3a: {  	_ = 	snop  }
0x3b: {  	_ = 	snop  }
0x3c: {  	p2 =	seq.s32 s10, $0x1;
	s10 =	sld [smem:$0x3FB6]  }
0x3d: {  	_ =	shalt  }
0x3e: {  	_ =	shalt  }
0x3f: {  	_ =	shalt  }
0x40: {  	_ =	shalt  }
0x41: {  	_ =	shalt  }
0x42: {  	_ =	shalt  }
0x43: {  	_ =	shalt  }
0x44: {  	_ =	shalt  }
0x45: {  	_ =	shalt  }
0x46: {  	_ =	shalt  }
0x47: {  	_ =	shalt  }
0x48: {  	_ =	shalt  }
0x49: {  	_ =	shalt  }
0x4a: {  	_ =	shalt  }
0x4b: {  	_ =	shalt  }
0x4c: {  	_ =	shalt  }
0x4d: {  	_ =	shalt  }
0x4e: {  	_ =	shalt  }
0x4f: {  	_ =	shalt  }
0x50: {  	_ =	shalt  }
0x51: {  	_ =	shalt  }
0x52: {  	_ =	shalt  }
0x53: {  	_ =	shalt  }
0x54: {  	_ =	shalt  }
0x55: {  	_ =	shalt  }
0x56: {  	_ =	shalt  }
0x57: {  	_ =	shalt  }
0x58: {  	_ =	shalt  }
0x59: {  	_ =	shalt  }
0x5a: {  	_ =	shalt  }
0x5b: {  	_ =	shalt  }
0x5c: {  	_ =	shalt  }
0x5d: {  	_ =	shalt  }
0x5e: {  	_ =	shalt  }
0x5f: {  	_ =	shalt  }
0x60: {  	_ =	shalt  }
0x61: {  	_ =	shalt  }
0x62: {  	_ =	shalt  }
0x63: {  	_ =	shalt  }
0x64: {  	_ =	shalt  }
0x65: {  	_ =	shalt  }
0x66: {  	_ =	shalt  }
0x67: {  	_ =	shalt  }
0x68: {  	_ =	shalt  }
0x69: {  	_ =	shalt  }
0x6a: {  	_ =	shalt  }
0x6b: {  	_ =	shalt  }
0x6c: {  	_ =	shalt  }
0x6d: {  	_ =	shalt  }
0x6e: {  	_ =	shalt  }
0x6f: {  	_ =	shalt  }
0x70: {  	_ =	shalt  }
0x71: {  	_ =	shalt  }
0x72: {  	_ =	shalt  }
0x73: {  	_ =	shalt  }
0x74: {  	_ =	shalt  }
0x75: {  	_ =	shalt  }
0x76: {  	_ =	shalt  }
0x77: {  	_ =	shalt  }
0x78: {  	_ =	shalt  }
0x79: {  	_ =	shalt  }
0x7a: {  	_ =	shalt  }
0x7b: {  	_ =	shalt  }
0x7c: {  	_ =	shalt  }
0x7d: {  	_ =	shalt  }
0x7e: {  	_ =	shalt  }
0x7f: {  	_ =	shalt  }
0x80: {  	_ =	shalt  }
0x81: {  	_ =	shalt  }
0x82: {  	_ =	shalt  }
0x83: {  	_ =	shalt  }
0x84: {  	_ =	shalt  }
0x85: {  	_ =	shalt  }
0x86: {  	_ =	shalt  }
0x87: {  	_ =	shalt  }
.Lfunc_end0:
.L_simem_size_0:
called_computation_lowered:
.L_overlay_start_0:
0x88: {  	s2 =	sld [smem:$0x3FD9]  }
0x89: {  	s3 =	sld [smem:$0x3FFE];
	_ =	sdelay $0x1  }
0x8a: {  	s1 =	srdreg.scid  }
0x8b: {  	s0 =	sand.u32 $0x1, s1  }
0x8c: {  	s17 =	sshll.u32 s0, $0xA;
	s2 =	sadd.s32 s3, s2  }
0x8d: {  	s2 =	sadd.s32 s2, s17  }
0x8e: {  	[smem:$0x3FC2] =	sst s2  }
0x8f: {  	_ = 	snop  }
0x90: {  	s2 =	sld [smem:$0x3FC7]  }
0x91: {  	s18 =	sld [smem:$0x3FC6]  }
0x92: {  	s4 =	sld [smem:$0x3FD0];
	(tm) =	ssettm $0x1  }
0x93: {  	s5 =	sld [smem:$0x3FFB];
	_ =	sdelay $0x3  }
0x94: {  	_ =	strace s5  }
0x95: {  	s5 =	sld [smem:$0x3FFC];
	_ =	sdelay $0x3  }
0x96: {  	_ =	strace s5  }
0x97: {  	s5 =	sld [smem:$0x3FFD];
	_ =	sdelay $0x3  }
0x98: {  	_ =	strace s5  }
0x99: {  	_ =	strace $0x8FFFFFFF  }
0x9a: {  	s19 =	sld [smem:$0x3FDB];
	_ =	sdelay $0x1  }
0x9b: {  	s6 =	simm.s32 $_scs_section_size  }
0x9c: {  	s7 =	simm.s32 $_size__tile_overlayer_lowered;
	s8 =	simm.s32 $_tile_overlayer_lowered  }
0x9d: {  	s22 =	simm.s32 $0x1BFF;
	s21 =	sshll.u32 s8, $0x1;
	s5 =	sadd.s32 s6, s19  }
0x9e: {  	s9 =	simm.s32 $0x0;
	s20 =	sshll.u32 s7, $0x1;
	s7 =	sadd.s32 s21, s5  }
0x9f: {  	[timem:s9], [sflag:s22] =	dma.local [hbm:s7], s20  }
0xa0: {  	_ =	swait.ge [sflag:s22], s20  }
0xa1: {  	s6 =	ssub.s32 $0x0, s20;
	[sflag:s22] =	ssyncset.done $0x0  }
0xa2: {  	[sflag:s22] =	ssyncadd.s32 s6;
	_ =	sdelay $0x1  }
0xa3: {  	s23 =	simm.s32 $0x1B8B  }
0xa4: {  	_ =	swait.ge [sflag:s23], $0x1  }
0xa5: {  	[sflag:s23] =	ssyncset.done $0x0  }
0xa6: {  	s25 =	simm.s32 $0x1B8E;
	s24 =	sld [smem:$0x3FFE];
	[sflag:s23] =	ssyncadd.s32 $0xFFFFFFFF  }
0xa7: {  	s26 =	simm.s32 $execute0_lowered;
	[smem:$0x3FD2] =	sst s25  }
0xa8: {  	s7 =	sshll.u32 s26, $0x1;
	_ =	strace $0x80000046;
	[dreg:$0x1] =	wrdreg $0xFFFFFFFF  }
0xa9: {  	s28 =	simm.s32 $_size_execute0_lowered;
	s5 =	sadd.s32 s5, s7;
	[dreg:$0x0] =	wrdreg $0x0  }
0xaa: {  	s7 =	sshll.u32 s28, $0x1;
	[dreg:$0x2] =	wrdreg s5  }
0xab: {  	[dreg:$0x3] =	wrdreg s7  }
0xac: {  	[dreg:$0x4] =	wrdreg $0xC0  }
0xad: {  	_ =	task [dreg:s9], $0x5FFFF  }
0xae: {  	[dreg:$0x1] =	wrdreg $0xFFFFFFFF  }
0xaf: {  	[dreg:$0x0] =	wrdreg $0x60  }
0xb0: {  	[dreg:$0x2] =	wrdreg s4  }
0xb1: {  	[dreg:$0x3] =	wrdreg s24  }
0xb2: {  	[dreg:$0x4] =	wrdreg s2  }
0xb3: {  	[dreg:$0x5] =	wrdreg s18  }
0xb4: {  	[dreg:$0x6] =	wrdreg $0x9  }
0xb5: {  	_ =	task.clear_ibuf [dreg:s9], $0x7FFFF;
	_ =	strace $0x90000046  }
0xb6: {  	s29 =	simm.s32 $0x9;
	_ =	strace $0x80000048  }
0xb7: {  	_ =	swait.ge [sflag:s29], $0x1  }
0xb8: {  	[sflag:s29] =	ssyncadd.s32 $0xFFFFFFFF  }
0xb9: {  	_ =	strace $0x90000048  }
0xba: {  	_ =	sfence  }
0xbb: {  	s30 =	sld [smem:$0x0];
	_ =	sdelay $0x2  }
0xbc: {  	s31 =	sshll.u32 s1, $0xD;
	s1 =	sshrl.u32 s1, $0x2  }
0xbd: {  	s3 =	sand.u32 $0x4000, s31;
	s1 =	sadd.s32 s1, s30  }
0xbe: {  	s0 =	sor.u32 s3, s0;
	s1 =	sshll.u32 s1, $0x11  }
0xbf: {  	s0 =	sor.u32 s1, s0  }
0xc0: {  	s0 =	sadd.s32 $0x8F2B, s0  }
0xc1: {  	[sflag:s0] =	ssyncadd.remote.s32 $0x1  }
0xc2: {  	_ =	sfence.sel $0xFFFF  }
0xc3: {  	[dreg:$0x0] =	wrdreg $0xFFFFFFFF;
	(pc) =	sbr.abs _section_cstart, $3  }
0xc4: {  	[dreg:$0x1] =	wrdreg $0xFFFFFFFF  }
0xc5: {  	_ =	task.clear_ibuf [dreg:s9], $0x2FFFF;
	_ =	strace $0x9FFFFFFF  }
0xc6: {  	(tm) =	ssettm $0x7FFFFFFF  }
0xc7: {  	_ =	shalt  }
tec
execute0_lowered:
.L_overlay_start_1:
0x0: {  	(tag) =	ssettag $0x1  }
0x1: {  	s20 =	rddreg [dreg:$0x0]  }
0x2: {  	s0 =	srdreg.scid;
	s7 =	rddreg [dreg:$0x1]  }
0x3: {  	s5 =	stileid.u32;
	s2 =	rddreg [dreg:$0x2]  }
0x4: {  	s4 =	simm.s32 $0x1;
	s3 =	rddreg [dreg:$0x3];
	s28 =	simm.s32 $0x80  }
0x5: {  	s29 =	simm.s32 $0x200;
	s30 =	simm.s32 $0x2;
	s0 =	sand.u32 $0x1, s0  }
0x6: {  	s31 =	simm.s32 $0x4;
	s6 =	sshrl.u32 s5, $0x2;
	s1 =	sor.u32 s0, s5  }
0x7: {  	p1 =	seq.s32 s0, $0x1;
	s8 =	sor.u32 $0x3C, s6;
	s13 =	sshll.u32 s0, $0xD  }
0x8: {  	s14 =	sshll.u32 s6, $0xB;
	s6 =	sadd.s32 $0x14A00, s7;
	p0 =	seq.s32 s1, $0x0  }
0x9: {  	s16 =	ssub.s32 $0x2, s0;
	s26 =	sshll.u32 s0, $0x13;
	p0 =	por !p0, !p1  }
0xa: {  	s21 =	sshll.u32 s8, $0x9;
	s12 =	sshll.u32 s8, $0x4;
	p0 =	por !p0, !p0  }
0xb: {  	s13 =	sor.u32 s13, s14;
	s22 =	sshll.u32 s8, $0xB;
	s4 =	simm.s32 @!p0 $0x0  }
0xc: {  	s23 =	sshrl.u32 s16, $0x1;
	s12 =	sadd.s32 s12, s7;
	s4 =	ssub.s32 s5, s4  }
0xd: {  	s24 =	sshll.u32 s8, $0x14;
	s25 =	sadd.s32 $0x1CA00, s12;
	s9 =	sand.u32 $0x3, s4  }
0xe: {  	p0 =	seq.s32 s0, $0x0;
	s4 =	simm.s32 $0x0;
	s10 =	sshll.u32 s9, $0x7  }
0xf: {  	[smem:$0x7FF] =	sst s4;
	s9 =	sshll.u32 s9, $0x9;
	s5 =	sor.u32 s21, s10  }
0x10: {  	_ =	strace $0x80000047;
	s15 =	sand.u32 $0x400, s9;
	s9 =	sand.u32 $0x200, s9  }
0x11: {  	[dreg:$0x6] =	wrdreg s25;
	s11 =	sshrl.u32 s5, $0x3;
	s5 =	simm.s32 $0x1  }
0x12: {  	s13 =	sor.u32 s13, s15;
	s14 =	sor.u32 s22, s15;
	s11 =	sadd.s32 s11, s7  }
0x13: {  	s13 =	sor.u32 s9, s13;
	s9 =	sor.u32 s9, s14;
	s14 =	sshll.u32 s0, $0xA  }
0x14: {  	s13 =	sshrl.u32 s13, $0x3;
	s9 =	sshrl.u32 s9, $0x3;
	s12 =	sadd.s32 $0x12A00, s11  }
0x15: {  	s17 =	sadd.s32 $0x13A00, s11;
	s7 =	sadd.s32 s13, s7;
	s13 =	ssub.s32 s16, s23  }
0x16: {  	s1 =	sadd.s32 s20, s9;
	s9 =	sor.u32 s10, s24;
	[dreg:$0x7] =	wrdreg s12  }
0x17: {  	s16 =	sor.u32 $0x80, s14;
	[dreg:$0x8] =	wrdreg s17;
	s20 =	sshll.u32 s0, $0xE  }
0x18: {  	v0 =	vimm.s32 $0xFEDCBA98;
	v1 =	vimm.s32 $0x76543210;
	s0 =	simm.s32 $0xC000;
	[dreg:$0x5] =	wrdreg s1;
	s15 =	sor.u32 s26, s9  }
0x19: {  	v2 =	vimm.s32 $0xBA98FEDC;
	v3 =	vimm.s32 $0x32107654;
	s18 =	sshll.u32 s16, $0x9;
	s21 =	sadd.s32 s6, s20;
	s8 =	sshll.u32 s16, $0x4  }
0x1a: {  	v4 =	vimm.s32 $0xDCFE98BA;
	s16 =	sor.u32 $0x180, s14;
	s24 =	sadd.s32 $0x1D600, s7;
	s25 =	sadd.s32 $0x1CE00, s7  }
0x1b: {  	v5 =	vimm.s32 $0x54761032;
	v6 =	vimm.s32 $0xEFCDAB89;
	v7 =	vimm.s32 $0x67452301;
	s26 =	smax.u32 s13, $0x1;
	s7 =	simm.s32 $0x6;
	[dreg:$0xb] =	wrdreg s21  }
0x1c: {  	v0 =	vunpack.c.l.s4.s8 v0;
	v1 =	vunpack.c.l.s4.s8 v1;
	v2 =	vunpack.c.l.s4.s8 v2;
	s1 =	sshrl.u32 s15, $0x3;
	s10 =	sor.u32 s18, s9;
	[dreg:$0xf] =	wrdreg s24  }
0x1d: {  	v3 =	vunpack.c.l.s4.s8 v3;
	v4 =	vunpack.c.l.s4.s8 v4;
	v5 =	vunpack.c.l.s4.s8 v5;
	s23 =	sadd.s32 s6, s8;
	s8 =	simm.f32 $1.000000000e+00;
	[dreg:$0x10] =	wrdreg s25  }
0x1e: {  	v6 =	vunpack.c.l.s4.s8 v6;
	v7 =	vunpack.c.l.s4.s8 v7;
	v0 =	vunpack.c.0.s8.s32 v0;
	s21 =	sor.u32 $0x100, s14;
	[dreg:$0x11] =	wrdreg s26;
	s24 =	simm.s32 $0x7  }
0x1f: {  	v2 =	vunpack.c.0.s8.s32 v2;
	v3 =	vunpack.c.0.s8.s32 v3;
	v4 =	vunpack.c.0.s8.s32 v4;
	s25 =	simm.s32 $0x3;
	s26 =	simm.s32 $0x5;
	s19 =	sadd.s32 s2, s1  }
.Ltmp0:
0x20: {  	v5 =	vunpack.c.0.s8.s32 v5;
	v6 =	vunpack.c.0.s8.s32 v6;
	v7 =	vunpack.c.0.s8.s32 v7;
	s1 =	sadd.s32 s3, s1;
	[dreg:$0xe] =	wrdreg s23;
	(pc) =	sbr.rel .LBB2_1-.Ltmp0, $4  }
0x21: {  	v1 =	vunpack.c.0.s8.s32 v1;
	v2 =	vcombine.low v3, v2;
	s22 =	sshrl.u32 s10, $0x3;
	s8 =	simm.s32 @!p0 $0x0;
	[dreg:$0x9] =	wrdreg s19  }
0x22: {  	v3 =	vcombine.low v5, v4;
	v0 =	vand.u32 $0xF, v0;
	v4 =	vcombine.low v7, v6;
	s23 =	simm.s32 $0x14000;
	[dreg:$0xa] =	wrdreg s1;
	s10 =	sadd.s32 s2, s22  }
0x23: {  	v1 =	vcombine.low v0, v1;
	s1 =	sadd.s32 s3, s22;
	v5 =	vmov s8;
	s8 =	simm.s32 $0x8;
	[dreg:$0xc] =	wrdreg s10  }
0x24: {  	v2 =	vand.u32 $0xF, v2;
	v3 =	vand.u32 $0xF, v3;
	v4 =	vand.u32 $0xF, v4;
	[dreg:$0xd] =	wrdreg s1;
	s1 =	simm.s32 $0x4000;
	[tilespmem:$0x1FFF0] =	vst v5;
	s10 =	simm.s32 $0x0  }
.LBB2_12:
0x25: {  	v7 =	vld [tilespmem:$0x18480]  }
0x26: {  	v6 =	vld [tilespmem:$0x184C0]  }
0x27: {  	v9 =	vld [tilespmem:$0x18490]  }
0x28: {  	v8 =	vld [tilespmem:$0x184D0]  }
0x29: {  	v11 =	vld [tilespmem:$0x184A0]  }
0x2a: {  	v10 =	vld [tilespmem:$0x184E0]  }
0x2b: {  	v55 =	vld [tilespmem:$0x184B0]  }
0x2c: {  	v12 =	vld [tilespmem:$0x18200]  }
0x2d: {  	v63 =	vld [tilespmem:$0x1FF70]  }
0x2e: {  	v0 =	vld [tilespmem:$0x1FF80]  }
0x2f: {  	v62 =	vld [tilespmem:$0x1FF90]  }
0x30: {  	v5 =	vld [tilespmem:$0x1FFA0]  }
0x31: {  	v61 =	vld [tilespmem:$0x1FFC0]  }
0x32: {  	v58 =	vld [tilespmem:$0x1FFD0]  }
0x33: {  	v59 =	vld [tilespmem:$0x1FFB0]  }
0x34: {  	v49 =	vmul.f32 v7, v63;
	v50 =	vmul.f32 v6, v0  }
0x35: {  	v56 =	vld [tilespmem:$0x184F0]  }
0x36: {  	v60 =	vld [tilespmem:$0x1FFE0];
	v52 =	vmul.f32 v9, v62;
	v53 =	vmul.f32 v8, v5;
	v49 =	vsub.f32 v49, v50  }
0x37: {  	v51 =	vld [tilespmem:$0x18210];
	[tilespmem:$0x1FC80] =	vst v55;
	v54 =	vmul.f32 v10, v61;
	v55 =	vmul.f32 v55, v58  }
0x38: {  	v52 =	vsub.f32 v52, v53;
	v53 =	vmul.f32 v11, v59;
	v12 =	vmul.f32 v12, v49  }
0x39: {  	v50 =	vld [tilespmem:$0x18220];
	[tilespmem:$0x1FC90] =	vst v49;
	v49 =	vmul.f32 v6, v63;
	v63 =	vmul.f32 v7, v0  }
0x3a: {  	v57 =	vld [tilespmem:$0x18230];
	[tilespmem:$0x1FC70] =	vst v56;
	v7 =	vmul.f32 v8, v62;
	v6 =	vmul.f32 v9, v5  }
0x3b: {  	v56 =	vmul.f32 v56, v60;
	v53 =	vsub.f32 v53, v54;
	v0 =	vadd.f32 v49, v63;
	v63 =	vld [tilespmem:$0x1FC70]  }
0x3c: {  	v51 =	vmul.f32 v51, v52;
	v6 =	vadd.f32 v7, v6;
	v7 =	vmul.f32 v10, v59;
	v59 =	vld [tilespmem:$0x1FC80]  }
0x3d: {  	v54 =	vld [tilespmem:$0x18240]  }
0x3e: {  	v55 =	vsub.f32 v55, v56;
	v9 =	vld [tilespmem:$0x18270];
	v12 =	vadd.f32 v51, v12;
	v50 =	vmul.f32 v50, v53  }
0x3f: {  	v51 =	vld [tilespmem:$0x18250]  }
0x40: {  	v57 =	vmul.f32 v57, v55;
	v8 =	vmul.f32 v11, v61;
	v61 =	vld [tilespmem:$0x18290];
	v5 =	vadd.f32 v50, v12  }
0x41: {  	v50 =	vld [tilespmem:$0x18260];
	v49 =	vmul.f32 v63, v58;
	v10 =	vmul.f32 v59, v60  }
0x42: {  	v62 =	vmul.f32 v54, v0;
	v54 =	vld [tilespmem:$0x18280];
	v5 =	vadd.f32 v57, v5  }
0x43: {  	v10 =	vadd.f32 v49, v10;
	v49 =	vld [tilespmem:$0x1FC90]  }
0x44: {  	v11 =	vld [tilespmem:$0x182D0];
	v7 =	vadd.f32 v7, v8;
	v5 =	vadd.f32 v62, v5;
	v62 =	vmul.f32 v51, v6  }
0x45: {  	v63 =	vld [tilespmem:$0x182A0]  }
0x46: {  	v12 =	vld [tilespmem:$0x18310];
	v57 =	vmul.f32 v50, v7;
	v5 =	vadd.f32 v62, v5  }
0x47: {  	v58 =	vld [tilespmem:$0x182B0];
	v60 =	vmul.f32 v61, v52  }
0x48: {  	v50 =	vld [tilespmem:$0x18300];
	v9 =	vmul.f32 v9, v10;
	v5 =	vadd.f32 v57, v5;
	v59 =	vmul.f32 v54, v49  }
0x49: {  	v51 =	vld [tilespmem:$0x182C0]  }
0x4a: {  	v61 =	vmul.f32 v63, v53;
	v5 =	vadd.f32 v9, v5;
	v8 =	vadd.f32 v60, v59  }
0x4b: {  	v12 =	vmul.f32 v12, v52;
	v54 =	vld [tilespmem:$0x182F0]  }
0x4c: {  	v63 =	vmul.f32 v58, v55;
	v60 =	vld [tilespmem:$0x182E0];
	v62 =	vperm.xlane v5, v1;
	v8 =	vadd.f32 v61, v8  }
0x4d: {  	v50 =	vmul.f32 v50, v49;
	v59 =	vmul.f32 v11, v6;
	v11 =	vld [tilespmem:$0x18330]  }
0x4e: {  	v61 =	vmul.f32 v51, v0;
	v5 =	vadd.f32 v5, v62;
	v62 =	vld [tilespmem:$0x18320];
	v8 =	vadd.f32 v63, v8  }
0x4f: {  	v12 =	vadd.f32 v12, v50;
	v50 =	vld [tilespmem:$0x18390]  }
0x50: {  	v51 =	vld [tilespmem:$0x18350];
	v63 =	vperm.xlane v5, v2;
	v8 =	vadd.f32 v61, v8  }
0x51: {  	v60 =	vmul.f32 v60, v7;
	v61 =	vld [tilespmem:$0x18340]  }
0x52: {  	v5 =	vadd.f32 v5, v63;
	v63 =	vmul.f32 v54, v10;
	v54 =	vld [tilespmem:$0x18380];
	v8 =	vadd.f32 v59, v8  }
0x53: {  	v62 =	vmul.f32 v62, v53  }
0x54: {  	v56 =	vld [tilespmem:$0x183A0];
	v57 =	vperm.xlane v5, v3;
	v8 =	vadd.f32 v60, v8  }
0x55: {  	v9 =	vld [tilespmem:$0x18360];
	v11 =	vmul.f32 v11, v55;
	v50 =	vmul.f32 v50, v52;
	v12 =	vadd.f32 v62, v12  }
0x56: {  	v58 =	vld [tilespmem:$0x18370];
	v5 =	vadd.f32 v5, v57;
	v60 =	vmul.f32 v61, v0;
	v8 =	vadd.f32 v63, v8  }
0x57: {  	v11 =	vadd.f32 v11, v12;
	v63 =	vmul.f32 v51, v6;
	v49 =	vmul.f32 v54, v49  }
0x58: {  	v51 =	vld [tilespmem:$0x183B0];
	v62 =	vperm.xlane v5, v4;
	v61 =	vperm.xlane v8, v1  }
0x59: {  	v59 =	vld [tilespmem:$0x183C0];
	v11 =	vadd.f32 v60, v11;
	v49 =	vadd.f32 v50, v49  }
0x5a: {  	v9 =	vmul.f32 v9, v7;
	v5 =	vadd.f32 v5, v62;
	v8 =	vadd.f32 v8, v61  }
0x5b: {  	v62 =	vmul.f32 v58, v10;
	v11 =	vadd.f32 v63, v11;
	v61 =	vmul.f32 v56, v53  }
0x5c: {  	v63 =	vld [tilespmem:$0x183D0];
	v5 =	vmul.f32 $1.442695020e+00, v5;
	v60 =	vperm.xlane v8, v2  }
0x5d: {  	v55 =	vmul.f32 v51, v55;
	v9 =	vadd.f32 v9, v11;
	v49 =	vadd.f32 v61, v49  }
0x5e: {  	v0 =	vmul.f32 v59, v0;
	v56 =	vld [tilespmem:$0x183E0];
	v8 =	vadd.f32 v8, v60  }
0x5f: {  	(erf) = vpow2.f32 v5;
	v5 =	vadd.f32 v62, v9;
	v49 =	vadd.f32 v55, v49  }
0x60: {  	v59 =	vld [tilespmem:$0x183F0];
	v57 =	vperm.xlane v8, v3  }
0x61: {  	v6 =	vmul.f32 v63, v6;
	v58 =	vperm.xlane v5, v1;
	v0 =	vadd.f32 v0, v49  }
0x62: {  	v8 =	vadd.f32 v8, v57  }
0x63: {  	v5 =	vadd.f32 v5, v58;
	v0 =	vadd.f32 v6, v0;
	v6 =	vmul.f32 v56, v7  }
0x64: {  	v11 =	vperm.xlane v8, v4  }
0x65: {  	v55 =	vld [tilespmem:$0x1FFF0];
	v7 =	vperm.xlane v5, v2;
	v0 =	vadd.f32 v6, v0;
	v6 =	vmul.f32 v59, v10  }
0x66: {  	v8 =	vadd.f32 v8, v11  }
0x67: {  	v9 =	vld [tilespmem:$0x18500];
	v5 =	vadd.f32 v5, v7;
	v0 =	vadd.f32 v6, v0  }
0x68: {  	v10 =	vld [tilespmem:$0x18510];
	v8 =	vmul.f32 $1.442695020e+00, v8  }
0x69: {  	v12 =	vld [tilespmem:$0x18530];
	v7 =	vpop (erf);
	v60 =	vperm.xlane v5, v3;
	v61 =	vperm.xlane v0, v1  }
0x6a: {  	v49 =	vld [tilespmem:$0x18540];
	v6 =	vmul.f32 v7, v55;
	(erf) = vpow2.f32 v8  }
0x6b: {  	v50 =	vld [tilespmem:$0x18550];
	v5 =	vadd.f32 v5, v60  }
0x6c: {  	v7 =	vld [tilespmem:$0x18520];
	v0 =	vadd.f32 v0, v61;
	v62 =	vmul.f32 v6, v9  }
0x6d: {  	v63 =	vmul.f32 v6, v10;
	v56 =	vperm.xlane v5, v4  }
0x6e: {  	v59 =	vmul.f32 v6, v12;
	v57 =	vperm.xlane v0, v2  }
0x6f: {  	v60 =	vmul.f32 v49, v6;
	v11 =	vadd.f32 v62, v48;
	v48 =	vld [tilespmem:$0x18560];
	v5 =	vadd.f32 v5, v56  }
0x70: {  	v53 =	vld [tilespmem:$0x18570];
	v61 =	vmul.f32 v50, v6;
	v8 =	vadd.f32 v63, v47;
	v0 =	vadd.f32 v0, v57  }
0x71: {  	v62 =	vadd.f32 v59, v46;
	v58 =	vmul.f32 v6, v7;
	[tilespmem:$0x1A580] =	vst v11;
	v5 =	vmul.f32 $1.442695020e+00, v5  }
0x72: {  	v45 =	vadd.f32 v60, v45;
	[tilespmem:$0x1A590] =	vst v8;
	v63 =	vperm.xlane v0, v3  }
0x73: {  	v51 =	vadd.f32 v61, v44;
	[tilespmem:$0x1A5B0] =	vst v62;
	v29 =	vadd.f32 v58, v29;
	v54 =	vpop (erf);
	(erf) = vpow2.f32 v5  }
0x74: {  	[tilespmem:$0x1A5C0] =	vst v45;
	v52 =	vmul.f32 v48, v6;
	v0 =	vadd.f32 v0, v63;
	v56 =	vmul.f32 v54, v55  }
0x75: {  	[tilespmem:$0x1A5D0] =	vst v51;
	v5 =	vmul.f32 v53, v6;
	v6 =	vadd.f32 v6, v43  }
0x76: {  	[tilespmem:$0x1A5A0] =	vst v29;
	v57 =	vadd.f32 v52, v42;
	v59 =	vperm.xlane v0, v4;
	v58 =	vmul.f32 v56, v9  }
0x77: {  	v5 =	vadd.f32 v5, v41;
	[tilespmem:$0x1A780] =	vst v6;
	v60 =	vmul.f32 v56, v10  }
0x78: {  	[tilespmem:$0x1A5E0] =	vst v57;
	v62 =	vmul.f32 v56, v7;
	v0 =	vadd.f32 v0, v59;
	v61 =	vadd.f32 v58, v40  }
0x79: {  	v63 =	vmul.f32 v56, v12;
	[tilespmem:$0x1A5F0] =	vst v5;
	v5 =	vadd.f32 v60, v28  }
0x7a: {  	v42 =	vmul.f32 v56, v48;
	v6 =	vadd.f32 v62, v27;
	v0 =	vmul.f32 $1.442695020e+00, v0;
	[tilespmem:$0x1A600] =	vst v61  }
0x7b: {  	v40 =	vmul.f32 v56, v49;
	v8 =	vadd.f32 v63, v26;
	[tilespmem:$0x1A610] =	vst v5  }
0x7c: {  	v41 =	vmul.f32 v56, v50;
	v45 =	vadd.f32 v42, v23;
	[tilespmem:$0x1A620] =	vst v6;
	v43 =	vpop (erf);
	(erf) = vpow2.f32 v0  }
0x7d: {  	v5 =	vadd.f32 v40, v25;
	v6 =	vmul.f32 v56, v53;
	[tilespmem:$0x1A630] =	vst v8;
	v44 =	vmul.f32 v43, v55  }
0x7e: {  	[tilespmem:$0x1A660] =	vst v45;
	v0 =	vadd.f32 v41, v24  }
0x7f: {  	[tilespmem:$0x1A640] =	vst v5;
	v5 =	vadd.f32 v6, v22;
	v6 =	vmul.f32 v44, v9  }
0x80: {  	[tilespmem:$0x1A650] =	vst v0;
	v0 =	vadd.f32 v56, v39;
	v46 =	vmul.f32 v44, v10  }
0x81: {  	[tilespmem:$0x1A670] =	vst v5;
	v47 =	vmul.f32 v44, v7;
	v6 =	vadd.f32 v6, v21  }
0x82: {  	v51 =	vmul.f32 v44, v12;
	[tilespmem:$0x1A800] =	vst v0;
	v5 =	vadd.f32 v46, v20  }
0x83: {  	v52 =	vmul.f32 v44, v49;
	v0 =	vadd.f32 v47, v37;
	[tilespmem:$0x1A680] =	vst v6  }
0x84: {  	v54 =	vmul.f32 v44, v50;
	v6 =	vadd.f32 v51, v36;
	[tilespmem:$0x1A690] =	vst v5  }
0x85: {  	v56 =	vmul.f32 v44, v48;
	v5 =	vadd.f32 v52, v19;
	[tilespmem:$0x1A6A0] =	vst v0;
	v57 =	vpop (erf)  }
0x86: {  	v58 =	vmul.f32 v44, v53;
	v0 =	vadd.f32 v54, v18;
	[tilespmem:$0x1A6B0] =	vst v6;
	v19 =	vmul.f32 v57, v55  }
0x87: {  	v6 =	vadd.f32 v56, v17;
	[tilespmem:$0x1A6C0] =	vst v5  }
0x88: {  	v5 =	vadd.f32 v58, v16;
	[tilespmem:$0x1A6D0] =	vst v0;
	v59 =	vmul.f32 v19, v9  }
0x89: {  	v0 =	vadd.f32 v44, v38;
	[tilespmem:$0x1A6E0] =	vst v6;
	v60 =	vmul.f32 v19, v10  }
0x8a: {  	[tilespmem:$0x1A6F0] =	vst v5;
	v7 =	vmul.f32 v19, v7;
	v6 =	vadd.f32 v59, v15  }
0x8b: {  	[tilespmem:$0x1A880] =	vst v0;
	v61 =	vmul.f32 v19, v12;
	v5 =	vadd.f32 v60, v34  }
0x8c: {  	v0 =	vadd.f32 v7, v33;
	v7 =	vmul.f32 v19, v49;
	[tilespmem:$0x1A700] =	vst v6  }
0x8d: {  	v62 =	vmul.f32 v19, v50;
	v6 =	vadd.f32 v61, v32;
	[tilespmem:$0x1A710] =	vst v5  }
0x8e: {  	v5 =	vadd.f32 v7, v31;
	v7 =	vmul.f32 v19, v48;
	[tilespmem:$0x1A720] =	vst v0  }
0x8f: {  	v63 =	vmul.f32 v19, v53;
	v0 =	vadd.f32 v62, v14;
	[tilespmem:$0x1A730] =	vst v6  }
0x90: {  	v6 =	vadd.f32 v7, v30;
	[tilespmem:$0x1A740] =	vst v5  }
0x91: {  	v5 =	vadd.f32 v63, v13;
	[tilespmem:$0x1A750] =	vst v0  }
0x92: {  	v0 =	vadd.f32 v19, v35;
	[tilespmem:$0x1A760] =	vst v6  }
0x93: {  	[tilespmem:$0x1A770] =	vst v5  }
0x94: {  	s11 =	rddreg [dreg:$0xf];
	s12 =	simm.s32 $0x1A580;
	[tilespmem:$0x1A900] =	vst v0  }
0x95: {  	[hbm4b:s11+s4] =	stream.linear.scatter [tilespmem:s12], [sflag:$0x8], $0x200, $0x38;
	[tilespmem:$0x1A980] =	vst v63  }
0x96: {  	_ =	swait.ge [sflag:s8], $0x200  }
0x97: {  	[sflag:s8] =	ssyncset.done $0x0  }
0x98: {  	s20 =	simm.s32 $0x1A780;
	s19 =	rddreg [dreg:$0x10];
	[sflag:s8] =	ssyncadd.s32 $0xFFFFFE00  }
0x99: {  	[hbm4b:s19+s4] =	stream.linear.scatter [tilespmem:s20], [sflag:$0x8], $0x200, $0x38;
	[tilespmem:$0x1A980] =	vst v63  }
0x9a: {  	_ =	swait.ge [sflag:s8], $0x200  }
0x9b: {  	s10 =	sadd.s32 $0x1, s10;
	s22 =	rddreg [dreg:$0x11]  }
0x9c: {  	p0 =	sne.s32 s10, s22  }
.Ltmp1:
0x9d: {  	_ = 	snop;
	(pc) =	sbr.rel @!p0 .LBB2_13-.Ltmp1, $3  }
0x9e: {  	_ =	sdelay $0x1  }
0x9f: {  	[sflag:s8] =	ssyncset.done $0x0  }
0xa0: {  	[sflag:s8] =	ssyncadd.s32 $0xFFFFFE00  }
.LBB2_1:
0xa1: {  	s11 =	rddreg [dreg:$0x5];
	s12 =	simm.s32 $0x18000  }
0xa2: {  	[tilespmem:s12], [sflag:$0x7] =	stream.linear.gather [hbm4b:s11+s4], $0x200, $0x38;
	[tilespmem:$0x1A980] =	vst v63  }
0xa3: {  	s15 =	rddreg [dreg:$0x6];
	s17 =	simm.s32 $0x18400  }
0xa4: {  	[tilespmem:s17], [sflag:$0x7] =	stream.linear.gather [hbm4b:s15+s4], $0x80, $0x38;
	[tilespmem:$0x1A980] =	vst v63  }
0xa5: {  	s18 =	rddreg [dreg:$0x7];
	s19 =	simm.s32 $0x18480  }
0xa6: {  	[tilespmem:s19], [sflag:$0x7] =	stream.linear.gather [hbm4b:s18+s4], $0x80, $0x38;
	[tilespmem:$0x1A980] =	vst v63  }
0xa7: {  	s20 =	rddreg [dreg:$0x8];
	s22 =	simm.s32 $0x18500  }
0xa8: {  	[tilespmem:s22], [sflag:$0x7] =	stream.linear.gather [hbm4b:s20+s4], $0x80, $0x38;
	[tilespmem:$0x1A980] =	vst v63  }
0xa9: {  	s13 =	rddreg [dreg:$0x9]  }
0xaa: {  	[tilespmem:s4], [sflag:$0x1] =	stream.strided.gather [hbm4b:s13+s28], $0x4000, s29, s28, $0x38;
	[tilespmem:$0x1A980] =	vst v63  }
0xab: {  	s14 =	rddreg [dreg:$0xa];
	s15 =	simm.s32 $0x8000  }
0xac: {  	[tilespmem:s15], [sflag:$0x3] =	stream.strided.gather [hbm4b:s14+s28], $0x4000, s29, s28, $0x38;
	[tilespmem:$0x1A980] =	vst v63  }
0xad: {  	s17 =	rddreg [dreg:$0xb];
	s18 =	simm.s32 $0x10000  }
0xae: {  	[tilespmem:s18], [sflag:$0x5] =	stream.linear.gather [hbm4b:s17+s4], $0x4000, $0x38;
	[tilespmem:$0x1A980] =	vst v63  }
0xaf: {  	s19 =	rddreg [dreg:$0xc]  }
0xb0: {  	[tilespmem:s1], [sflag:$0x2] =	stream.strided.gather [hbm4b:s19+s28], $0x4000, s29, s28, $0x38;
	[tilespmem:$0x1A980] =	vst v63  }
0xb1: {  	s20 =	rddreg [dreg:$0xd]  }
0xb2: {  	[tilespmem:s0], [sflag:$0x4] =	stream.strided.gather [hbm4b:s20+s28], $0x4000, s29, s28, $0x38;
	[tilespmem:$0x1A980] =	vst v63  }
0xb3: {  	s22 =	rddreg [dreg:$0xe]  }
0xb4: {  	[tilespmem:s23], [sflag:$0x6] =	stream.linear.gather [hbm4b:s22+s4], $0x4000, $0x38;
	[tilespmem:$0x1A980] =	vst v63  }
0xb5: {  	_ =	swait.ge [sflag:s24], $0x200  }
0xb6: {  	[sflag:s24] =	ssyncset.done $0x0  }
0xb7: {  	[sflag:s24] =	ssyncadd.s32 $0xFFFFFE00  }
0xb8: {  	_ =	swait.ge [sflag:s24], $0x80  }
0xb9: {  	[sflag:s24] =	ssyncset.done $0x0  }
0xba: {  	[sflag:s24] =	ssyncadd.s32 $0xFFFFFF80  }
0xbb: {  	_ =	swait.ge [sflag:s24], $0x80  }
0xbc: {  	[sflag:s24] =	ssyncset.done $0x0  }
0xbd: {  	[sflag:s24] =	ssyncadd.s32 $0xFFFFFF80  }
0xbe: {  	_ =	swait.ge [sflag:s24], $0x80  }
0xbf: {  	[sflag:s24] =	ssyncset.done $0x0  }
0xc0: {  	[sflag:s24] =	ssyncadd.s32 $0xFFFFFF80  }
0xc1: {  	v36 =	vld [tilespmem:$0x18400]  }
0xc2: {  	v12 =	vld [tilespmem:$0x18410]  }
0xc3: {  	v9 =	vld [tilespmem:$0x18420]  }
0xc4: {  	v38 =	vld [tilespmem:$0x18440]  }
0xc5: {  	v0 =	vld [tilespmem:$0x18000]  }
0xc6: {  	v5 =	vld [tilespmem:$0x18040]  }
0xc7: {  	v8 =	vld [tilespmem:$0x18430]  }
0xc8: {  	v37 =	vld [tilespmem:$0x18450]  }
0xc9: {  	v11 =	vld [tilespmem:$0x18460]  }
0xca: {  	v10 =	vld [tilespmem:$0x18470]  }
0xcb: {  	v13 =	vld [tilespmem:$0x18010]  }
0xcc: {  	v14 =	vld [tilespmem:$0x18050]  }
0xcd: {  	v15 =	vld [tilespmem:$0x18020]  }
0xce: {  	v16 =	vld [tilespmem:$0x18070];
	v6 =	vmul.f32 v0, v36  }
0xcf: {  	v22 =	vld [tilespmem:$0x18080];
	v7 =	vmul.f32 v5, v38;
	v5 =	vmul.f32 v5, v36  }
0xd0: {  	v28 =	vld [tilespmem:$0x180B0];
	v0 =	vmul.f32 v0, v38;
	v17 =	vmul.f32 v13, v12  }
0xd1: {  	v18 =	vmul.f32 v14, v37;
	v14 =	vmul.f32 v14, v12  }
0xd2: {  	v13 =	vmul.f32 v13, v37;
	v19 =	vmul.f32 v15, v9  }
0xd3: {  	v34 =	vld [tilespmem:$0x18120];
	v15 =	vmul.f32 v15, v11;
	v21 =	vmul.f32 v16, v10  }
0xd4: {  	v23 =	vmul.f32 v22, v36;
	v22 =	vmul.f32 v22, v38;
	v0 =	vadd.f32 v5, v0;
	v5 =	vld [tilespmem:$0x18060]  }
0xd5: {  	v29 =	vmul.f32 v28, v8;
	v28 =	vmul.f32 v28, v10;
	v6 =	vsub.f32 v6, v7;
	v7 =	vld [tilespmem:$0x18030]  }
0xd6: {  	v17 =	vsub.f32 v17, v18;
	v13 =	vadd.f32 v14, v13;
	v14 =	vmul.f32 v16, v8;
	v16 =	vld [tilespmem:$0x180C0]  }
0xd7: {  	v6 =	vmul.f32 $8.838834610e-02, v6;
	v0 =	vmul.f32 $8.838834610e-02, v0  }
0xd8: {  	v17 =	vmul.f32 $8.838834610e-02, v17;
	v13 =	vmul.f32 $8.838834610e-02, v13  }
0xd9: {  	[tilespmem:$0x18200] =	vst v6;
	v6 =	vmul.f32 v34, v9;
	v20 =	vmul.f32 v5, v11  }
0xda: {  	v57 =	vld [tilespmem:$0x18180];
	v5 =	vmul.f32 v5, v9;
	v18 =	vmul.f32 v7, v8  }
0xdb: {  	v58 =	vld [tilespmem:$0x181C0];
	v7 =	vmul.f32 v7, v10;
	v24 =	vmul.f32 v16, v38;
	v19 =	vsub.f32 v19, v20  }
0xdc: {  	v16 =	vmul.f32 v16, v36;
	v5 =	vadd.f32 v5, v15;
	v15 =	vld [tilespmem:$0x18090];
	v18 =	vsub.f32 v18, v21  }
0xdd: {  	v7 =	vadd.f32 v14, v7;
	v14 =	vld [tilespmem:$0x180D0];
	v23 =	vsub.f32 v23, v24;
	v19 =	vmul.f32 $8.838834610e-02, v19  }
0xde: {  	v20 =	vld [tilespmem:$0x180A0];
	v16 =	vadd.f32 v16, v22;
	v5 =	vmul.f32 $8.838834610e-02, v5;
	v18 =	vmul.f32 $8.838834610e-02, v18  }
0xdf: {  	v21 =	vld [tilespmem:$0x180E0];
	v7 =	vmul.f32 $8.838834610e-02, v7;
	v23 =	vmul.f32 $8.838834610e-02, v23  }
0xe0: {  	v22 =	vld [tilespmem:$0x180F0];
	v16 =	vmul.f32 $8.838834610e-02, v16;
	[tilespmem:$0x18220] =	vst v19;
	v19 =	vmul.f32 v57, v36  }
0xe1: {  	[tilespmem:$0x18260] =	vst v5;
	v5 =	vmul.f32 v58, v36;
	v25 =	vmul.f32 v15, v12  }
0xe2: {  	v60 =	vld [tilespmem:$0x18190];
	v26 =	vmul.f32 v14, v37;
	v14 =	vmul.f32 v14, v12  }
0xe3: {  	v15 =	vmul.f32 v15, v37;
	v24 =	vmul.f32 v20, v9  }
0xe4: {  	v40 =	vimm.f32 $0.0e+00;
	v27 =	vmul.f32 v21, v11;
	v21 =	vmul.f32 v21, v9  }
0xe5: {  	v61 =	vld [tilespmem:$0x181D0];
	[tilespmem:$0x1FF70] =	vst v36;
	v20 =	vmul.f32 v20, v11;
	v30 =	vmul.f32 v22, v10;
	v25 =	vsub.f32 v25, v26  }
0xe6: {  	[tilespmem:$0x18230] =	vst v18;
	v18 =	vld [tilespmem:$0x181A0];
	v22 =	vmul.f32 v22, v8;
	v14 =	vadd.f32 v14, v15;
	v24 =	vsub.f32 v24, v27  }
0xe7: {  	[tilespmem:$0x18280] =	vst v23;
	v23 =	vmul.f32 v60, v12;
	v15 =	vld [tilespmem:$0x18100];
	v20 =	vadd.f32 v21, v20;
	v29 =	vsub.f32 v29, v30  }
0xe8: {  	[tilespmem:$0x1FF80] =	vst v38;
	v21 =	vld [tilespmem:$0x18140];
	v22 =	vadd.f32 v22, v28;
	v25 =	vmul.f32 $8.838834610e-02, v25;
	v14 =	vmul.f32 $8.838834610e-02, v14  }
0xe9: {  	v41 =	vimm.f32 $0.0e+00;
	[tilespmem:$0x1FF90] =	vst v12;
	v26 =	vld [tilespmem:$0x18110];
	v24 =	vmul.f32 $8.838834610e-02, v24;
	v20 =	vmul.f32 $8.838834610e-02, v20  }
0xea: {  	v42 =	vimm.f32 $0.0e+00;
	v27 =	vld [tilespmem:$0x18150];
	v29 =	vmul.f32 $8.838834610e-02, v29;
	v22 =	vmul.f32 $8.838834610e-02, v22;
	[tilespmem:$0x18290] =	vst v25  }
0xeb: {  	v44 =	vimm.f32 $0.0e+00;
	v25 =	vmul.f32 v61, v37;
	[tilespmem:$0x182D0] =	vst v14;
	v14 =	vmul.f32 v61, v12  }
0xec: {  	v45 =	vimm.f32 $0.0e+00;
	v28 =	vld [tilespmem:$0x18160];
	[tilespmem:$0x182A0] =	vst v24;
	v24 =	vmul.f32 v18, v9;
	v18 =	vmul.f32 v18, v11  }
0xed: {  	v46 =	vimm.f32 $0.0e+00;
	[tilespmem:$0x1FFA0] =	vst v37;
	v31 =	vmul.f32 v15, v36;
	v32 =	vmul.f32 v21, v38  }
0xee: {  	v47 =	vimm.f32 $0.0e+00;
	[tilespmem:$0x1FFB0] =	vst v9;
	v21 =	vmul.f32 v21, v36;
	v15 =	vmul.f32 v15, v38  }
0xef: {  	v48 =	vimm.f32 $0.0e+00;
	[tilespmem:$0x182C0] =	vst v16;
	v16 =	vld [tilespmem:$0x181F0];
	v30 =	vmul.f32 v26, v12;
	v33 =	vmul.f32 v27, v37  }
0xf0: {  	v43 =	vimm.f32 $0.0e+00;
	[tilespmem:$0x18240] =	vst v0;
	v27 =	vmul.f32 v27, v12;
	v26 =	vmul.f32 v26, v37  }
0xf1: {  	[tilespmem:$0x182F0] =	vst v22;
	v22 =	vimm.f32 $0.0e+00;
	v35 =	vmul.f32 v28, v11;
	v0 =	vmul.f32 v28, v9  }
0xf2: {  	[tilespmem:$0x1FFC0] =	vst v11;
	v28 =	vmul.f32 v34, v11;
	v34 =	vimm.f32 $0.0e+00;
	v15 =	vadd.f32 v21, v15;
	v21 =	vld [tilespmem:$0x18130]  }
0xf3: {  	[tilespmem:$0x182E0] =	vst v20;
	v36 =	vimm.f32 $0.0e+00;
	v20 =	vsub.f32 v23, v25;
	v26 =	vadd.f32 v27, v26;
	v27 =	vld [tilespmem:$0x18170]  }
0xf4: {  	[tilespmem:$0x1FFD0] =	vst v8;
	v25 =	vmul.f32 v16, v10;
	v16 =	vmul.f32 v16, v8;
	v31 =	vsub.f32 v31, v32  }
0xf5: {  	[tilespmem:$0x1FFE0] =	vst v10;
	v30 =	vsub.f32 v30, v33;
	v0 =	vadd.f32 v0, v28;
	v28 =	vmul.f32 v57, v38  }
0xf6: {  	[tilespmem:$0x18210] =	vst v17;
	v6 =	vsub.f32 v6, v35;
	v31 =	vmul.f32 $8.838834610e-02, v31;
	v15 =	vmul.f32 $8.838834610e-02, v15  }
0xf7: {  	[tilespmem:$0x18250] =	vst v13;
	v32 =	vimm.f32 $0.0e+00;
	v30 =	vmul.f32 $8.838834610e-02, v30;
	v17 =	vmul.f32 v21, v8  }
0xf8: {  	[tilespmem:$0x18270] =	vst v7;
	v33 =	vimm.f32 $0.0e+00;
	v59 =	vmul.f32 v27, v10;
	v13 =	vmul.f32 v27, v8  }
0xf9: {  	[tilespmem:$0x182B0] =	vst v29;
	v35 =	vimm.f32 $0.0e+00;
	v21 =	vmul.f32 v21, v10;
	v27 =	vmul.f32 v58, v38  }
0xfa: {  	v26 =	vmul.f32 $8.838834610e-02, v26;
	v6 =	vmul.f32 $8.838834610e-02, v6;
	v5 =	vadd.f32 v5, v28;
	[tilespmem:$0x18300] =	vst v31  }
0xfb: {  	v0 =	vmul.f32 $8.838834610e-02, v0;
	[tilespmem:$0x18340] =	vst v15;
	v13 =	vadd.f32 v13, v21;
	v7 =	vsub.f32 v19, v27;
	v19 =	vld [tilespmem:$0x181E0]  }
0xfc: {  	v5 =	vmul.f32 $8.838834610e-02, v5;
	[tilespmem:$0x18310] =	vst v30;
	v30 =	vimm.f32 $0.0e+00;
	v17 =	vsub.f32 v17, v59  }
0xfd: {  	[tilespmem:$0x18350] =	vst v26;
	v31 =	vimm.f32 $0.0e+00;
	v15 =	vimm.f32 $0.0e+00;
	v21 =	vmul.f32 $8.838834610e-02, v13;
	v13 =	vld [tilespmem:$0x181B0]  }
0xfe: {  	[tilespmem:$0x18320] =	vst v6;
	v26 =	vimm.f32 $0.0e+00;
	v27 =	vmul.f32 v60, v37;
	v17 =	vmul.f32 $8.838834610e-02, v17  }
0xff: {  	[tilespmem:$0x18360] =	vst v0;
	v38 =	vimm.f32 $0.0e+00;
	v37 =	vimm.f32 $0.0e+00;
	v7 =	vmul.f32 $8.838834610e-02, v7  }
0x100: {  	v14 =	vadd.f32 v14, v27;
	v27 =	vmul.f32 $8.838834610e-02, v20;
	[tilespmem:$0x18330] =	vst v17;
	v28 =	vmul.f32 v19, v11  }
0x101: {  	[tilespmem:$0x18370] =	vst v21;
	v17 =	vimm.f32 $0.0e+00;
	v21 =	vimm.f32 $0.0e+00;
	v19 =	vmul.f32 v19, v9  }
0x102: {  	[tilespmem:$0x18390] =	vst v27;
	v27 =	vimm.f32 $0.0e+00;
	v23 =	vmul.f32 v13, v8;
	v20 =	vsub.f32 v24, v28  }
0x103: {  	[tilespmem:$0x183C0] =	vst v5;
	v13 =	vmul.f32 v13, v10;
	v18 =	vadd.f32 v19, v18;
	v28 =	vmul.f32 $8.838834610e-02, v14  }
0x104: {  	[tilespmem:$0x18380] =	vst v7;
	v19 =	vimm.f32 $0.0e+00;
	v14 =	vsub.f32 v23, v25;
	v29 =	vmul.f32 $8.838834610e-02, v20  }
0x105: {  	v24 =	vimm.f32 $0.0e+00;
	v13 =	vadd.f32 v16, v13;
	v62 =	vmul.f32 $8.838834610e-02, v18;
	[tilespmem:$0x183D0] =	vst v28  }
0x106: {  	v16 =	vimm.f32 $0.0e+00;
	v18 =	vimm.f32 $0.0e+00;
	v63 =	vmul.f32 $8.838834610e-02, v14;
	[tilespmem:$0x183A0] =	vst v29  }
0x107: {  	v20 =	vimm.f32 $0.0e+00;
	v23 =	vimm.f32 $0.0e+00;
	v39 =	vmul.f32 $8.838834610e-02, v13;
	[tilespmem:$0x183E0] =	vst v62  }
0x108: {  	v25 =	vimm.f32 $0.0e+00;
	v28 =	vimm.f32 $0.0e+00;
	v13 =	vimm.f32 $0.0e+00;
	[tilespmem:$0x183B0] =	vst v63  }
0x109: {  	s11 =	simm.s32 $0x0;
	v14 =	vimm.f32 $0.0e+00;
	v29 =	vimm.f32 $0.0e+00;
	[tilespmem:$0x183F0] =	vst v39;
	v39 =	vimm.f32 $0.0e+00  }
.LBB2_2:
0x10a: {  	_ =	swait.ge [sflag:s5], $0x4000  }
0x10b: {  	[sflag:s5] =	ssyncset.done $0x0  }
0x10c: {  	[sflag:s5] =	ssyncadd.s32 $0xFFFFC000  }
0x10d: {  	_ =	swait.ge [sflag:s25], $0x4000  }
0x10e: {  	[sflag:s25] =	ssyncset.done $0x0  }
0x10f: {  	[sflag:s25] =	ssyncadd.s32 $0xFFFFC000  }
0x110: {  	_ =	swait.ge [sflag:s26], $0x4000  }
0x111: {  	[sflag:s26] =	ssyncset.done $0x0  }
0x112: {  	s12 =	simm.s32 $0x10040;
	[sflag:s26] =	ssyncadd.s32 $0xFFFFC000  }
0x113: {  	v59 =	vld [tilespmem:s12+$0x10]  }
0x114: {  	v6 =	vld [tilespmem:s12+$0x30]  }
0x115: {  	v11 =	vld [tilespmem:s12+$0xFFFFFFE0]  }
0x116: {  	v5 =	vld [tilespmem:s12+$0x20]  }
0x117: {  	s13 =	simm.s32 $0x40;
	v50 =	vld [tilespmem:s12+$0xFFFFFFD0]  }
0x118: {  	v51 =	vld [tilespmem:s13+$0xFFFFFFC0]  }
0x119: {  	v52 =	vld [tilespmem:s13+$0x0]  }
0x11a: {  	v53 =	vld [tilespmem:s12+$0xFFFFFFC0]  }
0x11b: {  	v54 =	vld [tilespmem:s12+$0x0]  }
0x11c: {  	v55 =	vld [tilespmem:s13+$0xFFFFFFD0]  }
0x11d: {  	v56 =	vld [tilespmem:s13+$0x10]  }
0x11e: {  	v57 =	vld [tilespmem:s13+$0xFFFFFFE0]  }
0x11f: {  	v58 =	vld [tilespmem:s13+$0x20]  }
0x120: {  	v7 =	vld [tilespmem:s13+$0x30]  }
0x121: {  	v60 =	vld [tilespmem:s13+$0xFFFFFFF0]  }
0x122: {  	v61 =	vld [tilespmem:s12+$0xFFFFFFF0]  }
0x123: {  	v49 =	vld [tilespmem:$0x18200];
	v8 =	vmul.f32 v52, v54  }
0x124: {  	v9 =	vld [tilespmem:$0x18210];
	v0 =	vmul.f32 v55, v50;
	v10 =	vmul.f32 v56, v59  }
0x125: {  	v12 =	vld [tilespmem:$0x18220];
	v63 =	vmul.f32 v51, v53  }
0x126: {  	[tilespmem:$0x1FF40] =	vst v11;
	v11 =	vmul.f32 v57, v11;
	v62 =	vsub.f32 v0, v10;
	v10 =	vmul.f32 v58, v5  }
0x127: {  	v51 =	vmul.f32 v51, v54;
	v52 =	vmul.f32 v52, v53;
	v0 =	vsub.f32 v63, v8  }
0x128: {  	v63 =	vmul.f32 v7, v6;
	v8 =	vmovc v6;
	v6 =	vmul.f32 v60, v61;
	v10 =	vsub.f32 v11, v10  }
0x129: {  	[tilespmem:$0x1FF50] =	vst v7;
	v7 =	vld [tilespmem:$0x18230];
	v11 =	vmul.f32 v49, v0;
	v9 =	vmul.f32 v9, v62  }
0x12a: {  	v53 =	vld [tilespmem:$0x18240];
	[tilespmem:$0x1FF60] =	vst v0;
	v0 =	vsub.f32 v6, v63;
	v54 =	vmul.f32 v12, v10;
	v6 =	vmul.f32 v55, v59  }
0x12b: {  	v12 =	vmul.f32 v56, v50;
	v56 =	vmul.f32 v57, v5;
	v5 =	vld [tilespmem:$0x1FF40]  }
0x12c: {  	v9 =	vadd.f32 v9, v11;
	v50 =	vld [tilespmem:$0x18250]  }
0x12d: {  	v6 =	vadd.f32 v12, v6;
	v12 =	vmul.f32 v60, v8;
	v60 =	vld [tilespmem:$0x1FF50]  }
0x12e: {  	v51 =	vadd.f32 v52, v51;
	v9 =	vadd.f32 v54, v9;
	v63 =	vmul.f32 v7, v0  }
0x12f: {  	v57 =	vld [tilespmem:$0x18260]  }
0x130: {  	v7 =	vmul.f32 v58, v5;
	v5 =	vadd.f32 v63, v9;
	v58 =	vmul.f32 v53, v51  }
0x131: {  	v59 =	vld [tilespmem:$0x18270];
	v53 =	vmul.f32 v50, v6  }
0x132: {  	v7 =	vadd.f32 v7, v56;
	v63 =	vmul.f32 v60, v61;
	v5 =	vadd.f32 v58, v5;
	_ =	sdelay $0x1  }
0x133: {  	v12 =	vadd.f32 v63, v12;
	v5 =	vadd.f32 v53, v5;
	v54 =	vmul.f32 v57, v7;
	_ =	sdelay $0x1  }
0x134: {  	v5 =	vadd.f32 v54, v5;
	v55 =	vmul.f32 v59, v12;
	_ =	sdelay $0x1  }
0x135: {  	v5 =	vadd.f32 v55, v5;
	_ =	sdelay $0x1  }
0x136: {  	v9 =	vperm.xlane v5, v1;
	_ =	sdelay $0x1  }
0x137: {  	v5 =	vadd.f32 v5, v9;
	_ =	sdelay $0x1  }
0x138: {  	v9 =	vperm.xlane v5, v2;
	_ =	sdelay $0x1  }
0x139: {  	v5 =	vadd.f32 v5, v9;
	_ =	sdelay $0x1  }
0x13a: {  	v9 =	vperm.xlane v5, v3;
	_ =	sdelay $0x1  }
0x13b: {  	v5 =	vadd.f32 v5, v9;
	_ =	sdelay $0x1  }
0x13c: {  	v9 =	vperm.xlane v5, v4;
	_ =	sdelay $0x1  }
0x13d: {  	v5 =	vadd.f32 v5, v9;
	_ =	sdelay $0x1  }
0x13e: {  	v5 =	vmul.f32 $1.442695020e+00, v5;
	_ =	sdelay $0x1  }
0x13f: {  	(erf) = vpow2.f32 v5;
	_ =	sdelay $0x8  }
0x140: {  	s14 =	simm.s32 $0x18580;
	v5 =	vpop (erf)  }
0x141: {  	v8 =	vld [tilespmem:$0x1FF60];
	[tilespmem:s14+$0x0] =	vst v5  }
0x142: {  	v56 =	vld [tilespmem:$0x18280]  }
0x143: {  	v57 =	vld [tilespmem:$0x18290];
	_ =	sdelay $0x1  }
0x144: {  	v58 =	vld [tilespmem:$0x182A0];
	_ =	sdelay $0x1  }
0x145: {  	v59 =	vld [tilespmem:$0x182B0]  }
0x146: {  	v9 =	vmul.f32 v56, v8;
	v11 =	vmul.f32 v57, v62  }
0x147: {  	v60 =	vld [tilespmem:$0x182C0]  }
0x148: {  	v61 =	vmul.f32 v58, v10;
	v9 =	vadd.f32 v11, v9  }
0x149: {  	v63 =	vld [tilespmem:$0x182D0]  }
0x14a: {  	v55 =	vmul.f32 v59, v0;
	v9 =	vadd.f32 v61, v9  }
0x14b: {  	v56 =	vld [tilespmem:$0x182E0]  }
0x14c: {  	v57 =	vmul.f32 v60, v51;
	v9 =	vadd.f32 v55, v9  }
0x14d: {  	v58 =	vld [tilespmem:$0x182F0]  }
0x14e: {  	v59 =	vmul.f32 v63, v6;
	v9 =	vadd.f32 v57, v9;
	_ =	sdelay $0x1  }
0x14f: {  	v60 =	vmul.f32 v56, v7;
	v9 =	vadd.f32 v59, v9;
	_ =	sdelay $0x1  }
0x150: {  	v61 =	vmul.f32 v58, v12;
	v9 =	vadd.f32 v60, v9;
	_ =	sdelay $0x1  }
0x151: {  	v9 =	vadd.f32 v61, v9;
	_ =	sdelay $0x1  }
0x152: {  	v11 =	vperm.xlane v9, v1;
	_ =	sdelay $0x1  }
0x153: {  	v9 =	vadd.f32 v9, v11;
	_ =	sdelay $0x1  }
0x154: {  	v11 =	vperm.xlane v9, v2;
	_ =	sdelay $0x1  }
0x155: {  	v9 =	vadd.f32 v9, v11;
	_ =	sdelay $0x1  }
0x156: {  	v11 =	vperm.xlane v9, v3;
	_ =	sdelay $0x1  }
0x157: {  	v9 =	vadd.f32 v9, v11;
	_ =	sdelay $0x1  }
0x158: {  	v11 =	vperm.xlane v9, v4;
	_ =	sdelay $0x1  }
0x159: {  	v9 =	vadd.f32 v9, v11;
	_ =	sdelay $0x1  }
0x15a: {  	v9 =	vmul.f32 $1.442695020e+00, v9;
	_ =	sdelay $0x1  }
0x15b: {  	(erf) = vpow2.f32 v9;
	_ =	sdelay $0x7  }
0x15c: {  	s15 =	simm.s32 $0x0  }
0x15d: {  	s19 =	sand.u32 $0x7F0, s15;
	v9 =	vpop (erf)  }
0x15e: {  	[tilespmem:s19+$0x18D80] =	vst v9  }
0x15f: {  	v63 =	vld [tilespmem:$0x18300]  }
0x160: {  	v56 =	vld [tilespmem:$0x18310];
	_ =	sdelay $0x1  }
0x161: {  	v57 =	vld [tilespmem:$0x18320];
	_ =	sdelay $0x1  }
0x162: {  	v58 =	vld [tilespmem:$0x18330]  }
0x163: {  	v11 =	vmul.f32 v63, v8;
	v49 =	vmul.f32 v56, v62  }
0x164: {  	v59 =	vld [tilespmem:$0x18340]  }
0x165: {  	v60 =	vmul.f32 v57, v10;
	v11 =	vadd.f32 v49, v11  }
0x166: {  	v61 =	vld [tilespmem:$0x18350]  }
0x167: {  	v63 =	vmul.f32 v58, v0;
	v11 =	vadd.f32 v60, v11  }
0x168: {  	v56 =	vld [tilespmem:$0x18360]  }
0x169: {  	v57 =	vmul.f32 v59, v51;
	v11 =	vadd.f32 v63, v11  }
0x16a: {  	v58 =	vld [tilespmem:$0x18370]  }
0x16b: {  	v59 =	vmul.f32 v61, v6;
	v11 =	vadd.f32 v57, v11;
	_ =	sdelay $0x1  }
0x16c: {  	v60 =	vmul.f32 v56, v7;
	v11 =	vadd.f32 v59, v11;
	_ =	sdelay $0x1  }
0x16d: {  	v61 =	vmul.f32 v58, v12;
	v11 =	vadd.f32 v60, v11;
	_ =	sdelay $0x1  }
0x16e: {  	v11 =	vadd.f32 v61, v11;
	_ =	sdelay $0x1  }
0x16f: {  	v49 =	vperm.xlane v11, v1;
	_ =	sdelay $0x1  }
0x170: {  	v11 =	vadd.f32 v11, v49;
	_ =	sdelay $0x1  }
0x171: {  	v49 =	vperm.xlane v11, v2;
	_ =	sdelay $0x1  }
0x172: {  	v11 =	vadd.f32 v11, v49;
	_ =	sdelay $0x1  }
0x173: {  	v49 =	vperm.xlane v11, v3;
	_ =	sdelay $0x1  }
0x174: {  	v11 =	vadd.f32 v11, v49;
	_ =	sdelay $0x1  }
0x175: {  	v49 =	vperm.xlane v11, v4;
	_ =	sdelay $0x1  }
0x176: {  	v11 =	vadd.f32 v11, v49;
	_ =	sdelay $0x1  }
0x177: {  	v11 =	vmul.f32 $1.442695020e+00, v11;
	_ =	sdelay $0x1  }
0x178: {  	(erf) = vpow2.f32 v11;
	_ =	sdelay $0x8  }
0x179: {  	v11 =	vpop (erf)  }
0x17a: {  	[tilespmem:s19+$0x19580] =	vst v11  }
0x17b: {  	v63 =	vld [tilespmem:$0x18380]  }
0x17c: {  	v56 =	vld [tilespmem:$0x18390];
	_ =	sdelay $0x1  }
0x17d: {  	v57 =	vld [tilespmem:$0x183A0];
	_ =	sdelay $0x1  }
0x17e: {  	v58 =	vld [tilespmem:$0x183B0]  }
0x17f: {  	v8 =	vmul.f32 v63, v8;
	v59 =	vmul.f32 v56, v62  }
0x180: {  	v60 =	vld [tilespmem:$0x183C0]  }
0x181: {  	v10 =	vmul.f32 v57, v10;
	v8 =	vadd.f32 v59, v8  }
0x182: {  	v61 =	vld [tilespmem:$0x183D0]  }
0x183: {  	v0 =	vmul.f32 v58, v0;
	v8 =	vadd.f32 v10, v8  }
0x184: {  	v62 =	vld [tilespmem:$0x183E0]  }
0x185: {  	v50 =	vmul.f32 v60, v51;
	v0 =	vadd.f32 v0, v8  }
0x186: {  	v63 =	vld [tilespmem:$0x183F0]  }
0x187: {  	v6 =	vmul.f32 v61, v6;
	v0 =	vadd.f32 v50, v0;
	_ =	sdelay $0x1  }
0x188: {  	v7 =	vmul.f32 v62, v7;
	v0 =	vadd.f32 v6, v0;
	_ =	sdelay $0x1  }
0x189: {  	v6 =	vmul.f32 v63, v12;
	v0 =	vadd.f32 v7, v0;
	_ =	sdelay $0x1  }
0x18a: {  	v0 =	vadd.f32 v6, v0;
	_ =	sdelay $0x1  }
0x18b: {  	v6 =	vperm.xlane v0, v1;
	_ =	sdelay $0x1  }
0x18c: {  	v0 =	vadd.f32 v0, v6;
	_ =	sdelay $0x1  }
0x18d: {  	v6 =	vperm.xlane v0, v2;
	_ =	sdelay $0x1  }
0x18e: {  	v0 =	vadd.f32 v0, v6;
	_ =	sdelay $0x1  }
0x18f: {  	v6 =	vperm.xlane v0, v3;
	_ =	sdelay $0x1  }
0x190: {  	v0 =	vadd.f32 v0, v6;
	_ =	sdelay $0x1  }
0x191: {  	v6 =	vperm.xlane v0, v4;
	_ =	sdelay $0x1  }
0x192: {  	v0 =	vadd.f32 v0, v6;
	_ =	sdelay $0x1  }
0x193: {  	v0 =	vmul.f32 $1.442695020e+00, v0  }
0x194: {  	v43 =	vadd.f32 v5, v43  }
0x195: {  	s17 =	simm.s32 $0x10;
	s18 =	simm.s32 $0x18580;
	v39 =	vadd.f32 v9, v39;
	v38 =	vadd.f32 v11, v38;
	(erf) = vpow2.f32 v0  }
.LBB2_3:
0x196: {  	_ =	sdelay $0x1  }
0x197: {  	s18 =	sadd.s32 $0x10, s18;
	s12 =	sadd.s32 $0x80, s12;
	s13 =	sadd.s32 $0x80, s13  }
0x198: {  	p0 =	sne.s32 s17, $0x7F0;
	s20 =	smov.u32 s17;
	s17 =	sadd.s32 $0x10, s17  }
0x199: {  	_ =	sdelay $0x3  }
0x19a: {  	v0 =	vpop (erf)  }
0x19b: {  	[tilespmem:s19+$0x19D80] =	vst v0;
	v35 =	vadd.f32 v0, v35  }
0x19c: {  	v0 =	vld [tilespmem:s12+$0x10]  }
0x19d: {  	v5 =	vld [tilespmem:s12+$0x30]  }
0x19e: {  	v6 =	vld [tilespmem:s12+$0xFFFFFFE0]  }
0x19f: {  	v7 =	vld [tilespmem:s12+$0x20]  }
0x1a0: {  	v8 =	vld [tilespmem:s12+$0xFFFFFFD0]  }
0x1a1: {  	v9 =	vld [tilespmem:s13+$0xFFFFFFC0]  }
0x1a2: {  	v10 =	vld [tilespmem:s13+$0x0]  }
0x1a3: {  	v11 =	vld [tilespmem:s12+$0xFFFFFFC0]  }
0x1a4: {  	v12 =	vld [tilespmem:s12+$0x0]  }
0x1a5: {  	v49 =	vld [tilespmem:s13+$0xFFFFFFD0]  }
0x1a6: {  	v52 =	vld [tilespmem:s13+$0x10]  }
0x1a7: {  	v50 =	vld [tilespmem:s13+$0xFFFFFFE0]  }
0x1a8: {  	v53 =	vld [tilespmem:s13+$0x20]  }
0x1a9: {  	v51 =	vmul.f32 v9, v11;
	v9 =	vmul.f32 v9, v12;
	v55 =	vld [tilespmem:s13+$0x30]  }
0x1aa: {  	v12 =	vmul.f32 v10, v12;
	v54 =	vmul.f32 v49, v8;
	v56 =	vld [tilespmem:s13+$0xFFFFFFF0]  }
0x1ab: {  	v58 =	vmul.f32 v49, v0;
	v57 =	vld [tilespmem:s12+$0xFFFFFFF0]  }
0x1ac: {  	v0 =	vmul.f32 v52, v0;
	v59 =	vmul.f32 v50, v6;
	v60 =	vld [tilespmem:$0x18200]  }
0x1ad: {  	v49 =	vmul.f32 v50, v7;
	v61 =	vld [tilespmem:$0x18210]  }
0x1ae: {  	v50 =	vsub.f32 v54, v0;
	v0 =	vmul.f32 v53, v6;
	v6 =	vmul.f32 v55, v5  }
0x1af: {  	v51 =	vsub.f32 v51, v12;
	v7 =	vmul.f32 v53, v7;
	v5 =	vmul.f32 v56, v5;
	v12 =	vld [tilespmem:$0x18220]  }
0x1b0: {  	v10 =	vmul.f32 v10, v11;
	v49 =	vadd.f32 v0, v49;
	v0 =	vmul.f32 v56, v57  }
0x1b1: {  	v8 =	vmul.f32 v52, v8;
	v54 =	vsub.f32 v59, v7;
	v7 =	vmul.f32 v55, v57;
	v11 =	vld [tilespmem:$0x18230]  }
0x1b2: {  	v55 =	vsub.f32 v0, v6;
	v0 =	vmul.f32 v60, v51;
	v6 =	vmul.f32 v61, v50  }
0x1b3: {  	v53 =	vadd.f32 v8, v58;
	v56 =	vadd.f32 v10, v9;
	v8 =	vld [tilespmem:$0x18240]  }
0x1b4: {  	v52 =	vadd.f32 v7, v5;
	v0 =	vadd.f32 v6, v0;
	v5 =	vmul.f32 v12, v54  }
0x1b5: {  	v6 =	vld [tilespmem:$0x18250]  }
0x1b6: {  	v0 =	vadd.f32 v5, v0;
	v5 =	vmul.f32 v11, v55  }
0x1b7: {  	v7 =	vld [tilespmem:$0x18260]  }
0x1b8: {  	v0 =	vadd.f32 v5, v0;
	v5 =	vmul.f32 v8, v56  }
0x1b9: {  	v8 =	vld [tilespmem:$0x18270]  }
0x1ba: {  	v0 =	vadd.f32 v5, v0;
	v5 =	vmul.f32 v6, v53;
	_ =	sdelay $0x1  }
0x1bb: {  	v0 =	vadd.f32 v5, v0;
	v5 =	vmul.f32 v7, v49;
	_ =	sdelay $0x1  }
0x1bc: {  	v0 =	vadd.f32 v5, v0;
	v5 =	vmul.f32 v8, v52;
	_ =	sdelay $0x1  }
0x1bd: {  	v0 =	vadd.f32 v5, v0;
	_ =	sdelay $0x1  }
0x1be: {  	v5 =	vperm.xlane v0, v1;
	_ =	sdelay $0x1  }
0x1bf: {  	v0 =	vadd.f32 v0, v5;
	_ =	sdelay $0x1  }
0x1c0: {  	v5 =	vperm.xlane v0, v2;
	_ =	sdelay $0x1  }
0x1c1: {  	v0 =	vadd.f32 v0, v5;
	_ =	sdelay $0x1  }
0x1c2: {  	v5 =	vperm.xlane v0, v3;
	_ =	sdelay $0x1  }
0x1c3: {  	v0 =	vadd.f32 v0, v5;
	_ =	sdelay $0x1  }
0x1c4: {  	v5 =	vperm.xlane v0, v4;
	_ =	sdelay $0x1  }
0x1c5: {  	v0 =	vadd.f32 v0, v5;
	_ =	sdelay $0x1  }
0x1c6: {  	v0 =	vmul.f32 $1.442695020e+00, v0;
	_ =	sdelay $0x1  }
0x1c7: {  	(erf) = vpow2.f32 v0;
	_ =	sdelay $0x8  }
0x1c8: {  	v0 =	vpop (erf)  }
0x1c9: {  	[tilespmem:s18+$0x0] =	vst v0;
	v43 =	vadd.f32 v0, v43  }
0x1ca: {  	v0 =	vld [tilespmem:$0x18280]  }
0x1cb: {  	v5 =	vld [tilespmem:$0x18290];
	_ =	sdelay $0x1  }
0x1cc: {  	v6 =	vld [tilespmem:$0x182A0];
	_ =	sdelay $0x1  }
0x1cd: {  	v0 =	vmul.f32 v0, v51;
	v7 =	vld [tilespmem:$0x182B0]  }
0x1ce: {  	v5 =	vmul.f32 v5, v50  }
0x1cf: {  	v8 =	vld [tilespmem:$0x182C0]  }
0x1d0: {  	v0 =	vadd.f32 v5, v0;
	v5 =	vmul.f32 v6, v54  }
0x1d1: {  	v6 =	vld [tilespmem:$0x182D0]  }
0x1d2: {  	v0 =	vadd.f32 v5, v0;
	v5 =	vmul.f32 v7, v55  }
0x1d3: {  	v7 =	vld [tilespmem:$0x182E0]  }
0x1d4: {  	v0 =	vadd.f32 v5, v0;
	v5 =	vmul.f32 v8, v56  }
0x1d5: {  	v8 =	vld [tilespmem:$0x182F0]  }
0x1d6: {  	v0 =	vadd.f32 v5, v0;
	v5 =	vmul.f32 v6, v53;
	_ =	sdelay $0x1  }
0x1d7: {  	v0 =	vadd.f32 v5, v0;
	v5 =	vmul.f32 v7, v49;
	_ =	sdelay $0x1  }
0x1d8: {  	v0 =	vadd.f32 v5, v0;
	v5 =	vmul.f32 v8, v52;
	_ =	sdelay $0x1  }
0x1d9: {  	v0 =	vadd.f32 v5, v0;
	_ =	sdelay $0x1  }
0x1da: {  	v5 =	vperm.xlane v0, v1;
	_ =	sdelay $0x1  }
0x1db: {  	v0 =	vadd.f32 v0, v5;
	_ =	sdelay $0x1  }
0x1dc: {  	v5 =	vperm.xlane v0, v2;
	_ =	sdelay $0x1  }
0x1dd: {  	v0 =	vadd.f32 v0, v5;
	_ =	sdelay $0x1  }
0x1de: {  	v5 =	vperm.xlane v0, v3;
	_ =	sdelay $0x1  }
0x1df: {  	v0 =	vadd.f32 v0, v5;
	_ =	sdelay $0x1  }
0x1e0: {  	v5 =	vperm.xlane v0, v4;
	_ =	sdelay $0x1  }
0x1e1: {  	v0 =	vadd.f32 v0, v5;
	_ =	sdelay $0x1  }
0x1e2: {  	v0 =	vmul.f32 $1.442695020e+00, v0;
	_ =	sdelay $0x1  }
0x1e3: {  	(erf) = vpow2.f32 v0;
	_ =	sdelay $0x8  }
0x1e4: {  	s19 =	sand.u32 $0x7F0, s20;
	v0 =	vpop (erf)  }
0x1e5: {  	[tilespmem:s19+$0x18D80] =	vst v0;
	v39 =	vadd.f32 v0, v39  }
0x1e6: {  	v0 =	vld [tilespmem:$0x18300]  }
0x1e7: {  	v5 =	vld [tilespmem:$0x18310];
	_ =	sdelay $0x1  }
0x1e8: {  	v6 =	vld [tilespmem:$0x18320];
	_ =	sdelay $0x1  }
0x1e9: {  	v0 =	vmul.f32 v0, v51;
	v7 =	vld [tilespmem:$0x18330]  }
0x1ea: {  	v5 =	vmul.f32 v5, v50  }
0x1eb: {  	v8 =	vld [tilespmem:$0x18340]  }
0x1ec: {  	v0 =	vadd.f32 v5, v0;
	v5 =	vmul.f32 v6, v54  }
0x1ed: {  	v6 =	vld [tilespmem:$0x18350]  }
0x1ee: {  	v0 =	vadd.f32 v5, v0;
	v5 =	vmul.f32 v7, v55  }
0x1ef: {  	v7 =	vld [tilespmem:$0x18360]  }
0x1f0: {  	v0 =	vadd.f32 v5, v0;
	v5 =	vmul.f32 v8, v56  }
0x1f1: {  	v8 =	vld [tilespmem:$0x18370]  }
0x1f2: {  	v0 =	vadd.f32 v5, v0;
	v5 =	vmul.f32 v6, v53;
	_ =	sdelay $0x1  }
0x1f3: {  	v0 =	vadd.f32 v5, v0;
	v5 =	vmul.f32 v7, v49;
	_ =	sdelay $0x1  }
0x1f4: {  	v0 =	vadd.f32 v5, v0;
	v5 =	vmul.f32 v8, v52;
	_ =	sdelay $0x1  }
0x1f5: {  	v0 =	vadd.f32 v5, v0;
	_ =	sdelay $0x1  }
0x1f6: {  	v5 =	vperm.xlane v0, v1;
	_ =	sdelay $0x1  }
0x1f7: {  	v0 =	vadd.f32 v0, v5;
	_ =	sdelay $0x1  }
0x1f8: {  	v5 =	vperm.xlane v0, v2;
	_ =	sdelay $0x1  }
0x1f9: {  	v0 =	vadd.f32 v0, v5;
	_ =	sdelay $0x1  }
0x1fa: {  	v5 =	vperm.xlane v0, v3;
	_ =	sdelay $0x1  }
0x1fb: {  	v0 =	vadd.f32 v0, v5;
	_ =	sdelay $0x1  }
0x1fc: {  	v5 =	vperm.xlane v0, v4;
	_ =	sdelay $0x1  }
0x1fd: {  	v0 =	vadd.f32 v0, v5;
	_ =	sdelay $0x1  }
0x1fe: {  	v0 =	vmul.f32 $1.442695020e+00, v0;
	_ =	sdelay $0x1  }
0x1ff: {  	(erf) = vpow2.f32 v0;
	_ =	sdelay $0x8  }
0x200: {  	v0 =	vpop (erf)  }
0x201: {  	[tilespmem:s19+$0x19580] =	vst v0;
	v38 =	vadd.f32 v0, v38  }
0x202: {  	v0 =	vld [tilespmem:$0x18380]  }
0x203: {  	v5 =	vld [tilespmem:$0x18390]  }
0x204: {  	v6 =	vld [tilespmem:$0x183A0]  }
0x205: {  	v7 =	vld [tilespmem:$0x183B0]  }
0x206: {  	v8 =	vld [tilespmem:$0x183C0]  }
0x207: {  	v0 =	vmul.f32 v0, v51;
	v9 =	vld [tilespmem:$0x183D0]  }
0x208: {  	v5 =	vmul.f32 v5, v50;
	v10 =	vld [tilespmem:$0x183E0]  }
0x209: {  	v6 =	vmul.f32 v6, v54;
	v11 =	vld [tilespmem:$0x183F0]  }
0x20a: {  	v0 =	vadd.f32 v5, v0;
	v5 =	vmul.f32 v7, v55  }
0x20b: {  	v7 =	vmul.f32 v8, v56  }
0x20c: {  	v0 =	vadd.f32 v6, v0;
	v6 =	vmul.f32 v9, v53  }
0x20d: {  	v8 =	vmul.f32 v10, v49  }
0x20e: {  	v0 =	vadd.f32 v5, v0;
	v5 =	vmul.f32 v11, v52;
	_ =	sdelay $0x1  }
0x20f: {  	v0 =	vadd.f32 v7, v0;
	_ =	sdelay $0x1  }
0x210: {  	v0 =	vadd.f32 v6, v0;
	_ =	sdelay $0x1  }
0x211: {  	v0 =	vadd.f32 v8, v0;
	_ =	sdelay $0x1  }
0x212: {  	v0 =	vadd.f32 v5, v0;
	_ =	sdelay $0x1  }
0x213: {  	v5 =	vperm.xlane v0, v1;
	_ =	sdelay $0x1  }
0x214: {  	v0 =	vadd.f32 v0, v5;
	_ =	sdelay $0x1  }
0x215: {  	v5 =	vperm.xlane v0, v2;
	_ =	sdelay $0x1  }
0x216: {  	v0 =	vadd.f32 v0, v5;
	_ =	sdelay $0x1  }
0x217: {  	v5 =	vperm.xlane v0, v3;
	_ =	sdelay $0x1  }
0x218: {  	v0 =	vadd.f32 v0, v5;
	_ =	sdelay $0x1  }
0x219: {  	v5 =	vperm.xlane v0, v4;
	_ =	sdelay $0x1  }
.Ltmp2:
0x21a: {  	v0 =	vadd.f32 v0, v5;
	(pc) =	sbr.rel @p0 .LBB2_3-.Ltmp2, $3  }
0x21b: {  	_ = 	snop  }
0x21c: {  	v0 =	vmul.f32 $1.442695020e+00, v0;
	_ =	sdelay $0x1  }
0x21d: {  	(erf) = vpow2.f32 v0  }
0x21e: {  	_ =	sdelay $0x7  }
0x21f: {  	v0 =	vpop (erf)  }
0x220: {  	[tilespmem:s19+$0x19D80] =	vst v0  }
0x221: {  	s12 =	simm.s32 $0x8040;
	v5 =	vld [tilespmem:s14+$0x0]  }
0x222: {  	v49 =	vld [tilespmem:s12+$0x30]  }
0x223: {  	v6 =	vld [tilespmem:s12+$0xFFFFFFC0]  }
0x224: {  	v51 =	vld [tilespmem:s12+$0xFFFFFFD0]  }
0x225: {  	v50 =	vld [tilespmem:s12+$0x20]  }
0x226: {  	v7 =	vld [tilespmem:s12+$0xFFFFFFF0]  }
0x227: {  	s13 =	sand.u32 $0x7F0, s15;
	v52 =	vld [tilespmem:s12+$0xFFFFFFE0]  }
0x228: {  	v55 =	vld [tilespmem:s13+$0x19D80]  }
0x229: {  	v58 =	vld [tilespmem:s12+$0x10]  }
0x22a: {  	v57 =	vld [tilespmem:s12+$0x0]  }
0x22b: {  	v54 =	vld [tilespmem:s13+$0x18D80]  }
0x22c: {  	v59 =	vld [tilespmem:s13+$0x19580];
	v8 =	vmul.f32 v5, v49  }
0x22d: {  	v35 =	vadd.f32 v0, v35;
	v0 =	vmul.f32 v5, v51;
	v9 =	vmul.f32 v5, v50  }
0x22e: {  	v10 =	vmul.f32 v5, v7;
	v62 =	vmul.f32 v5, v6  }
0x22f: {  	v53 =	vmul.f32 v5, v52;
	v63 =	vmul.f32 v5, v58  }
0x230: {  	v56 =	vmul.f32 v55, v58;
	v5 =	vmul.f32 v5, v57  }
0x231: {  	v60 =	vmul.f32 v54, v58;
	v61 =	vmul.f32 v59, v49  }
0x232: {  	v11 =	vmul.f32 v59, v7;
	v41 =	vadd.f32 v8, v41;
	v47 =	vadd.f32 v0, v47  }
0x233: {  	v46 =	vadd.f32 v10, v46;
	v42 =	vadd.f32 v9, v42;
	v0 =	vmul.f32 v55, v52  }
0x234: {  	v48 =	vadd.f32 v62, v48;
	v8 =	vmul.f32 v54, v6;
	v9 =	vmul.f32 v55, v51  }
0x235: {  	v45 =	vadd.f32 v5, v45;
	v5 =	vmul.f32 v55, v7;
	v62 =	vmul.f32 v54, v51  }
0x236: {  	v44 =	vadd.f32 v63, v44;
	v63 =	vmul.f32 v59, v6;
	v10 =	vmul.f32 v59, v52  }
0x237: {  	v36 =	vadd.f32 v11, v36;
	v33 =	vadd.f32 v0, v33;
	v0 =	vmul.f32 v55, v57  }
0x238: {  	v34 =	vadd.f32 v9, v34;
	v32 =	vadd.f32 v5, v32;
	v9 =	vmul.f32 v55, v50  }
0x239: {  	v40 =	vadd.f32 v8, v40;
	v5 =	vmul.f32 v54, v7;
	v37 =	vadd.f32 v10, v37  }
0x23a: {  	s12 =	simm.s32 $0x10;
	s13 =	simm.s32 $0x18590;
	s14 =	simm.s32 $0x80C0;
	v31 =	vadd.f32 v0, v31;
	v30 =	vadd.f32 v9, v30;
	v0 =	vmul.f32 v55, v6  }
.LBB2_5:
0x23b: {  	v6 =	vld [tilespmem:s13+$0x0];
	p0 =	sne.s32 s12, $0x7F0;
	v26 =	vadd.f32 v5, v26;
	v21 =	vadd.f32 v63, v21;
	v5 =	vmul.f32 v59, v50;
	s15 =	smov.u32 s12;
	s12 =	sadd.s32 $0x10, s12  }
0x23c: {  	v28 =	vadd.f32 v62, v28;
	v8 =	vmul.f32 v59, v58;
	v9 =	vmul.f32 v55, v49;
	v7 =	vld [tilespmem:s14+$0x30]  }
0x23d: {  	v11 =	vmul.f32 v54, v57;
	v12 =	vmul.f32 v59, v51;
	v15 =	vadd.f32 v0, v15;
	v10 =	vld [tilespmem:s14+$0xFFFFFFC0]  }
0x23e: {  	v16 =	vadd.f32 v61, v16;
	v0 =	vmul.f32 v59, v57;
	v17 =	vadd.f32 v5, v17;
	v51 =	vld [tilespmem:s14+$0xFFFFFFD0]  }
0x23f: {  	v57 =	vmul.f32 v54, v50;
	v5 =	vmul.f32 v54, v52;
	v18 =	vadd.f32 v8, v18;
	v50 =	vld [tilespmem:s14+$0x20]  }
0x240: {  	v24 =	vadd.f32 v60, v24;
	v59 =	vmul.f32 v54, v49;
	v13 =	vadd.f32 v9, v13;
	v8 =	vld [tilespmem:s14+$0xFFFFFFF0]  }
0x241: {  	s15 =	sand.u32 $0x7F0, s15;
	v19 =	vadd.f32 v0, v19;
	v27 =	vadd.f32 v5, v27;
	v52 =	vld [tilespmem:s14+$0xFFFFFFE0];
	v49 =	vmov v7  }
0x242: {  	v14 =	vadd.f32 v56, v14;
	v25 =	vadd.f32 v11, v25;
	v55 =	vld [tilespmem:s15+$0x19D80]  }
0x243: {  	v29 =	vadd.f32 v53, v29;
	v23 =	vadd.f32 v57, v23;
	v0 =	vmul.f32 v6, v49;
	v58 =	vld [tilespmem:s14+$0x10]  }
0x244: {  	v20 =	vadd.f32 v12, v20;
	v5 =	vmul.f32 v6, v51;
	v57 =	vld [tilespmem:s14+$0x0];
	v7 =	vmul.f32 v6, v50  }
0x245: {  	v22 =	vadd.f32 v59, v22;
	v41 =	vadd.f32 v0, v41;
	v9 =	vmul.f32 v6, v8;
	v54 =	vld [tilespmem:s15+$0x18D80]  }
0x246: {  	v0 =	vmul.f32 v6, v10;
	v47 =	vadd.f32 v5, v47;
	v53 =	vmul.f32 v6, v52;
	v59 =	vld [tilespmem:s15+$0x19580]  }
0x247: {  	v42 =	vadd.f32 v7, v42;
	v46 =	vadd.f32 v9, v46;
	v5 =	vmul.f32 v55, v52  }
0x248: {  	v48 =	vadd.f32 v0, v48;
	v0 =	vmul.f32 v6, v58;
	v56 =	vmul.f32 v55, v58  }
0x249: {  	v6 =	vmul.f32 v6, v57;
	v33 =	vadd.f32 v5, v33;
	v5 =	vmul.f32 v55, v57  }
0x24a: {  	v7 =	vmul.f32 v55, v51;
	v44 =	vadd.f32 v0, v44;
	v0 =	vmul.f32 v54, v10  }
0x24b: {  	v60 =	vmul.f32 v54, v58;
	v45 =	vadd.f32 v6, v45;
	v6 =	vmul.f32 v55, v8  }
.Ltmp3:
0x24c: {  	v34 =	vadd.f32 v7, v34;
	v62 =	vmul.f32 v54, v51;
	v61 =	vmul.f32 v59, v49;
	(pc) =	sbr.rel @p0 .LBB2_5-.Ltmp3, $4  }
0x24d: {  	v63 =	vmul.f32 v59, v10;
	v32 =	vadd.f32 v6, v32;
	v6 =	vmul.f32 v55, v50  }
0x24e: {  	v7 =	vmul.f32 v59, v52;
	v9 =	vmul.f32 v59, v8;
	v31 =	vadd.f32 v5, v31  }
0x24f: {  	v5 =	vmul.f32 v54, v8;
	v40 =	vadd.f32 v0, v40;
	v30 =	vadd.f32 v6, v30  }
0x250: {  	s13 =	sadd.s32 $0x10, s13;
	s14 =	sadd.s32 $0x80, s14;
	v0 =	vmul.f32 v55, v10;
	v37 =	vadd.f32 v7, v37;
	v36 =	vadd.f32 v9, v36  }
0x251: {  	s12 =	sshll.u32 s11, $0x8;
	p0 =	seq.s32 s11, $0x3  }
0x252: {  	s13 =	sadd.s32 @!p0 s12, s21  }
0x253: {  	s14 =	sshll.u32 @!p0 s13, $0x9  }
0x254: {  	s14 =	sadd.s32 @!p0 s9, s14  }
0x255: {  	s17 =	simm.s32 @!p0 $0x80;
	s14 =	sshrl.u32 @!p0 s14, $0x3  }
0x256: {  	s18 =	simm.s32 @!p0 $0x200;
	s19 =	simm.s32 @!p0 $0x0;
	s15 =	sadd.s32 @!p0 s2, s14  }
0x257: {  	[tilespmem:s19], [sflag:$0x1] =	stream.strided.gather @!p0 [hbm4b:s15+s17], $0x4000, s18, s17, $0x38;
	[tilespmem:$0x1A980] =	vst v63  }
0x258: {  	s13 =	sshll.u32 @!p0 s13, $0x4;
	s14 =	sadd.s32 @!p0 s3, s14;
	s15 =	simm.s32 @!p0 $0x8000  }
0x259: {  	[tilespmem:s15], [sflag:$0x3] =	stream.strided.gather @!p0 [hbm4b:s14+s17], $0x4000, s18, s17, $0x38;
	[tilespmem:$0x1A980] =	vst v63  }
0x25a: {  	s13 =	sadd.s32 @!p0 s6, s13;
	s14 =	simm.s32 @!p0 $0x10000  }
0x25b: {  	[tilespmem:s14], [sflag:$0x5] =	stream.linear.gather @!p0 [hbm4b:s13+s19], $0x4000, $0x38;
	[tilespmem:$0x1A980] =	vst v63  }
0x25c: {  	_ =	swait.ge [sflag:s30], $0x4000  }
0x25d: {  	[sflag:s30] =	ssyncset.done $0x0  }
0x25e: {  	[sflag:s30] =	ssyncadd.s32 $0xFFFFC000  }
0x25f: {  	_ =	swait.ge [sflag:s31], $0x4000  }
0x260: {  	[sflag:s31] =	ssyncset.done $0x0  }
0x261: {  	[sflag:s31] =	ssyncadd.s32 $0xFFFFC000  }
0x262: {  	_ =	swait.ge [sflag:s7], $0x4000  }
0x263: {  	[sflag:s7] =	ssyncset.done $0x0  }
0x264: {  	s13 =	simm.s32 $0x14040;
	[sflag:s7] =	ssyncadd.s32 $0xFFFFC000  }
0x265: {  	v6 =	vld [tilespmem:s13+$0x10];
	_ =	sdelay $0x4  }
0x266: {  	s14 =	simm.s32 $0x4040;
	[tilespmem:$0x1FD50] =	vst v6;
	v6 =	vld [tilespmem:s13+$0x30]  }
0x267: {  	v10 =	vld [tilespmem:s14+$0x20];
	_ =	sdelay $0x3  }
0x268: {  	[tilespmem:$0x1FE20] =	vst v6;
	v6 =	vld [tilespmem:s13+$0xFFFFFFE0]  }
0x269: {  	[tilespmem:$0x1FDE0] =	vst v10;
	v10 =	vld [tilespmem:s14+$0x30];
	_ =	sdelay $0x3  }
0x26a: {  	[tilespmem:$0x1FDD0] =	vst v6;
	v6 =	vld [tilespmem:s13+$0x20]  }
0x26b: {  	[tilespmem:$0x1FE40] =	vst v10;
	v10 =	vld [tilespmem:s14+$0xFFFFFFF0];
	_ =	sdelay $0x3  }
0x26c: {  	[tilespmem:$0x1FDB0] =	vst v6;
	v6 =	vld [tilespmem:s13+$0xFFFFFFD0]  }
0x26d: {  	[tilespmem:$0x1FE30] =	vst v10;
	v10 =	vld [tilespmem:s13+$0xFFFFFFF0];
	_ =	sdelay $0x3  }
0x26e: {  	[tilespmem:$0x1FD70] =	vst v6;
	v6 =	vld [tilespmem:s14+$0xFFFFFFC0]  }
0x26f: {  	[tilespmem:$0x1FE50] =	vst v10;
	v10 =	vld [tilespmem:$0x18200];
	_ =	sdelay $0x3  }
0x270: {  	[tilespmem:$0x1FD00] =	vst v6;
	v6 =	vld [tilespmem:s13+$0xFFFFFFC0]  }
0x271: {  	[tilespmem:$0x1FCE0] =	vst v10;
	v10 =	vld [tilespmem:$0x1FD00]  }
0x272: {  	v12 =	vld [tilespmem:s14+$0x0]  }
0x273: {  	v7 =	vld [tilespmem:s13+$0x0];
	_ =	sdelay $0x2  }
0x274: {  	[tilespmem:$0x1FD10] =	vst v6;
	v6 =	vmul.f32 v10, v6;
	_ =	sdelay $0x1  }
0x275: {  	v9 =	vld [tilespmem:s14+$0xFFFFFFD0];
	[tilespmem:$0x1FCB0] =	vst v6;
	v6 =	vmul.f32 v12, v7  }
0x276: {  	v10 =	vmov v7;
	v7 =	vld [tilespmem:$0x1FD70]  }
0x277: {  	[tilespmem:$0x1FCC0] =	vst v6;
	v6 =	vld [tilespmem:$0x18210];
	_ =	sdelay $0x4  }
0x278: {  	[tilespmem:$0x1FCF0] =	vst v6;
	v6 =	vmul.f32 v9, v7;
	_ =	sdelay $0x1  }
0x279: {  	[tilespmem:$0x1FCA0] =	vst v6;
	v6 =	vld [tilespmem:$0x18220]  }
0x27a: {  	v11 =	vld [tilespmem:s14+$0x10]  }
0x27b: {  	v8 =	vld [tilespmem:s14+$0xFFFFFFE0]  }
0x27c: {  	v7 =	vld [tilespmem:$0x1FD50]  }
0x27d: {  	[tilespmem:$0x1FD60] =	vst v9;
	v9 =	vld [tilespmem:$0x1FDD0]  }
0x27e: {  	[tilespmem:$0x1FD40] =	vst v6;
	v6 =	vld [tilespmem:$0x1FCA0];
	_ =	sdelay $0x2  }
0x27f: {  	[tilespmem:$0x1FD80] =	vst v11;
	v7 =	vmul.f32 v11, v7  }
0x280: {  	[tilespmem:$0x1FDC0] =	vst v8;
	v11 =	vmul.f32 v8, v9;
	v8 =	vld [tilespmem:$0x1FCC0]  }
0x281: {  	v7 =	vsub.f32 v6, v7;
	v6 =	vld [tilespmem:$0x1FCB0];
	_ =	sdelay $0x3  }
0x282: {  	v9 =	vld [tilespmem:$0x1FDB0]  }
0x283: {  	v6 =	vsub.f32 v6, v8;
	v8 =	vld [tilespmem:$0x1FDE0];
	_ =	sdelay $0x4  }
0x284: {  	v8 =	vmul.f32 v8, v9  }
0x285: {  	v9 =	vld [tilespmem:$0x1FE20]  }
0x286: {  	[tilespmem:$0x1FCD0] =	vst v8;
	v8 =	vld [tilespmem:$0x1FE40];
	_ =	sdelay $0x4  }
0x287: {  	v8 =	vmul.f32 v8, v9  }
0x288: {  	v9 =	vld [tilespmem:$0x1FE50]  }
0x289: {  	[tilespmem:$0x1FD20] =	vst v8;
	v8 =	vld [tilespmem:$0x1FE30];
	_ =	sdelay $0x4  }
0x28a: {  	v8 =	vmul.f32 v8, v9;
	_ =	sdelay $0x1  }
0x28b: {  	[tilespmem:$0x1FD30] =	vst v8;
	v8 =	vld [tilespmem:$0x18230];
	_ =	sdelay $0x3  }
0x28c: {  	v9 =	vld [tilespmem:$0x1FCE0]  }
0x28d: {  	[tilespmem:$0x1FDA0] =	vst v8;
	v8 =	vld [tilespmem:$0x1FCD0];
	_ =	sdelay $0x4  }
0x28e: {  	[tilespmem:$0x1FEB0] =	vst v6;
	v8 =	vsub.f32 v11, v8;
	v11 =	vmul.f32 v9, v6;
	v6 =	vld [tilespmem:$0x1FCF0];
	_ =	sdelay $0x4  }
0x28f: {  	v9 =	vmul.f32 v6, v7;
	v6 =	vld [tilespmem:$0x1FD00];
	_ =	sdelay $0x4  }
0x290: {  	v6 =	vmul.f32 v6, v10;
	_ =	sdelay $0x1  }
0x291: {  	[tilespmem:$0x1FD90] =	vst v6;
	v6 =	vld [tilespmem:$0x1FD10];
	_ =	sdelay $0x4  }
0x292: {  	v12 =	vmul.f32 v12, v6;
	v6 =	vld [tilespmem:$0x18240];
	_ =	sdelay $0x3  }
0x293: {  	[tilespmem:$0x1FEC0] =	vst v7;
	v7 =	vld [tilespmem:$0x1FD30]  }
0x294: {  	[tilespmem:$0x1FE10] =	vst v6;
	v6 =	vld [tilespmem:$0x1FD20];
	_ =	sdelay $0x4  }
0x295: {  	v6 =	vsub.f32 v7, v6;
	v7 =	vld [tilespmem:$0x1FD40];
	_ =	sdelay $0x3  }
0x296: {  	v11 =	vadd.f32 v9, v11;
	v9 =	vld [tilespmem:$0x1FD60]  }
0x297: {  	[tilespmem:$0x1FE90] =	vst v8;
	v7 =	vmul.f32 v7, v8;
	v8 =	vld [tilespmem:$0x1FD50];
	_ =	sdelay $0x4  }
0x298: {  	v8 =	vmul.f32 v9, v8  }
0x299: {  	v9 =	vld [tilespmem:$0x1FD80]  }
0x29a: {  	[tilespmem:$0x1FDF0] =	vst v8;
	v8 =	vld [tilespmem:$0x1FD70];
	_ =	sdelay $0x4  }
0x29b: {  	v8 =	vmul.f32 v9, v8;
	_ =	sdelay $0x1  }
0x29c: {  	[tilespmem:$0x1FE00] =	vst v8;
	v8 =	vld [tilespmem:$0x18250];
	_ =	sdelay $0x3  }
0x29d: {  	v9 =	vadd.f32 v7, v11;
	v7 =	vld [tilespmem:$0x1FDA0]  }
0x29e: {  	[tilespmem:$0x1FE60] =	vst v8;
	v8 =	vld [tilespmem:$0x1FD90];
	_ =	sdelay $0x3  }
0x29f: {  	[tilespmem:$0x1FEA0] =	vst v6;
	v7 =	vmul.f32 v7, v6;
	v6 =	vld [tilespmem:$0x1FDB0]  }
0x2a0: {  	v12 =	vadd.f32 v12, v8;
	v8 =	vld [tilespmem:$0x1FDC0];
	_ =	sdelay $0x4  }
0x2a1: {  	v11 =	vmul.f32 v8, v6;
	v6 =	vld [tilespmem:$0x1FDD0]  }
0x2a2: {  	v8 =	vld [tilespmem:$0x1FDE0];
	_ =	sdelay $0x3  }
0x2a3: {  	v9 =	vadd.f32 v7, v9;
	v7 =	vld [tilespmem:$0x1FE10]  }
0x2a4: {  	v8 =	vmul.f32 v8, v6;
	v6 =	vld [tilespmem:$0x18260];
	_ =	sdelay $0x3  }
0x2a5: {  	v10 =	vld [tilespmem:$0x1FE00]  }
0x2a6: {  	v7 =	vmul.f32 v7, v12;
	[tilespmem:$0x1FE70] =	vst v6;
	v6 =	vld [tilespmem:$0x1FDF0];
	_ =	sdelay $0x1  }
0x2a7: {  	v7 =	vadd.f32 v7, v9;
	v9 =	vld [tilespmem:$0x1FE60];
	_ =	sdelay $0x2  }
0x2a8: {  	[tilespmem:$0x1FED0] =	vst v12;
	v12 =	vld [tilespmem:$0x1FE30];
	v6 =	vadd.f32 v10, v6  }
0x2a9: {  	v11 =	vadd.f32 v8, v11;
	v8 =	vld [tilespmem:$0x18270]  }
0x2aa: {  	v10 =	vld [tilespmem:$0x1FE20];
	v9 =	vmul.f32 v9, v6;
	_ =	sdelay $0x1  }
0x2ab: {  	[tilespmem:$0x1FEE0] =	vst v6;
	v6 =	vadd.f32 v9, v7;
	v7 =	vld [tilespmem:$0x1FE70];
	_ =	sdelay $0x1  }
0x2ac: {  	[tilespmem:$0x1FE80] =	vst v8;
	v8 =	vld [tilespmem:$0x1FE40]  }
0x2ad: {  	v10 =	vmul.f32 v12, v10;
	v12 =	vld [tilespmem:$0x1FE50];
	_ =	sdelay $0x1  }
0x2ae: {  	v7 =	vmul.f32 v7, v11;
	_ =	sdelay $0x1  }
0x2af: {  	v6 =	vadd.f32 v7, v6;
	v7 =	vld [tilespmem:$0x1FE80]  }
0x2b0: {  	v8 =	vmul.f32 v8, v12;
	_ =	sdelay $0x1  }
0x2b1: {  	v8 =	vadd.f32 v8, v10;
	_ =	sdelay $0x1  }
0x2b2: {  	v7 =	vmul.f32 v7, v8;
	_ =	sdelay $0x1  }
0x2b3: {  	v6 =	vadd.f32 v7, v6;
	_ =	sdelay $0x1  }
0x2b4: {  	v7 =	vperm.xlane v6, v1;
	_ =	sdelay $0x1  }
0x2b5: {  	v6 =	vadd.f32 v6, v7;
	_ =	sdelay $0x1  }
0x2b6: {  	v7 =	vperm.xlane v6, v2;
	_ =	sdelay $0x1  }
0x2b7: {  	v6 =	vadd.f32 v6, v7;
	_ =	sdelay $0x1  }
0x2b8: {  	v7 =	vperm.xlane v6, v3;
	_ =	sdelay $0x1  }
0x2b9: {  	v6 =	vadd.f32 v6, v7;
	_ =	sdelay $0x1  }
0x2ba: {  	v7 =	vperm.xlane v6, v4;
	_ =	sdelay $0x1  }
0x2bb: {  	v6 =	vadd.f32 v6, v7;
	_ =	sdelay $0x1  }
0x2bc: {  	v6 =	vmul.f32 $1.442695020e+00, v6;
	_ =	sdelay $0x1  }
0x2bd: {  	(erf) = vpow2.f32 v6;
	_ =	sdelay $0x8  }
0x2be: {  	s15 =	simm.s32 $0x18580;
	v10 =	vld [tilespmem:$0x1FEB0];
	[tilespmem:$0x1FF00] =	vst v8;
	v6 =	vpop (erf)  }
0x2bf: {  	v8 =	vld [tilespmem:$0x1FEC0];
	[tilespmem:s15+$0x0] =	vst v6  }
0x2c0: {  	v7 =	vld [tilespmem:$0x18280]  }
0x2c1: {  	v9 =	vld [tilespmem:$0x18290];
	_ =	sdelay $0x4  }
0x2c2: {  	v7 =	vmul.f32 v7, v10;
	v9 =	vmul.f32 v9, v8  }
0x2c3: {  	[tilespmem:$0x1FEF0] =	vst v11;
	v11 =	vld [tilespmem:$0x182A0]  }
0x2c4: {  	v7 =	vadd.f32 v9, v7;
	v9 =	vld [tilespmem:$0x1FE90];
	_ =	sdelay $0x4  }
0x2c5: {  	v9 =	vmul.f32 v11, v9  }
0x2c6: {  	v12 =	vld [tilespmem:$0x182B0]  }
0x2c7: {  	v7 =	vadd.f32 v9, v7;
	v9 =	vld [tilespmem:$0x1FEA0];
	_ =	sdelay $0x4  }
0x2c8: {  	v9 =	vmul.f32 v12, v9  }
0x2c9: {  	[tilespmem:$0x1FF10] =	vst v6;
	v6 =	vld [tilespmem:$0x182C0]  }
0x2ca: {  	v7 =	vadd.f32 v9, v7;
	v9 =	vld [tilespmem:$0x1FED0];
	_ =	sdelay $0x4  }
0x2cb: {  	v6 =	vmul.f32 v6, v9  }
0x2cc: {  	v11 =	vld [tilespmem:$0x182D0]  }
0x2cd: {  	v6 =	vadd.f32 v6, v7;
	v7 =	vld [tilespmem:$0x1FEE0];
	_ =	sdelay $0x4  }
0x2ce: {  	v7 =	vmul.f32 v11, v7  }
0x2cf: {  	v12 =	vld [tilespmem:$0x182E0]  }
0x2d0: {  	v6 =	vadd.f32 v7, v6;
	v7 =	vld [tilespmem:$0x1FEF0];
	_ =	sdelay $0x4  }
0x2d1: {  	v7 =	vmul.f32 v12, v7  }
0x2d2: {  	v9 =	vld [tilespmem:$0x182F0]  }
0x2d3: {  	v6 =	vadd.f32 v7, v6;
	v7 =	vld [tilespmem:$0x1FF00];
	_ =	sdelay $0x4  }
0x2d4: {  	v7 =	vmul.f32 v9, v7;
	_ =	sdelay $0x1  }
0x2d5: {  	v6 =	vadd.f32 v7, v6;
	_ =	sdelay $0x1  }
0x2d6: {  	v7 =	vperm.xlane v6, v1;
	_ =	sdelay $0x1  }
0x2d7: {  	v6 =	vadd.f32 v6, v7;
	_ =	sdelay $0x1  }
0x2d8: {  	v7 =	vperm.xlane v6, v2;
	_ =	sdelay $0x1  }
0x2d9: {  	v6 =	vadd.f32 v6, v7;
	_ =	sdelay $0x1  }
0x2da: {  	v7 =	vperm.xlane v6, v3;
	_ =	sdelay $0x1  }
0x2db: {  	v6 =	vadd.f32 v6, v7;
	_ =	sdelay $0x1  }
0x2dc: {  	v7 =	vperm.xlane v6, v4;
	_ =	sdelay $0x1  }
0x2dd: {  	v6 =	vadd.f32 v6, v7;
	_ =	sdelay $0x1  }
0x2de: {  	v6 =	vmul.f32 $1.442695020e+00, v6;
	_ =	sdelay $0x1  }
0x2df: {  	(erf) = vpow2.f32 v6;
	_ =	sdelay $0x7  }
0x2e0: {  	s17 =	simm.s32 $0x0  }
0x2e1: {  	s20 =	sand.u32 $0x7F0, s17;
	v6 =	vpop (erf)  }
0x2e2: {  	[tilespmem:s20+$0x18D80] =	vst v6  }
0x2e3: {  	v9 =	vld [tilespmem:$0x18310];
	_ =	sdelay $0x1  }
0x2e4: {  	v7 =	vld [tilespmem:$0x18300];
	_ =	sdelay $0x1  }
0x2e5: {  	v11 =	vld [tilespmem:$0x18320]  }
0x2e6: {  	v9 =	vmul.f32 v9, v8;
	v8 =	vld [tilespmem:$0x1FE90]  }
0x2e7: {  	v12 =	vld [tilespmem:$0x18330]  }
0x2e8: {  	v7 =	vmul.f32 v7, v10;
	v10 =	vld [tilespmem:$0x1FEA0];
	_ =	sdelay $0x2  }
0x2e9: {  	v7 =	vadd.f32 v9, v7;
	v9 =	vmul.f32 v11, v8;
	_ =	sdelay $0x1  }
0x2ea: {  	v7 =	vadd.f32 v9, v7;
	v9 =	vmul.f32 v12, v10  }
0x2eb: {  	[tilespmem:$0x1FF20] =	vst v6;
	v6 =	vld [tilespmem:$0x18340]  }
0x2ec: {  	v7 =	vadd.f32 v9, v7;
	v9 =	vld [tilespmem:$0x1FED0];
	_ =	sdelay $0x4  }
0x2ed: {  	v6 =	vmul.f32 v6, v9  }
0x2ee: {  	v11 =	vld [tilespmem:$0x18350]  }
0x2ef: {  	v6 =	vadd.f32 v6, v7;
	v7 =	vld [tilespmem:$0x1FEE0];
	_ =	sdelay $0x4  }
0x2f0: {  	v7 =	vmul.f32 v11, v7  }
0x2f1: {  	v12 =	vld [tilespmem:$0x18360]  }
0x2f2: {  	v6 =	vadd.f32 v7, v6;
	v7 =	vld [tilespmem:$0x1FEF0];
	_ =	sdelay $0x4  }
0x2f3: {  	v7 =	vmul.f32 v12, v7  }
0x2f4: {  	v9 =	vld [tilespmem:$0x18370]  }
0x2f5: {  	v6 =	vadd.f32 v7, v6;
	v7 =	vld [tilespmem:$0x1FF00];
	_ =	sdelay $0x4  }
0x2f6: {  	v7 =	vmul.f32 v9, v7;
	_ =	sdelay $0x1  }
0x2f7: {  	v6 =	vadd.f32 v7, v6;
	_ =	sdelay $0x1  }
0x2f8: {  	v7 =	vperm.xlane v6, v1;
	_ =	sdelay $0x1  }
0x2f9: {  	v6 =	vadd.f32 v6, v7;
	_ =	sdelay $0x1  }
0x2fa: {  	v7 =	vperm.xlane v6, v2;
	_ =	sdelay $0x1  }
0x2fb: {  	v6 =	vadd.f32 v6, v7;
	_ =	sdelay $0x1  }
0x2fc: {  	v7 =	vperm.xlane v6, v3;
	_ =	sdelay $0x1  }
0x2fd: {  	v6 =	vadd.f32 v6, v7;
	_ =	sdelay $0x1  }
0x2fe: {  	v7 =	vperm.xlane v6, v4;
	_ =	sdelay $0x1  }
0x2ff: {  	v6 =	vadd.f32 v6, v7;
	_ =	sdelay $0x1  }
0x300: {  	v6 =	vmul.f32 $1.442695020e+00, v6;
	_ =	sdelay $0x1  }
0x301: {  	(erf) = vpow2.f32 v6;
	_ =	sdelay $0x8  }
0x302: {  	v6 =	vpop (erf)  }
0x303: {  	[tilespmem:$0x1FF30] =	vst v6  }
0x304: {  	[tilespmem:s20+$0x19580] =	vst v6;
	v6 =	vld [tilespmem:$0x1FEB0]  }
0x305: {  	v7 =	vld [tilespmem:$0x18380];
	_ =	sdelay $0x2  }
0x306: {  	v9 =	vld [tilespmem:$0x18390]  }
0x307: {  	v11 =	vld [tilespmem:$0x183A0]  }
0x308: {  	v7 =	vmul.f32 v7, v6;
	v6 =	vld [tilespmem:$0x1FEC0];
	_ =	sdelay $0x2  }
0x309: {  	v12 =	vld [tilespmem:$0x183B0]  }
0x30a: {  	v11 =	vmul.f32 v11, v8;
	v8 =	vld [tilespmem:$0x1FED0]  }
0x30b: {  	v9 =	vmul.f32 v9, v6;
	v6 =	vld [tilespmem:$0x183C0];
	_ =	sdelay $0x1  }
0x30c: {  	v7 =	vadd.f32 v9, v7;
	_ =	sdelay $0x1  }
0x30d: {  	v12 =	vmul.f32 v12, v10;
	v9 =	vld [tilespmem:$0x183D0];
	v7 =	vadd.f32 v11, v7  }
0x30e: {  	v6 =	vmul.f32 v6, v8;
	v8 =	vld [tilespmem:$0x1FEE0]  }
0x30f: {  	v7 =	vadd.f32 v12, v7  }
0x310: {  	v11 =	vld [tilespmem:$0x183E0]  }
0x311: {  	v6 =	vadd.f32 v6, v7;
	v7 =	vld [tilespmem:$0x1FEF0]  }
0x312: {  	v12 =	vld [tilespmem:$0x183F0]  }
0x313: {  	v9 =	vmul.f32 v9, v8;
	v8 =	vld [tilespmem:$0x1FF00];
	_ =	sdelay $0x2  }
0x314: {  	v6 =	vadd.f32 v9, v6;
	v7 =	vmul.f32 v11, v7;
	_ =	sdelay $0x1  }
0x315: {  	v8 =	vmul.f32 v12, v8;
	v6 =	vadd.f32 v7, v6;
	_ =	sdelay $0x1  }
0x316: {  	v6 =	vadd.f32 v8, v6;
	_ =	sdelay $0x1  }
0x317: {  	v7 =	vperm.xlane v6, v1;
	_ =	sdelay $0x1  }
0x318: {  	v6 =	vadd.f32 v6, v7;
	_ =	sdelay $0x1  }
0x319: {  	v7 =	vperm.xlane v6, v2;
	_ =	sdelay $0x1  }
0x31a: {  	v6 =	vadd.f32 v6, v7  }
0x31b: {  	v26 =	vadd.f32 v5, v26  }
0x31c: {  	v21 =	vadd.f32 v63, v21;
	v5 =	vmul.f32 v59, v50;
	v63 =	vperm.xlane v6, v3;
	_ =	sdelay $0x1  }
0x31d: {  	v17 =	vadd.f32 v5, v17;
	v7 =	vmul.f32 v59, v58;
	v5 =	vadd.f32 v6, v63  }
0x31e: {  	v15 =	vadd.f32 v0, v15  }
0x31f: {  	v0 =	vmul.f32 v59, v57;
	v18 =	vadd.f32 v7, v18;
	v7 =	vperm.xlane v5, v4;
	_ =	sdelay $0x1  }
0x320: {  	v19 =	vadd.f32 v0, v19;
	v0 =	vmul.f32 v54, v50;
	v5 =	vadd.f32 v5, v7;
	_ =	sdelay $0x1  }
0x321: {  	v23 =	vadd.f32 v0, v23;
	v0 =	vmul.f32 $1.442695020e+00, v5;
	v5 =	vld [tilespmem:$0x1FF10];
	_ =	sdelay $0x4  }
0x322: {  	v43 =	vadd.f32 v5, v43;
	v5 =	vld [tilespmem:$0x1FF20];
	_ =	sdelay $0x3  }
0x323: {  	v28 =	vadd.f32 v62, v28  }
0x324: {  	v62 =	vmul.f32 v54, v57;
	v16 =	vadd.f32 v61, v16;
	v39 =	vadd.f32 v5, v39;
	v5 =	vld [tilespmem:$0x1FF30]  }
0x325: {  	v24 =	vadd.f32 v60, v24;
	v14 =	vadd.f32 v56, v14;
	v6 =	vmul.f32 v54, v52  }
0x326: {  	v29 =	vadd.f32 v53, v29;
	v58 =	vmul.f32 v55, v49;
	v63 =	vmul.f32 v59, v51  }
0x327: {  	v25 =	vadd.f32 v62, v25;
	v27 =	vadd.f32 v6, v27;
	v6 =	vmul.f32 v54, v49  }
0x328: {  	v13 =	vadd.f32 v58, v13;
	v20 =	vadd.f32 v63, v20  }
0x329: {  	s18 =	simm.s32 $0x10;
	s19 =	simm.s32 $0x18580;
	v22 =	vadd.f32 v6, v22;
	(erf) = vpow2.f32 v0;
	v38 =	vadd.f32 v5, v38  }
.LBB2_7:
0x32a: {  	_ =	sdelay $0x1  }
0x32b: {  	s19 =	sadd.s32 $0x10, s19;
	s13 =	sadd.s32 $0x80, s13;
	s14 =	sadd.s32 $0x80, s14  }
0x32c: {  	p1 =	sne.s32 s18, $0x7F0;
	s22 =	smov.u32 s18;
	s18 =	sadd.s32 $0x10, s18  }
0x32d: {  	_ =	sdelay $0x3  }
0x32e: {  	v0 =	vpop (erf)  }
0x32f: {  	[tilespmem:s20+$0x19D80] =	vst v0;
	v35 =	vadd.f32 v0, v35  }
0x330: {  	v0 =	vld [tilespmem:s13+$0x10]  }
0x331: {  	v5 =	vld [tilespmem:s13+$0x30]  }
0x332: {  	v6 =	vld [tilespmem:s13+$0xFFFFFFE0]  }
0x333: {  	v7 =	vld [tilespmem:s13+$0x20]  }
0x334: {  	v8 =	vld [tilespmem:s13+$0xFFFFFFD0]  }
0x335: {  	v9 =	vld [tilespmem:s14+$0xFFFFFFC0]  }
0x336: {  	v10 =	vld [tilespmem:s14+$0x0]  }
0x337: {  	v11 =	vld [tilespmem:s13+$0xFFFFFFC0]  }
0x338: {  	v12 =	vld [tilespmem:s13+$0x0]  }
0x339: {  	v49 =	vld [tilespmem:s14+$0xFFFFFFD0]  }
0x33a: {  	v52 =	vld [tilespmem:s14+$0x10]  }
0x33b: {  	v50 =	vld [tilespmem:s14+$0xFFFFFFE0]  }
0x33c: {  	v53 =	vld [tilespmem:s14+$0x20]  }
0x33d: {  	v51 =	vmul.f32 v9, v11;
	v9 =	vmul.f32 v9, v12;
	v55 =	vld [tilespmem:s14+$0x30]  }
0x33e: {  	v12 =	vmul.f32 v10, v12;
	v54 =	vmul.f32 v49, v8;
	v56 =	vld [tilespmem:s14+$0xFFFFFFF0]  }
0x33f: {  	v58 =	vmul.f32 v49, v0;
	v57 =	vld [tilespmem:s13+$0xFFFFFFF0]  }
0x340: {  	v0 =	vmul.f32 v52, v0;
	v59 =	vmul.f32 v50, v6;
	v60 =	vld [tilespmem:$0x18200]  }
0x341: {  	v49 =	vmul.f32 v50, v7;
	v61 =	vld [tilespmem:$0x18210]  }
0x342: {  	v50 =	vsub.f32 v54, v0;
	v0 =	vmul.f32 v53, v6;
	v6 =	vmul.f32 v55, v5  }
0x343: {  	v51 =	vsub.f32 v51, v12;
	v7 =	vmul.f32 v53, v7;
	v5 =	vmul.f32 v56, v5;
	v12 =	vld [tilespmem:$0x18220]  }
0x344: {  	v10 =	vmul.f32 v10, v11;
	v49 =	vadd.f32 v0, v49;
	v0 =	vmul.f32 v56, v57  }
0x345: {  	v8 =	vmul.f32 v52, v8;
	v54 =	vsub.f32 v59, v7;
	v7 =	vmul.f32 v55, v57;
	v11 =	vld [tilespmem:$0x18230]  }
0x346: {  	v55 =	vsub.f32 v0, v6;
	v0 =	vmul.f32 v60, v51;
	v6 =	vmul.f32 v61, v50  }
0x347: {  	v53 =	vadd.f32 v8, v58;
	v56 =	vadd.f32 v10, v9;
	v8 =	vld [tilespmem:$0x18240]  }
0x348: {  	v52 =	vadd.f32 v7, v5;
	v0 =	vadd.f32 v6, v0;
	v5 =	vmul.f32 v12, v54  }
0x349: {  	v6 =	vld [tilespmem:$0x18250]  }
0x34a: {  	v0 =	vadd.f32 v5, v0;
	v5 =	vmul.f32 v11, v55  }
0x34b: {  	v7 =	vld [tilespmem:$0x18260]  }
0x34c: {  	v0 =	vadd.f32 v5, v0;
	v5 =	vmul.f32 v8, v56  }
0x34d: {  	v8 =	vld [tilespmem:$0x18270]  }
0x34e: {  	v0 =	vadd.f32 v5, v0;
	v5 =	vmul.f32 v6, v53;
	_ =	sdelay $0x1  }
0x34f: {  	v0 =	vadd.f32 v5, v0;
	v5 =	vmul.f32 v7, v49;
	_ =	sdelay $0x1  }
0x350: {  	v0 =	vadd.f32 v5, v0;
	v5 =	vmul.f32 v8, v52;
	_ =	sdelay $0x1  }
0x351: {  	v0 =	vadd.f32 v5, v0;
	_ =	sdelay $0x1  }
0x352: {  	v5 =	vperm.xlane v0, v1;
	_ =	sdelay $0x1  }
0x353: {  	v0 =	vadd.f32 v0, v5;
	_ =	sdelay $0x1  }
0x354: {  	v5 =	vperm.xlane v0, v2;
	_ =	sdelay $0x1  }
0x355: {  	v0 =	vadd.f32 v0, v5;
	_ =	sdelay $0x1  }
0x356: {  	v5 =	vperm.xlane v0, v3;
	_ =	sdelay $0x1  }
0x357: {  	v0 =	vadd.f32 v0, v5;
	_ =	sdelay $0x1  }
0x358: {  	v5 =	vperm.xlane v0, v4;
	_ =	sdelay $0x1  }
0x359: {  	v0 =	vadd.f32 v0, v5;
	_ =	sdelay $0x1  }
0x35a: {  	v0 =	vmul.f32 $1.442695020e+00, v0;
	_ =	sdelay $0x1  }
0x35b: {  	(erf) = vpow2.f32 v0;
	_ =	sdelay $0x8  }
0x35c: {  	v0 =	vpop (erf)  }
0x35d: {  	[tilespmem:s19+$0x0] =	vst v0;
	v43 =	vadd.f32 v0, v43  }
0x35e: {  	v0 =	vld [tilespmem:$0x18280]  }
0x35f: {  	v5 =	vld [tilespmem:$0x18290];
	_ =	sdelay $0x1  }
0x360: {  	v6 =	vld [tilespmem:$0x182A0];
	_ =	sdelay $0x1  }
0x361: {  	v0 =	vmul.f32 v0, v51;
	v7 =	vld [tilespmem:$0x182B0]  }
0x362: {  	v5 =	vmul.f32 v5, v50  }
0x363: {  	v8 =	vld [tilespmem:$0x182C0]  }
0x364: {  	v0 =	vadd.f32 v5, v0;
	v5 =	vmul.f32 v6, v54  }
0x365: {  	v6 =	vld [tilespmem:$0x182D0]  }
0x366: {  	v0 =	vadd.f32 v5, v0;
	v5 =	vmul.f32 v7, v55  }
0x367: {  	v7 =	vld [tilespmem:$0x182E0]  }
0x368: {  	v0 =	vadd.f32 v5, v0;
	v5 =	vmul.f32 v8, v56  }
0x369: {  	v8 =	vld [tilespmem:$0x182F0]  }
0x36a: {  	v0 =	vadd.f32 v5, v0;
	v5 =	vmul.f32 v6, v53;
	_ =	sdelay $0x1  }
0x36b: {  	v0 =	vadd.f32 v5, v0;
	v5 =	vmul.f32 v7, v49;
	_ =	sdelay $0x1  }
0x36c: {  	v0 =	vadd.f32 v5, v0;
	v5 =	vmul.f32 v8, v52;
	_ =	sdelay $0x1  }
0x36d: {  	v0 =	vadd.f32 v5, v0;
	_ =	sdelay $0x1  }
0x36e: {  	v5 =	vperm.xlane v0, v1;
	_ =	sdelay $0x1  }
0x36f: {  	v0 =	vadd.f32 v0, v5;
	_ =	sdelay $0x1  }
0x370: {  	v5 =	vperm.xlane v0, v2;
	_ =	sdelay $0x1  }
0x371: {  	v0 =	vadd.f32 v0, v5;
	_ =	sdelay $0x1  }
0x372: {  	v5 =	vperm.xlane v0, v3;
	_ =	sdelay $0x1  }
0x373: {  	v0 =	vadd.f32 v0, v5;
	_ =	sdelay $0x1  }
0x374: {  	v5 =	vperm.xlane v0, v4;
	_ =	sdelay $0x1  }
0x375: {  	v0 =	vadd.f32 v0, v5;
	_ =	sdelay $0x1  }
0x376: {  	v0 =	vmul.f32 $1.442695020e+00, v0;
	_ =	sdelay $0x1  }
0x377: {  	(erf) = vpow2.f32 v0;
	_ =	sdelay $0x8  }
0x378: {  	s20 =	sand.u32 $0x7F0, s22;
	v0 =	vpop (erf)  }
0x379: {  	[tilespmem:s20+$0x18D80] =	vst v0;
	v39 =	vadd.f32 v0, v39  }
0x37a: {  	v0 =	vld [tilespmem:$0x18300]  }
0x37b: {  	v5 =	vld [tilespmem:$0x18310];
	_ =	sdelay $0x1  }
0x37c: {  	v6 =	vld [tilespmem:$0x18320];
	_ =	sdelay $0x1  }
0x37d: {  	v0 =	vmul.f32 v0, v51;
	v7 =	vld [tilespmem:$0x18330]  }
0x37e: {  	v5 =	vmul.f32 v5, v50  }
0x37f: {  	v8 =	vld [tilespmem:$0x18340]  }
0x380: {  	v0 =	vadd.f32 v5, v0;
	v5 =	vmul.f32 v6, v54  }
0x381: {  	v6 =	vld [tilespmem:$0x18350]  }
0x382: {  	v0 =	vadd.f32 v5, v0;
	v5 =	vmul.f32 v7, v55  }
0x383: {  	v7 =	vld [tilespmem:$0x18360]  }
0x384: {  	v0 =	vadd.f32 v5, v0;
	v5 =	vmul.f32 v8, v56  }
0x385: {  	v8 =	vld [tilespmem:$0x18370]  }
0x386: {  	v0 =	vadd.f32 v5, v0;
	v5 =	vmul.f32 v6, v53;
	_ =	sdelay $0x1  }
0x387: {  	v0 =	vadd.f32 v5, v0;
	v5 =	vmul.f32 v7, v49;
	_ =	sdelay $0x1  }
0x388: {  	v0 =	vadd.f32 v5, v0;
	v5 =	vmul.f32 v8, v52;
	_ =	sdelay $0x1  }
0x389: {  	v0 =	vadd.f32 v5, v0;
	_ =	sdelay $0x1  }
0x38a: {  	v5 =	vperm.xlane v0, v1;
	_ =	sdelay $0x1  }
0x38b: {  	v0 =	vadd.f32 v0, v5;
	_ =	sdelay $0x1  }
0x38c: {  	v5 =	vperm.xlane v0, v2;
	_ =	sdelay $0x1  }
0x38d: {  	v0 =	vadd.f32 v0, v5;
	_ =	sdelay $0x1  }
0x38e: {  	v5 =	vperm.xlane v0, v3;
	_ =	sdelay $0x1  }
0x38f: {  	v0 =	vadd.f32 v0, v5;
	_ =	sdelay $0x1  }
0x390: {  	v5 =	vperm.xlane v0, v4;
	_ =	sdelay $0x1  }
0x391: {  	v0 =	vadd.f32 v0, v5;
	_ =	sdelay $0x1  }
0x392: {  	v0 =	vmul.f32 $1.442695020e+00, v0;
	_ =	sdelay $0x1  }
0x393: {  	(erf) = vpow2.f32 v0;
	_ =	sdelay $0x8  }
0x394: {  	v0 =	vpop (erf)  }
0x395: {  	[tilespmem:s20+$0x19580] =	vst v0;
	v38 =	vadd.f32 v0, v38  }
0x396: {  	v0 =	vld [tilespmem:$0x18380]  }
0x397: {  	v5 =	vld [tilespmem:$0x18390]  }
0x398: {  	v6 =	vld [tilespmem:$0x183A0]  }
0x399: {  	v7 =	vld [tilespmem:$0x183B0]  }
0x39a: {  	v8 =	vld [tilespmem:$0x183C0]  }
0x39b: {  	v0 =	vmul.f32 v0, v51;
	v9 =	vld [tilespmem:$0x183D0]  }
0x39c: {  	v5 =	vmul.f32 v5, v50;
	v10 =	vld [tilespmem:$0x183E0]  }
0x39d: {  	v6 =	vmul.f32 v6, v54;
	v11 =	vld [tilespmem:$0x183F0]  }
0x39e: {  	v0 =	vadd.f32 v5, v0;
	v5 =	vmul.f32 v7, v55  }
0x39f: {  	v7 =	vmul.f32 v8, v56  }
0x3a0: {  	v0 =	vadd.f32 v6, v0;
	v6 =	vmul.f32 v9, v53  }
0x3a1: {  	v8 =	vmul.f32 v10, v49  }
0x3a2: {  	v0 =	vadd.f32 v5, v0;
	v5 =	vmul.f32 v11, v52;
	_ =	sdelay $0x1  }
0x3a3: {  	v0 =	vadd.f32 v7, v0;
	_ =	sdelay $0x1  }
0x3a4: {  	v0 =	vadd.f32 v6, v0;
	_ =	sdelay $0x1  }
0x3a5: {  	v0 =	vadd.f32 v8, v0;
	_ =	sdelay $0x1  }
0x3a6: {  	v0 =	vadd.f32 v5, v0;
	_ =	sdelay $0x1  }
0x3a7: {  	v5 =	vperm.xlane v0, v1;
	_ =	sdelay $0x1  }
0x3a8: {  	v0 =	vadd.f32 v0, v5;
	_ =	sdelay $0x1  }
0x3a9: {  	v5 =	vperm.xlane v0, v2;
	_ =	sdelay $0x1  }
0x3aa: {  	v0 =	vadd.f32 v0, v5;
	_ =	sdelay $0x1  }
0x3ab: {  	v5 =	vperm.xlane v0, v3;
	_ =	sdelay $0x1  }
0x3ac: {  	v0 =	vadd.f32 v0, v5;
	_ =	sdelay $0x1  }
0x3ad: {  	v5 =	vperm.xlane v0, v4;
	_ =	sdelay $0x1  }
.Ltmp4:
0x3ae: {  	v0 =	vadd.f32 v0, v5;
	(pc) =	sbr.rel @p1 .LBB2_7-.Ltmp4, $3  }
0x3af: {  	_ = 	snop  }
0x3b0: {  	v0 =	vmul.f32 $1.442695020e+00, v0;
	_ =	sdelay $0x1  }
0x3b1: {  	(erf) = vpow2.f32 v0  }
0x3b2: {  	_ =	sdelay $0x7  }
0x3b3: {  	v6 =	vpop (erf)  }
0x3b4: {  	[tilespmem:s20+$0x19D80] =	vst v6  }
0x3b5: {  	s13 =	simm.s32 $0xC040;
	v8 =	vld [tilespmem:s15+$0x0]  }
0x3b6: {  	v0 =	vld [tilespmem:s13+$0x30]  }
0x3b7: {  	v9 =	vld [tilespmem:s13+$0xFFFFFFC0]  }
0x3b8: {  	v49 =	vld [tilespmem:s13+$0xFFFFFFD0]  }
0x3b9: {  	v5 =	vld [tilespmem:s13+$0x20]  }
0x3ba: {  	v10 =	vld [tilespmem:s13+$0xFFFFFFF0]  }
0x3bb: {  	s14 =	sand.u32 $0x7F0, s17;
	v50 =	vld [tilespmem:s13+$0xFFFFFFE0]  }
0x3bc: {  	v53 =	vld [tilespmem:s14+$0x19D80]  }
0x3bd: {  	v7 =	vld [tilespmem:s13+$0x10]  }
0x3be: {  	v35 =	vadd.f32 v6, v35;
	v6 =	vld [tilespmem:s13+$0x0]  }
0x3bf: {  	v52 =	vld [tilespmem:s14+$0x18D80]  }
0x3c0: {  	v55 =	vld [tilespmem:s14+$0x19580];
	v11 =	vmul.f32 v8, v0  }
0x3c1: {  	v12 =	vmul.f32 v8, v49;
	v54 =	vmul.f32 v8, v5  }
0x3c2: {  	v56 =	vmul.f32 v8, v10;
	v62 =	vmul.f32 v8, v9  }
0x3c3: {  	v51 =	vmul.f32 v8, v50;
	v63 =	vmul.f32 v8, v7  }
0x3c4: {  	v8 =	vmul.f32 v8, v6;
	v59 =	vmul.f32 v53, v49  }
0x3c5: {  	v58 =	vmul.f32 v52, v49;
	v57 =	vmul.f32 v55, v0  }
0x3c6: {  	v60 =	vmul.f32 v55, v50;
	v41 =	vadd.f32 v11, v41;
	v47 =	vadd.f32 v12, v47  }
0x3c7: {  	v61 =	vmul.f32 v52, v10;
	v46 =	vadd.f32 v56, v46;
	v42 =	vadd.f32 v54, v42  }
0x3c8: {  	v12 =	vmul.f32 v53, v50;
	v48 =	vadd.f32 v62, v48;
	v54 =	vmul.f32 v53, v7  }
0x3c9: {  	v44 =	vadd.f32 v63, v44;
	v11 =	vmul.f32 v52, v9;
	v45 =	vadd.f32 v8, v45  }
0x3ca: {  	v56 =	vmul.f32 v52, v7;
	v8 =	vmul.f32 v53, v10;
	v34 =	vadd.f32 v59, v34  }
0x3cb: {  	v62 =	vmul.f32 v55, v10;
	v37 =	vadd.f32 v60, v37;
	v33 =	vadd.f32 v12, v33  }
0x3cc: {  	v12 =	vmul.f32 v53, v6;
	v32 =	vadd.f32 v8, v32;
	v8 =	vmul.f32 v53, v5  }
0x3cd: {  	v59 =	vmul.f32 v55, v9;
	v40 =	vadd.f32 v11, v40;
	v36 =	vadd.f32 v62, v36  }
0x3ce: {  	s13 =	simm.s32 $0x10;
	s14 =	simm.s32 $0x18590;
	s15 =	simm.s32 $0xC0C0;
	v60 =	vmul.f32 v53, v9;
	v31 =	vadd.f32 v12, v31;
	v30 =	vadd.f32 v8, v30  }
.LBB2_9:
0x3cf: {  	v8 =	vld [tilespmem:s14+$0x0];
	p1 =	sne.s32 s13, $0x7F0;
	v26 =	vadd.f32 v61, v26;
	v21 =	vadd.f32 v59, v21;
	v9 =	vmul.f32 v55, v5;
	s17 =	smov.u32 s13;
	s13 =	sadd.s32 $0x10, s13  }
0x3d0: {  	v28 =	vadd.f32 v58, v28;
	v7 =	vmul.f32 v55, v7;
	v11 =	vmul.f32 v53, v0;
	v10 =	vld [tilespmem:s15+$0x30]  }
0x3d1: {  	v58 =	vmul.f32 v52, v6;
	v59 =	vmul.f32 v55, v49;
	v15 =	vadd.f32 v60, v15;
	v12 =	vld [tilespmem:s15+$0xFFFFFFC0]  }
0x3d2: {  	v6 =	vmul.f32 v55, v6;
	v16 =	vadd.f32 v57, v16;
	v17 =	vadd.f32 v9, v17;
	v49 =	vld [tilespmem:s15+$0xFFFFFFD0]  }
0x3d3: {  	v55 =	vmul.f32 v52, v5;
	v9 =	vmul.f32 v52, v50;
	v18 =	vadd.f32 v7, v18;
	v5 =	vld [tilespmem:s15+$0x20]  }
0x3d4: {  	v24 =	vadd.f32 v56, v24;
	v56 =	vmul.f32 v52, v0;
	v13 =	vadd.f32 v11, v13;
	v60 =	vld [tilespmem:s15+$0xFFFFFFF0]  }
0x3d5: {  	s17 =	sand.u32 $0x7F0, s17;
	v19 =	vadd.f32 v6, v19;
	v27 =	vadd.f32 v9, v27;
	v50 =	vld [tilespmem:s15+$0xFFFFFFE0];
	v0 =	vmov v10  }
0x3d6: {  	v14 =	vadd.f32 v54, v14;
	v25 =	vadd.f32 v58, v25;
	v53 =	vld [tilespmem:s17+$0x19D80]  }
0x3d7: {  	v29 =	vadd.f32 v51, v29;
	v23 =	vadd.f32 v55, v23;
	v9 =	vmul.f32 v8, v0;
	v7 =	vld [tilespmem:s15+$0x10]  }
0x3d8: {  	v20 =	vadd.f32 v59, v20;
	v10 =	vmul.f32 v8, v49;
	v6 =	vld [tilespmem:s15+$0x0];
	v11 =	vmul.f32 v8, v5  }
0x3d9: {  	v22 =	vadd.f32 v56, v22;
	v41 =	vadd.f32 v9, v41;
	v54 =	vmul.f32 v8, v60;
	v52 =	vld [tilespmem:s17+$0x18D80]  }
0x3da: {  	v9 =	vmul.f32 v8, v12;
	v47 =	vadd.f32 v10, v47;
	v51 =	vmul.f32 v8, v50;
	v55 =	vld [tilespmem:s17+$0x19580]  }
0x3db: {  	v42 =	vadd.f32 v11, v42;
	v46 =	vadd.f32 v54, v46;
	v10 =	vmul.f32 v53, v50  }
0x3dc: {  	v48 =	vadd.f32 v9, v48;
	v9 =	vmul.f32 v8, v7;
	v54 =	vmul.f32 v53, v7  }
0x3dd: {  	v8 =	vmul.f32 v8, v6;
	v33 =	vadd.f32 v10, v33;
	v10 =	vmul.f32 v53, v6  }
0x3de: {  	v11 =	vmul.f32 v53, v49;
	v44 =	vadd.f32 v9, v44;
	v9 =	vmul.f32 v52, v12  }
0x3df: {  	v56 =	vmul.f32 v52, v7;
	v45 =	vadd.f32 v8, v45;
	v8 =	vmul.f32 v53, v60  }
.Ltmp5:
0x3e0: {  	v34 =	vadd.f32 v11, v34;
	v58 =	vmul.f32 v52, v49;
	v57 =	vmul.f32 v55, v0;
	(pc) =	sbr.rel @p1 .LBB2_9-.Ltmp5, $4  }
0x3e1: {  	v59 =	vmul.f32 v55, v12;
	v32 =	vadd.f32 v8, v32;
	v8 =	vmul.f32 v53, v5  }
0x3e2: {  	v11 =	vmul.f32 v55, v50;
	v62 =	vmul.f32 v55, v60;
	v31 =	vadd.f32 v10, v31  }
0x3e3: {  	v61 =	vmul.f32 v52, v60;
	v40 =	vadd.f32 v9, v40;
	v30 =	vadd.f32 v8, v30  }
0x3e4: {  	s14 =	sadd.s32 $0x10, s14;
	s15 =	sadd.s32 $0x80, s15;
	v60 =	vmul.f32 v53, v12;
	v37 =	vadd.f32 v11, v37;
	v36 =	vadd.f32 v62, v36  }
0x3e5: {  	v26 =	vadd.f32 v61, v26  }
0x3e6: {  	v21 =	vadd.f32 v59, v21;
	v8 =	vmul.f32 v55, v5;
	v7 =	vmul.f32 v55, v7  }
0x3e7: {  	v28 =	vadd.f32 v58, v28;
	v9 =	vmul.f32 v53, v0;
	v10 =	vmul.f32 v52, v6  }
0x3e8: {  	v6 =	vmul.f32 v55, v6;
	v16 =	vadd.f32 v57, v16;
	v24 =	vadd.f32 v56, v24  }
0x3e9: {  	v63 =	vmul.f32 v52, v50;
	v14 =	vadd.f32 v54, v14;
	v29 =	vadd.f32 v51, v29  }
.Ltmp6:
0x3ea: {  	v5 =	vmul.f32 v52, v5;
	v15 =	vadd.f32 v60, v15;
	v17 =	vadd.f32 v8, v17;
	(pc) =	sbr.rel @p0 .LBB2_12-.Ltmp6, $4  }
0x3eb: {  	v0 =	vmul.f32 v52, v0;
	v18 =	vadd.f32 v7, v18;
	v13 =	vadd.f32 v9, v13  }
0x3ec: {  	v7 =	vmul.f32 v55, v49;
	v27 =	vadd.f32 v63, v27;
	v19 =	vadd.f32 v6, v19  }
0x3ed: {  	v25 =	vadd.f32 v10, v25;
	v23 =	vadd.f32 v5, v23  }
0x3ee: {  	v22 =	vadd.f32 v0, v22;
	v20 =	vadd.f32 v7, v20  }
0x3ef: {  	s12 =	sadd.s32 s12, s16  }
0x3f0: {  	s13 =	sshll.u32 s12, $0x9  }
0x3f1: {  	s13 =	sadd.s32 s9, s13  }
0x3f2: {  	s13 =	sshrl.u32 s13, $0x3  }
0x3f3: {  	s14 =	sadd.s32 s2, s13  }
0x3f4: {  	[tilespmem:s1], [sflag:$0x2] =	stream.strided.gather [hbm4b:s14+s28], $0x4000, s29, s28, $0x38;
	[tilespmem:$0x1A980] =	vst v63  }
.Ltmp7:
0x3f5: {  	_ = 	snop;
	(pc) =	sbr.rel .LBB2_2-.Ltmp7, $4  }
0x3f6: {  	s12 =	sshll.u32 s12, $0x4;
	s13 =	sadd.s32 s3, s13  }
0x3f7: {  	[tilespmem:s0], [sflag:$0x4] =	stream.strided.gather [hbm4b:s13+s28], $0x4000, s29, s28, $0x38;
	[tilespmem:$0x1A980] =	vst v63  }
0x3f8: {  	s11 =	sadd.s32 $0x1, s11;
	s12 =	sadd.s32 s6, s12  }
0x3f9: {  	[tilespmem:s23], [sflag:$0x6] =	stream.linear.gather [hbm4b:s12+s4], $0x4000, $0x38;
	[tilespmem:$0x1A980] =	vst v63  }
.LBB2_13:
0x3fa: {  	_ =	sfence.sel $0x180000  }
0x3fb: {  	[bflag:$0x0] =	sbarrier.arrive $0xFFFF  }
0x3fc: {  	_ =	strace $0x90000047  }
0x3fd: {  	s0 =	stileid.u32;
	[bflag:$0x2] =	sbarrier.arrive $0xFFFF  }
0x3fe: {  	p0 =	sne.s32 s0, $0x0;
	s0 =	rddreg [dreg:$0x4]  }
0x3ff: {  	s0 =	sadd.s32 @!p0 $0x100000, s0  }
0x400: {  	[sflag:s0] =	ssyncadd.tile.s32 @!p0 $0x1;
	_ =	shalt  }
.Lfunc_end2:
_tile_overlayer_lowered:
.L_overlay_start_2:
0x401: {  	(tag) =	ssettag $0x2  }
0x402: {  	s0 =	rddreg [dreg:$0x0];
	s2 =	stileid.u32  }
0x403: {  	s1 =	rddreg [dreg:$0x1];
	p0 =	sne.s32 s2, $0x0  }
0x404: {  	s3 =	rddreg [dreg:$0x2];
	[bflag:$0x3] =	sbarrier.arrive $0xFFFF;
	s2 =	simm.s32 @!p0 $0x1C08  }
0x405: {  	[timem:s3], [sflag:s2] =	dma.local @!p0 [hbm:s0], s1  }
0x406: {  	s0 =	simm.s32 @!p0 $0x8  }
0x407: {  	_ =	swait.ge @!p0 [sflag:s0], s1  }
0x408: {  	s1 =	ssub.s32 @!p0 $0x0, s1;
	[sflag:s0] =	ssyncset.done @!p0 $0x0  }
0x409: {  	[sflag:s0] =	ssyncadd.s32 @!p0 s1  }
0x40a: {  	[bflag:$0x3] =	sbarrier.arrive $0xFFFF  }
0x40b: {  	_ =	shalt  }

</sc_bundles>
